<compile_context>
chip_gen: v7x
topology: tpu7x:2x2x1
jax: 0.10.2.dev20260603
libtpu: 0.0.44.dev20260713+nightly
codegen_flags: <defaults>
</compile_context>

<pallas_src>
import jax
import jax.numpy as jnp
from jax import lax
from jax.experimental import pallas as pl
from jax.experimental.pallas import tpu as pltpu
from jax.experimental.pallas import tpu_sc as plsc

_N, _E, _G = 2048, 32768, 8
_NW = 32
_F32 = jnp.float32


def _dot(a, b):
    return jnp.dot(a, b, preferred_element_type=_F32)


def _ln(h, s, b):
    mu = jnp.mean(h, axis=-1, keepdims=True)
    d = h - mu
    var = jnp.mean(d * d, axis=-1, keepdims=True)
    return d * lax.rsqrt(var + 1e-5) * s + b


def _onehot(idx, rows):
    return (idx[:, None] == lax.broadcasted_iota(jnp.int32, (rows, _G), 1)).astype(_F32)


def _pack_bf16(x):

    def rnd(v):
        u = lax.bitcast_convert_type(v, jnp.uint32)
        return (u + jnp.uint32(0x7FFF) + ((u >> 16) & jnp.uint32(1))) >> 16

    w = rnd(x[:, :512]) | (rnd(x[:, 512:]) << 16)
    return lax.bitcast_convert_type(w, jnp.int32)


def _unpack_bf16(w):
    u = lax.bitcast_convert_type(w, jnp.uint32)
    lo = lax.bitcast_convert_type(u << 16, _F32)
    hi = lax.bitcast_convert_type((u >> 16) << 16, _F32)
    return jnp.concatenate([lo, hi], axis=1)



def _glob_pre_body(g_ref, w0, b0, w1, b1, s, t, d_ref, vc_ref, ua_ref, w2_ref,
                   gd_o, gv_o, gu_o, w2b_o):
    x = g_ref[...]
    h = _dot(x, w0[...]) + b0[...]
    h = _dot(jax.nn.relu(h), w1[...]) + b1[...]
    h = _ln(h, s[...], t[...])
    gc = jnp.concatenate([x, h], axis=1)
    gd_o[...] = _dot(gc, d_ref[...])
    gv_o[...] = _dot(gc, vc_ref[...])
    gu_o[...] = _dot(gc, ua_ref[...])
    w2b_o[...] = w2_ref[...].astype(jnp.bfloat16)


def _glob_pre(gf, w0, b0, w1, b1, s, t, W1e, V1, U1, W2e):
    fb2 = lambda shp, ij: pl.BlockSpec(shp, lambda i, _ij=ij: _ij)
    fb1 = lambda shp: pl.BlockSpec(shp, lambda i: (0,))
    return pl.pallas_call(
        _glob_pre_body,
        grid=(1,),
        in_specs=[fb2((_G, 128), (0, 0)),
                  fb2((128, 128), (0, 0)), fb1((128,)),
                  fb2((128, 128), (0, 0)), fb1((128,)),
                  fb1((128,)), fb1((128,)),
                  fb2((256, 1024), (9, 0)),
                  fb2((256, 1024), (6, 0)),
                  fb2((256, 512), (0, 0)),
                  fb2((1024, 512), (0, 0))],
        out_specs=[fb2((_G, 1024), (0, 0)), fb2((_G, 1024), (0, 0)),
                   fb2((_G, 512), (0, 0)), fb2((1024, 512), (0, 0))],
        out_shape=[jax.ShapeDtypeStruct((_G, 1024), _F32),
                   jax.ShapeDtypeStruct((_G, 1024), _F32),
                   jax.ShapeDtypeStruct((_G, 512), _F32),
                   jax.ShapeDtypeStruct((1024, 512), jnp.bfloat16)],
    )(gf, w0, b0, w1, b1, s, t, W1e, V1, U1, W2e)


def _node_pre_body(x_ref, w0, b0, w1, b1, s, t, a_ref, bm_ref, va_ref,
                   nr_o, ns_o, nv_o):
    x = x_ref[...]
    h = _dot(x, w0[...]) + b0[...]
    h = _dot(jax.nn.relu(h), w1[...]) + b1[...]
    h = _ln(h, s[...], t[...])
    nb = jnp.concatenate([x, h], axis=1)
    nr_o[...] = _pack_bf16(_dot(nb, a_ref[...]))
    ns_o[...] = _pack_bf16(_dot(nb, bm_ref[...]))
    nv_o[...] = _dot(nb, va_ref[...])


def _node_pre(nodes, w0, b0, w1, b1, s, t, A, Bm, V1a):
    blk = 256
    fx2 = lambda shp: pl.BlockSpec(shp, lambda i: (0, 0))
    fx1 = lambda shp: pl.BlockSpec(shp, lambda i: (0,))
    return pl.pallas_call(
        _node_pre_body,
        grid=(_N // blk,),
        in_specs=[pl.BlockSpec((blk, 512), lambda i: (i, 0)),
                  fx2((512, 512)), fx1((512,)), fx2((512, 512)), fx1((512,)),
                  fx1((512,)), fx1((512,)),
                  pl.BlockSpec((1024, 1024), lambda i: (0, 0)),
                  pl.BlockSpec((1024, 1024), lambda i: (1, 0)),
                  pl.BlockSpec((1024, 1024), lambda i: (0, 0))],
        out_specs=[pl.BlockSpec((blk, 512), lambda i: (i, 0)),
                   pl.BlockSpec((blk, 512), lambda i: (i, 0)),
                   pl.BlockSpec((blk, 1024), lambda i: (i, 0))],
        out_shape=[jax.ShapeDtypeStruct((_N, 512), jnp.int32),
                   jax.ShapeDtypeStruct((_N, 512), jnp.int32),
                   jax.ShapeDtypeStruct((_N, 1024), _F32)],
    )(nodes, w0, b0, w1, b1, s, t, A, Bm, V1a)


def _edge_pre_body(x_ref, w0, b0, w1, b1, s, t, c_ref, gd_ref, b1e_ref, idx_ref,
                   ee_o):
    x = x_ref[...]
    h = _dot(x, w0[...]) + b0[...]
    h = _dot(jax.nn.relu(h), w1[...]) + b1[...]
    h = _ln(h, s[...], t[...])
    eb = jnp.concatenate([x, h], axis=1)
    oh = _onehot(idx_ref[0, 0, :], eb.shape[0])
    ee_o[...] = _pack_bf16(_dot(eb, c_ref[...]) + _dot(oh, gd_ref[...])
                           + b1e_ref[...])


def _edge_pre(edges, w0, b0, w1, b1, s, t, C, gd, b1e, egidx3):
    blk = 1024
    fx2 = lambda shp: pl.BlockSpec(shp, lambda i: (0, 0))
    fx1 = lambda shp: pl.BlockSpec(shp, lambda i: (0,))
    return pl.pallas_call(
        _edge_pre_body,
        grid=(_E // blk,),
        in_specs=[pl.BlockSpec((blk, 128), lambda i: (i, 0)),
                  fx2((128, 128)), fx1((128,)), fx2((128, 128)), fx1((128,)),
                  fx1((128,)), fx1((128,)),
                  pl.BlockSpec((256, 1024), lambda i: (8, 0)),
                  fx2((_G, 1024)), fx1((1024,)),
                  pl.BlockSpec((1, 1, blk), lambda i: (i, 0, 0))],
        out_specs=pl.BlockSpec((blk, 512), lambda i: (i, 0)),
        out_shape=jax.ShapeDtypeStruct((_E, 512), jnp.int32),
    )(edges, w0, b0, w1, b1, s, t, C, gd, b1e, egidx3)


def _edge_tail_body(ee_ref, g1_ref, g2_ref, w2, b2, s, t, idx_ref, recv_ref,
                    enew_o, eagg_o, agg_o):
    h = (_unpack_bf16(ee_ref[...]) + _unpack_bf16(g1_ref[...])
         + _unpack_bf16(g2_ref[...]))
    y = _dot(jax.nn.relu(h).astype(jnp.bfloat16), w2[...]) + b2[...]
    y = _ln(y, s[...], t[...])
    enew_o[...] = y
    oh = _onehot(idx_ref[0, 0, :], y.shape[0])
    part = lax.dot_general(oh, y, (((0,), (0,)), ((), ())),
                           preferred_element_type=_F32)

    rids = recv_ref[0, 0, :]
    ohr = (rids[:, None] == lax.broadcasted_iota(jnp.int32, (rids.shape[0], _N), 1)
           ).astype(jnp.bfloat16)
    aggpart = lax.dot_general(ohr, y.astype(jnp.bfloat16),
                              (((0,), (0,)), ((), ())),
                              preferred_element_type=_F32)

    @pl.when(pl.program_id(0) == 0)
    def _():
        eagg_o[...] = jnp.zeros(eagg_o.shape, eagg_o.dtype)
        agg_o[...] = jnp.zeros(agg_o.shape, agg_o.dtype)

    eagg_o[...] += part
    agg_o[...] += aggpart


def _edge_tail(ee, g1, g2, W2e, b2e, s, t, egidx3, recv3):
    blk = 1024
    fx2 = lambda shp: pl.BlockSpec(shp, lambda i: (0, 0))
    fx1 = lambda shp: pl.BlockSpec(shp, lambda i: (0,))
    return pl.pallas_call(
        _edge_tail_body,
        grid=(_E // blk,),
        in_specs=[pl.BlockSpec((blk, 512), lambda i: (i, 0)),
                  pl.BlockSpec((blk, 512), lambda i: (i, 0)),
                  pl.BlockSpec((blk, 512), lambda i: (i, 0)),
                  fx2((1024, 512)), fx1((512,)), fx1((512,)), fx1((512,)),
                  pl.BlockSpec((1, 1, blk), lambda i: (i, 0, 0)),
                  pl.BlockSpec((1, 1, blk), lambda i: (i, 0, 0))],
        out_specs=[pl.BlockSpec((blk, 512), lambda i: (i, 0)),
                   pl.BlockSpec((_G, 512), lambda i: (0, 0)),
                   pl.BlockSpec((_N, 512), lambda i: (0, 0))],
        out_shape=[jax.ShapeDtypeStruct((_E, 512), _F32),
                   jax.ShapeDtypeStruct((_G, 512), _F32),
                   jax.ShapeDtypeStruct((_N, 512), _F32)],
    )(ee, g1, g2, W2e, b2e, s, t, egidx3, recv3)


def _node_tail_body(nv_ref, a0_ref, vb, gv_ref, idx_ref, c1, v2, c2, s, t,
                    gu_ref, ea_ref, u1_ref, d1, u2, d2, su, tu,
                    nnew_o, nagg_o, gnew_o):
    agg = a0_ref[...]
    oh = _onehot(idx_ref[0, 0, :], agg.shape[0])
    h = nv_ref[...] + _dot(agg, vb[...]) + _dot(oh, gv_ref[...]) + c1[...]
    y = _dot(jax.nn.relu(h), v2[...]) + c2[...]
    y = _ln(y, s[...], t[...])
    nnew_o[...] = y
    part = lax.dot_general(oh, y, (((0,), (0,)), ((), ())),
                           preferred_element_type=_F32)

    @pl.when(pl.program_id(0) == 0)
    def _():
        nagg_o[...] = jnp.zeros(nagg_o.shape, nagg_o.dtype)

    nagg_o[...] += part

    @pl.when(pl.program_id(0) == pl.num_programs(0) - 1)
    def _():
        ub = u1_ref[pl.ds(256, 512), :]
        uc = u1_ref[pl.ds(768, 512), :]
        hg = (gu_ref[...] + _dot(nagg_o[...], ub) + _dot(ea_ref[...], uc)
              + d1[...])
        yg = _dot(jax.nn.relu(hg), u2[...]) + d2[...]
        gnew_o[...] = _ln(yg, su[...], tu[...])


def _node_tail(nv, aggp, V1, gv, ngidx3, c1, V2, c2, s, t,
               gu, eagg, U1, d1, U2, d2, su, tu):
    blk = 256
    fx2 = lambda shp: pl.BlockSpec(shp, lambda i: (0, 0))
    fx1 = lambda shp: pl.BlockSpec(shp, lambda i: (0,))
    nblk = _N // blk
    return pl.pallas_call(
        _node_tail_body,
        grid=(nblk,),
        in_specs=[pl.BlockSpec((blk, 1024), lambda i: (i, 0)),
                  pl.BlockSpec((blk, 512), lambda i: (i, 0)),
                  pl.BlockSpec((512, 1024), lambda i: (2, 0)),
                  fx2((_G, 1024)),
                  pl.BlockSpec((1, 1, blk), lambda i: (i, 0, 0)),
                  fx1((1024,)), fx2((1024, 512)), fx1((512,)),
                  fx1((512,)), fx1((512,)),
                  fx2((_G, 512)), fx2((_G, 512)), fx2((1280, 512)),
                  fx1((512,)), fx2((512, 256)), fx1((256,)),
                  fx1((256,)), fx1((256,))],
        out_specs=[pl.BlockSpec((blk, 512), lambda i: (i, 0)),
                   pl.BlockSpec((_G, 512), lambda i: (0, 0)),
                   pl.BlockSpec((_G, 256), lambda i: (0, 0))],
        out_shape=[jax.ShapeDtypeStruct((_N, 512), _F32),
                   jax.ShapeDtypeStruct((_G, 512), _F32),
                   jax.ShapeDtypeStruct((_G, 256), _F32)],
    )(nv, aggp, V1, gv, ngidx3, c1, V2, c2, s, t,
      gu, eagg, U1, d1, U2, d2, su, tu)



_GCH = 64
_GPER = _E // _NW


def _sc_gather_body(nr_hbm, ns_hbm, recv_hbm, send_hbm, g1_hbm, g2_hbm,
                    idxr_v, idxs_v, buf0, buf1, buf2,
                    gsem0, gsem1, gsem2, wsem0, wsem1, wsem2):
    wid = lax.axis_index("s") * 2 + lax.axis_index("c")
    base = wid * _GPER
    pltpu.sync_copy(recv_hbm.at[pl.ds(base, _GPER)], idxr_v)
    pltpu.sync_copy(send_hbm.at[pl.ds(base, _GPER)], idxs_v)

    nchunks = _GPER // _GCH
    bufs = (buf0, buf1, buf2)
    gsems = (gsem0, gsem1, gsem2)
    wsems = (wsem0, wsem1, wsem2)

    def plan(k):
        if k < nchunks:
            return nr_hbm, idxr_v, g1_hbm, k * _GCH
        return ns_hbm, idxs_v, g2_hbm, (k - nchunks) * _GCH

    def start_gather(k):
        src, idx, _, off = plan(k)
        return pltpu.async_copy(src.at[idx.at[pl.ds(off, _GCH)]],
                                bufs[k % 3], gsems[k % 3])

    def start_write(k):
        _, _, dst, off = plan(k)
        return pltpu.async_copy(bufs[k % 3], dst.at[pl.ds(base + off, _GCH)],
                                wsems[k % 3])

    total = 2 * nchunks
    gat = [start_gather(0), start_gather(1)]
    wr = []
    for k in range(total):
        gat[k].wait()
        if k >= 1:
            wr[k - 1].wait()
        if k + 2 < total:
            gat.append(start_gather(k + 2))
        else:
            gat.append(None)
        wr.append(start_write(k))
    wr[-1].wait()


def _sc_gather(nri, nsi, recv, send):
    mesh = plsc.VectorSubcoreMesh(core_axis_name="c", subcore_axis_name="s")
    f = pl.kernel(
        _sc_gather_body,
        out_type=[jax.ShapeDtypeStruct((_E, 512), jnp.int32)] * 2,
        mesh=mesh,
        scratch_types=[pltpu.VMEM((_GPER,), jnp.int32),
                       pltpu.VMEM((_GPER,), jnp.int32),
                       pltpu.VMEM((_GCH, 512), jnp.int32),
                       pltpu.VMEM((_GCH, 512), jnp.int32),
                       pltpu.VMEM((_GCH, 512), jnp.int32),
                       pltpu.SemaphoreType.DMA, pltpu.SemaphoreType.DMA,
                       pltpu.SemaphoreType.DMA, pltpu.SemaphoreType.DMA,
                       pltpu.SemaphoreType.DMA, pltpu.SemaphoreType.DMA],
    )
    return f(nri, nsi, recv, send)



def kernel(nodes, edges, globals_feat, params, receivers, senders,
           node_graph_idx, edge_graph_idx):
    pn = params["node_encoder"]
    (wn0, bn0), (wn1, bn1) = pn["lin"]
    sn, tn = pn["ln"]
    pe = params["edge_encoder"]
    (we0, be0), (we1, be1) = pe["lin"]
    se, te = pe["ln"]
    pg = params["global_encoder"]
    (wg0, bg0), (wg1, bg1) = pg["lin"]
    sg, tg = pg["ln"]
    pm = params["edge_model"]
    (W1e, b1e), (W2e, b2e) = pm["lin"]
    sm, tm = pm["ln"]
    pv = params["node_model"]
    (V1, c1), (V2, c2) = pv["lin"]
    sv, tv = pv["ln"]
    pu = params["global_model"]
    (U1, d1), (U2, d2) = pu["lin"]
    su, tu = pu["ln"]

    recv = receivers.astype(jnp.int32)
    send = senders.astype(jnp.int32)
    recv3 = recv.reshape(_E // 1024, 1, 1024)
    egidx3b = edge_graph_idx.astype(jnp.int32).reshape(_E // 1024, 1, 1024)
    ngidx3 = node_graph_idx.astype(jnp.int32).reshape(_N // 256, 1, 256)

    gd, gv, gu, W2eb = _glob_pre(globals_feat, wg0, bg0, wg1, bg1, sg, tg,
                                 W1e, V1, U1, W2e)
    nr, ns, nv = _node_pre(nodes, wn0, bn0, wn1, bn1, sn, tn, W1e, W1e, V1)
    g1, g2 = _sc_gather(nr, ns, recv, send)
    ee = _edge_pre(edges, we0, be0, we1, be1, se, te, W1e, gd, b1e, egidx3b)
    e_new, eagg, agg = _edge_tail(ee, g1, g2,
                                  W2eb, b2e, sm, tm, egidx3b, recv3)
    n_new, nagg, g_new = _node_tail(nv, agg, V1, gv, ngidx3, c1, V2, c2,
                                    sv, tv, gu, eagg, U1, d1, U2, d2, su, tu)
    return (n_new, e_new, g_new)

# --- scband reference (transcript-rebuilt; emitter-appended) ---
"""Pipeline reference for scband-graph-model-68599217651878 (READ-ONLY COPY).

The authoritative reference and input builder live on the scoring server;
editing this copy changes nothing except your own understanding.
"""

import jax, jax.numpy as jnp
import numpy as np

N = 2048
E = 32768
G = 8
ND = 512
ED = 128
GD = 128


def mlp_init(key, layers, input_dim):
    dims = [input_dim] + list(layers)
    lin = []
    for i in range(len(layers)):
        key, k = jax.random.split(key)
        W = jax.random.normal(k, (dims[i], dims[i + 1]), dtype=jnp.float32) * 0.02
        b = jnp.zeros((dims[i + 1],), dtype=jnp.float32)
        lin.append((W, b))
    ln = None
    if len(layers) > 1:
        ln = (jnp.ones((layers[-1],), jnp.float32), jnp.zeros((layers[-1],), jnp.float32))
    return {"lin": lin, "ln": ln}


def mlp_apply(p, x):
    W, b = p["lin"][0]
    h = x @ W + b
    for W, b in p["lin"][1:]:
        h = jax.nn.relu(h) @ W + b
    if p["ln"] is not None:
        s, bn = p["ln"]
        mu = jnp.mean(h, axis=-1, keepdims=True)
        var = jnp.var(h, axis=-1, keepdims=True)
        h = (h - mu) / jnp.sqrt(var + 1e-5) * s + bn
    return h


def setup_inputs(seed: int = 0) -> dict:
    key = jax.random.key(seed)
    ks = jax.random.split(key, 16)
    nodes = jax.random.normal(ks[0], (N, ND), jnp.float32)
    edges = jax.random.normal(ks[1], (E, ED), jnp.float32)
    globals_feat = jax.random.normal(ks[2], (G, GD), jnp.float32)
    receivers = jax.random.randint(ks[3], (E,), 0, N)
    senders = jax.random.randint(ks[4], (E,), 0, N)
    node_graph_idx = jnp.sort(jax.random.randint(ks[5], (N,), 0, G))
    edge_graph_idx = jnp.sort(jax.random.randint(ks[6], (E,), 0, G))
    params = {
        "node_encoder": mlp_init(ks[7], [512, 512], ND),
        "edge_encoder": mlp_init(ks[8], [128, 128], ED),
        "global_encoder": mlp_init(ks[9], [128, 128], GD),
        "edge_model": mlp_init(ks[10], [1024, 512], 4 * ND + 2 * ED + 2 * GD),
        "node_model": mlp_init(ks[11], [1024, 512], 2 * ND + 512 + 2 * GD),
        "global_model": mlp_init(ks[12], [512, 256], 512 + 512 + 2 * GD),
    }
    return {
        "nodes": nodes,
        "edges": edges,
        "globals_feat": globals_feat,
        "params": params,
        "receivers": receivers,
        "senders": senders,
        "node_graph_idx": node_graph_idx,
        "edge_graph_idx": edge_graph_idx,
    }


def reference(nodes, edges, globals_feat, params, receivers, senders, node_graph_idx, edge_graph_idx):
    # Encode and concatenate raw||encoded (matches 2*dim widths implied by __init__).
    n = jnp.concatenate([nodes, mlp_apply(params["node_encoder"], nodes)], axis=1)
    e = jnp.concatenate([edges, mlp_apply(params["edge_encoder"], edges)], axis=1)
    g = jnp.concatenate([globals_feat, mlp_apply(params["global_encoder"], globals_feat)], axis=1)
    # Edge block (_marshalling_func): gather receiver/sender node feats + edge + global broadcast.
    recv = jnp.take(n, receivers, axis=0)
    send = jnp.take(n, senders, axis=0)
    b = jnp.concatenate([recv, send, e, jnp.take(g, edge_graph_idx, axis=0)], axis=1)
    e_new = mlp_apply(params["edge_model"], b)
    # Node block (_aggregation_func): scatter-add edges by receiver (same math as mm with one-hot rec_m).
    agg = jax.ops.segment_sum(e_new, receivers, num_segments=N)
    a = jnp.concatenate([n, agg, jnp.take(g, node_graph_idx, axis=0)], axis=1)
    n_new = mlp_apply(params["node_model"], a)
    # Global block (_aggregate_globals): segment-sum nodes/edges per graph (same math as mm with one-hot).
    nodes_agg = jax.ops.segment_sum(n_new, node_graph_idx, num_segments=G)
    edges_agg = jax.ops.segment_sum(e_new, edge_graph_idx, num_segments=G)
    out = jnp.concatenate([g, nodes_agg, edges_agg], axis=1)
    g_new = mlp_apply(params["global_model"], out)
    return (n_new, e_new, g_new)

if __name__ == "__main__":
    import jax
    _d = setup_inputs()
    print(jax.jit(kernel)(*tuple(_d.values())))

</pallas_src>

<mosaic_0001>
#map = affine_map<(d0, d1) -> (0, 0)>
#map1 = affine_map<(d0, d1) -> (0)>
module attributes {stable_mosaic.version = 14 : i64} {
  func.func @_sc_gather_body(%arg0: i32, %arg1: i32, %arg2: memref<2048x512xi32, #tpu.memory_space<hbm>>, %arg3: memref<2048x512xi32, #tpu.memory_space<hbm>>, %arg4: memref<32768xi32, #tpu.memory_space<hbm>>, %arg5: memref<32768xi32, #tpu.memory_space<hbm>>, %arg6: memref<32768x512xi32, #tpu.memory_space<hbm>>, %arg7: memref<32768x512xi32, #tpu.memory_space<hbm>>, %arg8: memref<1024xi32, #tpu.memory_space<vmem>>, %arg9: memref<1024xi32, #tpu.memory_space<vmem>>, %arg10: memref<64x512xi32, #tpu.memory_space<vmem>>, %arg11: memref<64x512xi32, #tpu.memory_space<vmem>>, %arg12: memref<64x512xi32, #tpu.memory_space<vmem>>, %arg13: memref<!tpu.dma_semaphore, #tpu.memory_space<semaphore_mem>>, %arg14: memref<!tpu.dma_semaphore, #tpu.memory_space<semaphore_mem>>, %arg15: memref<!tpu.dma_semaphore, #tpu.memory_space<semaphore_mem>>, %arg16: memref<!tpu.dma_semaphore, #tpu.memory_space<semaphore_mem>>, %arg17: memref<!tpu.dma_semaphore, #tpu.memory_space<semaphore_mem>>, %arg18: memref<!tpu.dma_semaphore, #tpu.memory_space<semaphore_mem>>) attributes {dimension_semantics = [#tpu.dimension_semantics<core_parallel>, #tpu.dimension_semantics<subcore_parallel>], iteration_bounds = array<i64: 2, 16>, scalar_prefetch = 0 : i64, scratch_operands = 11 : i64, tpu.core_type = #tpu.core_type<sc_vector_subcore>, window_params = [{transform_indices = #map}, {transform_indices = #map}, {transform_indices = #map1}, {transform_indices = #map1}, {transform_indices = #map}, {transform_indices = #map}]} {
    %mul3A = arith.constant 2 : i32
    %mul3A_0 = arith.muli %arg1, %mul3A : i32
    %add3A = arith.addi %mul3A_0, %arg0 : i32
    %mul3A_1 = arith.constant 1024 : i32
    %mul3A_2 = arith.muli %add3A, %mul3A_1 : i32
    "tpu.region"() ({
      %run_scoped3A = tpu.sem_alloc : memref<!tpu.dma_semaphore, #tpu.memory_space<semaphore_mem>>
      %dma_start3A_641 = tpu.memref_slice %arg4[%mul3A_2] : memref<32768xi32, #tpu.memory_space<hbm>> -> memref<1024xi32, #tpu.memory_space<hbm>>
      %dma_start3A_642 = tpu.memref_slice %arg4[%mul3A_2] : memref<32768xi32, #tpu.memory_space<hbm>> -> memref<1024xi32, #tpu.memory_space<hbm>>
      tpu.enqueue_dma source(%dma_start3A_642 : memref<1024xi32, #tpu.memory_space<hbm>>) target(%arg8 : memref<1024xi32, #tpu.memory_space<vmem>>) target_semaphore(%run_scoped3A : memref<!tpu.dma_semaphore, #tpu.memory_space<semaphore_mem>>)
      %dma_wait3A_643 = tpu.memref_slice %arg4[%mul3A_2] : memref<32768xi32, #tpu.memory_space<hbm>> -> memref<1024xi32, #tpu.memory_space<hbm>>
      %dma_wait3A_644 = tpu.memref_slice %arg4[%mul3A_2] : memref<32768xi32, #tpu.memory_space<hbm>> -> memref<1024xi32, #tpu.memory_space<hbm>>
      tpu.wait_dma2 semaphore(%run_scoped3A : memref<!tpu.dma_semaphore, #tpu.memory_space<semaphore_mem>>) src(%dma_wait3A_644 : memref<1024xi32, #tpu.memory_space<hbm>>) dst(%arg8 : memref<1024xi32, #tpu.memory_space<vmem>>)
      tpu.yield
    }) : () -> ()
    "tpu.region"() ({
      %run_scoped3A = tpu.sem_alloc : memref<!tpu.dma_semaphore, #tpu.memory_space<semaphore_mem>>
      %dma_start3A_641 = tpu.memref_slice %arg5[%mul3A_2] : memref<32768xi32, #tpu.memory_space<hbm>> -> memref<1024xi32, #tpu.memory_space<hbm>>
      %dma_start3A_642 = tpu.memref_slice %arg5[%mul3A_2] : memref<32768xi32, #tpu.memory_space<hbm>> -> memref<1024xi32, #tpu.memory_space<hbm>>
      tpu.enqueue_dma source(%dma_start3A_642 : memref<1024xi32, #tpu.memory_space<hbm>>) target(%arg9 : memref<1024xi32, #tpu.memory_space<vmem>>) target_semaphore(%run_scoped3A : memref<!tpu.dma_semaphore, #tpu.memory_space<semaphore_mem>>)
      %dma_wait3A_643 = tpu.memref_slice %arg5[%mul3A_2] : memref<32768xi32, #tpu.memory_space<hbm>> -> memref<1024xi32, #tpu.memory_space<hbm>>
      %dma_wait3A_644 = tpu.memref_slice %arg5[%mul3A_2] : memref<32768xi32, #tpu.memory_space<hbm>> -> memref<1024xi32, #tpu.memory_space<hbm>>
      tpu.wait_dma2 semaphore(%run_scoped3A : memref<!tpu.dma_semaphore, #tpu.memory_space<semaphore_mem>>) src(%dma_wait3A_644 : memref<1024xi32, #tpu.memory_space<hbm>>) dst(%arg9 : memref<1024xi32, #tpu.memory_space<vmem>>)
      tpu.yield
    }) : () -> ()
    %dma_start3A = arith.constant 0 : i32
    %dma_start3A_3 = tpu.memref_slice %arg8[%dma_start3A] : memref<1024xi32, #tpu.memory_space<vmem>> -> memref<64xi32, #tpu.memory_space<vmem>>
    %dma_start3A_4 = arith.constant 0 : i32
    %dma_start3A_5 = arith.constant 0 : i32
    %dma_start3A_6 = tpu.memref_slice %arg2[%dma_start3A_4, %dma_start3A_5] : memref<2048x512xi32, #tpu.memory_space<hbm>> -> memref<2048x512xi32, #tpu.memory_space<hbm>>
    tpu.enqueue_indirect_dma source(%dma_start3A_6 : memref<2048x512xi32, #tpu.memory_space<hbm>>) target(%arg10 : memref<64x512xi32, #tpu.memory_space<vmem>>) offsets(%dma_start3A_3 : memref<64xi32, #tpu.memory_space<vmem>>) semaphore(%arg13 : memref<!tpu.dma_semaphore, #tpu.memory_space<semaphore_mem>>)
    %dma_start3A_7 = arith.constant 64 : i32
    %dma_start3A_8 = tpu.memref_slice %arg8[%dma_start3A_7] : memref<1024xi32, #tpu.memory_space<vmem>> -> memref<64xi32, #tpu.memory_space<vmem>>
    %dma_start3A_9 = arith.constant 0 : i32
    %dma_start3A_10 = arith.constant 0 : i32
    %dma_start3A_11 = tpu.memref_slice %arg2[%dma_start3A_9, %dma_start3A_10] : memref<2048x512xi32, #tpu.memory_space<hbm>> -> memref<2048x512xi32, #tpu.memory_space<hbm>>
    tpu.enqueue_indirect_dma source(%dma_start3A_11 : memref<2048x512xi32, #tpu.memory_space<hbm>>) target(%arg11 : memref<64x512xi32, #tpu.memory_space<vmem>>) offsets(%dma_start3A_8 : memref<64xi32, #tpu.memory_space<vmem>>) semaphore(%arg14 : memref<!tpu.dma_semaphore, #tpu.memory_space<semaphore_mem>>)
    %dma_wait3A = arith.constant 0 : i32
    %dma_wait3A_12 = tpu.memref_slice %arg8[%dma_wait3A] : memref<1024xi32, #tpu.memory_space<vmem>> -> memref<64xi32, #tpu.memory_space<vmem>>
    %dma_wait3A_13 = arith.constant 0 : i32
    %dma_wait3A_14 = arith.constant 0 : i32
    %dma_wait3A_15 = tpu.memref_slice %arg2[%dma_wait3A_13, %dma_wait3A_14] : memref<2048x512xi32, #tpu.memory_space<hbm>> -> memref<2048x512xi32, #tpu.memory_space<hbm>>
    tpu.wait_indirect_dma semaphore(%arg13 : memref<!tpu.dma_semaphore, #tpu.memory_space<semaphore_mem>>) src(%dma_wait3A_15 : memref<2048x512xi32, #tpu.memory_space<hbm>>) dst(%arg10 : memref<64x512xi32, #tpu.memory_space<vmem>>)
    %dma_start3A_16 = arith.constant 128 : i32
    %dma_start3A_17 = tpu.memref_slice %arg8[%dma_start3A_16] : memref<1024xi32, #tpu.memory_space<vmem>> -> memref<64xi32, #tpu.memory_space<vmem>>
    %dma_start3A_18 = arith.constant 0 : i32
    %dma_start3A_19 = arith.constant 0 : i32
    %dma_start3A_20 = tpu.memref_slice %arg2[%dma_start3A_18, %dma_start3A_19] : memref<2048x512xi32, #tpu.memory_space<hbm>> -> memref<2048x512xi32, #tpu.memory_space<hbm>>
    tpu.enqueue_indirect_dma source(%dma_start3A_20 : memref<2048x512xi32, #tpu.memory_space<hbm>>) target(%arg12 : memref<64x512xi32, #tpu.memory_space<vmem>>) offsets(%dma_start3A_17 : memref<64xi32, #tpu.memory_space<vmem>>) semaphore(%arg15 : memref<!tpu.dma_semaphore, #tpu.memory_space<semaphore_mem>>)
    %add3A_21 = arith.constant 0 : i32
    %add3A_22 = arith.addi %mul3A_2, %add3A_21 : i32
    %dma_start3A_23 = arith.constant 0 : i32
    %dma_start3A_24 = tpu.memref_slice %arg6[%add3A_22, %dma_start3A_23] : memref<32768x512xi32, #tpu.memory_space<hbm>> -> memref<64x512xi32, #tpu.memory_space<hbm>>
    %dma_start3A_25 = arith.constant 0 : i32
    %dma_start3A_26 = tpu.memref_slice %arg6[%add3A_22, %dma_start3A_25] : memref<32768x512xi32, #tpu.memory_space<hbm>> -> memref<64x512xi32, #tpu.memory_space<hbm>>
    tpu.enqueue_dma source(%arg10 : memref<64x512xi32, #tpu.memory_space<vmem>>) target(%dma_start3A_26 : memref<64x512xi32, #tpu.memory_space<hbm>>) target_semaphore(%arg16 : memref<!tpu.dma_semaphore, #tpu.memory_space<semaphore_mem>>)
    %dma_wait3A_27 = arith.constant 64 : i32
    %dma_wait3A_28 = tpu.memref_slice %arg8[%dma_wait3A_27] : memref<1024xi32, #tpu.memory_space<vmem>> -> memref<64xi32, #tpu.memory_space<vmem>>
    %dma_wait3A_29 = arith.constant 0 : i32
    %dma_wait3A_30 = arith.constant 0 : i32
    %dma_wait3A_31 = tpu.memref_slice %arg2[%dma_wait3A_29, %dma_wait3A_30] : memref<2048x512xi32, #tpu.memory_space<hbm>> -> memref<2048x512xi32, #tpu.memory_space<hbm>>
    tpu.wait_indirect_dma semaphore(%arg14 : memref<!tpu.dma_semaphore, #tpu.memory_space<semaphore_mem>>) src(%dma_wait3A_31 : memref<2048x512xi32, #tpu.memory_space<hbm>>) dst(%arg11 : memref<64x512xi32, #tpu.memory_space<vmem>>)
    %dma_wait3A_32 = arith.constant 0 : i32
    %dma_wait3A_33 = tpu.memref_slice %arg6[%add3A_22, %dma_wait3A_32] : memref<32768x512xi32, #tpu.memory_space<hbm>> -> memref<64x512xi32, #tpu.memory_space<hbm>>
    %dma_wait3A_34 = arith.constant 0 : i32
    %dma_wait3A_35 = tpu.memref_slice %arg6[%add3A_22, %dma_wait3A_34] : memref<32768x512xi32, #tpu.memory_space<hbm>> -> memref<64x512xi32, #tpu.memory_space<hbm>>
    tpu.wait_dma2 semaphore(%arg16 : memref<!tpu.dma_semaphore, #tpu.memory_space<semaphore_mem>>) src(%arg10 : memref<64x512xi32, #tpu.memory_space<vmem>>) dst(%dma_wait3A_35 : memref<64x512xi32, #tpu.memory_space<hbm>>)
    %dma_start3A_36 = arith.constant 192 : i32
    %dma_start3A_37 = tpu.memref_slice %arg8[%dma_start3A_36] : memref<1024xi32, #tpu.memory_space<vmem>> -> memref<64xi32, #tpu.memory_space<vmem>>
    %dma_start3A_38 = arith.constant 0 : i32
    %dma_start3A_39 = arith.constant 0 : i32
    %dma_start3A_40 = tpu.memref_slice %arg2[%dma_start3A_38, %dma_start3A_39] : memref<2048x512xi32, #tpu.memory_space<hbm>> -> memref<2048x512xi32, #tpu.memory_space<hbm>>
    tpu.enqueue_indirect_dma source(%dma_start3A_40 : memref<2048x512xi32, #tpu.memory_space<hbm>>) target(%arg10 : memref<64x512xi32, #tpu.memory_space<vmem>>) offsets(%dma_start3A_37 : memref<64xi32, #tpu.memory_space<vmem>>) semaphore(%arg13 : memref<!tpu.dma_semaphore, #tpu.memory_space<semaphore_mem>>)
    %add3A_41 = arith.constant 64 : i32
    %add3A_42 = arith.addi %mul3A_2, %add3A_41 : i32
    %dma_start3A_43 = arith.constant 0 : i32
    %dma_start3A_44 = tpu.memref_slice %arg6[%add3A_42, %dma_start3A_43] : memref<32768x512xi32, #tpu.memory_space<hbm>> -> memref<64x512xi32, #tpu.memory_space<hbm>>
    %dma_start3A_45 = arith.constant 0 : i32
    %dma_start3A_46 = tpu.memref_slice %arg6[%add3A_42, %dma_start3A_45] : memref<32768x512xi32, #tpu.memory_space<hbm>> -> memref<64x512xi32, #tpu.memory_space<hbm>>
    tpu.enqueue_dma source(%arg11 : memref<64x512xi32, #tpu.memory_space<vmem>>) target(%dma_start3A_46 : memref<64x512xi32, #tpu.memory_space<hbm>>) target_semaphore(%arg17 : memref<!tpu.dma_semaphore, #tpu.memory_space<semaphore_mem>>)
    %dma_wait3A_47 = arith.constant 128 : i32
    %dma_wait3A_48 = tpu.memref_slice %arg8[%dma_wait3A_47] : memref<1024xi32, #tpu.memory_space<vmem>> -> memref<64xi32, #tpu.memory_space<vmem>>
    %dma_wait3A_49 = arith.constant 0 : i32
    %dma_wait3A_50 = arith.constant 0 : i32
    %dma_wait3A_51 = tpu.memref_slice %arg2[%dma_wait3A_49, %dma_wait3A_50] : memref<2048x512xi32, #tpu.memory_space<hbm>> -> memref<2048x512xi32, #tpu.memory_space<hbm>>
    tpu.wait_indirect_dma semaphore(%arg15 : memref<!tpu.dma_semaphore, #tpu.memory_space<semaphore_mem>>) src(%dma_wait3A_51 : memref<2048x512xi32, #tpu.memory_space<hbm>>) dst(%arg12 : memref<64x512xi32, #tpu.memory_space<vmem>>)
    %dma_wait3A_52 = arith.constant 0 : i32
    %dma_wait3A_53 = tpu.memref_slice %arg6[%add3A_42, %dma_wait3A_52] : memref<32768x512xi32, #tpu.memory_space<hbm>> -> memref<64x512xi32, #tpu.memory_space<hbm>>
    %dma_wait3A_54 = arith.constant 0 : i32
    %dma_wait3A_55 = tpu.memref_slice %arg6[%add3A_42, %dma_wait3A_54] : memref<32768x512xi32, #tpu.memory_space<hbm>> -> memref<64x512xi32, #tpu.memory_space<hbm>>
    tpu.wait_dma2 semaphore(%arg17 : memref<!tpu.dma_semaphore, #tpu.memory_space<semaphore_mem>>) src(%arg11 : memref<64x512xi32, #tpu.memory_space<vmem>>) dst(%dma_wait3A_55 : memref<64x512xi32, #tpu.memory_space<hbm>>)
    %dma_start3A_56 = arith.constant 256 : i32
    %dma_start3A_57 = tpu.memref_slice %arg8[%dma_start3A_56] : memref<1024xi32, #tpu.memory_space<vmem>> -> memref<64xi32, #tpu.memory_space<vmem>>
    %dma_start3A_58 = arith.constant 0 : i32
    %dma_start3A_59 = arith.constant 0 : i32
    %dma_start3A_60 = tpu.memref_slice %arg2[%dma_start3A_58, %dma_start3A_59] : memref<2048x512xi32, #tpu.memory_space<hbm>> -> memref<2048x512xi32, #tpu.memory_space<hbm>>
    tpu.enqueue_indirect_dma source(%dma_start3A_60 : memref<2048x512xi32, #tpu.memory_space<hbm>>) target(%arg11 : memref<64x512xi32, #tpu.memory_space<vmem>>) offsets(%dma_start3A_57 : memref<64xi32, #tpu.memory_space<vmem>>) semaphore(%arg14 : memref<!tpu.dma_semaphore, #tpu.memory_space<semaphore_mem>>)
    %add3A_61 = arith.constant 128 : i32
    %add3A_62 = arith.addi %mul3A_2, %add3A_61 : i32
    %dma_start3A_63 = arith.constant 0 : i32
    %dma_start3A_64 = tpu.memref_slice %arg6[%add3A_62, %dma_start3A_63] : memref<32768x512xi32, #tpu.memory_space<hbm>> -> memref<64x512xi32, #tpu.memory_space<hbm>>
    %dma_start3A_65 = arith.constant 0 : i32
    %dma_start3A_66 = tpu.memref_slice %arg6[%add3A_62, %dma_start3A_65] : memref<32768x512xi32, #tpu.memory_space<hbm>> -> memref<64x512xi32, #tpu.memory_space<hbm>>
    tpu.enqueue_dma source(%arg12 : memref<64x512xi32, #tpu.memory_space<vmem>>) target(%dma_start3A_66 : memref<64x512xi32, #tpu.memory_space<hbm>>) target_semaphore(%arg18 : memref<!tpu.dma_semaphore, #tpu.memory_space<semaphore_mem>>)
    %dma_wait3A_67 = arith.constant 192 : i32
    %dma_wait3A_68 = tpu.memref_slice %arg8[%dma_wait3A_67] : memref<1024xi32, #tpu.memory_space<vmem>> -> memref<64xi32, #tpu.memory_space<vmem>>
    %dma_wait3A_69 = arith.constant 0 : i32
    %dma_wait3A_70 = arith.constant 0 : i32
    %dma_wait3A_71 = tpu.memref_slice %arg2[%dma_wait3A_69, %dma_wait3A_70] : memref<2048x512xi32, #tpu.memory_space<hbm>> -> memref<2048x512xi32, #tpu.memory_space<hbm>>
    tpu.wait_indirect_dma semaphore(%arg13 : memref<!tpu.dma_semaphore, #tpu.memory_space<semaphore_mem>>) src(%dma_wait3A_71 : memref<2048x512xi32, #tpu.memory_space<hbm>>) dst(%arg10 : memref<64x512xi32, #tpu.memory_space<vmem>>)
    %dma_wait3A_72 = arith.constant 0 : i32
    %dma_wait3A_73 = tpu.memref_slice %arg6[%add3A_62, %dma_wait3A_72] : memref<32768x512xi32, #tpu.memory_space<hbm>> -> memref<64x512xi32, #tpu.memory_space<hbm>>
    %dma_wait3A_74 = arith.constant 0 : i32
    %dma_wait3A_75 = tpu.memref_slice %arg6[%add3A_62, %dma_wait3A_74] : memref<32768x512xi32, #tpu.memory_space<hbm>> -> memref<64x512xi32, #tpu.memory_space<hbm>>
    tpu.wait_dma2 semaphore(%arg18 : memref<!tpu.dma_semaphore, #tpu.memory_space<semaphore_mem>>) src(%arg12 : memref<64x512xi32, #tpu.memory_space<vmem>>) dst(%dma_wait3A_75 : memref<64x512xi32, #tpu.memory_space<hbm>>)
    %dma_start3A_76 = arith.constant 320 : i32
    %dma_start3A_77 = tpu.memref_slice %arg8[%dma_start3A_76] : memref<1024xi32, #tpu.memory_space<vmem>> -> memref<64xi32, #tpu.memory_space<vmem>>
    %dma_start3A_78 = arith.constant 0 : i32
    %dma_start3A_79 = arith.constant 0 : i32
    %dma_start3A_80 = tpu.memref_slice %arg2[%dma_start3A_78, %dma_start3A_79] : memref<2048x512xi32, #tpu.memory_space<hbm>> -> memref<2048x512xi32, #tpu.memory_space<hbm>>
    tpu.enqueue_indirect_dma source(%dma_start3A_80 : memref<2048x512xi32, #tpu.memory_space<hbm>>) target(%arg12 : memref<64x512xi32, #tpu.memory_space<vmem>>) offsets(%dma_start3A_77 : memref<64xi32, #tpu.memory_space<vmem>>) semaphore(%arg15 : memref<!tpu.dma_semaphore, #tpu.memory_space<semaphore_mem>>)
    %add3A_81 = arith.constant 192 : i32
    %add3A_82 = arith.addi %mul3A_2, %add3A_81 : i32
    %dma_start3A_83 = arith.constant 0 : i32
    %dma_start3A_84 = tpu.memref_slice %arg6[%add3A_82, %dma_start3A_83] : memref<32768x512xi32, #tpu.memory_space<hbm>> -> memref<64x512xi32, #tpu.memory_space<hbm>>
    %dma_start3A_85 = arith.constant 0 : i32
    %dma_start3A_86 = tpu.memref_slice %arg6[%add3A_82, %dma_start3A_85] : memref<32768x512xi32, #tpu.memory_space<hbm>> -> memref<64x512xi32, #tpu.memory_space<hbm>>
    tpu.enqueue_dma source(%arg10 : memref<64x512xi32, #tpu.memory_space<vmem>>) target(%dma_start3A_86 : memref<64x512xi32, #tpu.memory_space<hbm>>) target_semaphore(%arg16 : memref<!tpu.dma_semaphore, #tpu.memory_space<semaphore_mem>>)
    %dma_wait3A_87 = arith.constant 256 : i32
    %dma_wait3A_88 = tpu.memref_slice %arg8[%dma_wait3A_87] : memref<1024xi32, #tpu.memory_space<vmem>> -> memref<64xi32, #tpu.memory_space<vmem>>
    %dma_wait3A_89 = arith.constant 0 : i32
    %dma_wait3A_90 = arith.constant 0 : i32
    %dma_wait3A_91 = tpu.memref_slice %arg2[%dma_wait3A_89, %dma_wait3A_90] : memref<2048x512xi32, #tpu.memory_space<hbm>> -> memref<2048x512xi32, #tpu.memory_space<hbm>>
    tpu.wait_indirect_dma semaphore(%arg14 : memref<!tpu.dma_semaphore, #tpu.memory_space<semaphore_mem>>) src(%dma_wait3A_91 : memref<2048x512xi32, #tpu.memory_space<hbm>>) dst(%arg11 : memref<64x512xi32, #tpu.memory_space<vmem>>)
    %dma_wait3A_92 = arith.constant 0 : i32
    %dma_wait3A_93 = tpu.memref_slice %arg6[%add3A_82, %dma_wait3A_92] : memref<32768x512xi32, #tpu.memory_space<hbm>> -> memref<64x512xi32, #tpu.memory_space<hbm>>
    %dma_wait3A_94 = arith.constant 0 : i32
    %dma_wait3A_95 = tpu.memref_slice %arg6[%add3A_82, %dma_wait3A_94] : memref<32768x512xi32, #tpu.memory_space<hbm>> -> memref<64x512xi32, #tpu.memory_space<hbm>>
    tpu.wait_dma2 semaphore(%arg16 : memref<!tpu.dma_semaphore, #tpu.memory_space<semaphore_mem>>) src(%arg10 : memref<64x512xi32, #tpu.memory_space<vmem>>) dst(%dma_wait3A_95 : memref<64x512xi32, #tpu.memory_space<hbm>>)
    %dma_start3A_96 = arith.constant 384 : i32
    %dma_start3A_97 = tpu.memref_slice %arg8[%dma_start3A_96] : memref<1024xi32, #tpu.memory_space<vmem>> -> memref<64xi32, #tpu.memory_space<vmem>>
    %dma_start3A_98 = arith.constant 0 : i32
    %dma_start3A_99 = arith.constant 0 : i32
    %dma_start3A_100 = tpu.memref_slice %arg2[%dma_start3A_98, %dma_start3A_99] : memref<2048x512xi32, #tpu.memory_space<hbm>> -> memref<2048x512xi32, #tpu.memory_space<hbm>>
    tpu.enqueue_indirect_dma source(%dma_start3A_100 : memref<2048x512xi32, #tpu.memory_space<hbm>>) target(%arg10 : memref<64x512xi32, #tpu.memory_space<vmem>>) offsets(%dma_start3A_97 : memref<64xi32, #tpu.memory_space<vmem>>) semaphore(%arg13 : memref<!tpu.dma_semaphore, #tpu.memory_space<semaphore_mem>>)
    %add3A_101 = arith.constant 256 : i32
    %add3A_102 = arith.addi %mul3A_2, %add3A_101 : i32
    %dma_start3A_103 = arith.constant 0 : i32
    %dma_start3A_104 = tpu.memref_slice %arg6[%add3A_102, %dma_start3A_103] : memref<32768x512xi32, #tpu.memory_space<hbm>> -> memref<64x512xi32, #tpu.memory_space<hbm>>
    %dma_start3A_105 = arith.constant 0 : i32
    %dma_start3A_106 = tpu.memref_slice %arg6[%add3A_102, %dma_start3A_105] : memref<32768x512xi32, #tpu.memory_space<hbm>> -> memref<64x512xi32, #tpu.memory_space<hbm>>
    tpu.enqueue_dma source(%arg11 : memref<64x512xi32, #tpu.memory_space<vmem>>) target(%dma_start3A_106 : memref<64x512xi32, #tpu.memory_space<hbm>>) target_semaphore(%arg17 : memref<!tpu.dma_semaphore, #tpu.memory_space<semaphore_mem>>)
    %dma_wait3A_107 = arith.constant 320 : i32
    %dma_wait3A_108 = tpu.memref_slice %arg8[%dma_wait3A_107] : memref<1024xi32, #tpu.memory_space<vmem>> -> memref<64xi32, #tpu.memory_space<vmem>>
    %dma_wait3A_109 = arith.constant 0 : i32
    %dma_wait3A_110 = arith.constant 0 : i32
    %dma_wait3A_111 = tpu.memref_slice %arg2[%dma_wait3A_109, %dma_wait3A_110] : memref<2048x512xi32, #tpu.memory_space<hbm>> -> memref<2048x512xi32, #tpu.memory_space<hbm>>
    tpu.wait_indirect_dma semaphore(%arg15 : memref<!tpu.dma_semaphore, #tpu.memory_space<semaphore_mem>>) src(%dma_wait3A_111 : memref<2048x512xi32, #tpu.memory_space<hbm>>) dst(%arg12 : memref<64x512xi32, #tpu.memory_space<vmem>>)
    %dma_wait3A_112 = arith.constant 0 : i32
    %dma_wait3A_113 = tpu.memref_slice %arg6[%add3A_102, %dma_wait3A_112] : memref<32768x512xi32, #tpu.memory_space<hbm>> -> memref<64x512xi32, #tpu.memory_space<hbm>>
    %dma_wait3A_114 = arith.constant 0 : i32
    %dma_wait3A_115 = tpu.memref_slice %arg6[%add3A_102, %dma_wait3A_114] : memref<32768x512xi32, #tpu.memory_space<hbm>> -> memref<64x512xi32, #tpu.memory_space<hbm>>
    tpu.wait_dma2 semaphore(%arg17 : memref<!tpu.dma_semaphore, #tpu.memory_space<semaphore_mem>>) src(%arg11 : memref<64x512xi32, #tpu.memory_space<vmem>>) dst(%dma_wait3A_115 : memref<64x512xi32, #tpu.memory_space<hbm>>)
    %dma_start3A_116 = arith.constant 448 : i32
    %dma_start3A_117 = tpu.memref_slice %arg8[%dma_start3A_116] : memref<1024xi32, #tpu.memory_space<vmem>> -> memref<64xi32, #tpu.memory_space<vmem>>
    %dma_start3A_118 = arith.constant 0 : i32
    %dma_start3A_119 = arith.constant 0 : i32
    %dma_start3A_120 = tpu.memref_slice %arg2[%dma_start3A_118, %dma_start3A_119] : memref<2048x512xi32, #tpu.memory_space<hbm>> -> memref<2048x512xi32, #tpu.memory_space<hbm>>
    tpu.enqueue_indirect_dma source(%dma_start3A_120 : memref<2048x512xi32, #tpu.memory_space<hbm>>) target(%arg11 : memref<64x512xi32, #tpu.memory_space<vmem>>) offsets(%dma_start3A_117 : memref<64xi32, #tpu.memory_space<vmem>>) semaphore(%arg14 : memref<!tpu.dma_semaphore, #tpu.memory_space<semaphore_mem>>)
    %add3A_121 = arith.constant 320 : i32
    %add3A_122 = arith.addi %mul3A_2, %add3A_121 : i32
    %dma_start3A_123 = arith.constant 0 : i32
    %dma_start3A_124 = tpu.memref_slice %arg6[%add3A_122, %dma_start3A_123] : memref<32768x512xi32, #tpu.memory_space<hbm>> -> memref<64x512xi32, #tpu.memory_space<hbm>>
    %dma_start3A_125 = arith.constant 0 : i32
    %dma_start3A_126 = tpu.memref_slice %arg6[%add3A_122, %dma_start3A_125] : memref<32768x512xi32, #tpu.memory_space<hbm>> -> memref<64x512xi32, #tpu.memory_space<hbm>>
    tpu.enqueue_dma source(%arg12 : memref<64x512xi32, #tpu.memory_space<vmem>>) target(%dma_start3A_126 : memref<64x512xi32, #tpu.memory_space<hbm>>) target_semaphore(%arg18 : memref<!tpu.dma_semaphore, #tpu.memory_space<semaphore_mem>>)
    %dma_wait3A_127 = arith.constant 384 : i32
    %dma_wait3A_128 = tpu.memref_slice %arg8[%dma_wait3A_127] : memref<1024xi32, #tpu.memory_space<vmem>> -> memref<64xi32, #tpu.memory_space<vmem>>
    %dma_wait3A_129 = arith.constant 0 : i32
    %dma_wait3A_130 = arith.constant 0 : i32
    %dma_wait3A_131 = tpu.memref_slice %arg2[%dma_wait3A_129, %dma_wait3A_130] : memref<2048x512xi32, #tpu.memory_space<hbm>> -> memref<2048x512xi32, #tpu.memory_space<hbm>>
    tpu.wait_indirect_dma semaphore(%arg13 : memref<!tpu.dma_semaphore, #tpu.memory_space<semaphore_mem>>) src(%dma_wait3A_131 : memref<2048x512xi32, #tpu.memory_space<hbm>>) dst(%arg10 : memref<64x512xi32, #tpu.memory_space<vmem>>)
    %dma_wait3A_132 = arith.constant 0 : i32
    %dma_wait3A_133 = tpu.memref_slice %arg6[%add3A_122, %dma_wait3A_132] : memref<32768x512xi32, #tpu.memory_space<hbm>> -> memref<64x512xi32, #tpu.memory_space<hbm>>
    %dma_wait3A_134 = arith.constant 0 : i32
    %dma_wait3A_135 = tpu.memref_slice %arg6[%add3A_122, %dma_wait3A_134] : memref<32768x512xi32, #tpu.memory_space<hbm>> -> memref<64x512xi32, #tpu.memory_space<hbm>>
    tpu.wait_dma2 semaphore(%arg18 : memref<!tpu.dma_semaphore, #tpu.memory_space<semaphore_mem>>) src(%arg12 : memref<64x512xi32, #tpu.memory_space<vmem>>) dst(%dma_wait3A_135 : memref<64x512xi32, #tpu.memory_space<hbm>>)
    %dma_start3A_136 = arith.constant 512 : i32
    %dma_start3A_137 = tpu.memref_slice %arg8[%dma_start3A_136] : memref<1024xi32, #tpu.memory_space<vmem>> -> memref<64xi32, #tpu.memory_space<vmem>>
    %dma_start3A_138 = arith.constant 0 : i32
    %dma_start3A_139 = arith.constant 0 : i32
    %dma_start3A_140 = tpu.memref_slice %arg2[%dma_start3A_138, %dma_start3A_139] : memref<2048x512xi32, #tpu.memory_space<hbm>> -> memref<2048x512xi32, #tpu.memory_space<hbm>>
    tpu.enqueue_indirect_dma source(%dma_start3A_140 : memref<2048x512xi32, #tpu.memory_space<hbm>>) target(%arg12 : memref<64x512xi32, #tpu.memory_space<vmem>>) offsets(%dma_start3A_137 : memref<64xi32, #tpu.memory_space<vmem>>) semaphore(%arg15 : memref<!tpu.dma_semaphore, #tpu.memory_space<semaphore_mem>>)
    %add3A_141 = arith.constant 384 : i32
    %add3A_142 = arith.addi %mul3A_2, %add3A_141 : i32
    %dma_start3A_143 = arith.constant 0 : i32
    %dma_start3A_144 = tpu.memref_slice %arg6[%add3A_142, %dma_start3A_143] : memref<32768x512xi32, #tpu.memory_space<hbm>> -> memref<64x512xi32, #tpu.memory_space<hbm>>
    %dma_start3A_145 = arith.constant 0 : i32
    %dma_start3A_146 = tpu.memref_slice %arg6[%add3A_142, %dma_start3A_145] : memref<32768x512xi32, #tpu.memory_space<hbm>> -> memref<64x512xi32, #tpu.memory_space<hbm>>
    tpu.enqueue_dma source(%arg10 : memref<64x512xi32, #tpu.memory_space<vmem>>) target(%dma_start3A_146 : memref<64x512xi32, #tpu.memory_space<hbm>>) target_semaphore(%arg16 : memref<!tpu.dma_semaphore, #tpu.memory_space<semaphore_mem>>)
    %dma_wait3A_147 = arith.constant 448 : i32
    %dma_wait3A_148 = tpu.memref_slice %arg8[%dma_wait3A_147] : memref<1024xi32, #tpu.memory_space<vmem>> -> memref<64xi32, #tpu.memory_space<vmem>>
    %dma_wait3A_149 = arith.constant 0 : i32
    %dma_wait3A_150 = arith.constant 0 : i32
    %dma_wait3A_151 = tpu.memref_slice %arg2[%dma_wait3A_149, %dma_wait3A_150] : memref<2048x512xi32, #tpu.memory_space<hbm>> -> memref<2048x512xi32, #tpu.memory_space<hbm>>
    tpu.wait_indirect_dma semaphore(%arg14 : memref<!tpu.dma_semaphore, #tpu.memory_space<semaphore_mem>>) src(%dma_wait3A_151 : memref<2048x512xi32, #tpu.memory_space<hbm>>) dst(%arg11 : memref<64x512xi32, #tpu.memory_space<vmem>>)
    %dma_wait3A_152 = arith.constant 0 : i32
    %dma_wait3A_153 = tpu.memref_slice %arg6[%add3A_142, %dma_wait3A_152] : memref<32768x512xi32, #tpu.memory_space<hbm>> -> memref<64x512xi32, #tpu.memory_space<hbm>>
    %dma_wait3A_154 = arith.constant 0 : i32
    %dma_wait3A_155 = tpu.memref_slice %arg6[%add3A_142, %dma_wait3A_154] : memref<32768x512xi32, #tpu.memory_space<hbm>> -> memref<64x512xi32, #tpu.memory_space<hbm>>
    tpu.wait_dma2 semaphore(%arg16 : memref<!tpu.dma_semaphore, #tpu.memory_space<semaphore_mem>>) src(%arg10 : memref<64x512xi32, #tpu.memory_space<vmem>>) dst(%dma_wait3A_155 : memref<64x512xi32, #tpu.memory_space<hbm>>)
    %dma_start3A_156 = arith.constant 576 : i32
    %dma_start3A_157 = tpu.memref_slice %arg8[%dma_start3A_156] : memref<1024xi32, #tpu.memory_space<vmem>> -> memref<64xi32, #tpu.memory_space<vmem>>
    %dma_start3A_158 = arith.constant 0 : i32
    %dma_start3A_159 = arith.constant 0 : i32
    %dma_start3A_160 = tpu.memref_slice %arg2[%dma_start3A_158, %dma_start3A_159] : memref<2048x512xi32, #tpu.memory_space<hbm>> -> memref<2048x512xi32, #tpu.memory_space<hbm>>
    tpu.enqueue_indirect_dma source(%dma_start3A_160 : memref<2048x512xi32, #tpu.memory_space<hbm>>) target(%arg10 : memref<64x512xi32, #tpu.memory_space<vmem>>) offsets(%dma_start3A_157 : memref<64xi32, #tpu.memory_space<vmem>>) semaphore(%arg13 : memref<!tpu.dma_semaphore, #tpu.memory_space<semaphore_mem>>)
    %add3A_161 = arith.constant 448 : i32
    %add3A_162 = arith.addi %mul3A_2, %add3A_161 : i32
    %dma_start3A_163 = arith.constant 0 : i32
    %dma_start3A_164 = tpu.memref_slice %arg6[%add3A_162, %dma_start3A_163] : memref<32768x512xi32, #tpu.memory_space<hbm>> -> memref<64x512xi32, #tpu.memory_space<hbm>>
    %dma_start3A_165 = arith.constant 0 : i32
    %dma_start3A_166 = tpu.memref_slice %arg6[%add3A_162, %dma_start3A_165] : memref<32768x512xi32, #tpu.memory_space<hbm>> -> memref<64x512xi32, #tpu.memory_space<hbm>>
    tpu.enqueue_dma source(%arg11 : memref<64x512xi32, #tpu.memory_space<vmem>>) target(%dma_start3A_166 : memref<64x512xi32, #tpu.memory_space<hbm>>) target_semaphore(%arg17 : memref<!tpu.dma_semaphore, #tpu.memory_space<semaphore_mem>>)
    %dma_wait3A_167 = arith.constant 512 : i32
    %dma_wait3A_168 = tpu.memref_slice %arg8[%dma_wait3A_167] : memref<1024xi32, #tpu.memory_space<vmem>> -> memref<64xi32, #tpu.memory_space<vmem>>
    %dma_wait3A_169 = arith.constant 0 : i32
    %dma_wait3A_170 = arith.constant 0 : i32
    %dma_wait3A_171 = tpu.memref_slice %arg2[%dma_wait3A_169, %dma_wait3A_170] : memref<2048x512xi32, #tpu.memory_space<hbm>> -> memref<2048x512xi32, #tpu.memory_space<hbm>>
    tpu.wait_indirect_dma semaphore(%arg15 : memref<!tpu.dma_semaphore, #tpu.memory_space<semaphore_mem>>) src(%dma_wait3A_171 : memref<2048x512xi32, #tpu.memory_space<hbm>>) dst(%arg12 : memref<64x512xi32, #tpu.memory_space<vmem>>)
    %dma_wait3A_172 = arith.constant 0 : i32
    %dma_wait3A_173 = tpu.memref_slice %arg6[%add3A_162, %dma_wait3A_172] : memref<32768x512xi32, #tpu.memory_space<hbm>> -> memref<64x512xi32, #tpu.memory_space<hbm>>
    %dma_wait3A_174 = arith.constant 0 : i32
    %dma_wait3A_175 = tpu.memref_slice %arg6[%add3A_162, %dma_wait3A_174] : memref<32768x512xi32, #tpu.memory_space<hbm>> -> memref<64x512xi32, #tpu.memory_space<hbm>>
    tpu.wait_dma2 semaphore(%arg17 : memref<!tpu.dma_semaphore, #tpu.memory_space<semaphore_mem>>) src(%arg11 : memref<64x512xi32, #tpu.memory_space<vmem>>) dst(%dma_wait3A_175 : memref<64x512xi32, #tpu.memory_space<hbm>>)
    %dma_start3A_176 = arith.constant 640 : i32
    %dma_start3A_177 = tpu.memref_slice %arg8[%dma_start3A_176] : memref<1024xi32, #tpu.memory_space<vmem>> -> memref<64xi32, #tpu.memory_space<vmem>>
    %dma_start3A_178 = arith.constant 0 : i32
    %dma_start3A_179 = arith.constant 0 : i32
    %dma_start3A_180 = tpu.memref_slice %arg2[%dma_start3A_178, %dma_start3A_179] : memref<2048x512xi32, #tpu.memory_space<hbm>> -> memref<2048x512xi32, #tpu.memory_space<hbm>>
    tpu.enqueue_indirect_dma source(%dma_start3A_180 : memref<2048x512xi32, #tpu.memory_space<hbm>>) target(%arg11 : memref<64x512xi32, #tpu.memory_space<vmem>>) offsets(%dma_start3A_177 : memref<64xi32, #tpu.memory_space<vmem>>) semaphore(%arg14 : memref<!tpu.dma_semaphore, #tpu.memory_space<semaphore_mem>>)
    %add3A_181 = arith.constant 512 : i32
    %add3A_182 = arith.addi %mul3A_2, %add3A_181 : i32
    %dma_start3A_183 = arith.constant 0 : i32
    %dma_start3A_184 = tpu.memref_slice %arg6[%add3A_182, %dma_start3A_183] : memref<32768x512xi32, #tpu.memory_space<hbm>> -> memref<64x512xi32, #tpu.memory_space<hbm>>
    %dma_start3A_185 = arith.constant 0 : i32
    %dma_start3A_186 = tpu.memref_slice %arg6[%add3A_182, %dma_start3A_185] : memref<32768x512xi32, #tpu.memory_space<hbm>> -> memref<64x512xi32, #tpu.memory_space<hbm>>
    tpu.enqueue_dma source(%arg12 : memref<64x512xi32, #tpu.memory_space<vmem>>) target(%dma_start3A_186 : memref<64x512xi32, #tpu.memory_space<hbm>>) target_semaphore(%arg18 : memref<!tpu.dma_semaphore, #tpu.memory_space<semaphore_mem>>)
    %dma_wait3A_187 = arith.constant 576 : i32
    %dma_wait3A_188 = tpu.memref_slice %arg8[%dma_wait3A_187] : memref<1024xi32, #tpu.memory_space<vmem>> -> memref<64xi32, #tpu.memory_space<vmem>>
    %dma_wait3A_189 = arith.constant 0 : i32
    %dma_wait3A_190 = arith.constant 0 : i32
    %dma_wait3A_191 = tpu.memref_slice %arg2[%dma_wait3A_189, %dma_wait3A_190] : memref<2048x512xi32, #tpu.memory_space<hbm>> -> memref<2048x512xi32, #tpu.memory_space<hbm>>
    tpu.wait_indirect_dma semaphore(%arg13 : memref<!tpu.dma_semaphore, #tpu.memory_space<semaphore_mem>>) src(%dma_wait3A_191 : memref<2048x512xi32, #tpu.memory_space<hbm>>) dst(%arg10 : memref<64x512xi32, #tpu.memory_space<vmem>>)
    %dma_wait3A_192 = arith.constant 0 : i32
    %dma_wait3A_193 = tpu.memref_slice %arg6[%add3A_182, %dma_wait3A_192] : memref<32768x512xi32, #tpu.memory_space<hbm>> -> memref<64x512xi32, #tpu.memory_space<hbm>>
    %dma_wait3A_194 = arith.constant 0 : i32
    %dma_wait3A_195 = tpu.memref_slice %arg6[%add3A_182, %dma_wait3A_194] : memref<32768x512xi32, #tpu.memory_space<hbm>> -> memref<64x512xi32, #tpu.memory_space<hbm>>
    tpu.wait_dma2 semaphore(%arg18 : memref<!tpu.dma_semaphore, #tpu.memory_space<semaphore_mem>>) src(%arg12 : memref<64x512xi32, #tpu.memory_space<vmem>>) dst(%dma_wait3A_195 : memref<64x512xi32, #tpu.memory_space<hbm>>)
    %dma_start3A_196 = arith.constant 704 : i32
    %dma_start3A_197 = tpu.memref_slice %arg8[%dma_start3A_196] : memref<1024xi32, #tpu.memory_space<vmem>> -> memref<64xi32, #tpu.memory_space<vmem>>
    %dma_start3A_198 = arith.constant 0 : i32
    %dma_start3A_199 = arith.constant 0 : i32
    %dma_start3A_200 = tpu.memref_slice %arg2[%dma_start3A_198, %dma_start3A_199] : memref<2048x512xi32, #tpu.memory_space<hbm>> -> memref<2048x512xi32, #tpu.memory_space<hbm>>
    tpu.enqueue_indirect_dma source(%dma_start3A_200 : memref<2048x512xi32, #tpu.memory_space<hbm>>) target(%arg12 : memref<64x512xi32, #tpu.memory_space<vmem>>) offsets(%dma_start3A_197 : memref<64xi32, #tpu.memory_space<vmem>>) semaphore(%arg15 : memref<!tpu.dma_semaphore, #tpu.memory_space<semaphore_mem>>)
    %add3A_201 = arith.constant 576 : i32
    %add3A_202 = arith.addi %mul3A_2, %add3A_201 : i32
    %dma_start3A_203 = arith.constant 0 : i32
    %dma_start3A_204 = tpu.memref_slice %arg6[%add3A_202, %dma_start3A_203] : memref<32768x512xi32, #tpu.memory_space<hbm>> -> memref<64x512xi32, #tpu.memory_space<hbm>>
    %dma_start3A_205 = arith.constant 0 : i32
    %dma_start3A_206 = tpu.memref_slice %arg6[%add3A_202, %dma_start3A_205] : memref<32768x512xi32, #tpu.memory_space<hbm>> -> memref<64x512xi32, #tpu.memory_space<hbm>>
    tpu.enqueue_dma source(%arg10 : memref<64x512xi32, #tpu.memory_space<vmem>>) target(%dma_start3A_206 : memref<64x512xi32, #tpu.memory_space<hbm>>) target_semaphore(%arg16 : memref<!tpu.dma_semaphore, #tpu.memory_space<semaphore_mem>>)
    %dma_wait3A_207 = arith.constant 640 : i32
    %dma_wait3A_208 = tpu.memref_slice %arg8[%dma_wait3A_207] : memref<1024xi32, #tpu.memory_space<vmem>> -> memref<64xi32, #tpu.memory_space<vmem>>
    %dma_wait3A_209 = arith.constant 0 : i32
    %dma_wait3A_210 = arith.constant 0 : i32
    %dma_wait3A_211 = tpu.memref_slice %arg2[%dma_wait3A_209, %dma_wait3A_210] : memref<2048x512xi32, #tpu.memory_space<hbm>> -> memref<2048x512xi32, #tpu.memory_space<hbm>>
    tpu.wait_indirect_dma semaphore(%arg14 : memref<!tpu.dma_semaphore, #tpu.memory_space<semaphore_mem>>) src(%dma_wait3A_211 : memref<2048x512xi32, #tpu.memory_space<hbm>>) dst(%arg11 : memref<64x512xi32, #tpu.memory_space<vmem>>)
    %dma_wait3A_212 = arith.constant 0 : i32
    %dma_wait3A_213 = tpu.memref_slice %arg6[%add3A_202, %dma_wait3A_212] : memref<32768x512xi32, #tpu.memory_space<hbm>> -> memref<64x512xi32, #tpu.memory_space<hbm>>
    %dma_wait3A_214 = arith.constant 0 : i32
    %dma_wait3A_215 = tpu.memref_slice %arg6[%add3A_202, %dma_wait3A_214] : memref<32768x512xi32, #tpu.memory_space<hbm>> -> memref<64x512xi32, #tpu.memory_space<hbm>>
    tpu.wait_dma2 semaphore(%arg16 : memref<!tpu.dma_semaphore, #tpu.memory_space<semaphore_mem>>) src(%arg10 : memref<64x512xi32, #tpu.memory_space<vmem>>) dst(%dma_wait3A_215 : memref<64x512xi32, #tpu.memory_space<hbm>>)
    %dma_start3A_216 = arith.constant 768 : i32
    %dma_start3A_217 = tpu.memref_slice %arg8[%dma_start3A_216] : memref<1024xi32, #tpu.memory_space<vmem>> -> memref<64xi32, #tpu.memory_space<vmem>>
    %dma_start3A_218 = arith.constant 0 : i32
    %dma_start3A_219 = arith.constant 0 : i32
    %dma_start3A_220 = tpu.memref_slice %arg2[%dma_start3A_218, %dma_start3A_219] : memref<2048x512xi32, #tpu.memory_space<hbm>> -> memref<2048x512xi32, #tpu.memory_space<hbm>>
    tpu.enqueue_indirect_dma source(%dma_start3A_220 : memref<2048x512xi32, #tpu.memory_space<hbm>>) target(%arg10 : memref<64x512xi32, #tpu.memory_space<vmem>>) offsets(%dma_start3A_217 : memref<64xi32, #tpu.memory_space<vmem>>) semaphore(%arg13 : memref<!tpu.dma_semaphore, #tpu.memory_space<semaphore_mem>>)
    %add3A_221 = arith.constant 640 : i32
    %add3A_222 = arith.addi %mul3A_2, %add3A_221 : i32
    %dma_start3A_223 = arith.constant 0 : i32
    %dma_start3A_224 = tpu.memref_slice %arg6[%add3A_222, %dma_start3A_223] : memref<32768x512xi32, #tpu.memory_space<hbm>> -> memref<64x512xi32, #tpu.memory_space<hbm>>
    %dma_start3A_225 = arith.constant 0 : i32
    %dma_start3A_226 = tpu.memref_slice %arg6[%add3A_222, %dma_start3A_225] : memref<32768x512xi32, #tpu.memory_space<hbm>> -> memref<64x512xi32, #tpu.memory_space<hbm>>
    tpu.enqueue_dma source(%arg11 : memref<64x512xi32, #tpu.memory_space<vmem>>) target(%dma_start3A_226 : memref<64x512xi32, #tpu.memory_space<hbm>>) target_semaphore(%arg17 : memref<!tpu.dma_semaphore, #tpu.memory_space<semaphore_mem>>)
    %dma_wait3A_227 = arith.constant 704 : i32
    %dma_wait3A_228 = tpu.memref_slice %arg8[%dma_wait3A_227] : memref<1024xi32, #tpu.memory_space<vmem>> -> memref<64xi32, #tpu.memory_space<vmem>>
    %dma_wait3A_229 = arith.constant 0 : i32
    %dma_wait3A_230 = arith.constant 0 : i32
    %dma_wait3A_231 = tpu.memref_slice %arg2[%dma_wait3A_229, %dma_wait3A_230] : memref<2048x512xi32, #tpu.memory_space<hbm>> -> memref<2048x512xi32, #tpu.memory_space<hbm>>
    tpu.wait_indirect_dma semaphore(%arg15 : memref<!tpu.dma_semaphore, #tpu.memory_space<semaphore_mem>>) src(%dma_wait3A_231 : memref<2048x512xi32, #tpu.memory_space<hbm>>) dst(%arg12 : memref<64x512xi32, #tpu.memory_space<vmem>>)
    %dma_wait3A_232 = arith.constant 0 : i32
    %dma_wait3A_233 = tpu.memref_slice %arg6[%add3A_222, %dma_wait3A_232] : memref<32768x512xi32, #tpu.memory_space<hbm>> -> memref<64x512xi32, #tpu.memory_space<hbm>>
    %dma_wait3A_234 = arith.constant 0 : i32
    %dma_wait3A_235 = tpu.memref_slice %arg6[%add3A_222, %dma_wait3A_234] : memref<32768x512xi32, #tpu.memory_space<hbm>> -> memref<64x512xi32, #tpu.memory_space<hbm>>
    tpu.wait_dma2 semaphore(%arg17 : memref<!tpu.dma_semaphore, #tpu.memory_space<semaphore_mem>>) src(%arg11 : memref<64x512xi32, #tpu.memory_space<vmem>>) dst(%dma_wait3A_235 : memref<64x512xi32, #tpu.memory_space<hbm>>)
    %dma_start3A_236 = arith.constant 832 : i32
    %dma_start3A_237 = tpu.memref_slice %arg8[%dma_start3A_236] : memref<1024xi32, #tpu.memory_space<vmem>> -> memref<64xi32, #tpu.memory_space<vmem>>
    %dma_start3A_238 = arith.constant 0 : i32
    %dma_start3A_239 = arith.constant 0 : i32
    %dma_start3A_240 = tpu.memref_slice %arg2[%dma_start3A_238, %dma_start3A_239] : memref<2048x512xi32, #tpu.memory_space<hbm>> -> memref<2048x512xi32, #tpu.memory_space<hbm>>
    tpu.enqueue_indirect_dma source(%dma_start3A_240 : memref<2048x512xi32, #tpu.memory_space<hbm>>) target(%arg11 : memref<64x512xi32, #tpu.memory_space<vmem>>) offsets(%dma_start3A_237 : memref<64xi32, #tpu.memory_space<vmem>>) semaphore(%arg14 : memref<!tpu.dma_semaphore, #tpu.memory_space<semaphore_mem>>)
    %add3A_241 = arith.constant 704 : i32
    %add3A_242 = arith.addi %mul3A_2, %add3A_241 : i32
    %dma_start3A_243 = arith.constant 0 : i32
    %dma_start3A_244 = tpu.memref_slice %arg6[%add3A_242, %dma_start3A_243] : memref<32768x512xi32, #tpu.memory_space<hbm>> -> memref<64x512xi32, #tpu.memory_space<hbm>>
    %dma_start3A_245 = arith.constant 0 : i32
    %dma_start3A_246 = tpu.memref_slice %arg6[%add3A_242, %dma_start3A_245] : memref<32768x512xi32, #tpu.memory_space<hbm>> -> memref<64x512xi32, #tpu.memory_space<hbm>>
    tpu.enqueue_dma source(%arg12 : memref<64x512xi32, #tpu.memory_space<vmem>>) target(%dma_start3A_246 : memref<64x512xi32, #tpu.memory_space<hbm>>) target_semaphore(%arg18 : memref<!tpu.dma_semaphore, #tpu.memory_space<semaphore_mem>>)
    %dma_wait3A_247 = arith.constant 768 : i32
    %dma_wait3A_248 = tpu.memref_slice %arg8[%dma_wait3A_247] : memref<1024xi32, #tpu.memory_space<vmem>> -> memref<64xi32, #tpu.memory_space<vmem>>
    %dma_wait3A_249 = arith.constant 0 : i32
    %dma_wait3A_250 = arith.constant 0 : i32
    %dma_wait3A_251 = tpu.memref_slice %arg2[%dma_wait3A_249, %dma_wait3A_250] : memref<2048x512xi32, #tpu.memory_space<hbm>> -> memref<2048x512xi32, #tpu.memory_space<hbm>>
    tpu.wait_indirect_dma semaphore(%arg13 : memref<!tpu.dma_semaphore, #tpu.memory_space<semaphore_mem>>) src(%dma_wait3A_251 : memref<2048x512xi32, #tpu.memory_space<hbm>>) dst(%arg10 : memref<64x512xi32, #tpu.memory_space<vmem>>)
    %dma_wait3A_252 = arith.constant 0 : i32
    %dma_wait3A_253 = tpu.memref_slice %arg6[%add3A_242, %dma_wait3A_252] : memref<32768x512xi32, #tpu.memory_space<hbm>> -> memref<64x512xi32, #tpu.memory_space<hbm>>
    %dma_wait3A_254 = arith.constant 0 : i32
    %dma_wait3A_255 = tpu.memref_slice %arg6[%add3A_242, %dma_wait3A_254] : memref<32768x512xi32, #tpu.memory_space<hbm>> -> memref<64x512xi32, #tpu.memory_space<hbm>>
    tpu.wait_dma2 semaphore(%arg18 : memref<!tpu.dma_semaphore, #tpu.memory_space<semaphore_mem>>) src(%arg12 : memref<64x512xi32, #tpu.memory_space<vmem>>) dst(%dma_wait3A_255 : memref<64x512xi32, #tpu.memory_space<hbm>>)
    %dma_start3A_256 = arith.constant 896 : i32
    %dma_start3A_257 = tpu.memref_slice %arg8[%dma_start3A_256] : memref<1024xi32, #tpu.memory_space<vmem>> -> memref<64xi32, #tpu.memory_space<vmem>>
    %dma_start3A_258 = arith.constant 0 : i32
    %dma_start3A_259 = arith.constant 0 : i32
    %dma_start3A_260 = tpu.memref_slice %arg2[%dma_start3A_258, %dma_start3A_259] : memref<2048x512xi32, #tpu.memory_space<hbm>> -> memref<2048x512xi32, #tpu.memory_space<hbm>>
    tpu.enqueue_indirect_dma source(%dma_start3A_260 : memref<2048x512xi32, #tpu.memory_space<hbm>>) target(%arg12 : memref<64x512xi32, #tpu.memory_space<vmem>>) offsets(%dma_start3A_257 : memref<64xi32, #tpu.memory_space<vmem>>) semaphore(%arg15 : memref<!tpu.dma_semaphore, #tpu.memory_space<semaphore_mem>>)
    %add3A_261 = arith.constant 768 : i32
    %add3A_262 = arith.addi %mul3A_2, %add3A_261 : i32
    %dma_start3A_263 = arith.constant 0 : i32
    %dma_start3A_264 = tpu.memref_slice %arg6[%add3A_262, %dma_start3A_263] : memref<32768x512xi32, #tpu.memory_space<hbm>> -> memref<64x512xi32, #tpu.memory_space<hbm>>
    %dma_start3A_265 = arith.constant 0 : i32
    %dma_start3A_266 = tpu.memref_slice %arg6[%add3A_262, %dma_start3A_265] : memref<32768x512xi32, #tpu.memory_space<hbm>> -> memref<64x512xi32, #tpu.memory_space<hbm>>
    tpu.enqueue_dma source(%arg10 : memref<64x512xi32, #tpu.memory_space<vmem>>) target(%dma_start3A_266 : memref<64x512xi32, #tpu.memory_space<hbm>>) target_semaphore(%arg16 : memref<!tpu.dma_semaphore, #tpu.memory_space<semaphore_mem>>)
    %dma_wait3A_267 = arith.constant 832 : i32
    %dma_wait3A_268 = tpu.memref_slice %arg8[%dma_wait3A_267] : memref<1024xi32, #tpu.memory_space<vmem>> -> memref<64xi32, #tpu.memory_space<vmem>>
    %dma_wait3A_269 = arith.constant 0 : i32
    %dma_wait3A_270 = arith.constant 0 : i32
    %dma_wait3A_271 = tpu.memref_slice %arg2[%dma_wait3A_269, %dma_wait3A_270] : memref<2048x512xi32, #tpu.memory_space<hbm>> -> memref<2048x512xi32, #tpu.memory_space<hbm>>
    tpu.wait_indirect_dma semaphore(%arg14 : memref<!tpu.dma_semaphore, #tpu.memory_space<semaphore_mem>>) src(%dma_wait3A_271 : memref<2048x512xi32, #tpu.memory_space<hbm>>) dst(%arg11 : memref<64x512xi32, #tpu.memory_space<vmem>>)
    %dma_wait3A_272 = arith.constant 0 : i32
    %dma_wait3A_273 = tpu.memref_slice %arg6[%add3A_262, %dma_wait3A_272] : memref<32768x512xi32, #tpu.memory_space<hbm>> -> memref<64x512xi32, #tpu.memory_space<hbm>>
    %dma_wait3A_274 = arith.constant 0 : i32
    %dma_wait3A_275 = tpu.memref_slice %arg6[%add3A_262, %dma_wait3A_274] : memref<32768x512xi32, #tpu.memory_space<hbm>> -> memref<64x512xi32, #tpu.memory_space<hbm>>
    tpu.wait_dma2 semaphore(%arg16 : memref<!tpu.dma_semaphore, #tpu.memory_space<semaphore_mem>>) src(%arg10 : memref<64x512xi32, #tpu.memory_space<vmem>>) dst(%dma_wait3A_275 : memref<64x512xi32, #tpu.memory_space<hbm>>)
    %dma_start3A_276 = arith.constant 960 : i32
    %dma_start3A_277 = tpu.memref_slice %arg8[%dma_start3A_276] : memref<1024xi32, #tpu.memory_space<vmem>> -> memref<64xi32, #tpu.memory_space<vmem>>
    %dma_start3A_278 = arith.constant 0 : i32
    %dma_start3A_279 = arith.constant 0 : i32
    %dma_start3A_280 = tpu.memref_slice %arg2[%dma_start3A_278, %dma_start3A_279] : memref<2048x512xi32, #tpu.memory_space<hbm>> -> memref<2048x512xi32, #tpu.memory_space<hbm>>
    tpu.enqueue_indirect_dma source(%dma_start3A_280 : memref<2048x512xi32, #tpu.memory_space<hbm>>) target(%arg10 : memref<64x512xi32, #tpu.memory_space<vmem>>) offsets(%dma_start3A_277 : memref<64xi32, #tpu.memory_space<vmem>>) semaphore(%arg13 : memref<!tpu.dma_semaphore, #tpu.memory_space<semaphore_mem>>)
    %add3A_281 = arith.constant 832 : i32
    %add3A_282 = arith.addi %mul3A_2, %add3A_281 : i32
    %dma_start3A_283 = arith.constant 0 : i32
    %dma_start3A_284 = tpu.memref_slice %arg6[%add3A_282, %dma_start3A_283] : memref<32768x512xi32, #tpu.memory_space<hbm>> -> memref<64x512xi32, #tpu.memory_space<hbm>>
    %dma_start3A_285 = arith.constant 0 : i32
    %dma_start3A_286 = tpu.memref_slice %arg6[%add3A_282, %dma_start3A_285] : memref<32768x512xi32, #tpu.memory_space<hbm>> -> memref<64x512xi32, #tpu.memory_space<hbm>>
    tpu.enqueue_dma source(%arg11 : memref<64x512xi32, #tpu.memory_space<vmem>>) target(%dma_start3A_286 : memref<64x512xi32, #tpu.memory_space<hbm>>) target_semaphore(%arg17 : memref<!tpu.dma_semaphore, #tpu.memory_space<semaphore_mem>>)
    %dma_wait3A_287 = arith.constant 896 : i32
    %dma_wait3A_288 = tpu.memref_slice %arg8[%dma_wait3A_287] : memref<1024xi32, #tpu.memory_space<vmem>> -> memref<64xi32, #tpu.memory_space<vmem>>
    %dma_wait3A_289 = arith.constant 0 : i32
    %dma_wait3A_290 = arith.constant 0 : i32
    %dma_wait3A_291 = tpu.memref_slice %arg2[%dma_wait3A_289, %dma_wait3A_290] : memref<2048x512xi32, #tpu.memory_space<hbm>> -> memref<2048x512xi32, #tpu.memory_space<hbm>>
    tpu.wait_indirect_dma semaphore(%arg15 : memref<!tpu.dma_semaphore, #tpu.memory_space<semaphore_mem>>) src(%dma_wait3A_291 : memref<2048x512xi32, #tpu.memory_space<hbm>>) dst(%arg12 : memref<64x512xi32, #tpu.memory_space<vmem>>)
    %dma_wait3A_292 = arith.constant 0 : i32
    %dma_wait3A_293 = tpu.memref_slice %arg6[%add3A_282, %dma_wait3A_292] : memref<32768x512xi32, #tpu.memory_space<hbm>> -> memref<64x512xi32, #tpu.memory_space<hbm>>
    %dma_wait3A_294 = arith.constant 0 : i32
    %dma_wait3A_295 = tpu.memref_slice %arg6[%add3A_282, %dma_wait3A_294] : memref<32768x512xi32, #tpu.memory_space<hbm>> -> memref<64x512xi32, #tpu.memory_space<hbm>>
    tpu.wait_dma2 semaphore(%arg17 : memref<!tpu.dma_semaphore, #tpu.memory_space<semaphore_mem>>) src(%arg11 : memref<64x512xi32, #tpu.memory_space<vmem>>) dst(%dma_wait3A_295 : memref<64x512xi32, #tpu.memory_space<hbm>>)
    %dma_start3A_296 = arith.constant 0 : i32
    %dma_start3A_297 = tpu.memref_slice %arg9[%dma_start3A_296] : memref<1024xi32, #tpu.memory_space<vmem>> -> memref<64xi32, #tpu.memory_space<vmem>>
    %dma_start3A_298 = arith.constant 0 : i32
    %dma_start3A_299 = arith.constant 0 : i32
    %dma_start3A_300 = tpu.memref_slice %arg3[%dma_start3A_298, %dma_start3A_299] : memref<2048x512xi32, #tpu.memory_space<hbm>> -> memref<2048x512xi32, #tpu.memory_space<hbm>>
    tpu.enqueue_indirect_dma source(%dma_start3A_300 : memref<2048x512xi32, #tpu.memory_space<hbm>>) target(%arg11 : memref<64x512xi32, #tpu.memory_space<vmem>>) offsets(%dma_start3A_297 : memref<64xi32, #tpu.memory_space<vmem>>) semaphore(%arg14 : memref<!tpu.dma_semaphore, #tpu.memory_space<semaphore_mem>>)
    %add3A_301 = arith.constant 896 : i32
    %add3A_302 = arith.addi %mul3A_2, %add3A_301 : i32
    %dma_start3A_303 = arith.constant 0 : i32
    %dma_start3A_304 = tpu.memref_slice %arg6[%add3A_302, %dma_start3A_303] : memref<32768x512xi32, #tpu.memory_space<hbm>> -> memref<64x512xi32, #tpu.memory_space<hbm>>
    %dma_start3A_305 = arith.constant 0 : i32
    %dma_start3A_306 = tpu.memref_slice %arg6[%add3A_302, %dma_start3A_305] : memref<32768x512xi32, #tpu.memory_space<hbm>> -> memref<64x512xi32, #tpu.memory_space<hbm>>
    tpu.enqueue_dma source(%arg12 : memref<64x512xi32, #tpu.memory_space<vmem>>) target(%dma_start3A_306 : memref<64x512xi32, #tpu.memory_space<hbm>>) target_semaphore(%arg18 : memref<!tpu.dma_semaphore, #tpu.memory_space<semaphore_mem>>)
    %dma_wait3A_307 = arith.constant 960 : i32
    %dma_wait3A_308 = tpu.memref_slice %arg8[%dma_wait3A_307] : memref<1024xi32, #tpu.memory_space<vmem>> -> memref<64xi32, #tpu.memory_space<vmem>>
    %dma_wait3A_309 = arith.constant 0 : i32
    %dma_wait3A_310 = arith.constant 0 : i32
    %dma_wait3A_311 = tpu.memref_slice %arg2[%dma_wait3A_309, %dma_wait3A_310] : memref<2048x512xi32, #tpu.memory_space<hbm>> -> memref<2048x512xi32, #tpu.memory_space<hbm>>
    tpu.wait_indirect_dma semaphore(%arg13 : memref<!tpu.dma_semaphore, #tpu.memory_space<semaphore_mem>>) src(%dma_wait3A_311 : memref<2048x512xi32, #tpu.memory_space<hbm>>) dst(%arg10 : memref<64x512xi32, #tpu.memory_space<vmem>>)
    %dma_wait3A_312 = arith.constant 0 : i32
    %dma_wait3A_313 = tpu.memref_slice %arg6[%add3A_302, %dma_wait3A_312] : memref<32768x512xi32, #tpu.memory_space<hbm>> -> memref<64x512xi32, #tpu.memory_space<hbm>>
    %dma_wait3A_314 = arith.constant 0 : i32
    %dma_wait3A_315 = tpu.memref_slice %arg6[%add3A_302, %dma_wait3A_314] : memref<32768x512xi32, #tpu.memory_space<hbm>> -> memref<64x512xi32, #tpu.memory_space<hbm>>
    tpu.wait_dma2 semaphore(%arg18 : memref<!tpu.dma_semaphore, #tpu.memory_space<semaphore_mem>>) src(%arg12 : memref<64x512xi32, #tpu.memory_space<vmem>>) dst(%dma_wait3A_315 : memref<64x512xi32, #tpu.memory_space<hbm>>)
    %dma_start3A_316 = arith.constant 64 : i32
    %dma_start3A_317 = tpu.memref_slice %arg9[%dma_start3A_316] : memref<1024xi32, #tpu.memory_space<vmem>> -> memref<64xi32, #tpu.memory_space<vmem>>
    %dma_start3A_318 = arith.constant 0 : i32
    %dma_start3A_319 = arith.constant 0 : i32
    %dma_start3A_320 = tpu.memref_slice %arg3[%dma_start3A_318, %dma_start3A_319] : memref<2048x512xi32, #tpu.memory_space<hbm>> -> memref<2048x512xi32, #tpu.memory_space<hbm>>
    tpu.enqueue_indirect_dma source(%dma_start3A_320 : memref<2048x512xi32, #tpu.memory_space<hbm>>) target(%arg12 : memref<64x512xi32, #tpu.memory_space<vmem>>) offsets(%dma_start3A_317 : memref<64xi32, #tpu.memory_space<vmem>>) semaphore(%arg15 : memref<!tpu.dma_semaphore, #tpu.memory_space<semaphore_mem>>)
    %add3A_321 = arith.constant 960 : i32
    %add3A_322 = arith.addi %mul3A_2, %add3A_321 : i32
    %dma_start3A_323 = arith.constant 0 : i32
    %dma_start3A_324 = tpu.memref_slice %arg6[%add3A_322, %dma_start3A_323] : memref<32768x512xi32, #tpu.memory_space<hbm>> -> memref<64x512xi32, #tpu.memory_space<hbm>>
    %dma_start3A_325 = arith.constant 0 : i32
    %dma_start3A_326 = tpu.memref_slice %arg6[%add3A_322, %dma_start3A_325] : memref<32768x512xi32, #tpu.memory_space<hbm>> -> memref<64x512xi32, #tpu.memory_space<hbm>>
    tpu.enqueue_dma source(%arg10 : memref<64x512xi32, #tpu.memory_space<vmem>>) target(%dma_start3A_326 : memref<64x512xi32, #tpu.memory_space<hbm>>) target_semaphore(%arg16 : memref<!tpu.dma_semaphore, #tpu.memory_space<semaphore_mem>>)
    %dma_wait3A_327 = arith.constant 0 : i32
    %dma_wait3A_328 = tpu.memref_slice %arg9[%dma_wait3A_327] : memref<1024xi32, #tpu.memory_space<vmem>> -> memref<64xi32, #tpu.memory_space<vmem>>
    %dma_wait3A_329 = arith.constant 0 : i32
    %dma_wait3A_330 = arith.constant 0 : i32
    %dma_wait3A_331 = tpu.memref_slice %arg3[%dma_wait3A_329, %dma_wait3A_330] : memref<2048x512xi32, #tpu.memory_space<hbm>> -> memref<2048x512xi32, #tpu.memory_space<hbm>>
    tpu.wait_indirect_dma semaphore(%arg14 : memref<!tpu.dma_semaphore, #tpu.memory_space<semaphore_mem>>) src(%dma_wait3A_331 : memref<2048x512xi32, #tpu.memory_space<hbm>>) dst(%arg11 : memref<64x512xi32, #tpu.memory_space<vmem>>)
    %dma_wait3A_332 = arith.constant 0 : i32
    %dma_wait3A_333 = tpu.memref_slice %arg6[%add3A_322, %dma_wait3A_332] : memref<32768x512xi32, #tpu.memory_space<hbm>> -> memref<64x512xi32, #tpu.memory_space<hbm>>
    %dma_wait3A_334 = arith.constant 0 : i32
    %dma_wait3A_335 = tpu.memref_slice %arg6[%add3A_322, %dma_wait3A_334] : memref<32768x512xi32, #tpu.memory_space<hbm>> -> memref<64x512xi32, #tpu.memory_space<hbm>>
    tpu.wait_dma2 semaphore(%arg16 : memref<!tpu.dma_semaphore, #tpu.memory_space<semaphore_mem>>) src(%arg10 : memref<64x512xi32, #tpu.memory_space<vmem>>) dst(%dma_wait3A_335 : memref<64x512xi32, #tpu.memory_space<hbm>>)
    %dma_start3A_336 = arith.constant 128 : i32
    %dma_start3A_337 = tpu.memref_slice %arg9[%dma_start3A_336] : memref<1024xi32, #tpu.memory_space<vmem>> -> memref<64xi32, #tpu.memory_space<vmem>>
    %dma_start3A_338 = arith.constant 0 : i32
    %dma_start3A_339 = arith.constant 0 : i32
    %dma_start3A_340 = tpu.memref_slice %arg3[%dma_start3A_338, %dma_start3A_339] : memref<2048x512xi32, #tpu.memory_space<hbm>> -> memref<2048x512xi32, #tpu.memory_space<hbm>>
    tpu.enqueue_indirect_dma source(%dma_start3A_340 : memref<2048x512xi32, #tpu.memory_space<hbm>>) target(%arg10 : memref<64x512xi32, #tpu.memory_space<vmem>>) offsets(%dma_start3A_337 : memref<64xi32, #tpu.memory_space<vmem>>) semaphore(%arg13 : memref<!tpu.dma_semaphore, #tpu.memory_space<semaphore_mem>>)
    %add3A_341 = arith.constant 0 : i32
    %add3A_342 = arith.addi %mul3A_2, %add3A_341 : i32
    %dma_start3A_343 = arith.constant 0 : i32
    %dma_start3A_344 = tpu.memref_slice %arg7[%add3A_342, %dma_start3A_343] : memref<32768x512xi32, #tpu.memory_space<hbm>> -> memref<64x512xi32, #tpu.memory_space<hbm>>
    %dma_start3A_345 = arith.constant 0 : i32
    %dma_start3A_346 = tpu.memref_slice %arg7[%add3A_342, %dma_start3A_345] : memref<32768x512xi32, #tpu.memory_space<hbm>> -> memref<64x512xi32, #tpu.memory_space<hbm>>
    tpu.enqueue_dma source(%arg11 : memref<64x512xi32, #tpu.memory_space<vmem>>) target(%dma_start3A_346 : memref<64x512xi32, #tpu.memory_space<hbm>>) target_semaphore(%arg17 : memref<!tpu.dma_semaphore, #tpu.memory_space<semaphore_mem>>)
    %dma_wait3A_347 = arith.constant 64 : i32
    %dma_wait3A_348 = tpu.memref_slice %arg9[%dma_wait3A_347] : memref<1024xi32, #tpu.memory_space<vmem>> -> memref<64xi32, #tpu.memory_space<vmem>>
    %dma_wait3A_349 = arith.constant 0 : i32
    %dma_wait3A_350 = arith.constant 0 : i32
    %dma_wait3A_351 = tpu.memref_slice %arg3[%dma_wait3A_349, %dma_wait3A_350] : memref<2048x512xi32, #tpu.memory_space<hbm>> -> memref<2048x512xi32, #tpu.memory_space<hbm>>
    tpu.wait_indirect_dma semaphore(%arg15 : memref<!tpu.dma_semaphore, #tpu.memory_space<semaphore_mem>>) src(%dma_wait3A_351 : memref<2048x512xi32, #tpu.memory_space<hbm>>) dst(%arg12 : memref<64x512xi32, #tpu.memory_space<vmem>>)
    %dma_wait3A_352 = arith.constant 0 : i32
    %dma_wait3A_353 = tpu.memref_slice %arg7[%add3A_342, %dma_wait3A_352] : memref<32768x512xi32, #tpu.memory_space<hbm>> -> memref<64x512xi32, #tpu.memory_space<hbm>>
    %dma_wait3A_354 = arith.constant 0 : i32
    %dma_wait3A_355 = tpu.memref_slice %arg7[%add3A_342, %dma_wait3A_354] : memref<32768x512xi32, #tpu.memory_space<hbm>> -> memref<64x512xi32, #tpu.memory_space<hbm>>
    tpu.wait_dma2 semaphore(%arg17 : memref<!tpu.dma_semaphore, #tpu.memory_space<semaphore_mem>>) src(%arg11 : memref<64x512xi32, #tpu.memory_space<vmem>>) dst(%dma_wait3A_355 : memref<64x512xi32, #tpu.memory_space<hbm>>)
    %dma_start3A_356 = arith.constant 192 : i32
    %dma_start3A_357 = tpu.memref_slice %arg9[%dma_start3A_356] : memref<1024xi32, #tpu.memory_space<vmem>> -> memref<64xi32, #tpu.memory_space<vmem>>
    %dma_start3A_358 = arith.constant 0 : i32
    %dma_start3A_359 = arith.constant 0 : i32
    %dma_start3A_360 = tpu.memref_slice %arg3[%dma_start3A_358, %dma_start3A_359] : memref<2048x512xi32, #tpu.memory_space<hbm>> -> memref<2048x512xi32, #tpu.memory_space<hbm>>
    tpu.enqueue_indirect_dma source(%dma_start3A_360 : memref<2048x512xi32, #tpu.memory_space<hbm>>) target(%arg11 : memref<64x512xi32, #tpu.memory_space<vmem>>) offsets(%dma_start3A_357 : memref<64xi32, #tpu.memory_space<vmem>>) semaphore(%arg14 : memref<!tpu.dma_semaphore, #tpu.memory_space<semaphore_mem>>)
    %add3A_361 = arith.constant 64 : i32
    %add3A_362 = arith.addi %mul3A_2, %add3A_361 : i32
    %dma_start3A_363 = arith.constant 0 : i32
    %dma_start3A_364 = tpu.memref_slice %arg7[%add3A_362, %dma_start3A_363] : memref<32768x512xi32, #tpu.memory_space<hbm>> -> memref<64x512xi32, #tpu.memory_space<hbm>>
    %dma_start3A_365 = arith.constant 0 : i32
    %dma_start3A_366 = tpu.memref_slice %arg7[%add3A_362, %dma_start3A_365] : memref<32768x512xi32, #tpu.memory_space<hbm>> -> memref<64x512xi32, #tpu.memory_space<hbm>>
    tpu.enqueue_dma source(%arg12 : memref<64x512xi32, #tpu.memory_space<vmem>>) target(%dma_start3A_366 : memref<64x512xi32, #tpu.memory_space<hbm>>) target_semaphore(%arg18 : memref<!tpu.dma_semaphore, #tpu.memory_space<semaphore_mem>>)
    %dma_wait3A_367 = arith.constant 128 : i32
    %dma_wait3A_368 = tpu.memref_slice %arg9[%dma_wait3A_367] : memref<1024xi32, #tpu.memory_space<vmem>> -> memref<64xi32, #tpu.memory_space<vmem>>
    %dma_wait3A_369 = arith.constant 0 : i32
    %dma_wait3A_370 = arith.constant 0 : i32
    %dma_wait3A_371 = tpu.memref_slice %arg3[%dma_wait3A_369, %dma_wait3A_370] : memref<2048x512xi32, #tpu.memory_space<hbm>> -> memref<2048x512xi32, #tpu.memory_space<hbm>>
    tpu.wait_indirect_dma semaphore(%arg13 : memref<!tpu.dma_semaphore, #tpu.memory_space<semaphore_mem>>) src(%dma_wait3A_371 : memref<2048x512xi32, #tpu.memory_space<hbm>>) dst(%arg10 : memref<64x512xi32, #tpu.memory_space<vmem>>)
    %dma_wait3A_372 = arith.constant 0 : i32
    %dma_wait3A_373 = tpu.memref_slice %arg7[%add3A_362, %dma_wait3A_372] : memref<32768x512xi32, #tpu.memory_space<hbm>> -> memref<64x512xi32, #tpu.memory_space<hbm>>
    %dma_wait3A_374 = arith.constant 0 : i32
    %dma_wait3A_375 = tpu.memref_slice %arg7[%add3A_362, %dma_wait3A_374] : memref<32768x512xi32, #tpu.memory_space<hbm>> -> memref<64x512xi32, #tpu.memory_space<hbm>>
    tpu.wait_dma2 semaphore(%arg18 : memref<!tpu.dma_semaphore, #tpu.memory_space<semaphore_mem>>) src(%arg12 : memref<64x512xi32, #tpu.memory_space<vmem>>) dst(%dma_wait3A_375 : memref<64x512xi32, #tpu.memory_space<hbm>>)
    %dma_start3A_376 = arith.constant 256 : i32
    %dma_start3A_377 = tpu.memref_slice %arg9[%dma_start3A_376] : memref<1024xi32, #tpu.memory_space<vmem>> -> memref<64xi32, #tpu.memory_space<vmem>>
    %dma_start3A_378 = arith.constant 0 : i32
    %dma_start3A_379 = arith.constant 0 : i32
    %dma_start3A_380 = tpu.memref_slice %arg3[%dma_start3A_378, %dma_start3A_379] : memref<2048x512xi32, #tpu.memory_space<hbm>> -> memref<2048x512xi32, #tpu.memory_space<hbm>>
    tpu.enqueue_indirect_dma source(%dma_start3A_380 : memref<2048x512xi32, #tpu.memory_space<hbm>>) target(%arg12 : memref<64x512xi32, #tpu.memory_space<vmem>>) offsets(%dma_start3A_377 : memref<64xi32, #tpu.memory_space<vmem>>) semaphore(%arg15 : memref<!tpu.dma_semaphore, #tpu.memory_space<semaphore_mem>>)
    %add3A_381 = arith.constant 128 : i32
    %add3A_382 = arith.addi %mul3A_2, %add3A_381 : i32
    %dma_start3A_383 = arith.constant 0 : i32
    %dma_start3A_384 = tpu.memref_slice %arg7[%add3A_382, %dma_start3A_383] : memref<32768x512xi32, #tpu.memory_space<hbm>> -> memref<64x512xi32, #tpu.memory_space<hbm>>
    %dma_start3A_385 = arith.constant 0 : i32
    %dma_start3A_386 = tpu.memref_slice %arg7[%add3A_382, %dma_start3A_385] : memref<32768x512xi32, #tpu.memory_space<hbm>> -> memref<64x512xi32, #tpu.memory_space<hbm>>
    tpu.enqueue_dma source(%arg10 : memref<64x512xi32, #tpu.memory_space<vmem>>) target(%dma_start3A_386 : memref<64x512xi32, #tpu.memory_space<hbm>>) target_semaphore(%arg16 : memref<!tpu.dma_semaphore, #tpu.memory_space<semaphore_mem>>)
    %dma_wait3A_387 = arith.constant 192 : i32
    %dma_wait3A_388 = tpu.memref_slice %arg9[%dma_wait3A_387] : memref<1024xi32, #tpu.memory_space<vmem>> -> memref<64xi32, #tpu.memory_space<vmem>>
    %dma_wait3A_389 = arith.constant 0 : i32
    %dma_wait3A_390 = arith.constant 0 : i32
    %dma_wait3A_391 = tpu.memref_slice %arg3[%dma_wait3A_389, %dma_wait3A_390] : memref<2048x512xi32, #tpu.memory_space<hbm>> -> memref<2048x512xi32, #tpu.memory_space<hbm>>
    tpu.wait_indirect_dma semaphore(%arg14 : memref<!tpu.dma_semaphore, #tpu.memory_space<semaphore_mem>>) src(%dma_wait3A_391 : memref<2048x512xi32, #tpu.memory_space<hbm>>) dst(%arg11 : memref<64x512xi32, #tpu.memory_space<vmem>>)
    %dma_wait3A_392 = arith.constant 0 : i32
    %dma_wait3A_393 = tpu.memref_slice %arg7[%add3A_382, %dma_wait3A_392] : memref<32768x512xi32, #tpu.memory_space<hbm>> -> memref<64x512xi32, #tpu.memory_space<hbm>>
    %dma_wait3A_394 = arith.constant 0 : i32
    %dma_wait3A_395 = tpu.memref_slice %arg7[%add3A_382, %dma_wait3A_394] : memref<32768x512xi32, #tpu.memory_space<hbm>> -> memref<64x512xi32, #tpu.memory_space<hbm>>
    tpu.wait_dma2 semaphore(%arg16 : memref<!tpu.dma_semaphore, #tpu.memory_space<semaphore_mem>>) src(%arg10 : memref<64x512xi32, #tpu.memory_space<vmem>>) dst(%dma_wait3A_395 : memref<64x512xi32, #tpu.memory_space<hbm>>)
    %dma_start3A_396 = arith.constant 320 : i32
    %dma_start3A_397 = tpu.memref_slice %arg9[%dma_start3A_396] : memref<1024xi32, #tpu.memory_space<vmem>> -> memref<64xi32, #tpu.memory_space<vmem>>
    %dma_start3A_398 = arith.constant 0 : i32
    %dma_start3A_399 = arith.constant 0 : i32
    %dma_start3A_400 = tpu.memref_slice %arg3[%dma_start3A_398, %dma_start3A_399] : memref<2048x512xi32, #tpu.memory_space<hbm>> -> memref<2048x512xi32, #tpu.memory_space<hbm>>
    tpu.enqueue_indirect_dma source(%dma_start3A_400 : memref<2048x512xi32, #tpu.memory_space<hbm>>) target(%arg10 : memref<64x512xi32, #tpu.memory_space<vmem>>) offsets(%dma_start3A_397 : memref<64xi32, #tpu.memory_space<vmem>>) semaphore(%arg13 : memref<!tpu.dma_semaphore, #tpu.memory_space<semaphore_mem>>)
    %add3A_401 = arith.constant 192 : i32
    %add3A_402 = arith.addi %mul3A_2, %add3A_401 : i32
    %dma_start3A_403 = arith.constant 0 : i32
    %dma_start3A_404 = tpu.memref_slice %arg7[%add3A_402, %dma_start3A_403] : memref<32768x512xi32, #tpu.memory_space<hbm>> -> memref<64x512xi32, #tpu.memory_space<hbm>>
    %dma_start3A_405 = arith.constant 0 : i32
    %dma_start3A_406 = tpu.memref_slice %arg7[%add3A_402, %dma_start3A_405] : memref<32768x512xi32, #tpu.memory_space<hbm>> -> memref<64x512xi32, #tpu.memory_space<hbm>>
    tpu.enqueue_dma source(%arg11 : memref<64x512xi32, #tpu.memory_space<vmem>>) target(%dma_start3A_406 : memref<64x512xi32, #tpu.memory_space<hbm>>) target_semaphore(%arg17 : memref<!tpu.dma_semaphore, #tpu.memory_space<semaphore_mem>>)
    %dma_wait3A_407 = arith.constant 256 : i32
    %dma_wait3A_408 = tpu.memref_slice %arg9[%dma_wait3A_407] : memref<1024xi32, #tpu.memory_space<vmem>> -> memref<64xi32, #tpu.memory_space<vmem>>
    %dma_wait3A_409 = arith.constant 0 : i32
    %dma_wait3A_410 = arith.constant 0 : i32
    %dma_wait3A_411 = tpu.memref_slice %arg3[%dma_wait3A_409, %dma_wait3A_410] : memref<2048x512xi32, #tpu.memory_space<hbm>> -> memref<2048x512xi32, #tpu.memory_space<hbm>>
    tpu.wait_indirect_dma semaphore(%arg15 : memref<!tpu.dma_semaphore, #tpu.memory_space<semaphore_mem>>) src(%dma_wait3A_411 : memref<2048x512xi32, #tpu.memory_space<hbm>>) dst(%arg12 : memref<64x512xi32, #tpu.memory_space<vmem>>)
    %dma_wait3A_412 = arith.constant 0 : i32
    %dma_wait3A_413 = tpu.memref_slice %arg7[%add3A_402, %dma_wait3A_412] : memref<32768x512xi32, #tpu.memory_space<hbm>> -> memref<64x512xi32, #tpu.memory_space<hbm>>
    %dma_wait3A_414 = arith.constant 0 : i32
    %dma_wait3A_415 = tpu.memref_slice %arg7[%add3A_402, %dma_wait3A_414] : memref<32768x512xi32, #tpu.memory_space<hbm>> -> memref<64x512xi32, #tpu.memory_space<hbm>>
    tpu.wait_dma2 semaphore(%arg17 : memref<!tpu.dma_semaphore, #tpu.memory_space<semaphore_mem>>) src(%arg11 : memref<64x512xi32, #tpu.memory_space<vmem>>) dst(%dma_wait3A_415 : memref<64x512xi32, #tpu.memory_space<hbm>>)
    %dma_start3A_416 = arith.constant 384 : i32
    %dma_start3A_417 = tpu.memref_slice %arg9[%dma_start3A_416] : memref<1024xi32, #tpu.memory_space<vmem>> -> memref<64xi32, #tpu.memory_space<vmem>>
    %dma_start3A_418 = arith.constant 0 : i32
    %dma_start3A_419 = arith.constant 0 : i32
    %dma_start3A_420 = tpu.memref_slice %arg3[%dma_start3A_418, %dma_start3A_419] : memref<2048x512xi32, #tpu.memory_space<hbm>> -> memref<2048x512xi32, #tpu.memory_space<hbm>>
    tpu.enqueue_indirect_dma source(%dma_start3A_420 : memref<2048x512xi32, #tpu.memory_space<hbm>>) target(%arg11 : memref<64x512xi32, #tpu.memory_space<vmem>>) offsets(%dma_start3A_417 : memref<64xi32, #tpu.memory_space<vmem>>) semaphore(%arg14 : memref<!tpu.dma_semaphore, #tpu.memory_space<semaphore_mem>>)
    %add3A_421 = arith.constant 256 : i32
    %add3A_422 = arith.addi %mul3A_2, %add3A_421 : i32
    %dma_start3A_423 = arith.constant 0 : i32
    %dma_start3A_424 = tpu.memref_slice %arg7[%add3A_422, %dma_start3A_423] : memref<32768x512xi32, #tpu.memory_space<hbm>> -> memref<64x512xi32, #tpu.memory_space<hbm>>
    %dma_start3A_425 = arith.constant 0 : i32
    %dma_start3A_426 = tpu.memref_slice %arg7[%add3A_422, %dma_start3A_425] : memref<32768x512xi32, #tpu.memory_space<hbm>> -> memref<64x512xi32, #tpu.memory_space<hbm>>
    tpu.enqueue_dma source(%arg12 : memref<64x512xi32, #tpu.memory_space<vmem>>) target(%dma_start3A_426 : memref<64x512xi32, #tpu.memory_space<hbm>>) target_semaphore(%arg18 : memref<!tpu.dma_semaphore, #tpu.memory_space<semaphore_mem>>)
    %dma_wait3A_427 = arith.constant 320 : i32
    %dma_wait3A_428 = tpu.memref_slice %arg9[%dma_wait3A_427] : memref<1024xi32, #tpu.memory_space<vmem>> -> memref<64xi32, #tpu.memory_space<vmem>>
    %dma_wait3A_429 = arith.constant 0 : i32
    %dma_wait3A_430 = arith.constant 0 : i32
    %dma_wait3A_431 = tpu.memref_slice %arg3[%dma_wait3A_429, %dma_wait3A_430] : memref<2048x512xi32, #tpu.memory_space<hbm>> -> memref<2048x512xi32, #tpu.memory_space<hbm>>
    tpu.wait_indirect_dma semaphore(%arg13 : memref<!tpu.dma_semaphore, #tpu.memory_space<semaphore_mem>>) src(%dma_wait3A_431 : memref<2048x512xi32, #tpu.memory_space<hbm>>) dst(%arg10 : memref<64x512xi32, #tpu.memory_space<vmem>>)
    %dma_wait3A_432 = arith.constant 0 : i32
    %dma_wait3A_433 = tpu.memref_slice %arg7[%add3A_422, %dma_wait3A_432] : memref<32768x512xi32, #tpu.memory_space<hbm>> -> memref<64x512xi32, #tpu.memory_space<hbm>>
    %dma_wait3A_434 = arith.constant 0 : i32
    %dma_wait3A_435 = tpu.memref_slice %arg7[%add3A_422, %dma_wait3A_434] : memref<32768x512xi32, #tpu.memory_space<hbm>> -> memref<64x512xi32, #tpu.memory_space<hbm>>
    tpu.wait_dma2 semaphore(%arg18 : memref<!tpu.dma_semaphore, #tpu.memory_space<semaphore_mem>>) src(%arg12 : memref<64x512xi32, #tpu.memory_space<vmem>>) dst(%dma_wait3A_435 : memref<64x512xi32, #tpu.memory_space<hbm>>)
    %dma_start3A_436 = arith.constant 448 : i32
    %dma_start3A_437 = tpu.memref_slice %arg9[%dma_start3A_436] : memref<1024xi32, #tpu.memory_space<vmem>> -> memref<64xi32, #tpu.memory_space<vmem>>
    %dma_start3A_438 = arith.constant 0 : i32
    %dma_start3A_439 = arith.constant 0 : i32
    %dma_start3A_440 = tpu.memref_slice %arg3[%dma_start3A_438, %dma_start3A_439] : memref<2048x512xi32, #tpu.memory_space<hbm>> -> memref<2048x512xi32, #tpu.memory_space<hbm>>
    tpu.enqueue_indirect_dma source(%dma_start3A_440 : memref<2048x512xi32, #tpu.memory_space<hbm>>) target(%arg12 : memref<64x512xi32, #tpu.memory_space<vmem>>) offsets(%dma_start3A_437 : memref<64xi32, #tpu.memory_space<vmem>>) semaphore(%arg15 : memref<!tpu.dma_semaphore, #tpu.memory_space<semaphore_mem>>)
    %add3A_441 = arith.constant 320 : i32
    %add3A_442 = arith.addi %mul3A_2, %add3A_441 : i32
    %dma_start3A_443 = arith.constant 0 : i32
    %dma_start3A_444 = tpu.memref_slice %arg7[%add3A_442, %dma_start3A_443] : memref<32768x512xi32, #tpu.memory_space<hbm>> -> memref<64x512xi32, #tpu.memory_space<hbm>>
    %dma_start3A_445 = arith.constant 0 : i32
    %dma_start3A_446 = tpu.memref_slice %arg7[%add3A_442, %dma_start3A_445] : memref<32768x512xi32, #tpu.memory_space<hbm>> -> memref<64x512xi32, #tpu.memory_space<hbm>>
    tpu.enqueue_dma source(%arg10 : memref<64x512xi32, #tpu.memory_space<vmem>>) target(%dma_start3A_446 : memref<64x512xi32, #tpu.memory_space<hbm>>) target_semaphore(%arg16 : memref<!tpu.dma_semaphore, #tpu.memory_space<semaphore_mem>>)
    %dma_wait3A_447 = arith.constant 384 : i32
    %dma_wait3A_448 = tpu.memref_slice %arg9[%dma_wait3A_447] : memref<1024xi32, #tpu.memory_space<vmem>> -> memref<64xi32, #tpu.memory_space<vmem>>
    %dma_wait3A_449 = arith.constant 0 : i32
    %dma_wait3A_450 = arith.constant 0 : i32
    %dma_wait3A_451 = tpu.memref_slice %arg3[%dma_wait3A_449, %dma_wait3A_450] : memref<2048x512xi32, #tpu.memory_space<hbm>> -> memref<2048x512xi32, #tpu.memory_space<hbm>>
    tpu.wait_indirect_dma semaphore(%arg14 : memref<!tpu.dma_semaphore, #tpu.memory_space<semaphore_mem>>) src(%dma_wait3A_451 : memref<2048x512xi32, #tpu.memory_space<hbm>>) dst(%arg11 : memref<64x512xi32, #tpu.memory_space<vmem>>)
    %dma_wait3A_452 = arith.constant 0 : i32
    %dma_wait3A_453 = tpu.memref_slice %arg7[%add3A_442, %dma_wait3A_452] : memref<32768x512xi32, #tpu.memory_space<hbm>> -> memref<64x512xi32, #tpu.memory_space<hbm>>
    %dma_wait3A_454 = arith.constant 0 : i32
    %dma_wait3A_455 = tpu.memref_slice %arg7[%add3A_442, %dma_wait3A_454] : memref<32768x512xi32, #tpu.memory_space<hbm>> -> memref<64x512xi32, #tpu.memory_space<hbm>>
    tpu.wait_dma2 semaphore(%arg16 : memref<!tpu.dma_semaphore, #tpu.memory_space<semaphore_mem>>) src(%arg10 : memref<64x512xi32, #tpu.memory_space<vmem>>) dst(%dma_wait3A_455 : memref<64x512xi32, #tpu.memory_space<hbm>>)
    %dma_start3A_456 = arith.constant 512 : i32
    %dma_start3A_457 = tpu.memref_slice %arg9[%dma_start3A_456] : memref<1024xi32, #tpu.memory_space<vmem>> -> memref<64xi32, #tpu.memory_space<vmem>>
    %dma_start3A_458 = arith.constant 0 : i32
    %dma_start3A_459 = arith.constant 0 : i32
    %dma_start3A_460 = tpu.memref_slice %arg3[%dma_start3A_458, %dma_start3A_459] : memref<2048x512xi32, #tpu.memory_space<hbm>> -> memref<2048x512xi32, #tpu.memory_space<hbm>>
    tpu.enqueue_indirect_dma source(%dma_start3A_460 : memref<2048x512xi32, #tpu.memory_space<hbm>>) target(%arg10 : memref<64x512xi32, #tpu.memory_space<vmem>>) offsets(%dma_start3A_457 : memref<64xi32, #tpu.memory_space<vmem>>) semaphore(%arg13 : memref<!tpu.dma_semaphore, #tpu.memory_space<semaphore_mem>>)
    %add3A_461 = arith.constant 384 : i32
    %add3A_462 = arith.addi %mul3A_2, %add3A_461 : i32
    %dma_start3A_463 = arith.constant 0 : i32
    %dma_start3A_464 = tpu.memref_slice %arg7[%add3A_462, %dma_start3A_463] : memref<32768x512xi32, #tpu.memory_space<hbm>> -> memref<64x512xi32, #tpu.memory_space<hbm>>
    %dma_start3A_465 = arith.constant 0 : i32
    %dma_start3A_466 = tpu.memref_slice %arg7[%add3A_462, %dma_start3A_465] : memref<32768x512xi32, #tpu.memory_space<hbm>> -> memref<64x512xi32, #tpu.memory_space<hbm>>
    tpu.enqueue_dma source(%arg11 : memref<64x512xi32, #tpu.memory_space<vmem>>) target(%dma_start3A_466 : memref<64x512xi32, #tpu.memory_space<hbm>>) target_semaphore(%arg17 : memref<!tpu.dma_semaphore, #tpu.memory_space<semaphore_mem>>)
    %dma_wait3A_467 = arith.constant 448 : i32
    %dma_wait3A_468 = tpu.memref_slice %arg9[%dma_wait3A_467] : memref<1024xi32, #tpu.memory_space<vmem>> -> memref<64xi32, #tpu.memory_space<vmem>>
    %dma_wait3A_469 = arith.constant 0 : i32
    %dma_wait3A_470 = arith.constant 0 : i32
    %dma_wait3A_471 = tpu.memref_slice %arg3[%dma_wait3A_469, %dma_wait3A_470] : memref<2048x512xi32, #tpu.memory_space<hbm>> -> memref<2048x512xi32, #tpu.memory_space<hbm>>
    tpu.wait_indirect_dma semaphore(%arg15 : memref<!tpu.dma_semaphore, #tpu.memory_space<semaphore_mem>>) src(%dma_wait3A_471 : memref<2048x512xi32, #tpu.memory_space<hbm>>) dst(%arg12 : memref<64x512xi32, #tpu.memory_space<vmem>>)
    %dma_wait3A_472 = arith.constant 0 : i32
    %dma_wait3A_473 = tpu.memref_slice %arg7[%add3A_462, %dma_wait3A_472] : memref<32768x512xi32, #tpu.memory_space<hbm>> -> memref<64x512xi32, #tpu.memory_space<hbm>>
    %dma_wait3A_474 = arith.constant 0 : i32
    %dma_wait3A_475 = tpu.memref_slice %arg7[%add3A_462, %dma_wait3A_474] : memref<32768x512xi32, #tpu.memory_space<hbm>> -> memref<64x512xi32, #tpu.memory_space<hbm>>
    tpu.wait_dma2 semaphore(%arg17 : memref<!tpu.dma_semaphore, #tpu.memory_space<semaphore_mem>>) src(%arg11 : memref<64x512xi32, #tpu.memory_space<vmem>>) dst(%dma_wait3A_475 : memref<64x512xi32, #tpu.memory_space<hbm>>)
    %dma_start3A_476 = arith.constant 576 : i32
    %dma_start3A_477 = tpu.memref_slice %arg9[%dma_start3A_476] : memref<1024xi32, #tpu.memory_space<vmem>> -> memref<64xi32, #tpu.memory_space<vmem>>
    %dma_start3A_478 = arith.constant 0 : i32
    %dma_start3A_479 = arith.constant 0 : i32
    %dma_start3A_480 = tpu.memref_slice %arg3[%dma_start3A_478, %dma_start3A_479] : memref<2048x512xi32, #tpu.memory_space<hbm>> -> memref<2048x512xi32, #tpu.memory_space<hbm>>
    tpu.enqueue_indirect_dma source(%dma_start3A_480 : memref<2048x512xi32, #tpu.memory_space<hbm>>) target(%arg11 : memref<64x512xi32, #tpu.memory_space<vmem>>) offsets(%dma_start3A_477 : memref<64xi32, #tpu.memory_space<vmem>>) semaphore(%arg14 : memref<!tpu.dma_semaphore, #tpu.memory_space<semaphore_mem>>)
    %add3A_481 = arith.constant 448 : i32
    %add3A_482 = arith.addi %mul3A_2, %add3A_481 : i32
    %dma_start3A_483 = arith.constant 0 : i32
    %dma_start3A_484 = tpu.memref_slice %arg7[%add3A_482, %dma_start3A_483] : memref<32768x512xi32, #tpu.memory_space<hbm>> -> memref<64x512xi32, #tpu.memory_space<hbm>>
    %dma_start3A_485 = arith.constant 0 : i32
    %dma_start3A_486 = tpu.memref_slice %arg7[%add3A_482, %dma_start3A_485] : memref<32768x512xi32, #tpu.memory_space<hbm>> -> memref<64x512xi32, #tpu.memory_space<hbm>>
    tpu.enqueue_dma source(%arg12 : memref<64x512xi32, #tpu.memory_space<vmem>>) target(%dma_start3A_486 : memref<64x512xi32, #tpu.memory_space<hbm>>) target_semaphore(%arg18 : memref<!tpu.dma_semaphore, #tpu.memory_space<semaphore_mem>>)
    %dma_wait3A_487 = arith.constant 512 : i32
    %dma_wait3A_488 = tpu.memref_slice %arg9[%dma_wait3A_487] : memref<1024xi32, #tpu.memory_space<vmem>> -> memref<64xi32, #tpu.memory_space<vmem>>
    %dma_wait3A_489 = arith.constant 0 : i32
    %dma_wait3A_490 = arith.constant 0 : i32
    %dma_wait3A_491 = tpu.memref_slice %arg3[%dma_wait3A_489, %dma_wait3A_490] : memref<2048x512xi32, #tpu.memory_space<hbm>> -> memref<2048x512xi32, #tpu.memory_space<hbm>>
    tpu.wait_indirect_dma semaphore(%arg13 : memref<!tpu.dma_semaphore, #tpu.memory_space<semaphore_mem>>) src(%dma_wait3A_491 : memref<2048x512xi32, #tpu.memory_space<hbm>>) dst(%arg10 : memref<64x512xi32, #tpu.memory_space<vmem>>)
    %dma_wait3A_492 = arith.constant 0 : i32
    %dma_wait3A_493 = tpu.memref_slice %arg7[%add3A_482, %dma_wait3A_492] : memref<32768x512xi32, #tpu.memory_space<hbm>> -> memref<64x512xi32, #tpu.memory_space<hbm>>
    %dma_wait3A_494 = arith.constant 0 : i32
    %dma_wait3A_495 = tpu.memref_slice %arg7[%add3A_482, %dma_wait3A_494] : memref<32768x512xi32, #tpu.memory_space<hbm>> -> memref<64x512xi32, #tpu.memory_space<hbm>>
    tpu.wait_dma2 semaphore(%arg18 : memref<!tpu.dma_semaphore, #tpu.memory_space<semaphore_mem>>) src(%arg12 : memref<64x512xi32, #tpu.memory_space<vmem>>) dst(%dma_wait3A_495 : memref<64x512xi32, #tpu.memory_space<hbm>>)
    %dma_start3A_496 = arith.constant 640 : i32
    %dma_start3A_497 = tpu.memref_slice %arg9[%dma_start3A_496] : memref<1024xi32, #tpu.memory_space<vmem>> -> memref<64xi32, #tpu.memory_space<vmem>>
    %dma_start3A_498 = arith.constant 0 : i32
    %dma_start3A_499 = arith.constant 0 : i32
    %dma_start3A_500 = tpu.memref_slice %arg3[%dma_start3A_498, %dma_start3A_499] : memref<2048x512xi32, #tpu.memory_space<hbm>> -> memref<2048x512xi32, #tpu.memory_space<hbm>>
    tpu.enqueue_indirect_dma source(%dma_start3A_500 : memref<2048x512xi32, #tpu.memory_space<hbm>>) target(%arg12 : memref<64x512xi32, #tpu.memory_space<vmem>>) offsets(%dma_start3A_497 : memref<64xi32, #tpu.memory_space<vmem>>) semaphore(%arg15 : memref<!tpu.dma_semaphore, #tpu.memory_space<semaphore_mem>>)
    %add3A_501 = arith.constant 512 : i32
    %add3A_502 = arith.addi %mul3A_2, %add3A_501 : i32
    %dma_start3A_503 = arith.constant 0 : i32
    %dma_start3A_504 = tpu.memref_slice %arg7[%add3A_502, %dma_start3A_503] : memref<32768x512xi32, #tpu.memory_space<hbm>> -> memref<64x512xi32, #tpu.memory_space<hbm>>
    %dma_start3A_505 = arith.constant 0 : i32
    %dma_start3A_506 = tpu.memref_slice %arg7[%add3A_502, %dma_start3A_505] : memref<32768x512xi32, #tpu.memory_space<hbm>> -> memref<64x512xi32, #tpu.memory_space<hbm>>
    tpu.enqueue_dma source(%arg10 : memref<64x512xi32, #tpu.memory_space<vmem>>) target(%dma_start3A_506 : memref<64x512xi32, #tpu.memory_space<hbm>>) target_semaphore(%arg16 : memref<!tpu.dma_semaphore, #tpu.memory_space<semaphore_mem>>)
    %dma_wait3A_507 = arith.constant 576 : i32
    %dma_wait3A_508 = tpu.memref_slice %arg9[%dma_wait3A_507] : memref<1024xi32, #tpu.memory_space<vmem>> -> memref<64xi32, #tpu.memory_space<vmem>>
    %dma_wait3A_509 = arith.constant 0 : i32
    %dma_wait3A_510 = arith.constant 0 : i32
    %dma_wait3A_511 = tpu.memref_slice %arg3[%dma_wait3A_509, %dma_wait3A_510] : memref<2048x512xi32, #tpu.memory_space<hbm>> -> memref<2048x512xi32, #tpu.memory_space<hbm>>
    tpu.wait_indirect_dma semaphore(%arg14 : memref<!tpu.dma_semaphore, #tpu.memory_space<semaphore_mem>>) src(%dma_wait3A_511 : memref<2048x512xi32, #tpu.memory_space<hbm>>) dst(%arg11 : memref<64x512xi32, #tpu.memory_space<vmem>>)
    %dma_wait3A_512 = arith.constant 0 : i32
    %dma_wait3A_513 = tpu.memref_slice %arg7[%add3A_502, %dma_wait3A_512] : memref<32768x512xi32, #tpu.memory_space<hbm>> -> memref<64x512xi32, #tpu.memory_space<hbm>>
    %dma_wait3A_514 = arith.constant 0 : i32
    %dma_wait3A_515 = tpu.memref_slice %arg7[%add3A_502, %dma_wait3A_514] : memref<32768x512xi32, #tpu.memory_space<hbm>> -> memref<64x512xi32, #tpu.memory_space<hbm>>
    tpu.wait_dma2 semaphore(%arg16 : memref<!tpu.dma_semaphore, #tpu.memory_space<semaphore_mem>>) src(%arg10 : memref<64x512xi32, #tpu.memory_space<vmem>>) dst(%dma_wait3A_515 : memref<64x512xi32, #tpu.memory_space<hbm>>)
    %dma_start3A_516 = arith.constant 704 : i32
    %dma_start3A_517 = tpu.memref_slice %arg9[%dma_start3A_516] : memref<1024xi32, #tpu.memory_space<vmem>> -> memref<64xi32, #tpu.memory_space<vmem>>
    %dma_start3A_518 = arith.constant 0 : i32
    %dma_start3A_519 = arith.constant 0 : i32
    %dma_start3A_520 = tpu.memref_slice %arg3[%dma_start3A_518, %dma_start3A_519] : memref<2048x512xi32, #tpu.memory_space<hbm>> -> memref<2048x512xi32, #tpu.memory_space<hbm>>
    tpu.enqueue_indirect_dma source(%dma_start3A_520 : memref<2048x512xi32, #tpu.memory_space<hbm>>) target(%arg10 : memref<64x512xi32, #tpu.memory_space<vmem>>) offsets(%dma_start3A_517 : memref<64xi32, #tpu.memory_space<vmem>>) semaphore(%arg13 : memref<!tpu.dma_semaphore, #tpu.memory_space<semaphore_mem>>)
    %add3A_521 = arith.constant 576 : i32
    %add3A_522 = arith.addi %mul3A_2, %add3A_521 : i32
    %dma_start3A_523 = arith.constant 0 : i32
    %dma_start3A_524 = tpu.memref_slice %arg7[%add3A_522, %dma_start3A_523] : memref<32768x512xi32, #tpu.memory_space<hbm>> -> memref<64x512xi32, #tpu.memory_space<hbm>>
    %dma_start3A_525 = arith.constant 0 : i32
    %dma_start3A_526 = tpu.memref_slice %arg7[%add3A_522, %dma_start3A_525] : memref<32768x512xi32, #tpu.memory_space<hbm>> -> memref<64x512xi32, #tpu.memory_space<hbm>>
    tpu.enqueue_dma source(%arg11 : memref<64x512xi32, #tpu.memory_space<vmem>>) target(%dma_start3A_526 : memref<64x512xi32, #tpu.memory_space<hbm>>) target_semaphore(%arg17 : memref<!tpu.dma_semaphore, #tpu.memory_space<semaphore_mem>>)
    %dma_wait3A_527 = arith.constant 640 : i32
    %dma_wait3A_528 = tpu.memref_slice %arg9[%dma_wait3A_527] : memref<1024xi32, #tpu.memory_space<vmem>> -> memref<64xi32, #tpu.memory_space<vmem>>
    %dma_wait3A_529 = arith.constant 0 : i32
    %dma_wait3A_530 = arith.constant 0 : i32
    %dma_wait3A_531 = tpu.memref_slice %arg3[%dma_wait3A_529, %dma_wait3A_530] : memref<2048x512xi32, #tpu.memory_space<hbm>> -> memref<2048x512xi32, #tpu.memory_space<hbm>>
    tpu.wait_indirect_dma semaphore(%arg15 : memref<!tpu.dma_semaphore, #tpu.memory_space<semaphore_mem>>) src(%dma_wait3A_531 : memref<2048x512xi32, #tpu.memory_space<hbm>>) dst(%arg12 : memref<64x512xi32, #tpu.memory_space<vmem>>)
    %dma_wait3A_532 = arith.constant 0 : i32
    %dma_wait3A_533 = tpu.memref_slice %arg7[%add3A_522, %dma_wait3A_532] : memref<32768x512xi32, #tpu.memory_space<hbm>> -> memref<64x512xi32, #tpu.memory_space<hbm>>
    %dma_wait3A_534 = arith.constant 0 : i32
    %dma_wait3A_535 = tpu.memref_slice %arg7[%add3A_522, %dma_wait3A_534] : memref<32768x512xi32, #tpu.memory_space<hbm>> -> memref<64x512xi32, #tpu.memory_space<hbm>>
    tpu.wait_dma2 semaphore(%arg17 : memref<!tpu.dma_semaphore, #tpu.memory_space<semaphore_mem>>) src(%arg11 : memref<64x512xi32, #tpu.memory_space<vmem>>) dst(%dma_wait3A_535 : memref<64x512xi32, #tpu.memory_space<hbm>>)
    %dma_start3A_536 = arith.constant 768 : i32
    %dma_start3A_537 = tpu.memref_slice %arg9[%dma_start3A_536] : memref<1024xi32, #tpu.memory_space<vmem>> -> memref<64xi32, #tpu.memory_space<vmem>>
    %dma_start3A_538 = arith.constant 0 : i32
    %dma_start3A_539 = arith.constant 0 : i32
    %dma_start3A_540 = tpu.memref_slice %arg3[%dma_start3A_538, %dma_start3A_539] : memref<2048x512xi32, #tpu.memory_space<hbm>> -> memref<2048x512xi32, #tpu.memory_space<hbm>>
    tpu.enqueue_indirect_dma source(%dma_start3A_540 : memref<2048x512xi32, #tpu.memory_space<hbm>>) target(%arg11 : memref<64x512xi32, #tpu.memory_space<vmem>>) offsets(%dma_start3A_537 : memref<64xi32, #tpu.memory_space<vmem>>) semaphore(%arg14 : memref<!tpu.dma_semaphore, #tpu.memory_space<semaphore_mem>>)
    %add3A_541 = arith.constant 640 : i32
    %add3A_542 = arith.addi %mul3A_2, %add3A_541 : i32
    %dma_start3A_543 = arith.constant 0 : i32
    %dma_start3A_544 = tpu.memref_slice %arg7[%add3A_542, %dma_start3A_543] : memref<32768x512xi32, #tpu.memory_space<hbm>> -> memref<64x512xi32, #tpu.memory_space<hbm>>
    %dma_start3A_545 = arith.constant 0 : i32
    %dma_start3A_546 = tpu.memref_slice %arg7[%add3A_542, %dma_start3A_545] : memref<32768x512xi32, #tpu.memory_space<hbm>> -> memref<64x512xi32, #tpu.memory_space<hbm>>
    tpu.enqueue_dma source(%arg12 : memref<64x512xi32, #tpu.memory_space<vmem>>) target(%dma_start3A_546 : memref<64x512xi32, #tpu.memory_space<hbm>>) target_semaphore(%arg18 : memref<!tpu.dma_semaphore, #tpu.memory_space<semaphore_mem>>)
    %dma_wait3A_547 = arith.constant 704 : i32
    %dma_wait3A_548 = tpu.memref_slice %arg9[%dma_wait3A_547] : memref<1024xi32, #tpu.memory_space<vmem>> -> memref<64xi32, #tpu.memory_space<vmem>>
    %dma_wait3A_549 = arith.constant 0 : i32
    %dma_wait3A_550 = arith.constant 0 : i32
    %dma_wait3A_551 = tpu.memref_slice %arg3[%dma_wait3A_549, %dma_wait3A_550] : memref<2048x512xi32, #tpu.memory_space<hbm>> -> memref<2048x512xi32, #tpu.memory_space<hbm>>
    tpu.wait_indirect_dma semaphore(%arg13 : memref<!tpu.dma_semaphore, #tpu.memory_space<semaphore_mem>>) src(%dma_wait3A_551 : memref<2048x512xi32, #tpu.memory_space<hbm>>) dst(%arg10 : memref<64x512xi32, #tpu.memory_space<vmem>>)
    %dma_wait3A_552 = arith.constant 0 : i32
    %dma_wait3A_553 = tpu.memref_slice %arg7[%add3A_542, %dma_wait3A_552] : memref<32768x512xi32, #tpu.memory_space<hbm>> -> memref<64x512xi32, #tpu.memory_space<hbm>>
    %dma_wait3A_554 = arith.constant 0 : i32
    %dma_wait3A_555 = tpu.memref_slice %arg7[%add3A_542, %dma_wait3A_554] : memref<32768x512xi32, #tpu.memory_space<hbm>> -> memref<64x512xi32, #tpu.memory_space<hbm>>
    tpu.wait_dma2 semaphore(%arg18 : memref<!tpu.dma_semaphore, #tpu.memory_space<semaphore_mem>>) src(%arg12 : memref<64x512xi32, #tpu.memory_space<vmem>>) dst(%dma_wait3A_555 : memref<64x512xi32, #tpu.memory_space<hbm>>)
    %dma_start3A_556 = arith.constant 832 : i32
    %dma_start3A_557 = tpu.memref_slice %arg9[%dma_start3A_556] : memref<1024xi32, #tpu.memory_space<vmem>> -> memref<64xi32, #tpu.memory_space<vmem>>
    %dma_start3A_558 = arith.constant 0 : i32
    %dma_start3A_559 = arith.constant 0 : i32
    %dma_start3A_560 = tpu.memref_slice %arg3[%dma_start3A_558, %dma_start3A_559] : memref<2048x512xi32, #tpu.memory_space<hbm>> -> memref<2048x512xi32, #tpu.memory_space<hbm>>
    tpu.enqueue_indirect_dma source(%dma_start3A_560 : memref<2048x512xi32, #tpu.memory_space<hbm>>) target(%arg12 : memref<64x512xi32, #tpu.memory_space<vmem>>) offsets(%dma_start3A_557 : memref<64xi32, #tpu.memory_space<vmem>>) semaphore(%arg15 : memref<!tpu.dma_semaphore, #tpu.memory_space<semaphore_mem>>)
    %add3A_561 = arith.constant 704 : i32
    %add3A_562 = arith.addi %mul3A_2, %add3A_561 : i32
    %dma_start3A_563 = arith.constant 0 : i32
    %dma_start3A_564 = tpu.memref_slice %arg7[%add3A_562, %dma_start3A_563] : memref<32768x512xi32, #tpu.memory_space<hbm>> -> memref<64x512xi32, #tpu.memory_space<hbm>>
    %dma_start3A_565 = arith.constant 0 : i32
    %dma_start3A_566 = tpu.memref_slice %arg7[%add3A_562, %dma_start3A_565] : memref<32768x512xi32, #tpu.memory_space<hbm>> -> memref<64x512xi32, #tpu.memory_space<hbm>>
    tpu.enqueue_dma source(%arg10 : memref<64x512xi32, #tpu.memory_space<vmem>>) target(%dma_start3A_566 : memref<64x512xi32, #tpu.memory_space<hbm>>) target_semaphore(%arg16 : memref<!tpu.dma_semaphore, #tpu.memory_space<semaphore_mem>>)
    %dma_wait3A_567 = arith.constant 768 : i32
    %dma_wait3A_568 = tpu.memref_slice %arg9[%dma_wait3A_567] : memref<1024xi32, #tpu.memory_space<vmem>> -> memref<64xi32, #tpu.memory_space<vmem>>
    %dma_wait3A_569 = arith.constant 0 : i32
    %dma_wait3A_570 = arith.constant 0 : i32
    %dma_wait3A_571 = tpu.memref_slice %arg3[%dma_wait3A_569, %dma_wait3A_570] : memref<2048x512xi32, #tpu.memory_space<hbm>> -> memref<2048x512xi32, #tpu.memory_space<hbm>>
    tpu.wait_indirect_dma semaphore(%arg14 : memref<!tpu.dma_semaphore, #tpu.memory_space<semaphore_mem>>) src(%dma_wait3A_571 : memref<2048x512xi32, #tpu.memory_space<hbm>>) dst(%arg11 : memref<64x512xi32, #tpu.memory_space<vmem>>)
    %dma_wait3A_572 = arith.constant 0 : i32
    %dma_wait3A_573 = tpu.memref_slice %arg7[%add3A_562, %dma_wait3A_572] : memref<32768x512xi32, #tpu.memory_space<hbm>> -> memref<64x512xi32, #tpu.memory_space<hbm>>
    %dma_wait3A_574 = arith.constant 0 : i32
    %dma_wait3A_575 = tpu.memref_slice %arg7[%add3A_562, %dma_wait3A_574] : memref<32768x512xi32, #tpu.memory_space<hbm>> -> memref<64x512xi32, #tpu.memory_space<hbm>>
    tpu.wait_dma2 semaphore(%arg16 : memref<!tpu.dma_semaphore, #tpu.memory_space<semaphore_mem>>) src(%arg10 : memref<64x512xi32, #tpu.memory_space<vmem>>) dst(%dma_wait3A_575 : memref<64x512xi32, #tpu.memory_space<hbm>>)
    %dma_start3A_576 = arith.constant 896 : i32
    %dma_start3A_577 = tpu.memref_slice %arg9[%dma_start3A_576] : memref<1024xi32, #tpu.memory_space<vmem>> -> memref<64xi32, #tpu.memory_space<vmem>>
    %dma_start3A_578 = arith.constant 0 : i32
    %dma_start3A_579 = arith.constant 0 : i32
    %dma_start3A_580 = tpu.memref_slice %arg3[%dma_start3A_578, %dma_start3A_579] : memref<2048x512xi32, #tpu.memory_space<hbm>> -> memref<2048x512xi32, #tpu.memory_space<hbm>>
    tpu.enqueue_indirect_dma source(%dma_start3A_580 : memref<2048x512xi32, #tpu.memory_space<hbm>>) target(%arg10 : memref<64x512xi32, #tpu.memory_space<vmem>>) offsets(%dma_start3A_577 : memref<64xi32, #tpu.memory_space<vmem>>) semaphore(%arg13 : memref<!tpu.dma_semaphore, #tpu.memory_space<semaphore_mem>>)
    %add3A_581 = arith.constant 768 : i32
    %add3A_582 = arith.addi %mul3A_2, %add3A_581 : i32
    %dma_start3A_583 = arith.constant 0 : i32
    %dma_start3A_584 = tpu.memref_slice %arg7[%add3A_582, %dma_start3A_583] : memref<32768x512xi32, #tpu.memory_space<hbm>> -> memref<64x512xi32, #tpu.memory_space<hbm>>
    %dma_start3A_585 = arith.constant 0 : i32
    %dma_start3A_586 = tpu.memref_slice %arg7[%add3A_582, %dma_start3A_585] : memref<32768x512xi32, #tpu.memory_space<hbm>> -> memref<64x512xi32, #tpu.memory_space<hbm>>
    tpu.enqueue_dma source(%arg11 : memref<64x512xi32, #tpu.memory_space<vmem>>) target(%dma_start3A_586 : memref<64x512xi32, #tpu.memory_space<hbm>>) target_semaphore(%arg17 : memref<!tpu.dma_semaphore, #tpu.memory_space<semaphore_mem>>)
    %dma_wait3A_587 = arith.constant 832 : i32
    %dma_wait3A_588 = tpu.memref_slice %arg9[%dma_wait3A_587] : memref<1024xi32, #tpu.memory_space<vmem>> -> memref<64xi32, #tpu.memory_space<vmem>>
    %dma_wait3A_589 = arith.constant 0 : i32
    %dma_wait3A_590 = arith.constant 0 : i32
    %dma_wait3A_591 = tpu.memref_slice %arg3[%dma_wait3A_589, %dma_wait3A_590] : memref<2048x512xi32, #tpu.memory_space<hbm>> -> memref<2048x512xi32, #tpu.memory_space<hbm>>
    tpu.wait_indirect_dma semaphore(%arg15 : memref<!tpu.dma_semaphore, #tpu.memory_space<semaphore_mem>>) src(%dma_wait3A_591 : memref<2048x512xi32, #tpu.memory_space<hbm>>) dst(%arg12 : memref<64x512xi32, #tpu.memory_space<vmem>>)
    %dma_wait3A_592 = arith.constant 0 : i32
    %dma_wait3A_593 = tpu.memref_slice %arg7[%add3A_582, %dma_wait3A_592] : memref<32768x512xi32, #tpu.memory_space<hbm>> -> memref<64x512xi32, #tpu.memory_space<hbm>>
    %dma_wait3A_594 = arith.constant 0 : i32
    %dma_wait3A_595 = tpu.memref_slice %arg7[%add3A_582, %dma_wait3A_594] : memref<32768x512xi32, #tpu.memory_space<hbm>> -> memref<64x512xi32, #tpu.memory_space<hbm>>
    tpu.wait_dma2 semaphore(%arg17 : memref<!tpu.dma_semaphore, #tpu.memory_space<semaphore_mem>>) src(%arg11 : memref<64x512xi32, #tpu.memory_space<vmem>>) dst(%dma_wait3A_595 : memref<64x512xi32, #tpu.memory_space<hbm>>)
    %dma_start3A_596 = arith.constant 960 : i32
    %dma_start3A_597 = tpu.memref_slice %arg9[%dma_start3A_596] : memref<1024xi32, #tpu.memory_space<vmem>> -> memref<64xi32, #tpu.memory_space<vmem>>
    %dma_start3A_598 = arith.constant 0 : i32
    %dma_start3A_599 = arith.constant 0 : i32
    %dma_start3A_600 = tpu.memref_slice %arg3[%dma_start3A_598, %dma_start3A_599] : memref<2048x512xi32, #tpu.memory_space<hbm>> -> memref<2048x512xi32, #tpu.memory_space<hbm>>
    tpu.enqueue_indirect_dma source(%dma_start3A_600 : memref<2048x512xi32, #tpu.memory_space<hbm>>) target(%arg11 : memref<64x512xi32, #tpu.memory_space<vmem>>) offsets(%dma_start3A_597 : memref<64xi32, #tpu.memory_space<vmem>>) semaphore(%arg14 : memref<!tpu.dma_semaphore, #tpu.memory_space<semaphore_mem>>)
    %add3A_601 = arith.constant 832 : i32
    %add3A_602 = arith.addi %mul3A_2, %add3A_601 : i32
    %dma_start3A_603 = arith.constant 0 : i32
    %dma_start3A_604 = tpu.memref_slice %arg7[%add3A_602, %dma_start3A_603] : memref<32768x512xi32, #tpu.memory_space<hbm>> -> memref<64x512xi32, #tpu.memory_space<hbm>>
    %dma_start3A_605 = arith.constant 0 : i32
    %dma_start3A_606 = tpu.memref_slice %arg7[%add3A_602, %dma_start3A_605] : memref<32768x512xi32, #tpu.memory_space<hbm>> -> memref<64x512xi32, #tpu.memory_space<hbm>>
    tpu.enqueue_dma source(%arg12 : memref<64x512xi32, #tpu.memory_space<vmem>>) target(%dma_start3A_606 : memref<64x512xi32, #tpu.memory_space<hbm>>) target_semaphore(%arg18 : memref<!tpu.dma_semaphore, #tpu.memory_space<semaphore_mem>>)
    %dma_wait3A_607 = arith.constant 896 : i32
    %dma_wait3A_608 = tpu.memref_slice %arg9[%dma_wait3A_607] : memref<1024xi32, #tpu.memory_space<vmem>> -> memref<64xi32, #tpu.memory_space<vmem>>
    %dma_wait3A_609 = arith.constant 0 : i32
    %dma_wait3A_610 = arith.constant 0 : i32
    %dma_wait3A_611 = tpu.memref_slice %arg3[%dma_wait3A_609, %dma_wait3A_610] : memref<2048x512xi32, #tpu.memory_space<hbm>> -> memref<2048x512xi32, #tpu.memory_space<hbm>>
    tpu.wait_indirect_dma semaphore(%arg13 : memref<!tpu.dma_semaphore, #tpu.memory_space<semaphore_mem>>) src(%dma_wait3A_611 : memref<2048x512xi32, #tpu.memory_space<hbm>>) dst(%arg10 : memref<64x512xi32, #tpu.memory_space<vmem>>)
    %dma_wait3A_612 = arith.constant 0 : i32
    %dma_wait3A_613 = tpu.memref_slice %arg7[%add3A_602, %dma_wait3A_612] : memref<32768x512xi32, #tpu.memory_space<hbm>> -> memref<64x512xi32, #tpu.memory_space<hbm>>
    %dma_wait3A_614 = arith.constant 0 : i32
    %dma_wait3A_615 = tpu.memref_slice %arg7[%add3A_602, %dma_wait3A_614] : memref<32768x512xi32, #tpu.memory_space<hbm>> -> memref<64x512xi32, #tpu.memory_space<hbm>>
    tpu.wait_dma2 semaphore(%arg18 : memref<!tpu.dma_semaphore, #tpu.memory_space<semaphore_mem>>) src(%arg12 : memref<64x512xi32, #tpu.memory_space<vmem>>) dst(%dma_wait3A_615 : memref<64x512xi32, #tpu.memory_space<hbm>>)
    %add3A_616 = arith.constant 896 : i32
    %add3A_617 = arith.addi %mul3A_2, %add3A_616 : i32
    %dma_start3A_618 = arith.constant 0 : i32
    %dma_start3A_619 = tpu.memref_slice %arg7[%add3A_617, %dma_start3A_618] : memref<32768x512xi32, #tpu.memory_space<hbm>> -> memref<64x512xi32, #tpu.memory_space<hbm>>
    %dma_start3A_620 = arith.constant 0 : i32
    %dma_start3A_621 = tpu.memref_slice %arg7[%add3A_617, %dma_start3A_620] : memref<32768x512xi32, #tpu.memory_space<hbm>> -> memref<64x512xi32, #tpu.memory_space<hbm>>
    tpu.enqueue_dma source(%arg10 : memref<64x512xi32, #tpu.memory_space<vmem>>) target(%dma_start3A_621 : memref<64x512xi32, #tpu.memory_space<hbm>>) target_semaphore(%arg16 : memref<!tpu.dma_semaphore, #tpu.memory_space<semaphore_mem>>)
    %dma_wait3A_622 = arith.constant 960 : i32
    %dma_wait3A_623 = tpu.memref_slice %arg9[%dma_wait3A_622] : memref<1024xi32, #tpu.memory_space<vmem>> -> memref<64xi32, #tpu.memory_space<vmem>>
    %dma_wait3A_624 = arith.constant 0 : i32
    %dma_wait3A_625 = arith.constant 0 : i32
    %dma_wait3A_626 = tpu.memref_slice %arg3[%dma_wait3A_624, %dma_wait3A_625] : memref<2048x512xi32, #tpu.memory_space<hbm>> -> memref<2048x512xi32, #tpu.memory_space<hbm>>
    tpu.wait_indirect_dma semaphore(%arg14 : memref<!tpu.dma_semaphore, #tpu.memory_space<semaphore_mem>>) src(%dma_wait3A_626 : memref<2048x512xi32, #tpu.memory_space<hbm>>) dst(%arg11 : memref<64x512xi32, #tpu.memory_space<vmem>>)
    %dma_wait3A_627 = arith.constant 0 : i32
    %dma_wait3A_628 = tpu.memref_slice %arg7[%add3A_617, %dma_wait3A_627] : memref<32768x512xi32, #tpu.memory_space<hbm>> -> memref<64x512xi32, #tpu.memory_space<hbm>>
    %dma_wait3A_629 = arith.constant 0 : i32
    %dma_wait3A_630 = tpu.memref_slice %arg7[%add3A_617, %dma_wait3A_629] : memref<32768x512xi32, #tpu.memory_space<hbm>> -> memref<64x512xi32, #tpu.memory_space<hbm>>
    tpu.wait_dma2 semaphore(%arg16 : memref<!tpu.dma_semaphore, #tpu.memory_space<semaphore_mem>>) src(%arg10 : memref<64x512xi32, #tpu.memory_space<vmem>>) dst(%dma_wait3A_630 : memref<64x512xi32, #tpu.memory_space<hbm>>)
    %add3A_631 = arith.constant 960 : i32
    %add3A_632 = arith.addi %mul3A_2, %add3A_631 : i32
    %dma_start3A_633 = arith.constant 0 : i32
    %dma_start3A_634 = tpu.memref_slice %arg7[%add3A_632, %dma_start3A_633] : memref<32768x512xi32, #tpu.memory_space<hbm>> -> memref<64x512xi32, #tpu.memory_space<hbm>>
    %dma_start3A_635 = arith.constant 0 : i32
    %dma_start3A_636 = tpu.memref_slice %arg7[%add3A_632, %dma_start3A_635] : memref<32768x512xi32, #tpu.memory_space<hbm>> -> memref<64x512xi32, #tpu.memory_space<hbm>>
    tpu.enqueue_dma source(%arg11 : memref<64x512xi32, #tpu.memory_space<vmem>>) target(%dma_start3A_636 : memref<64x512xi32, #tpu.memory_space<hbm>>) target_semaphore(%arg17 : memref<!tpu.dma_semaphore, #tpu.memory_space<semaphore_mem>>)
    %dma_wait3A_637 = arith.constant 0 : i32
    %dma_wait3A_638 = tpu.memref_slice %arg7[%add3A_632, %dma_wait3A_637] : memref<32768x512xi32, #tpu.memory_space<hbm>> -> memref<64x512xi32, #tpu.memory_space<hbm>>
    %dma_wait3A_639 = arith.constant 0 : i32
    %dma_wait3A_640 = tpu.memref_slice %arg7[%add3A_632, %dma_wait3A_639] : memref<32768x512xi32, #tpu.memory_space<hbm>> -> memref<64x512xi32, #tpu.memory_space<hbm>>
    tpu.wait_dma2 semaphore(%arg17 : memref<!tpu.dma_semaphore, #tpu.memory_space<semaphore_mem>>) src(%arg11 : memref<64x512xi32, #tpu.memory_space<vmem>>) dst(%dma_wait3A_640 : memref<64x512xi32, #tpu.memory_space<hbm>>)
    return
  }
}

module attributes {stable_mosaic.version = 14 : i64} {
  func.func @_glob_pre_body(%arg0: i32, %arg1: memref<8x128xf32, #tpu.memory_space<vmem>>, %arg2: memref<128x128xf32, #tpu.memory_space<vmem>>, %arg3: memref<128xf32, #tpu.memory_space<vmem>>, %arg4: memref<128x128xf32, #tpu.memory_space<vmem>>, %arg5: memref<128xf32, #tpu.memory_space<vmem>>, %arg6: memref<128xf32, #tpu.memory_space<vmem>>, %arg7: memref<128xf32, #tpu.memory_space<vmem>>, %arg8: memref<256x1024xf32, #tpu.memory_space<vmem>>, %arg9: memref<256x1024xf32, #tpu.memory_space<vmem>>, %arg10: memref<256x512xf32, #tpu.memory_space<vmem>>, %arg11: memref<1024x512xf32, #tpu.memory_space<vmem>>, %arg12: memref<8x1024xf32, #tpu.memory_space<vmem>>, %arg13: memref<8x1024xf32, #tpu.memory_space<vmem>>, %arg14: memref<8x512xf32, #tpu.memory_space<vmem>>, %arg15: memref<1024x512xbf16, #tpu.memory_space<vmem>>) attributes {dimension_semantics = [#tpu.dimension_semantics<arbitrary>], iteration_bounds = array<i64: 1>, scalar_prefetch = 0 : i64, scratch_operands = 0 : i64, tpu.core_type = #tpu.core_type<tc>, window_params = [{pipeline_mode = #tpu.pipeline_mode<synchronous>, transform_indices = @transform_0, window_bounds = array<i64: 8, 128>}, {pipeline_mode = #tpu.pipeline_mode<synchronous>, transform_indices = @transform_1, window_bounds = array<i64: 128, 128>}, {pipeline_mode = #tpu.pipeline_mode<synchronous>, transform_indices = @transform_2, window_bounds = array<i64: 128>}, {pipeline_mode = #tpu.pipeline_mode<synchronous>, transform_indices = @transform_3, window_bounds = array<i64: 128, 128>}, {pipeline_mode = #tpu.pipeline_mode<synchronous>, transform_indices = @transform_4, window_bounds = array<i64: 128>}, {pipeline_mode = #tpu.pipeline_mode<synchronous>, transform_indices = @transform_5, window_bounds = array<i64: 128>}, {pipeline_mode = #tpu.pipeline_mode<synchronous>, transform_indices = @transform_6, window_bounds = array<i64: 128>}, {transform_indices = @transform_7, window_bounds = array<i64: 256, 1024>}, {transform_indices = @transform_8, window_bounds = array<i64: 256, 1024>}, {transform_indices = @transform_9, window_bounds = array<i64: 256, 512>}, {pipeline_mode = #tpu.pipeline_mode<synchronous>, transform_indices = @transform_10, window_bounds = array<i64: 1024, 512>}, {pipeline_mode = #tpu.pipeline_mode<synchronous>, transform_indices = @transform_11, window_bounds = array<i64: 8, 1024>}, {pipeline_mode = #tpu.pipeline_mode<synchronous>, transform_indices = @transform_12, window_bounds = array<i64: 8, 1024>}, {pipeline_mode = #tpu.pipeline_mode<synchronous>, transform_indices = @transform_13, window_bounds = array<i64: 8, 512>}, {pipeline_mode = #tpu.pipeline_mode<synchronous>, transform_indices = @transform_14, window_bounds = array<i64: 1024, 512>}]} {
    %get3A = arith.constant 0 : index
    %get3A_0 = arith.constant 0 : index
    %get3A_1 = vector.load %arg1[%get3A, %get3A_0] : memref<8x128xf32, #tpu.memory_space<vmem>>, vector<8x128xf32>
    %get3A_2 = arith.constant 0 : index
    %get3A_3 = arith.constant 0 : index
    %get3A_4 = vector.load %arg2[%get3A_2, %get3A_3] : memref<128x128xf32, #tpu.memory_space<vmem>>, vector<128x128xf32>
    %dot_general3A = arith.constant dense<0.000000e+00> : vector<8x128xf32>
    %dot_general3A_5 = tpu.matmul %get3A_1, %get3A_4, %dot_general3A {dimension_numbers = #tpu.dot_dimension_numbers<[1], [0], [0], [1], [0, 0, 1, 1], [], []>, transpose_lhs_hint = false} : vector<8x128xf32>, vector<128x128xf32>, vector<8x128xf32> -> vector<8x128xf32>
    %get3A_6 = arith.constant 0 : index
    %get3A_7 = vector.load %arg3[%get3A_6] : memref<128xf32, #tpu.memory_space<vmem>>, vector<128xf32>
    %broadcast_in_dim3A = vector.shape_cast %get3A_7 : vector<128xf32> to vector<1x128xf32>
    %add3A = vector.broadcast %broadcast_in_dim3A : vector<1x128xf32> to vector<8x128xf32>
    %add3A_8 = arith.addf %dot_general3A_5, %add3A : vector<8x128xf32>
    %max3A = arith.constant 0.000000e+00 : f32
    %max3A_9 = vector.broadcast %max3A : f32 to vector<8x128xf32>
    %max3A_10 = arith.maximumf %add3A_8, %max3A_9 : vector<8x128xf32>
    %get3A_11 = arith.constant 0 : index
    %get3A_12 = arith.constant 0 : index
    %get3A_13 = vector.load %arg4[%get3A_11, %get3A_12] : memref<128x128xf32, #tpu.memory_space<vmem>>, vector<128x128xf32>
    %dot_general3A_14 = arith.constant dense<0.000000e+00> : vector<8x128xf32>
    %dot_general3A_15 = tpu.matmul %max3A_10, %get3A_13, %dot_general3A_14 {dimension_numbers = #tpu.dot_dimension_numbers<[1], [0], [0], [1], [0, 0, 1, 1], [], []>, transpose_lhs_hint = false} : vector<8x128xf32>, vector<128x128xf32>, vector<8x128xf32> -> vector<8x128xf32>
    %get3A_16 = arith.constant 0 : index
    %get3A_17 = vector.load %arg5[%get3A_16] : memref<128xf32, #tpu.memory_space<vmem>>, vector<128xf32>
    %broadcast_in_dim3A_18 = vector.shape_cast %get3A_17 : vector<128xf32> to vector<1x128xf32>
    %add3A_19 = vector.broadcast %broadcast_in_dim3A_18 : vector<1x128xf32> to vector<8x128xf32>
    %add3A_20 = arith.addf %dot_general3A_15, %add3A_19 : vector<8x128xf32>
    %get3A_21 = arith.constant 0 : index
    %get3A_22 = vector.load %arg6[%get3A_21] : memref<128xf32, #tpu.memory_space<vmem>>, vector<128xf32>
    %get3A_23 = arith.constant 0 : index
    %get3A_24 = vector.load %arg7[%get3A_23] : memref<128xf32, #tpu.memory_space<vmem>>, vector<128xf32>
    %reduce_sum3A = arith.constant dense<0.000000e+00> : vector<8xf32>
    %reduce_sum3A_25 = vector.multi_reduction <add>, %add3A_20, %reduce_sum3A [1] : vector<8x128xf32> to vector<8xf32>
    %broadcast_in_dim3A_26 = vector.shape_cast %reduce_sum3A_25 : vector<8xf32> to vector<8x1xf32>
    %div3A = arith.constant 1.280000e+02 : f32
    %div3A_27 = vector.broadcast %div3A : f32 to vector<8x1xf32>
    %div3A_28 = arith.divf %broadcast_in_dim3A_26, %div3A_27 : vector<8x1xf32>
    %sub3A = vector.broadcast %div3A_28 : vector<8x1xf32> to vector<8x128xf32>
    %sub3A_29 = arith.subf %add3A_20, %sub3A : vector<8x128xf32>
    %mul3A = arith.mulf %sub3A_29, %sub3A_29 : vector<8x128xf32>
    %reduce_sum3A_30 = arith.constant dense<0.000000e+00> : vector<8xf32>
    %reduce_sum3A_31 = vector.multi_reduction <add>, %mul3A, %reduce_sum3A_30 [1] : vector<8x128xf32> to vector<8xf32>
    %broadcast_in_dim3A_32 = vector.shape_cast %reduce_sum3A_31 : vector<8xf32> to vector<8x1xf32>
    %div3A_33 = arith.constant 1.280000e+02 : f32
    %div3A_34 = vector.broadcast %div3A_33 : f32 to vector<8x1xf32>
    %div3A_35 = arith.divf %broadcast_in_dim3A_32, %div3A_34 : vector<8x1xf32>
    %add3A_36 = arith.constant 9.99999974E-6 : f32
    %add3A_37 = vector.broadcast %add3A_36 : f32 to vector<8x1xf32>
    %add3A_38 = arith.addf %div3A_35, %add3A_37 : vector<8x1xf32>
    %rsqrt3A = math.rsqrt %add3A_38 : vector<8x1xf32>
    %mul3A_39 = vector.broadcast %rsqrt3A : vector<8x1xf32> to vector<8x128xf32>
    %mul3A_40 = arith.mulf %sub3A_29, %mul3A_39 : vector<8x128xf32>
    %broadcast_in_dim3A_41 = vector.shape_cast %get3A_22 : vector<128xf32> to vector<1x128xf32>
    %mul3A_42 = vector.broadcast %broadcast_in_dim3A_41 : vector<1x128xf32> to vector<8x128xf32>
    %mul3A_43 = arith.mulf %mul3A_40, %mul3A_42 : vector<8x128xf32>
    %broadcast_in_dim3A_44 = vector.shape_cast %get3A_24 : vector<128xf32> to vector<1x128xf32>
    %add3A_45 = vector.broadcast %broadcast_in_dim3A_44 : vector<1x128xf32> to vector<8x128xf32>
    %add3A_46 = arith.addf %mul3A_43, %add3A_45 : vector<8x128xf32>
    %concatenate3A = tpu.concatenate %get3A_1, %add3A_46 in 1 : vector<8x128xf32>, vector<8x128xf32> -> vector<8x256xf32>
    %get3A_47 = arith.constant 0 : index
    %get3A_48 = arith.constant 0 : index
    %get3A_49 = vector.load %arg8[%get3A_47, %get3A_48] : memref<256x1024xf32, #tpu.memory_space<vmem>>, vector<256x1024xf32>
    %dot_general3A_50 = arith.constant dense<0.000000e+00> : vector<8x1024xf32>
    %dot_general3A_51 = tpu.matmul %concatenate3A, %get3A_49, %dot_general3A_50 {dimension_numbers = #tpu.dot_dimension_numbers<[1], [0], [0], [1], [0, 0, 1, 1], [], []>, transpose_lhs_hint = false} : vector<8x256xf32>, vector<256x1024xf32>, vector<8x1024xf32> -> vector<8x1024xf32>
    %swap3A = arith.constant 0 : index
    %swap3A_52 = arith.constant 0 : index
    %swap3A_53 = vector.load %arg12[%swap3A, %swap3A_52] : memref<8x1024xf32, #tpu.memory_space<vmem>>, vector<8x1024xf32>
    tpu.vector_store %arg12[%swap3A, %swap3A_52], %dot_general3A_51 {strides = array<i32>} : memref<8x1024xf32, #tpu.memory_space<vmem>>, vector<8x1024xf32>,
    %get3A_54 = arith.constant 0 : index
    %get3A_55 = arith.constant 0 : index
    %get3A_56 = vector.load %arg9[%get3A_54, %get3A_55] : memref<256x1024xf32, #tpu.memory_space<vmem>>, vector<256x1024xf32>
    %dot_general3A_57 = arith.constant dense<0.000000e+00> : vector<8x1024xf32>
    %dot_general3A_58 = tpu.matmul %concatenate3A, %get3A_56, %dot_general3A_57 {dimension_numbers = #tpu.dot_dimension_numbers<[1], [0], [0], [1], [0, 0, 1, 1], [], []>, transpose_lhs_hint = false} : vector<8x256xf32>, vector<256x1024xf32>, vector<8x1024xf32> -> vector<8x1024xf32>
    %swap3A_59 = arith.constant 0 : index
    %swap3A_60 = arith.constant 0 : index
    %swap3A_61 = vector.load %arg13[%swap3A_59, %swap3A_60] : memref<8x1024xf32, #tpu.memory_space<vmem>>, vector<8x1024xf32>
    tpu.vector_store %arg13[%swap3A_59, %swap3A_60], %dot_general3A_58 {strides = array<i32>} : memref<8x1024xf32, #tpu.memory_space<vmem>>, vector<8x1024xf32>,
    %get3A_62 = arith.constant 0 : index
    %get3A_63 = arith.constant 0 : index
    %get3A_64 = vector.load %arg10[%get3A_62, %get3A_63] : memref<256x512xf32, #tpu.memory_space<vmem>>, vector<256x512xf32>
    %dot_general3A_65 = arith.constant dense<0.000000e+00> : vector<8x512xf32>
    %dot_general3A_66 = tpu.matmul %concatenate3A, %get3A_64, %dot_general3A_65 {dimension_numbers = #tpu.dot_dimension_numbers<[1], [0], [0], [1], [0, 0, 1, 1], [], []>, transpose_lhs_hint = false} : vector<8x256xf32>, vector<256x512xf32>, vector<8x512xf32> -> vector<8x512xf32>
    %swap3A_67 = arith.constant 0 : index
    %swap3A_68 = arith.constant 0 : index
    %swap3A_69 = vector.load %arg14[%swap3A_67, %swap3A_68] : memref<8x512xf32, #tpu.memory_space<vmem>>, vector<8x512xf32>
    tpu.vector_store %arg14[%swap3A_67, %swap3A_68], %dot_general3A_66 {strides = array<i32>} : memref<8x512xf32, #tpu.memory_space<vmem>>, vector<8x512xf32>,
    %get3A_70 = arith.constant 0 : index
    %get3A_71 = arith.constant 0 : index
    %get3A_72 = vector.load %arg11[%get3A_70, %get3A_71] : memref<1024x512xf32, #tpu.memory_space<vmem>>, vector<1024x512xf32>
    %convert_element_type3A = arith.truncf %get3A_72 : vector<1024x512xf32> to vector<1024x512xbf16>
    %swap3A_73 = arith.constant 0 : index
    %swap3A_74 = arith.constant 0 : index
    %swap3A_75 = vector.load %arg15[%swap3A_73, %swap3A_74] : memref<1024x512xbf16, #tpu.memory_space<vmem>>, vector<1024x512xbf16>
    tpu.vector_store %arg15[%swap3A_73, %swap3A_74], %convert_element_type3A {strides = array<i32>} : memref<1024x512xbf16, #tpu.memory_space<vmem>>, vector<1024x512xbf16>,
    return
  }
  func.func @transform_0(%arg0: i32) -> (i32, i32) {
    %c0_i32 = arith.constant 0 : i32
    %c0_i32_0 = arith.constant 0 : i32
    %c0_i32_1 = arith.constant 0 : i32
    return %c0_i32, %c0_i32_0 : i32, i32
  }
  func.func @transform_1(%arg0: i32) -> (i32, i32) {
    %c0_i32 = arith.constant 0 : i32
    %c0_i32_0 = arith.constant 0 : i32
    %c0_i32_1 = arith.constant 0 : i32
    return %c0_i32, %c0_i32_0 : i32, i32
  }
  func.func @transform_2(%arg0: i32) -> i32 {
    %c0_i32 = arith.constant 0 : i32
    %c0_i32_0 = arith.constant 0 : i32
    return %c0_i32 : i32
  }
  func.func @transform_3(%arg0: i32) -> (i32, i32) {
    %c0_i32 = arith.constant 0 : i32
    %c0_i32_0 = arith.constant 0 : i32
    %c0_i32_1 = arith.constant 0 : i32
    return %c0_i32, %c0_i32_0 : i32, i32
  }
  func.func @transform_4(%arg0: i32) -> i32 {
    %c0_i32 = arith.constant 0 : i32
    %c0_i32_0 = arith.constant 0 : i32
    return %c0_i32 : i32
  }
  func.func @transform_5(%arg0: i32) -> i32 {
    %c0_i32 = arith.constant 0 : i32
    %c0_i32_0 = arith.constant 0 : i32
    return %c0_i32 : i32
  }
  func.func @transform_6(%arg0: i32) -> i32 {
    %c0_i32 = arith.constant 0 : i32
    %c0_i32_0 = arith.constant 0 : i32
    return %c0_i32 : i32
  }
  func.func @transform_7(%arg0: i32) -> (i32, i32) {
    %c9_i32 = arith.constant 9 : i32
    %c0_i32 = arith.constant 0 : i32
    %c0_i32_0 = arith.constant 0 : i32
    return %c9_i32, %c0_i32 : i32, i32
  }
  func.func @transform_8(%arg0: i32) -> (i32, i32) {
    %c6_i32 = arith.constant 6 : i32
    %c0_i32 = arith.constant 0 : i32
    %c0_i32_0 = arith.constant 0 : i32
    return %c6_i32, %c0_i32 : i32, i32
  }
  func.func @transform_9(%arg0: i32) -> (i32, i32) {
    %c0_i32 = arith.constant 0 : i32
    %c0_i32_0 = arith.constant 0 : i32
    %c0_i32_1 = arith.constant 0 : i32
    return %c0_i32, %c0_i32_0 : i32, i32
  }
  func.func @transform_10(%arg0: i32) -> (i32, i32) {
    %c0_i32 = arith.constant 0 : i32
    %c0_i32_0 = arith.constant 0 : i32
    %c0_i32_1 = arith.constant 0 : i32
    return %c0_i32, %c0_i32_0 : i32, i32
  }
  func.func @transform_11(%arg0: i32) -> (i32, i32) {
    %c0_i32 = arith.constant 0 : i32
    %c0_i32_0 = arith.constant 0 : i32
    %c0_i32_1 = arith.constant 0 : i32
    return %c0_i32, %c0_i32_0 : i32, i32
  }
  func.func @transform_12(%arg0: i32) -> (i32, i32) {
    %c0_i32 = arith.constant 0 : i32
    %c0_i32_0 = arith.constant 0 : i32
    %c0_i32_1 = arith.constant 0 : i32
    return %c0_i32, %c0_i32_0 : i32, i32
  }
  func.func @transform_13(%arg0: i32) -> (i32, i32) {
    %c0_i32 = arith.constant 0 : i32
    %c0_i32_0 = arith.constant 0 : i32
    %c0_i32_1 = arith.constant 0 : i32
    return %c0_i32, %c0_i32_0 : i32, i32
  }
  func.func @transform_14(%arg0: i32) -> (i32, i32) {
    %c0_i32 = arith.constant 0 : i32
    %c0_i32_0 = arith.constant 0 : i32
    %c0_i32_1 = arith.constant 0 : i32
    return %c0_i32, %c0_i32_0 : i32, i32
  }
}

module attributes {stable_mosaic.version = 14 : i64} {
  func.func @_node_pre_body(%arg0: i32, %arg1: memref<256x512xf32, #tpu.memory_space<vmem>>, %arg2: memref<512x512xf32, #tpu.memory_space<vmem>>, %arg3: memref<512xf32, #tpu.memory_space<vmem>>, %arg4: memref<512x512xf32, #tpu.memory_space<vmem>>, %arg5: memref<512xf32, #tpu.memory_space<vmem>>, %arg6: memref<512xf32, #tpu.memory_space<vmem>>, %arg7: memref<512xf32, #tpu.memory_space<vmem>>, %arg8: memref<1024x1024xf32, #tpu.memory_space<vmem>>, %arg9: memref<1024x1024xf32, #tpu.memory_space<vmem>>, %arg10: memref<1024x1024xf32, #tpu.memory_space<vmem>>, %arg11: memref<256x512xi32, #tpu.memory_space<vmem>>, %arg12: memref<256x512xi32, #tpu.memory_space<vmem>>, %arg13: memref<256x1024xf32, #tpu.memory_space<vmem>>) attributes {dimension_semantics = [#tpu.dimension_semantics<arbitrary>], iteration_bounds = array<i64: 8>, scalar_prefetch = 0 : i64, scratch_operands = 0 : i64, tpu.core_type = #tpu.core_type<tc>, window_params = [{transform_indices = @transform_0, window_bounds = array<i64: 256, 512>}, {pipeline_mode = #tpu.pipeline_mode<synchronous>, transform_indices = @transform_1, window_bounds = array<i64: 512, 512>}, {pipeline_mode = #tpu.pipeline_mode<synchronous>, transform_indices = @transform_2, window_bounds = array<i64: 512>}, {pipeline_mode = #tpu.pipeline_mode<synchronous>, transform_indices = @transform_3, window_bounds = array<i64: 512, 512>}, {pipeline_mode = #tpu.pipeline_mode<synchronous>, transform_indices = @transform_4, window_bounds = array<i64: 512>}, {pipeline_mode = #tpu.pipeline_mode<synchronous>, transform_indices = @transform_5, window_bounds = array<i64: 512>}, {pipeline_mode = #tpu.pipeline_mode<synchronous>, transform_indices = @transform_6, window_bounds = array<i64: 512>}, {transform_indices = @transform_7, window_bounds = array<i64: 1024, 1024>}, {transform_indices = @transform_8, window_bounds = array<i64: 1024, 1024>}, {transform_indices = @transform_9, window_bounds = array<i64: 1024, 1024>}, {transform_indices = @transform_10, window_bounds = array<i64: 256, 512>}, {transform_indices = @transform_11, window_bounds = array<i64: 256, 512>}, {transform_indices = @transform_12, window_bounds = array<i64: 256, 1024>}]} {
    %get3A = arith.constant 0 : index
    %get3A_0 = arith.constant 0 : index
    %get3A_1 = vector.load %arg1[%get3A, %get3A_0] : memref<256x512xf32, #tpu.memory_space<vmem>>, vector<256x512xf32>
    %get3A_2 = arith.constant 0 : index
    %get3A_3 = arith.constant 0 : index
    %get3A_4 = vector.load %arg2[%get3A_2, %get3A_3] : memref<512x512xf32, #tpu.memory_space<vmem>>, vector<512x512xf32>
    %dot_general3A = arith.constant dense<0.000000e+00> : vector<256x512xf32>
    %dot_general3A_5 = tpu.matmul %get3A_1, %get3A_4, %dot_general3A {dimension_numbers = #tpu.dot_dimension_numbers<[1], [0], [0], [1], [0, 0, 1, 1], [], []>, transpose_lhs_hint = false} : vector<256x512xf32>, vector<512x512xf32>, vector<256x512xf32> -> vector<256x512xf32>
    %get3A_6 = arith.constant 0 : index
    %get3A_7 = vector.load %arg3[%get3A_6] : memref<512xf32, #tpu.memory_space<vmem>>, vector<512xf32>
    %broadcast_in_dim3A = vector.shape_cast %get3A_7 : vector<512xf32> to vector<1x512xf32>
    %add3A = vector.broadcast %broadcast_in_dim3A : vector<1x512xf32> to vector<256x512xf32>
    %add3A_8 = arith.addf %dot_general3A_5, %add3A : vector<256x512xf32>
    %max3A = arith.constant 0.000000e+00 : f32
    %max3A_9 = vector.broadcast %max3A : f32 to vector<256x512xf32>
    %max3A_10 = arith.maximumf %add3A_8, %max3A_9 : vector<256x512xf32>
    %get3A_11 = arith.constant 0 : index
    %get3A_12 = arith.constant 0 : index
    %get3A_13 = vector.load %arg4[%get3A_11, %get3A_12] : memref<512x512xf32, #tpu.memory_space<vmem>>, vector<512x512xf32>
    %dot_general3A_14 = arith.constant dense<0.000000e+00> : vector<256x512xf32>
    %dot_general3A_15 = tpu.matmul %max3A_10, %get3A_13, %dot_general3A_14 {dimension_numbers = #tpu.dot_dimension_numbers<[1], [0], [0], [1], [0, 0, 1, 1], [], []>, transpose_lhs_hint = false} : vector<256x512xf32>, vector<512x512xf32>, vector<256x512xf32> -> vector<256x512xf32>
    %get3A_16 = arith.constant 0 : index
    %get3A_17 = vector.load %arg5[%get3A_16] : memref<512xf32, #tpu.memory_space<vmem>>, vector<512xf32>
    %broadcast_in_dim3A_18 = vector.shape_cast %get3A_17 : vector<512xf32> to vector<1x512xf32>
    %add3A_19 = vector.broadcast %broadcast_in_dim3A_18 : vector<1x512xf32> to vector<256x512xf32>
    %add3A_20 = arith.addf %dot_general3A_15, %add3A_19 : vector<256x512xf32>
    %get3A_21 = arith.constant 0 : index
    %get3A_22 = vector.load %arg6[%get3A_21] : memref<512xf32, #tpu.memory_space<vmem>>, vector<512xf32>
    %get3A_23 = arith.constant 0 : index
    %get3A_24 = vector.load %arg7[%get3A_23] : memref<512xf32, #tpu.memory_space<vmem>>, vector<512xf32>
    %reduce_sum3A = arith.constant dense<0.000000e+00> : vector<256xf32>
    %reduce_sum3A_25 = vector.multi_reduction <add>, %add3A_20, %reduce_sum3A [1] : vector<256x512xf32> to vector<256xf32>
    %broadcast_in_dim3A_26 = vector.shape_cast %reduce_sum3A_25 : vector<256xf32> to vector<256x1xf32>
    %div3A = arith.constant 5.120000e+02 : f32
    %div3A_27 = vector.broadcast %div3A : f32 to vector<256x1xf32>
    %div3A_28 = arith.divf %broadcast_in_dim3A_26, %div3A_27 : vector<256x1xf32>
    %sub3A = vector.broadcast %div3A_28 : vector<256x1xf32> to vector<256x512xf32>
    %sub3A_29 = arith.subf %add3A_20, %sub3A : vector<256x512xf32>
    %mul3A = arith.mulf %sub3A_29, %sub3A_29 : vector<256x512xf32>
    %reduce_sum3A_30 = arith.constant dense<0.000000e+00> : vector<256xf32>
    %reduce_sum3A_31 = vector.multi_reduction <add>, %mul3A, %reduce_sum3A_30 [1] : vector<256x512xf32> to vector<256xf32>
    %broadcast_in_dim3A_32 = vector.shape_cast %reduce_sum3A_31 : vector<256xf32> to vector<256x1xf32>
    %div3A_33 = arith.constant 5.120000e+02 : f32
    %div3A_34 = vector.broadcast %div3A_33 : f32 to vector<256x1xf32>
    %div3A_35 = arith.divf %broadcast_in_dim3A_32, %div3A_34 : vector<256x1xf32>
    %add3A_36 = arith.constant 9.99999974E-6 : f32
    %add3A_37 = vector.broadcast %add3A_36 : f32 to vector<256x1xf32>
    %add3A_38 = arith.addf %div3A_35, %add3A_37 : vector<256x1xf32>
    %rsqrt3A = math.rsqrt %add3A_38 : vector<256x1xf32>
    %mul3A_39 = vector.broadcast %rsqrt3A : vector<256x1xf32> to vector<256x512xf32>
    %mul3A_40 = arith.mulf %sub3A_29, %mul3A_39 : vector<256x512xf32>
    %broadcast_in_dim3A_41 = vector.shape_cast %get3A_22 : vector<512xf32> to vector<1x512xf32>
    %mul3A_42 = vector.broadcast %broadcast_in_dim3A_41 : vector<1x512xf32> to vector<256x512xf32>
    %mul3A_43 = arith.mulf %mul3A_40, %mul3A_42 : vector<256x512xf32>
    %broadcast_in_dim3A_44 = vector.shape_cast %get3A_24 : vector<512xf32> to vector<1x512xf32>
    %add3A_45 = vector.broadcast %broadcast_in_dim3A_44 : vector<1x512xf32> to vector<256x512xf32>
    %add3A_46 = arith.addf %mul3A_43, %add3A_45 : vector<256x512xf32>
    %concatenate3A = tpu.concatenate %get3A_1, %add3A_46 in 1 : vector<256x512xf32>, vector<256x512xf32> -> vector<256x1024xf32>
    %get3A_47 = arith.constant 0 : index
    %get3A_48 = arith.constant 0 : index
    %get3A_49 = vector.load %arg8[%get3A_47, %get3A_48] : memref<1024x1024xf32, #tpu.memory_space<vmem>>, vector<1024x1024xf32>
    %dot_general3A_50 = arith.constant dense<0.000000e+00> : vector<256x1024xf32>
    %dot_general3A_51 = tpu.matmul %concatenate3A, %get3A_49, %dot_general3A_50 {dimension_numbers = #tpu.dot_dimension_numbers<[1], [0], [0], [1], [0, 0, 1, 1], [], []>, transpose_lhs_hint = false} : vector<256x1024xf32>, vector<1024x1024xf32>, vector<256x1024xf32> -> vector<256x1024xf32>
    %slice3A = vector.extract_strided_slice %dot_general3A_51 {offsets = [0, 0], sizes = [256, 512], strides = [1, 1]} : vector<256x1024xf32> to vector<256x512xf32>
    %bitcast_convert_type3A = tpu.bitcast %slice3A : vector<256x512xf32> -> vector<256x512xi32>
    %add3A_52 = arith.constant 32767 : i32
    %add3A_53 = vector.broadcast %add3A_52 : i32 to vector<256x512xi32>
    %add3A_54 = arith.addi %bitcast_convert_type3A, %add3A_53 : vector<256x512xi32>
    %shift_right_logical3A = arith.constant 16 : i32
    %shift_right_logical3A_55 = vector.broadcast %shift_right_logical3A : i32 to vector<256x512xi32>
    %shift_right_logical3A_56 = arith.shrui %bitcast_convert_type3A, %shift_right_logical3A_55 : vector<256x512xi32>
    %and3A = arith.constant 1 : i32
    %and3A_57 = vector.broadcast %and3A : i32 to vector<256x512xi32>
    %and3A_58 = arith.andi %shift_right_logical3A_56, %and3A_57 : vector<256x512xi32>
    %add3A_59 = arith.addi %add3A_54, %and3A_58 : vector<256x512xi32>
    %shift_right_logical3A_60 = arith.constant 16 : i32
    %shift_right_logical3A_61 = vector.broadcast %shift_right_logical3A_60 : i32 to vector<256x512xi32>
    %shift_right_logical3A_62 = arith.shrui %add3A_59, %shift_right_logical3A_61 : vector<256x512xi32>
    %slice3A_63 = vector.extract_strided_slice %dot_general3A_51 {offsets = [0, 512], sizes = [256, 512], strides = [1, 1]} : vector<256x1024xf32> to vector<256x512xf32>
    %bitcast_convert_type3A_64 = tpu.bitcast %slice3A_63 : vector<256x512xf32> -> vector<256x512xi32>
    %add3A_65 = arith.constant 32767 : i32
    %add3A_66 = vector.broadcast %add3A_65 : i32 to vector<256x512xi32>
    %add3A_67 = arith.addi %bitcast_convert_type3A_64, %add3A_66 : vector<256x512xi32>
    %shift_right_logical3A_68 = arith.constant 16 : i32
    %shift_right_logical3A_69 = vector.broadcast %shift_right_logical3A_68 : i32 to vector<256x512xi32>
    %shift_right_logical3A_70 = arith.shrui %bitcast_convert_type3A_64, %shift_right_logical3A_69 : vector<256x512xi32>
    %and3A_71 = arith.constant 1 : i32
    %and3A_72 = vector.broadcast %and3A_71 : i32 to vector<256x512xi32>
    %and3A_73 = arith.andi %shift_right_logical3A_70, %and3A_72 : vector<256x512xi32>
    %add3A_74 = arith.addi %add3A_67, %and3A_73 : vector<256x512xi32>
    %shift_right_logical3A_75 = arith.constant 16 : i32
    %shift_right_logical3A_76 = vector.broadcast %shift_right_logical3A_75 : i32 to vector<256x512xi32>
    %shift_right_logical3A_77 = arith.shrui %add3A_74, %shift_right_logical3A_76 : vector<256x512xi32>
    %shift_left3A = arith.constant 16 : i32
    %shift_left3A_78 = vector.broadcast %shift_left3A : i32 to vector<256x512xi32>
    %shift_left3A_79 = arith.shli %shift_right_logical3A_77, %shift_left3A_78 : vector<256x512xi32>
    %or3A = arith.ori %shift_right_logical3A_62, %shift_left3A_79 : vector<256x512xi32>
    %bitcast_convert_type3A_80 = tpu.bitcast %or3A : vector<256x512xi32> -> vector<256x512xi32>
    %swap3A = arith.constant 0 : index
    %swap3A_81 = arith.constant 0 : index
    %swap3A_82 = vector.load %arg11[%swap3A, %swap3A_81] : memref<256x512xi32, #tpu.memory_space<vmem>>, vector<256x512xi32>
    tpu.vector_store %arg11[%swap3A, %swap3A_81], %bitcast_convert_type3A_80 {strides = array<i32>} : memref<256x512xi32, #tpu.memory_space<vmem>>, vector<256x512xi32>,
    %get3A_83 = arith.constant 0 : index
    %get3A_84 = arith.constant 0 : index
    %get3A_85 = vector.load %arg9[%get3A_83, %get3A_84] : memref<1024x1024xf32, #tpu.memory_space<vmem>>, vector<1024x1024xf32>
    %dot_general3A_86 = arith.constant dense<0.000000e+00> : vector<256x1024xf32>
    %dot_general3A_87 = tpu.matmul %concatenate3A, %get3A_85, %dot_general3A_86 {dimension_numbers = #tpu.dot_dimension_numbers<[1], [0], [0], [1], [0, 0, 1, 1], [], []>, transpose_lhs_hint = false} : vector<256x1024xf32>, vector<1024x1024xf32>, vector<256x1024xf32> -> vector<256x1024xf32>
    %slice3A_88 = vector.extract_strided_slice %dot_general3A_87 {offsets = [0, 0], sizes = [256, 512], strides = [1, 1]} : vector<256x1024xf32> to vector<256x512xf32>
    %bitcast_convert_type3A_89 = tpu.bitcast %slice3A_88 : vector<256x512xf32> -> vector<256x512xi32>
    %add3A_90 = arith.constant 32767 : i32
    %add3A_91 = vector.broadcast %add3A_90 : i32 to vector<256x512xi32>
    %add3A_92 = arith.addi %bitcast_convert_type3A_89, %add3A_91 : vector<256x512xi32>
    %shift_right_logical3A_93 = arith.constant 16 : i32
    %shift_right_logical3A_94 = vector.broadcast %shift_right_logical3A_93 : i32 to vector<256x512xi32>
    %shift_right_logical3A_95 = arith.shrui %bitcast_convert_type3A_89, %shift_right_logical3A_94 : vector<256x512xi32>
    %and3A_96 = arith.constant 1 : i32
    %and3A_97 = vector.broadcast %and3A_96 : i32 to vector<256x512xi32>
    %and3A_98 = arith.andi %shift_right_logical3A_95, %and3A_97 : vector<256x512xi32>
    %add3A_99 = arith.addi %add3A_92, %and3A_98 : vector<256x512xi32>
    %shift_right_logical3A_100 = arith.constant 16 : i32
    %shift_right_logical3A_101 = vector.broadcast %shift_right_logical3A_100 : i32 to vector<256x512xi32>
    %shift_right_logical3A_102 = arith.shrui %add3A_99, %shift_right_logical3A_101 : vector<256x512xi32>
    %slice3A_103 = vector.extract_strided_slice %dot_general3A_87 {offsets = [0, 512], sizes = [256, 512], strides = [1, 1]} : vector<256x1024xf32> to vector<256x512xf32>
    %bitcast_convert_type3A_104 = tpu.bitcast %slice3A_103 : vector<256x512xf32> -> vector<256x512xi32>
    %add3A_105 = arith.constant 32767 : i32
    %add3A_106 = vector.broadcast %add3A_105 : i32 to vector<256x512xi32>
    %add3A_107 = arith.addi %bitcast_convert_type3A_104, %add3A_106 : vector<256x512xi32>
    %shift_right_logical3A_108 = arith.constant 16 : i32
    %shift_right_logical3A_109 = vector.broadcast %shift_right_logical3A_108 : i32 to vector<256x512xi32>
    %shift_right_logical3A_110 = arith.shrui %bitcast_convert_type3A_104, %shift_right_logical3A_109 : vector<256x512xi32>
    %and3A_111 = arith.constant 1 : i32
    %and3A_112 = vector.broadcast %and3A_111 : i32 to vector<256x512xi32>
    %and3A_113 = arith.andi %shift_right_logical3A_110, %and3A_112 : vector<256x512xi32>
    %add3A_114 = arith.addi %add3A_107, %and3A_113 : vector<256x512xi32>
    %shift_right_logical3A_115 = arith.constant 16 : i32
    %shift_right_logical3A_116 = vector.broadcast %shift_right_logical3A_115 : i32 to vector<256x512xi32>
    %shift_right_logical3A_117 = arith.shrui %add3A_114, %shift_right_logical3A_116 : vector<256x512xi32>
    %shift_left3A_118 = arith.constant 16 : i32
    %shift_left3A_119 = vector.broadcast %shift_left3A_118 : i32 to vector<256x512xi32>
    %shift_left3A_120 = arith.shli %shift_right_logical3A_117, %shift_left3A_119 : vector<256x512xi32>
    %or3A_121 = arith.ori %shift_right_logical3A_102, %shift_left3A_120 : vector<256x512xi32>
    %bitcast_convert_type3A_122 = tpu.bitcast %or3A_121 : vector<256x512xi32> -> vector<256x512xi32>
    %swap3A_123 = arith.constant 0 : index
    %swap3A_124 = arith.constant 0 : index
    %swap3A_125 = vector.load %arg12[%swap3A_123, %swap3A_124] : memref<256x512xi32, #tpu.memory_space<vmem>>, vector<256x512xi32>
    tpu.vector_store %arg12[%swap3A_123, %swap3A_124], %bitcast_convert_type3A_122 {strides = array<i32>} : memref<256x512xi32, #tpu.memory_space<vmem>>, vector<256x512xi32>,
    %get3A_126 = arith.constant 0 : index
    %get3A_127 = arith.constant 0 : index
    %get3A_128 = vector.load %arg10[%get3A_126, %get3A_127] : memref<1024x1024xf32, #tpu.memory_space<vmem>>, vector<1024x1024xf32>
    %dot_general3A_129 = arith.constant dense<0.000000e+00> : vector<256x1024xf32>
    %dot_general3A_130 = tpu.matmul %concatenate3A, %get3A_128, %dot_general3A_129 {dimension_numbers = #tpu.dot_dimension_numbers<[1], [0], [0], [1], [0, 0, 1, 1], [], []>, transpose_lhs_hint = false} : vector<256x1024xf32>, vector<1024x1024xf32>, vector<256x1024xf32> -> vector<256x1024xf32>
    %swap3A_131 = arith.constant 0 : index
    %swap3A_132 = arith.constant 0 : index
    %swap3A_133 = vector.load %arg13[%swap3A_131, %swap3A_132] : memref<256x1024xf32, #tpu.memory_space<vmem>>, vector<256x1024xf32>
    tpu.vector_store %arg13[%swap3A_131, %swap3A_132], %dot_general3A_130 {strides = array<i32>} : memref<256x1024xf32, #tpu.memory_space<vmem>>, vector<256x1024xf32>,
    return
  }
  func.func @transform_0(%arg0: i32) -> (i32, i32) {
    %c0_i32 = arith.constant 0 : i32
    %c0_i32_0 = arith.constant 0 : i32
    return %arg0, %c0_i32 : i32, i32
  }
  func.func @transform_1(%arg0: i32) -> (i32, i32) {
    %c0_i32 = arith.constant 0 : i32
    %c0_i32_0 = arith.constant 0 : i32
    %c0_i32_1 = arith.constant 0 : i32
    return %c0_i32, %c0_i32_0 : i32, i32
  }
  func.func @transform_2(%arg0: i32) -> i32 {
    %c0_i32 = arith.constant 0 : i32
    %c0_i32_0 = arith.constant 0 : i32
    return %c0_i32 : i32
  }
  func.func @transform_3(%arg0: i32) -> (i32, i32) {
    %c0_i32 = arith.constant 0 : i32
    %c0_i32_0 = arith.constant 0 : i32
    %c0_i32_1 = arith.constant 0 : i32
    return %c0_i32, %c0_i32_0 : i32, i32
  }
  func.func @transform_4(%arg0: i32) -> i32 {
    %c0_i32 = arith.constant 0 : i32
    %c0_i32_0 = arith.constant 0 : i32
    return %c0_i32 : i32
  }
  func.func @transform_5(%arg0: i32) -> i32 {
    %c0_i32 = arith.constant 0 : i32
    %c0_i32_0 = arith.constant 0 : i32
    return %c0_i32 : i32
  }
  func.func @transform_6(%arg0: i32) -> i32 {
    %c0_i32 = arith.constant 0 : i32
    %c0_i32_0 = arith.constant 0 : i32
    return %c0_i32 : i32
  }
  func.func @transform_7(%arg0: i32) -> (i32, i32) {
    %c0_i32 = arith.constant 0 : i32
    %c0_i32_0 = arith.constant 0 : i32
    %c0_i32_1 = arith.constant 0 : i32
    return %c0_i32, %c0_i32_0 : i32, i32
  }
  func.func @transform_8(%arg0: i32) -> (i32, i32) {
    %c1_i32 = arith.constant 1 : i32
    %c0_i32 = arith.constant 0 : i32
    %c0_i32_0 = arith.constant 0 : i32
    return %c1_i32, %c0_i32 : i32, i32
  }
  func.func @transform_9(%arg0: i32) -> (i32, i32) {
    %c0_i32 = arith.constant 0 : i32
    %c0_i32_0 = arith.constant 0 : i32
    %c0_i32_1 = arith.constant 0 : i32
    return %c0_i32, %c0_i32_0 : i32, i32
  }
  func.func @transform_10(%arg0: i32) -> (i32, i32) {
    %c0_i32 = arith.constant 0 : i32
    %c0_i32_0 = arith.constant 0 : i32
    return %arg0, %c0_i32 : i32, i32
  }
  func.func @transform_11(%arg0: i32) -> (i32, i32) {
    %c0_i32 = arith.constant 0 : i32
    %c0_i32_0 = arith.constant 0 : i32
    return %arg0, %c0_i32 : i32, i32
  }
  func.func @transform_12(%arg0: i32) -> (i32, i32) {
    %c0_i32 = arith.constant 0 : i32
    %c0_i32_0 = arith.constant 0 : i32
    return %arg0, %c0_i32 : i32, i32
  }
}

module attributes {stable_mosaic.version = 14 : i64} {
  func.func @_edge_tail_body(%arg0: i32, %arg1: memref<1024x512xi32, #tpu.memory_space<vmem>>, %arg2: memref<1024x512xi32, #tpu.memory_space<vmem>>, %arg3: memref<1024x512xi32, #tpu.memory_space<vmem>>, %arg4: memref<1024x512xbf16, #tpu.memory_space<vmem>>, %arg5: memref<512xf32, #tpu.memory_space<vmem>>, %arg6: memref<512xf32, #tpu.memory_space<vmem>>, %arg7: memref<512xf32, #tpu.memory_space<vmem>>, %arg8: memref<1x1x1024xi32, #tpu.memory_space<vmem>>, %arg9: memref<1x1x1024xi32, #tpu.memory_space<vmem>>, %arg10: memref<1024x512xf32, #tpu.memory_space<vmem>>, %arg11: memref<8x512xf32, #tpu.memory_space<vmem>>, %arg12: memref<2048x512xf32, #tpu.memory_space<vmem>>) attributes {dimension_semantics = [#tpu.dimension_semantics<arbitrary>], iteration_bounds = array<i64: 32>, scalar_prefetch = 0 : i64, scratch_operands = 0 : i64, tpu.core_type = #tpu.core_type<tc>, window_params = [{transform_indices = @transform_0, window_bounds = array<i64: 1024, 512>}, {transform_indices = @transform_1, window_bounds = array<i64: 1024, 512>}, {transform_indices = @transform_2, window_bounds = array<i64: 1024, 512>}, {pipeline_mode = #tpu.pipeline_mode<synchronous>, transform_indices = @transform_3, window_bounds = array<i64: 1024, 512>}, {pipeline_mode = #tpu.pipeline_mode<synchronous>, transform_indices = @transform_4, window_bounds = array<i64: 512>}, {pipeline_mode = #tpu.pipeline_mode<synchronous>, transform_indices = @transform_5, window_bounds = array<i64: 512>}, {pipeline_mode = #tpu.pipeline_mode<synchronous>, transform_indices = @transform_6, window_bounds = array<i64: 512>}, {transform_indices = @transform_7, window_bounds = array<i64: 1, 1, 1024>}, {transform_indices = @transform_8, window_bounds = array<i64: 1, 1, 1024>}, {transform_indices = @transform_9, window_bounds = array<i64: 1024, 512>}, {pipeline_mode = #tpu.pipeline_mode<synchronous>, transform_indices = @transform_10, window_bounds = array<i64: 8, 512>}, {pipeline_mode = #tpu.pipeline_mode<synchronous>, transform_indices = @transform_11, window_bounds = array<i64: 2048, 512>}]} {
    %get3A = arith.constant 0 : index
    %get3A_0 = arith.constant 0 : index
    %get3A_1 = vector.load %arg1[%get3A, %get3A_0] : memref<1024x512xi32, #tpu.memory_space<vmem>>, vector<1024x512xi32>
    %bitcast_convert_type3A = tpu.bitcast %get3A_1 : vector<1024x512xi32> -> vector<1024x512xi32>
    %shift_left3A = arith.constant 16 : i32
    %shift_left3A_2 = vector.broadcast %shift_left3A : i32 to vector<1024x512xi32>
    %shift_left3A_3 = arith.shli %bitcast_convert_type3A, %shift_left3A_2 : vector<1024x512xi32>
    %bitcast_convert_type3A_4 = tpu.bitcast %shift_left3A_3 : vector<1024x512xi32> -> vector<1024x512xf32>
    %shift_right_logical3A = arith.constant 16 : i32
    %shift_right_logical3A_5 = vector.broadcast %shift_right_logical3A : i32 to vector<1024x512xi32>
    %shift_right_logical3A_6 = arith.shrui %bitcast_convert_type3A, %shift_right_logical3A_5 : vector<1024x512xi32>
    %shift_left3A_7 = arith.constant 16 : i32
    %shift_left3A_8 = vector.broadcast %shift_left3A_7 : i32 to vector<1024x512xi32>
    %shift_left3A_9 = arith.shli %shift_right_logical3A_6, %shift_left3A_8 : vector<1024x512xi32>
    %bitcast_convert_type3A_10 = tpu.bitcast %shift_left3A_9 : vector<1024x512xi32> -> vector<1024x512xf32>
    %concatenate3A = tpu.concatenate %bitcast_convert_type3A_4, %bitcast_convert_type3A_10 in 1 : vector<1024x512xf32>, vector<1024x512xf32> -> vector<1024x1024xf32>
    %get3A_11 = arith.constant 0 : index
    %get3A_12 = arith.constant 0 : index
    %get3A_13 = vector.load %arg2[%get3A_11, %get3A_12] : memref<1024x512xi32, #tpu.memory_space<vmem>>, vector<1024x512xi32>
    %bitcast_convert_type3A_14 = tpu.bitcast %get3A_13 : vector<1024x512xi32> -> vector<1024x512xi32>
    %shift_left3A_15 = arith.constant 16 : i32
    %shift_left3A_16 = vector.broadcast %shift_left3A_15 : i32 to vector<1024x512xi32>
    %shift_left3A_17 = arith.shli %bitcast_convert_type3A_14, %shift_left3A_16 : vector<1024x512xi32>
    %bitcast_convert_type3A_18 = tpu.bitcast %shift_left3A_17 : vector<1024x512xi32> -> vector<1024x512xf32>
    %shift_right_logical3A_19 = arith.constant 16 : i32
    %shift_right_logical3A_20 = vector.broadcast %shift_right_logical3A_19 : i32 to vector<1024x512xi32>
    %shift_right_logical3A_21 = arith.shrui %bitcast_convert_type3A_14, %shift_right_logical3A_20 : vector<1024x512xi32>
    %shift_left3A_22 = arith.constant 16 : i32
    %shift_left3A_23 = vector.broadcast %shift_left3A_22 : i32 to vector<1024x512xi32>
    %shift_left3A_24 = arith.shli %shift_right_logical3A_21, %shift_left3A_23 : vector<1024x512xi32>
    %bitcast_convert_type3A_25 = tpu.bitcast %shift_left3A_24 : vector<1024x512xi32> -> vector<1024x512xf32>
    %concatenate3A_26 = tpu.concatenate %bitcast_convert_type3A_18, %bitcast_convert_type3A_25 in 1 : vector<1024x512xf32>, vector<1024x512xf32> -> vector<1024x1024xf32>
    %add3A = arith.addf %concatenate3A, %concatenate3A_26 : vector<1024x1024xf32>
    %get3A_27 = arith.constant 0 : index
    %get3A_28 = arith.constant 0 : index
    %get3A_29 = vector.load %arg3[%get3A_27, %get3A_28] : memref<1024x512xi32, #tpu.memory_space<vmem>>, vector<1024x512xi32>
    %bitcast_convert_type3A_30 = tpu.bitcast %get3A_29 : vector<1024x512xi32> -> vector<1024x512xi32>
    %shift_left3A_31 = arith.constant 16 : i32
    %shift_left3A_32 = vector.broadcast %shift_left3A_31 : i32 to vector<1024x512xi32>
    %shift_left3A_33 = arith.shli %bitcast_convert_type3A_30, %shift_left3A_32 : vector<1024x512xi32>
    %bitcast_convert_type3A_34 = tpu.bitcast %shift_left3A_33 : vector<1024x512xi32> -> vector<1024x512xf32>
    %shift_right_logical3A_35 = arith.constant 16 : i32
    %shift_right_logical3A_36 = vector.broadcast %shift_right_logical3A_35 : i32 to vector<1024x512xi32>
    %shift_right_logical3A_37 = arith.shrui %bitcast_convert_type3A_30, %shift_right_logical3A_36 : vector<1024x512xi32>
    %shift_left3A_38 = arith.constant 16 : i32
    %shift_left3A_39 = vector.broadcast %shift_left3A_38 : i32 to vector<1024x512xi32>
    %shift_left3A_40 = arith.shli %shift_right_logical3A_37, %shift_left3A_39 : vector<1024x512xi32>
    %bitcast_convert_type3A_41 = tpu.bitcast %shift_left3A_40 : vector<1024x512xi32> -> vector<1024x512xf32>
    %concatenate3A_42 = tpu.concatenate %bitcast_convert_type3A_34, %bitcast_convert_type3A_41 in 1 : vector<1024x512xf32>, vector<1024x512xf32> -> vector<1024x1024xf32>
    %add3A_43 = arith.addf %add3A, %concatenate3A_42 : vector<1024x1024xf32>
    %max3A = arith.constant 0.000000e+00 : f32
    %max3A_44 = vector.broadcast %max3A : f32 to vector<1024x1024xf32>
    %max3A_45 = arith.maximumf %add3A_43, %max3A_44 : vector<1024x1024xf32>
    %convert_element_type3A = arith.truncf %max3A_45 : vector<1024x1024xf32> to vector<1024x1024xbf16>
    %get3A_46 = arith.constant 0 : index
    %get3A_47 = arith.constant 0 : index
    %get3A_48 = vector.load %arg4[%get3A_46, %get3A_47] : memref<1024x512xbf16, #tpu.memory_space<vmem>>, vector<1024x512xbf16>
    %dot_general3A = arith.constant dense<0.000000e+00> : vector<1024x512xf32>
    %dot_general3A_49 = tpu.matmul %convert_element_type3A, %get3A_48, %dot_general3A {dimension_numbers = #tpu.dot_dimension_numbers<[1], [0], [0], [1], [0, 0, 1, 1], [], []>, transpose_lhs_hint = false} : vector<1024x1024xbf16>, vector<1024x512xbf16>, vector<1024x512xf32> -> vector<1024x512xf32>
    %get3A_50 = arith.constant 0 : index
    %get3A_51 = vector.load %arg5[%get3A_50] : memref<512xf32, #tpu.memory_space<vmem>>, vector<512xf32>
    %broadcast_in_dim3A = vector.shape_cast %get3A_51 : vector<512xf32> to vector<1x512xf32>
    %add3A_52 = vector.broadcast %broadcast_in_dim3A : vector<1x512xf32> to vector<1024x512xf32>
    %add3A_53 = arith.addf %dot_general3A_49, %add3A_52 : vector<1024x512xf32>
    %get3A_54 = arith.constant 0 : index
    %get3A_55 = vector.load %arg6[%get3A_54] : memref<512xf32, #tpu.memory_space<vmem>>, vector<512xf32>
    %get3A_56 = arith.constant 0 : index
    %get3A_57 = vector.load %arg7[%get3A_56] : memref<512xf32, #tpu.memory_space<vmem>>, vector<512xf32>
    %reduce_sum3A = arith.constant dense<0.000000e+00> : vector<1024xf32>
    %reduce_sum3A_58 = vector.multi_reduction <add>, %add3A_53, %reduce_sum3A [1] : vector<1024x512xf32> to vector<1024xf32>
    %broadcast_in_dim3A_59 = vector.shape_cast %reduce_sum3A_58 : vector<1024xf32> to vector<1024x1xf32>
    %div3A = arith.constant 5.120000e+02 : f32
    %div3A_60 = vector.broadcast %div3A : f32 to vector<1024x1xf32>
    %div3A_61 = arith.divf %broadcast_in_dim3A_59, %div3A_60 : vector<1024x1xf32>
    %sub3A = vector.broadcast %div3A_61 : vector<1024x1xf32> to vector<1024x512xf32>
    %sub3A_62 = arith.subf %add3A_53, %sub3A : vector<1024x512xf32>
    %mul3A = arith.mulf %sub3A_62, %sub3A_62 : vector<1024x512xf32>
    %reduce_sum3A_63 = arith.constant dense<0.000000e+00> : vector<1024xf32>
    %reduce_sum3A_64 = vector.multi_reduction <add>, %mul3A, %reduce_sum3A_63 [1] : vector<1024x512xf32> to vector<1024xf32>
    %broadcast_in_dim3A_65 = vector.shape_cast %reduce_sum3A_64 : vector<1024xf32> to vector<1024x1xf32>
    %div3A_66 = arith.constant 5.120000e+02 : f32
    %div3A_67 = vector.broadcast %div3A_66 : f32 to vector<1024x1xf32>
    %div3A_68 = arith.divf %broadcast_in_dim3A_65, %div3A_67 : vector<1024x1xf32>
    %add3A_69 = arith.constant 9.99999974E-6 : f32
    %add3A_70 = vector.broadcast %add3A_69 : f32 to vector<1024x1xf32>
    %add3A_71 = arith.addf %div3A_68, %add3A_70 : vector<1024x1xf32>
    %rsqrt3A = math.rsqrt %add3A_71 : vector<1024x1xf32>
    %mul3A_72 = vector.broadcast %rsqrt3A : vector<1024x1xf32> to vector<1024x512xf32>
    %mul3A_73 = arith.mulf %sub3A_62, %mul3A_72 : vector<1024x512xf32>
    %broadcast_in_dim3A_74 = vector.shape_cast %get3A_55 : vector<512xf32> to vector<1x512xf32>
    %mul3A_75 = vector.broadcast %broadcast_in_dim3A_74 : vector<1x512xf32> to vector<1024x512xf32>
    %mul3A_76 = arith.mulf %mul3A_73, %mul3A_75 : vector<1024x512xf32>
    %broadcast_in_dim3A_77 = vector.shape_cast %get3A_57 : vector<512xf32> to vector<1x512xf32>
    %add3A_78 = vector.broadcast %broadcast_in_dim3A_77 : vector<1x512xf32> to vector<1024x512xf32>
    %add3A_79 = arith.addf %mul3A_76, %add3A_78 : vector<1024x512xf32>
    %swap3A = arith.constant 0 : index
    %swap3A_80 = arith.constant 0 : index
    %swap3A_81 = vector.load %arg10[%swap3A, %swap3A_80] : memref<1024x512xf32, #tpu.memory_space<vmem>>, vector<1024x512xf32>
    tpu.vector_store %arg10[%swap3A, %swap3A_80], %add3A_79 {strides = array<i32>} : memref<1024x512xf32, #tpu.memory_space<vmem>>, vector<1024x512xf32>,
    %get3A_82 = arith.constant 0 : index
    %get3A_83 = arith.constant 0 : index
    %get3A_84 = arith.constant 0 : index
    %get3A_85 = vector.load %arg8[%get3A_82, %get3A_83, %get3A_84] : memref<1x1x1024xi32, #tpu.memory_space<vmem>>, vector<1x1x1024xi32>
    %get3A_86 = vector.shape_cast %get3A_85 : vector<1x1x1024xi32> to vector<1024xi32>
    %broadcast_in_dim3A_87 = vector.shape_cast %get3A_86 : vector<1024xi32> to vector<1024x1xi32>
    %iota3A = tpu.iota {dimensions = array<i32: 1>} : vector<1024x8xi32>
    %eq3A = vector.broadcast %broadcast_in_dim3A_87 : vector<1024x1xi32> to vector<1024x8xi32>
    %eq3A_88 = arith.cmpi eq, %eq3A, %iota3A : vector<1024x8xi32>
    %convert_element_type3A_89 = arith.extui %eq3A_88 : vector<1024x8xi1> to vector<1024x8xi32>
    %convert_element_type3A_90 = arith.sitofp %convert_element_type3A_89 : vector<1024x8xi32> to vector<1024x8xf32>
    %dot_general3A_91 = arith.constant dense<0.000000e+00> : vector<8x512xf32>
    %dot_general3A_92 = tpu.matmul %convert_element_type3A_90, %add3A_79, %dot_general3A_91 {dimension_numbers = #tpu.dot_dimension_numbers<[0], [0], [1], [1], [0, 1, 1, 1], [], []>, transpose_lhs_hint = false} : vector<1024x8xf32>, vector<1024x512xf32>, vector<8x512xf32> -> vector<8x512xf32>
    %get3A_93 = arith.constant 0 : index
    %get3A_94 = arith.constant 0 : index
    %get3A_95 = arith.constant 0 : index
    %get3A_96 = vector.load %arg9[%get3A_93, %get3A_94, %get3A_95] : memref<1x1x1024xi32, #tpu.memory_space<vmem>>, vector<1x1x1024xi32>
    %get3A_97 = vector.shape_cast %get3A_96 : vector<1x1x1024xi32> to vector<1024xi32>
    %broadcast_in_dim3A_98 = vector.shape_cast %get3A_97 : vector<1024xi32> to vector<1024x1xi32>
    %iota3A_99 = tpu.iota {dimensions = array<i32: 1>} : vector<1024x2048xi32>
    %eq3A_100 = vector.broadcast %broadcast_in_dim3A_98 : vector<1024x1xi32> to vector<1024x2048xi32>
    %eq3A_101 = arith.cmpi eq, %eq3A_100, %iota3A_99 : vector<1024x2048xi32>
    %convert_element_type3A_102 = arith.extui %eq3A_101 : vector<1024x2048xi1> to vector<1024x2048xi32>
    %convert_element_type3A_103 = arith.sitofp %convert_element_type3A_102 : vector<1024x2048xi32> to vector<1024x2048xf32>
    %convert_element_type3A_104 = arith.truncf %convert_element_type3A_103 : vector<1024x2048xf32> to vector<1024x2048xbf16>
    %convert_element_type3A_105 = arith.truncf %add3A_79 : vector<1024x512xf32> to vector<1024x512xbf16>
    %dot_general3A_106 = arith.constant dense<0.000000e+00> : vector<2048x512xf32>
    %dot_general3A_107 = tpu.matmul %convert_element_type3A_104, %convert_element_type3A_105, %dot_general3A_106 {dimension_numbers = #tpu.dot_dimension_numbers<[0], [0], [1], [1], [0, 1, 1, 1], [], []>, transpose_lhs_hint = false} : vector<1024x2048xbf16>, vector<1024x512xbf16>, vector<2048x512xf32> -> vector<2048x512xf32>
    %eq3A_108 = arith.constant 0 : i32
    %eq3A_109 = arith.cmpi eq, %arg0, %eq3A_108 : i32
    %convert_element_type3A_110 = arith.extui %eq3A_109 : i1 to i32
    %cond3A = arith.constant 0 : i32
    %cond3A_111 = arith.cmpi ne, %convert_element_type3A_110, %cond3A : i32
    scf.if %cond3A_111 {
      %broadcast_in_dim3A_126 = arith.constant 0.000000e+00 : f32
      %broadcast_in_dim3A_127 = vector.broadcast %broadcast_in_dim3A_126 : f32 to vector<8x512xf32>
      %swap3A_128 = arith.constant 0 : index
      %swap3A_129 = arith.constant 0 : index
      %swap3A_130 = vector.load %arg11[%swap3A_128, %swap3A_129] : memref<8x512xf32, #tpu.memory_space<vmem>>, vector<8x512xf32>
      tpu.vector_store %arg11[%swap3A_128, %swap3A_129], %broadcast_in_dim3A_127 {strides = array<i32>} : memref<8x512xf32, #tpu.memory_space<vmem>>, vector<8x512xf32>,
      %broadcast_in_dim3A_131 = arith.constant 0.000000e+00 : f32
      %broadcast_in_dim3A_132 = vector.broadcast %broadcast_in_dim3A_131 : f32 to vector<2048x512xf32>
      %swap3A_133 = arith.constant 0 : index
      %swap3A_134 = arith.constant 0 : index
      %swap3A_135 = vector.load %arg12[%swap3A_133, %swap3A_134] : memref<2048x512xf32, #tpu.memory_space<vmem>>, vector<2048x512xf32>
      tpu.vector_store %arg12[%swap3A_133, %swap3A_134], %broadcast_in_dim3A_132 {strides = array<i32>} : memref<2048x512xf32, #tpu.memory_space<vmem>>, vector<2048x512xf32>,
    } else {
    }
    %get3A_112 = arith.constant 0 : index
    %get3A_113 = arith.constant 0 : index
    %get3A_114 = vector.load %arg11[%get3A_112, %get3A_113] : memref<8x512xf32, #tpu.memory_space<vmem>>, vector<8x512xf32>
    %add3A_115 = arith.addf %get3A_114, %dot_general3A_92 : vector<8x512xf32>
    %swap3A_116 = arith.constant 0 : index
    %swap3A_117 = arith.constant 0 : index
    %swap3A_118 = vector.load %arg11[%swap3A_116, %swap3A_117] : memref<8x512xf32, #tpu.memory_space<vmem>>, vector<8x512xf32>
    tpu.vector_store %arg11[%swap3A_116, %swap3A_117], %add3A_115 {strides = array<i32>} : memref<8x512xf32, #tpu.memory_space<vmem>>, vector<8x512xf32>,
    %get3A_119 = arith.constant 0 : index
    %get3A_120 = arith.constant 0 : index
    %get3A_121 = vector.load %arg12[%get3A_119, %get3A_120] : memref<2048x512xf32, #tpu.memory_space<vmem>>, vector<2048x512xf32>
    %add3A_122 = arith.addf %get3A_121, %dot_general3A_107 : vector<2048x512xf32>
    %swap3A_123 = arith.constant 0 : index
    %swap3A_124 = arith.constant 0 : index
    %swap3A_125 = vector.load %arg12[%swap3A_123, %swap3A_124] : memref<2048x512xf32, #tpu.memory_space<vmem>>, vector<2048x512xf32>
    tpu.vector_store %arg12[%swap3A_123, %swap3A_124], %add3A_122 {strides = array<i32>} : memref<2048x512xf32, #tpu.memory_space<vmem>>, vector<2048x512xf32>,
    return
  }
  func.func @transform_0(%arg0: i32) -> (i32, i32) {
    %c0_i32 = arith.constant 0 : i32
    %c0_i32_0 = arith.constant 0 : i32
    return %arg0, %c0_i32 : i32, i32
  }
  func.func @transform_1(%arg0: i32) -> (i32, i32) {
    %c0_i32 = arith.constant 0 : i32
    %c0_i32_0 = arith.constant 0 : i32
    return %arg0, %c0_i32 : i32, i32
  }
  func.func @transform_2(%arg0: i32) -> (i32, i32) {
    %c0_i32 = arith.constant 0 : i32
    %c0_i32_0 = arith.constant 0 : i32
    return %arg0, %c0_i32 : i32, i32
  }
  func.func @transform_3(%arg0: i32) -> (i32, i32) {
    %c0_i32 = arith.constant 0 : i32
    %c0_i32_0 = arith.constant 0 : i32
    %c0_i32_1 = arith.constant 0 : i32
    return %c0_i32, %c0_i32_0 : i32, i32
  }
  func.func @transform_4(%arg0: i32) -> i32 {
    %c0_i32 = arith.constant 0 : i32
    %c0_i32_0 = arith.constant 0 : i32
    return %c0_i32 : i32
  }
  func.func @transform_5(%arg0: i32) -> i32 {
    %c0_i32 = arith.constant 0 : i32
    %c0_i32_0 = arith.constant 0 : i32
    return %c0_i32 : i32
  }
  func.func @transform_6(%arg0: i32) -> i32 {
    %c0_i32 = arith.constant 0 : i32
    %c0_i32_0 = arith.constant 0 : i32
    return %c0_i32 : i32
  }
  func.func @transform_7(%arg0: i32) -> (i32, i32, i32) {
    %c0_i32 = arith.constant 0 : i32
    %c0_i32_0 = arith.constant 0 : i32
    %c0_i32_1 = arith.constant 0 : i32
    return %arg0, %c0_i32, %c0_i32_0 : i32, i32, i32
  }
  func.func @transform_8(%arg0: i32) -> (i32, i32, i32) {
    %c0_i32 = arith.constant 0 : i32
    %c0_i32_0 = arith.constant 0 : i32
    %c0_i32_1 = arith.constant 0 : i32
    return %arg0, %c0_i32, %c0_i32_0 : i32, i32, i32
  }
  func.func @transform_9(%arg0: i32) -> (i32, i32) {
    %c0_i32 = arith.constant 0 : i32
    %c0_i32_0 = arith.constant 0 : i32
    return %arg0, %c0_i32 : i32, i32
  }
  func.func @transform_10(%arg0: i32) -> (i32, i32) {
    %c0_i32 = arith.constant 0 : i32
    %c0_i32_0 = arith.constant 0 : i32
    %c0_i32_1 = arith.constant 0 : i32
    return %c0_i32, %c0_i32_0 : i32, i32
  }
  func.func @transform_11(%arg0: i32) -> (i32, i32) {
    %c0_i32 = arith.constant 0 : i32
    %c0_i32_0 = arith.constant 0 : i32
    %c0_i32_1 = arith.constant 0 : i32
    return %c0_i32, %c0_i32_0 : i32, i32
  }
}

module attributes {stable_mosaic.version = 14 : i64} {
  func.func @_edge_pre_body(%arg0: i32, %arg1: memref<1024x128xf32, #tpu.memory_space<vmem>>, %arg2: memref<128x128xf32, #tpu.memory_space<vmem>>, %arg3: memref<128xf32, #tpu.memory_space<vmem>>, %arg4: memref<128x128xf32, #tpu.memory_space<vmem>>, %arg5: memref<128xf32, #tpu.memory_space<vmem>>, %arg6: memref<128xf32, #tpu.memory_space<vmem>>, %arg7: memref<128xf32, #tpu.memory_space<vmem>>, %arg8: memref<256x1024xf32, #tpu.memory_space<vmem>>, %arg9: memref<8x1024xf32, #tpu.memory_space<vmem>>, %arg10: memref<1024xf32, #tpu.memory_space<vmem>>, %arg11: memref<1x1x1024xi32, #tpu.memory_space<vmem>>, %arg12: memref<1024x512xi32, #tpu.memory_space<vmem>>) attributes {dimension_semantics = [#tpu.dimension_semantics<arbitrary>], iteration_bounds = array<i64: 32>, scalar_prefetch = 0 : i64, scratch_operands = 0 : i64, tpu.core_type = #tpu.core_type<tc>, window_params = [{transform_indices = @transform_0, window_bounds = array<i64: 1024, 128>}, {pipeline_mode = #tpu.pipeline_mode<synchronous>, transform_indices = @transform_1, window_bounds = array<i64: 128, 128>}, {pipeline_mode = #tpu.pipeline_mode<synchronous>, transform_indices = @transform_2, window_bounds = array<i64: 128>}, {pipeline_mode = #tpu.pipeline_mode<synchronous>, transform_indices = @transform_3, window_bounds = array<i64: 128, 128>}, {pipeline_mode = #tpu.pipeline_mode<synchronous>, transform_indices = @transform_4, window_bounds = array<i64: 128>}, {pipeline_mode = #tpu.pipeline_mode<synchronous>, transform_indices = @transform_5, window_bounds = array<i64: 128>}, {pipeline_mode = #tpu.pipeline_mode<synchronous>, transform_indices = @transform_6, window_bounds = array<i64: 128>}, {transform_indices = @transform_7, window_bounds = array<i64: 256, 1024>}, {pipeline_mode = #tpu.pipeline_mode<synchronous>, transform_indices = @transform_8, window_bounds = array<i64: 8, 1024>}, {pipeline_mode = #tpu.pipeline_mode<synchronous>, transform_indices = @transform_9, window_bounds = array<i64: 1024>}, {transform_indices = @transform_10, window_bounds = array<i64: 1, 1, 1024>}, {transform_indices = @transform_11, window_bounds = array<i64: 1024, 512>}]} {
    %get3A = arith.constant 0 : index
    %get3A_0 = arith.constant 0 : index
    %get3A_1 = vector.load %arg1[%get3A, %get3A_0] : memref<1024x128xf32, #tpu.memory_space<vmem>>, vector<1024x128xf32>
    %get3A_2 = arith.constant 0 : index
    %get3A_3 = arith.constant 0 : index
    %get3A_4 = vector.load %arg2[%get3A_2, %get3A_3] : memref<128x128xf32, #tpu.memory_space<vmem>>, vector<128x128xf32>
    %dot_general3A = arith.constant dense<0.000000e+00> : vector<1024x128xf32>
    %dot_general3A_5 = tpu.matmul %get3A_1, %get3A_4, %dot_general3A {dimension_numbers = #tpu.dot_dimension_numbers<[1], [0], [0], [1], [0, 0, 1, 1], [], []>, transpose_lhs_hint = false} : vector<1024x128xf32>, vector<128x128xf32>, vector<1024x128xf32> -> vector<1024x128xf32>
    %get3A_6 = arith.constant 0 : index
    %get3A_7 = vector.load %arg3[%get3A_6] : memref<128xf32, #tpu.memory_space<vmem>>, vector<128xf32>
    %broadcast_in_dim3A = vector.shape_cast %get3A_7 : vector<128xf32> to vector<1x128xf32>
    %add3A = vector.broadcast %broadcast_in_dim3A : vector<1x128xf32> to vector<1024x128xf32>
    %add3A_8 = arith.addf %dot_general3A_5, %add3A : vector<1024x128xf32>
    %max3A = arith.constant 0.000000e+00 : f32
    %max3A_9 = vector.broadcast %max3A : f32 to vector<1024x128xf32>
    %max3A_10 = arith.maximumf %add3A_8, %max3A_9 : vector<1024x128xf32>
    %get3A_11 = arith.constant 0 : index
    %get3A_12 = arith.constant 0 : index
    %get3A_13 = vector.load %arg4[%get3A_11, %get3A_12] : memref<128x128xf32, #tpu.memory_space<vmem>>, vector<128x128xf32>
    %dot_general3A_14 = arith.constant dense<0.000000e+00> : vector<1024x128xf32>
    %dot_general3A_15 = tpu.matmul %max3A_10, %get3A_13, %dot_general3A_14 {dimension_numbers = #tpu.dot_dimension_numbers<[1], [0], [0], [1], [0, 0, 1, 1], [], []>, transpose_lhs_hint = false} : vector<1024x128xf32>, vector<128x128xf32>, vector<1024x128xf32> -> vector<1024x128xf32>
    %get3A_16 = arith.constant 0 : index
    %get3A_17 = vector.load %arg5[%get3A_16] : memref<128xf32, #tpu.memory_space<vmem>>, vector<128xf32>
    %broadcast_in_dim3A_18 = vector.shape_cast %get3A_17 : vector<128xf32> to vector<1x128xf32>
    %add3A_19 = vector.broadcast %broadcast_in_dim3A_18 : vector<1x128xf32> to vector<1024x128xf32>
    %add3A_20 = arith.addf %dot_general3A_15, %add3A_19 : vector<1024x128xf32>
    %get3A_21 = arith.constant 0 : index
    %get3A_22 = vector.load %arg6[%get3A_21] : memref<128xf32, #tpu.memory_space<vmem>>, vector<128xf32>
    %get3A_23 = arith.constant 0 : index
    %get3A_24 = vector.load %arg7[%get3A_23] : memref<128xf32, #tpu.memory_space<vmem>>, vector<128xf32>
    %reduce_sum3A = arith.constant dense<0.000000e+00> : vector<1024xf32>
    %reduce_sum3A_25 = vector.multi_reduction <add>, %add3A_20, %reduce_sum3A [1] : vector<1024x128xf32> to vector<1024xf32>
    %broadcast_in_dim3A_26 = vector.shape_cast %reduce_sum3A_25 : vector<1024xf32> to vector<1024x1xf32>
    %div3A = arith.constant 1.280000e+02 : f32
    %div3A_27 = vector.broadcast %div3A : f32 to vector<1024x1xf32>
    %div3A_28 = arith.divf %broadcast_in_dim3A_26, %div3A_27 : vector<1024x1xf32>
    %sub3A = vector.broadcast %div3A_28 : vector<1024x1xf32> to vector<1024x128xf32>
    %sub3A_29 = arith.subf %add3A_20, %sub3A : vector<1024x128xf32>
    %mul3A = arith.mulf %sub3A_29, %sub3A_29 : vector<1024x128xf32>
    %reduce_sum3A_30 = arith.constant dense<0.000000e+00> : vector<1024xf32>
    %reduce_sum3A_31 = vector.multi_reduction <add>, %mul3A, %reduce_sum3A_30 [1] : vector<1024x128xf32> to vector<1024xf32>
    %broadcast_in_dim3A_32 = vector.shape_cast %reduce_sum3A_31 : vector<1024xf32> to vector<1024x1xf32>
    %div3A_33 = arith.constant 1.280000e+02 : f32
    %div3A_34 = vector.broadcast %div3A_33 : f32 to vector<1024x1xf32>
    %div3A_35 = arith.divf %broadcast_in_dim3A_32, %div3A_34 : vector<1024x1xf32>
    %add3A_36 = arith.constant 9.99999974E-6 : f32
    %add3A_37 = vector.broadcast %add3A_36 : f32 to vector<1024x1xf32>
    %add3A_38 = arith.addf %div3A_35, %add3A_37 : vector<1024x1xf32>
    %rsqrt3A = math.rsqrt %add3A_38 : vector<1024x1xf32>
    %mul3A_39 = vector.broadcast %rsqrt3A : vector<1024x1xf32> to vector<1024x128xf32>
    %mul3A_40 = arith.mulf %sub3A_29, %mul3A_39 : vector<1024x128xf32>
    %broadcast_in_dim3A_41 = vector.shape_cast %get3A_22 : vector<128xf32> to vector<1x128xf32>
    %mul3A_42 = vector.broadcast %broadcast_in_dim3A_41 : vector<1x128xf32> to vector<1024x128xf32>
    %mul3A_43 = arith.mulf %mul3A_40, %mul3A_42 : vector<1024x128xf32>
    %broadcast_in_dim3A_44 = vector.shape_cast %get3A_24 : vector<128xf32> to vector<1x128xf32>
    %add3A_45 = vector.broadcast %broadcast_in_dim3A_44 : vector<1x128xf32> to vector<1024x128xf32>
    %add3A_46 = arith.addf %mul3A_43, %add3A_45 : vector<1024x128xf32>
    %concatenate3A = tpu.concatenate %get3A_1, %add3A_46 in 1 : vector<1024x128xf32>, vector<1024x128xf32> -> vector<1024x256xf32>
    %get3A_47 = arith.constant 0 : index
    %get3A_48 = arith.constant 0 : index
    %get3A_49 = arith.constant 0 : index
    %get3A_50 = vector.load %arg11[%get3A_47, %get3A_48, %get3A_49] : memref<1x1x1024xi32, #tpu.memory_space<vmem>>, vector<1x1x1024xi32>
    %get3A_51 = vector.shape_cast %get3A_50 : vector<1x1x1024xi32> to vector<1024xi32>
    %broadcast_in_dim3A_52 = vector.shape_cast %get3A_51 : vector<1024xi32> to vector<1024x1xi32>
    %iota3A = tpu.iota {dimensions = array<i32: 1>} : vector<1024x8xi32>
    %eq3A = vector.broadcast %broadcast_in_dim3A_52 : vector<1024x1xi32> to vector<1024x8xi32>
    %eq3A_53 = arith.cmpi eq, %eq3A, %iota3A : vector<1024x8xi32>
    %convert_element_type3A = arith.extui %eq3A_53 : vector<1024x8xi1> to vector<1024x8xi32>
    %convert_element_type3A_54 = arith.sitofp %convert_element_type3A : vector<1024x8xi32> to vector<1024x8xf32>
    %get3A_55 = arith.constant 0 : index
    %get3A_56 = arith.constant 0 : index
    %get3A_57 = vector.load %arg8[%get3A_55, %get3A_56] : memref<256x1024xf32, #tpu.memory_space<vmem>>, vector<256x1024xf32>
    %dot_general3A_58 = arith.constant dense<0.000000e+00> : vector<1024x1024xf32>
    %dot_general3A_59 = tpu.matmul %concatenate3A, %get3A_57, %dot_general3A_58 {dimension_numbers = #tpu.dot_dimension_numbers<[1], [0], [0], [1], [0, 0, 1, 1], [], []>, transpose_lhs_hint = false} : vector<1024x256xf32>, vector<256x1024xf32>, vector<1024x1024xf32> -> vector<1024x1024xf32>
    %get3A_60 = arith.constant 0 : index
    %get3A_61 = arith.constant 0 : index
    %get3A_62 = vector.load %arg9[%get3A_60, %get3A_61] : memref<8x1024xf32, #tpu.memory_space<vmem>>, vector<8x1024xf32>
    %dot_general3A_63 = arith.constant dense<0.000000e+00> : vector<1024x1024xf32>
    %dot_general3A_64 = tpu.matmul %convert_element_type3A_54, %get3A_62, %dot_general3A_63 {dimension_numbers = #tpu.dot_dimension_numbers<[1], [0], [0], [1], [0, 0, 1, 1], [], []>, transpose_lhs_hint = false} : vector<1024x8xf32>, vector<8x1024xf32>, vector<1024x1024xf32> -> vector<1024x1024xf32>
    %add3A_65 = arith.addf %dot_general3A_59, %dot_general3A_64 : vector<1024x1024xf32>
    %get3A_66 = arith.constant 0 : index
    %get3A_67 = vector.load %arg10[%get3A_66] : memref<1024xf32, #tpu.memory_space<vmem>>, vector<1024xf32>
    %broadcast_in_dim3A_68 = vector.shape_cast %get3A_67 : vector<1024xf32> to vector<1x1024xf32>
    %add3A_69 = vector.broadcast %broadcast_in_dim3A_68 : vector<1x1024xf32> to vector<1024x1024xf32>
    %add3A_70 = arith.addf %add3A_65, %add3A_69 : vector<1024x1024xf32>
    %slice3A = vector.extract_strided_slice %add3A_70 {offsets = [0, 0], sizes = [1024, 512], strides = [1, 1]} : vector<1024x1024xf32> to vector<1024x512xf32>
    %bitcast_convert_type3A = tpu.bitcast %slice3A : vector<1024x512xf32> -> vector<1024x512xi32>
    %add3A_71 = arith.constant 32767 : i32
    %add3A_72 = vector.broadcast %add3A_71 : i32 to vector<1024x512xi32>
    %add3A_73 = arith.addi %bitcast_convert_type3A, %add3A_72 : vector<1024x512xi32>
    %shift_right_logical3A = arith.constant 16 : i32
    %shift_right_logical3A_74 = vector.broadcast %shift_right_logical3A : i32 to vector<1024x512xi32>
    %shift_right_logical3A_75 = arith.shrui %bitcast_convert_type3A, %shift_right_logical3A_74 : vector<1024x512xi32>
    %and3A = arith.constant 1 : i32
    %and3A_76 = vector.broadcast %and3A : i32 to vector<1024x512xi32>
    %and3A_77 = arith.andi %shift_right_logical3A_75, %and3A_76 : vector<1024x512xi32>
    %add3A_78 = arith.addi %add3A_73, %and3A_77 : vector<1024x512xi32>
    %shift_right_logical3A_79 = arith.constant 16 : i32
    %shift_right_logical3A_80 = vector.broadcast %shift_right_logical3A_79 : i32 to vector<1024x512xi32>
    %shift_right_logical3A_81 = arith.shrui %add3A_78, %shift_right_logical3A_80 : vector<1024x512xi32>
    %slice3A_82 = vector.extract_strided_slice %add3A_70 {offsets = [0, 512], sizes = [1024, 512], strides = [1, 1]} : vector<1024x1024xf32> to vector<1024x512xf32>
    %bitcast_convert_type3A_83 = tpu.bitcast %slice3A_82 : vector<1024x512xf32> -> vector<1024x512xi32>
    %add3A_84 = arith.constant 32767 : i32
    %add3A_85 = vector.broadcast %add3A_84 : i32 to vector<1024x512xi32>
    %add3A_86 = arith.addi %bitcast_convert_type3A_83, %add3A_85 : vector<1024x512xi32>
    %shift_right_logical3A_87 = arith.constant 16 : i32
    %shift_right_logical3A_88 = vector.broadcast %shift_right_logical3A_87 : i32 to vector<1024x512xi32>
    %shift_right_logical3A_89 = arith.shrui %bitcast_convert_type3A_83, %shift_right_logical3A_88 : vector<1024x512xi32>
    %and3A_90 = arith.constant 1 : i32
    %and3A_91 = vector.broadcast %and3A_90 : i32 to vector<1024x512xi32>
    %and3A_92 = arith.andi %shift_right_logical3A_89, %and3A_91 : vector<1024x512xi32>
    %add3A_93 = arith.addi %add3A_86, %and3A_92 : vector<1024x512xi32>
    %shift_right_logical3A_94 = arith.constant 16 : i32
    %shift_right_logical3A_95 = vector.broadcast %shift_right_logical3A_94 : i32 to vector<1024x512xi32>
    %shift_right_logical3A_96 = arith.shrui %add3A_93, %shift_right_logical3A_95 : vector<1024x512xi32>
    %shift_left3A = arith.constant 16 : i32
    %shift_left3A_97 = vector.broadcast %shift_left3A : i32 to vector<1024x512xi32>
    %shift_left3A_98 = arith.shli %shift_right_logical3A_96, %shift_left3A_97 : vector<1024x512xi32>
    %or3A = arith.ori %shift_right_logical3A_81, %shift_left3A_98 : vector<1024x512xi32>
    %bitcast_convert_type3A_99 = tpu.bitcast %or3A : vector<1024x512xi32> -> vector<1024x512xi32>
    %swap3A = arith.constant 0 : index
    %swap3A_100 = arith.constant 0 : index
    %swap3A_101 = vector.load %arg12[%swap3A, %swap3A_100] : memref<1024x512xi32, #tpu.memory_space<vmem>>, vector<1024x512xi32>
    tpu.vector_store %arg12[%swap3A, %swap3A_100], %bitcast_convert_type3A_99 {strides = array<i32>} : memref<1024x512xi32, #tpu.memory_space<vmem>>, vector<1024x512xi32>,
    return
  }
  func.func @transform_0(%arg0: i32) -> (i32, i32) {
    %c0_i32 = arith.constant 0 : i32
    %c0_i32_0 = arith.constant 0 : i32
    return %arg0, %c0_i32 : i32, i32
  }
  func.func @transform_1(%arg0: i32) -> (i32, i32) {
    %c0_i32 = arith.constant 0 : i32
    %c0_i32_0 = arith.constant 0 : i32
    %c0_i32_1 = arith.constant 0 : i32
    return %c0_i32, %c0_i32_0 : i32, i32
  }
  func.func @transform_2(%arg0: i32) -> i32 {
    %c0_i32 = arith.constant 0 : i32
    %c0_i32_0 = arith.constant 0 : i32
    return %c0_i32 : i32
  }
  func.func @transform_3(%arg0: i32) -> (i32, i32) {
    %c0_i32 = arith.constant 0 : i32
    %c0_i32_0 = arith.constant 0 : i32
    %c0_i32_1 = arith.constant 0 : i32
    return %c0_i32, %c0_i32_0 : i32, i32
  }
  func.func @transform_4(%arg0: i32) -> i32 {
    %c0_i32 = arith.constant 0 : i32
    %c0_i32_0 = arith.constant 0 : i32
    return %c0_i32 : i32
  }
  func.func @transform_5(%arg0: i32) -> i32 {
    %c0_i32 = arith.constant 0 : i32
    %c0_i32_0 = arith.constant 0 : i32
    return %c0_i32 : i32
  }
  func.func @transform_6(%arg0: i32) -> i32 {
    %c0_i32 = arith.constant 0 : i32
    %c0_i32_0 = arith.constant 0 : i32
    return %c0_i32 : i32
  }
  func.func @transform_7(%arg0: i32) -> (i32, i32) {
    %c8_i32 = arith.constant 8 : i32
    %c0_i32 = arith.constant 0 : i32
    %c0_i32_0 = arith.constant 0 : i32
    return %c8_i32, %c0_i32 : i32, i32
  }
  func.func @transform_8(%arg0: i32) -> (i32, i32) {
    %c0_i32 = arith.constant 0 : i32
    %c0_i32_0 = arith.constant 0 : i32
    %c0_i32_1 = arith.constant 0 : i32
    return %c0_i32, %c0_i32_0 : i32, i32
  }
  func.func @transform_9(%arg0: i32) -> i32 {
    %c0_i32 = arith.constant 0 : i32
    %c0_i32_0 = arith.constant 0 : i32
    return %c0_i32 : i32
  }
  func.func @transform_10(%arg0: i32) -> (i32, i32, i32) {
    %c0_i32 = arith.constant 0 : i32
    %c0_i32_0 = arith.constant 0 : i32
    %c0_i32_1 = arith.constant 0 : i32
    return %arg0, %c0_i32, %c0_i32_0 : i32, i32, i32
  }
  func.func @transform_11(%arg0: i32) -> (i32, i32) {
    %c0_i32 = arith.constant 0 : i32
    %c0_i32_0 = arith.constant 0 : i32
    return %arg0, %c0_i32 : i32, i32
  }
}

module attributes {stable_mosaic.version = 14 : i64} {
  func.func @_node_tail_body(%arg0: i32, %arg1: memref<256x1024xf32, #tpu.memory_space<vmem>>, %arg2: memref<256x512xf32, #tpu.memory_space<vmem>>, %arg3: memref<512x1024xf32, #tpu.memory_space<vmem>>, %arg4: memref<8x1024xf32, #tpu.memory_space<vmem>>, %arg5: memref<1x1x256xi32, #tpu.memory_space<vmem>>, %arg6: memref<1024xf32, #tpu.memory_space<vmem>>, %arg7: memref<1024x512xf32, #tpu.memory_space<vmem>>, %arg8: memref<512xf32, #tpu.memory_space<vmem>>, %arg9: memref<512xf32, #tpu.memory_space<vmem>>, %arg10: memref<512xf32, #tpu.memory_space<vmem>>, %arg11: memref<8x512xf32, #tpu.memory_space<vmem>>, %arg12: memref<8x512xf32, #tpu.memory_space<vmem>>, %arg13: memref<1280x512xf32, #tpu.memory_space<vmem>>, %arg14: memref<512xf32, #tpu.memory_space<vmem>>, %arg15: memref<512x256xf32, #tpu.memory_space<vmem>>, %arg16: memref<256xf32, #tpu.memory_space<vmem>>, %arg17: memref<256xf32, #tpu.memory_space<vmem>>, %arg18: memref<256xf32, #tpu.memory_space<vmem>>, %arg19: memref<256x512xf32, #tpu.memory_space<vmem>>, %arg20: memref<8x512xf32, #tpu.memory_space<vmem>>, %arg21: memref<8x256xf32, #tpu.memory_space<vmem>>) attributes {dimension_semantics = [#tpu.dimension_semantics<arbitrary>], iteration_bounds = array<i64: 8>, scalar_prefetch = 0 : i64, scratch_operands = 0 : i64, tpu.core_type = #tpu.core_type<tc>, window_params = [{transform_indices = @transform_0, window_bounds = array<i64: 256, 1024>}, {transform_indices = @transform_1, window_bounds = array<i64: 256, 512>}, {transform_indices = @transform_2, window_bounds = array<i64: 512, 1024>}, {pipeline_mode = #tpu.pipeline_mode<synchronous>, transform_indices = @transform_3, window_bounds = array<i64: 8, 1024>}, {transform_indices = @transform_4, window_bounds = array<i64: 1, 1, 256>}, {pipeline_mode = #tpu.pipeline_mode<synchronous>, transform_indices = @transform_5, window_bounds = array<i64: 1024>}, {pipeline_mode = #tpu.pipeline_mode<synchronous>, transform_indices = @transform_6, window_bounds = array<i64: 1024, 512>}, {pipeline_mode = #tpu.pipeline_mode<synchronous>, transform_indices = @transform_7, window_bounds = array<i64: 512>}, {pipeline_mode = #tpu.pipeline_mode<synchronous>, transform_indices = @transform_8, window_bounds = array<i64: 512>}, {pipeline_mode = #tpu.pipeline_mode<synchronous>, transform_indices = @transform_9, window_bounds = array<i64: 512>}, {pipeline_mode = #tpu.pipeline_mode<synchronous>, transform_indices = @transform_10, window_bounds = array<i64: 8, 512>}, {pipeline_mode = #tpu.pipeline_mode<synchronous>, transform_indices = @transform_11, window_bounds = array<i64: 8, 512>}, {pipeline_mode = #tpu.pipeline_mode<synchronous>, transform_indices = @transform_12, window_bounds = array<i64: 1280, 512>}, {pipeline_mode = #tpu.pipeline_mode<synchronous>, transform_indices = @transform_13, window_bounds = array<i64: 512>}, {pipeline_mode = #tpu.pipeline_mode<synchronous>, transform_indices = @transform_14, window_bounds = array<i64: 512, 256>}, {pipeline_mode = #tpu.pipeline_mode<synchronous>, transform_indices = @transform_15, window_bounds = array<i64: 256>}, {pipeline_mode = #tpu.pipeline_mode<synchronous>, transform_indices = @transform_16, window_bounds = array<i64: 256>}, {pipeline_mode = #tpu.pipeline_mode<synchronous>, transform_indices = @transform_17, window_bounds = array<i64: 256>}, {transform_indices = @transform_18, window_bounds = array<i64: 256, 512>}, {pipeline_mode = #tpu.pipeline_mode<synchronous>, transform_indices = @transform_19, window_bounds = array<i64: 8, 512>}, {pipeline_mode = #tpu.pipeline_mode<synchronous>, transform_indices = @transform_20, window_bounds = array<i64: 8, 256>}]} {
    %get3A = arith.constant 0 : index
    %get3A_0 = arith.constant 0 : index
    %get3A_1 = vector.load %arg2[%get3A, %get3A_0] : memref<256x512xf32, #tpu.memory_space<vmem>>, vector<256x512xf32>
    %get3A_2 = arith.constant 0 : index
    %get3A_3 = arith.constant 0 : index
    %get3A_4 = arith.constant 0 : index
    %get3A_5 = vector.load %arg5[%get3A_2, %get3A_3, %get3A_4] : memref<1x1x256xi32, #tpu.memory_space<vmem>>, vector<1x1x256xi32>
    %get3A_6 = vector.shape_cast %get3A_5 : vector<1x1x256xi32> to vector<256xi32>
    %broadcast_in_dim3A = vector.shape_cast %get3A_6 : vector<256xi32> to vector<256x1xi32>
    %iota3A = tpu.iota {dimensions = array<i32: 1>} : vector<256x8xi32>
    %eq3A = vector.broadcast %broadcast_in_dim3A : vector<256x1xi32> to vector<256x8xi32>
    %eq3A_7 = arith.cmpi eq, %eq3A, %iota3A : vector<256x8xi32>
    %convert_element_type3A = arith.extui %eq3A_7 : vector<256x8xi1> to vector<256x8xi32>
    %convert_element_type3A_8 = arith.sitofp %convert_element_type3A : vector<256x8xi32> to vector<256x8xf32>
    %get3A_9 = arith.constant 0 : index
    %get3A_10 = arith.constant 0 : index
    %get3A_11 = vector.load %arg1[%get3A_9, %get3A_10] : memref<256x1024xf32, #tpu.memory_space<vmem>>, vector<256x1024xf32>
    %get3A_12 = arith.constant 0 : index
    %get3A_13 = arith.constant 0 : index
    %get3A_14 = vector.load %arg3[%get3A_12, %get3A_13] : memref<512x1024xf32, #tpu.memory_space<vmem>>, vector<512x1024xf32>
    %dot_general3A = arith.constant dense<0.000000e+00> : vector<256x1024xf32>
    %dot_general3A_15 = tpu.matmul %get3A_1, %get3A_14, %dot_general3A {dimension_numbers = #tpu.dot_dimension_numbers<[1], [0], [0], [1], [0, 0, 1, 1], [], []>, transpose_lhs_hint = false} : vector<256x512xf32>, vector<512x1024xf32>, vector<256x1024xf32> -> vector<256x1024xf32>
    %add3A = arith.addf %get3A_11, %dot_general3A_15 : vector<256x1024xf32>
    %get3A_16 = arith.constant 0 : index
    %get3A_17 = arith.constant 0 : index
    %get3A_18 = vector.load %arg4[%get3A_16, %get3A_17] : memref<8x1024xf32, #tpu.memory_space<vmem>>, vector<8x1024xf32>
    %dot_general3A_19 = arith.constant dense<0.000000e+00> : vector<256x1024xf32>
    %dot_general3A_20 = tpu.matmul %convert_element_type3A_8, %get3A_18, %dot_general3A_19 {dimension_numbers = #tpu.dot_dimension_numbers<[1], [0], [0], [1], [0, 0, 1, 1], [], []>, transpose_lhs_hint = false} : vector<256x8xf32>, vector<8x1024xf32>, vector<256x1024xf32> -> vector<256x1024xf32>
    %add3A_21 = arith.addf %add3A, %dot_general3A_20 : vector<256x1024xf32>
    %get3A_22 = arith.constant 0 : index
    %get3A_23 = vector.load %arg6[%get3A_22] : memref<1024xf32, #tpu.memory_space<vmem>>, vector<1024xf32>
    %broadcast_in_dim3A_24 = vector.shape_cast %get3A_23 : vector<1024xf32> to vector<1x1024xf32>
    %add3A_25 = vector.broadcast %broadcast_in_dim3A_24 : vector<1x1024xf32> to vector<256x1024xf32>
    %add3A_26 = arith.addf %add3A_21, %add3A_25 : vector<256x1024xf32>
    %max3A = arith.constant 0.000000e+00 : f32
    %max3A_27 = vector.broadcast %max3A : f32 to vector<256x1024xf32>
    %max3A_28 = arith.maximumf %add3A_26, %max3A_27 : vector<256x1024xf32>
    %get3A_29 = arith.constant 0 : index
    %get3A_30 = arith.constant 0 : index
    %get3A_31 = vector.load %arg7[%get3A_29, %get3A_30] : memref<1024x512xf32, #tpu.memory_space<vmem>>, vector<1024x512xf32>
    %dot_general3A_32 = arith.constant dense<0.000000e+00> : vector<256x512xf32>
    %dot_general3A_33 = tpu.matmul %max3A_28, %get3A_31, %dot_general3A_32 {dimension_numbers = #tpu.dot_dimension_numbers<[1], [0], [0], [1], [0, 0, 1, 1], [], []>, transpose_lhs_hint = false} : vector<256x1024xf32>, vector<1024x512xf32>, vector<256x512xf32> -> vector<256x512xf32>
    %get3A_34 = arith.constant 0 : index
    %get3A_35 = vector.load %arg8[%get3A_34] : memref<512xf32, #tpu.memory_space<vmem>>, vector<512xf32>
    %broadcast_in_dim3A_36 = vector.shape_cast %get3A_35 : vector<512xf32> to vector<1x512xf32>
    %add3A_37 = vector.broadcast %broadcast_in_dim3A_36 : vector<1x512xf32> to vector<256x512xf32>
    %add3A_38 = arith.addf %dot_general3A_33, %add3A_37 : vector<256x512xf32>
    %get3A_39 = arith.constant 0 : index
    %get3A_40 = vector.load %arg9[%get3A_39] : memref<512xf32, #tpu.memory_space<vmem>>, vector<512xf32>
    %get3A_41 = arith.constant 0 : index
    %get3A_42 = vector.load %arg10[%get3A_41] : memref<512xf32, #tpu.memory_space<vmem>>, vector<512xf32>
    %reduce_sum3A = arith.constant dense<0.000000e+00> : vector<256xf32>
    %reduce_sum3A_43 = vector.multi_reduction <add>, %add3A_38, %reduce_sum3A [1] : vector<256x512xf32> to vector<256xf32>
    %broadcast_in_dim3A_44 = vector.shape_cast %reduce_sum3A_43 : vector<256xf32> to vector<256x1xf32>
    %div3A = arith.constant 5.120000e+02 : f32
    %div3A_45 = vector.broadcast %div3A : f32 to vector<256x1xf32>
    %div3A_46 = arith.divf %broadcast_in_dim3A_44, %div3A_45 : vector<256x1xf32>
    %sub3A = vector.broadcast %div3A_46 : vector<256x1xf32> to vector<256x512xf32>
    %sub3A_47 = arith.subf %add3A_38, %sub3A : vector<256x512xf32>
    %mul3A = arith.mulf %sub3A_47, %sub3A_47 : vector<256x512xf32>
    %reduce_sum3A_48 = arith.constant dense<0.000000e+00> : vector<256xf32>
    %reduce_sum3A_49 = vector.multi_reduction <add>, %mul3A, %reduce_sum3A_48 [1] : vector<256x512xf32> to vector<256xf32>
    %broadcast_in_dim3A_50 = vector.shape_cast %reduce_sum3A_49 : vector<256xf32> to vector<256x1xf32>
    %div3A_51 = arith.constant 5.120000e+02 : f32
    %div3A_52 = vector.broadcast %div3A_51 : f32 to vector<256x1xf32>
    %div3A_53 = arith.divf %broadcast_in_dim3A_50, %div3A_52 : vector<256x1xf32>
    %add3A_54 = arith.constant 9.99999974E-6 : f32
    %add3A_55 = vector.broadcast %add3A_54 : f32 to vector<256x1xf32>
    %add3A_56 = arith.addf %div3A_53, %add3A_55 : vector<256x1xf32>
    %rsqrt3A = math.rsqrt %add3A_56 : vector<256x1xf32>
    %mul3A_57 = vector.broadcast %rsqrt3A : vector<256x1xf32> to vector<256x512xf32>
    %mul3A_58 = arith.mulf %sub3A_47, %mul3A_57 : vector<256x512xf32>
    %broadcast_in_dim3A_59 = vector.shape_cast %get3A_40 : vector<512xf32> to vector<1x512xf32>
    %mul3A_60 = vector.broadcast %broadcast_in_dim3A_59 : vector<1x512xf32> to vector<256x512xf32>
    %mul3A_61 = arith.mulf %mul3A_58, %mul3A_60 : vector<256x512xf32>
    %broadcast_in_dim3A_62 = vector.shape_cast %get3A_42 : vector<512xf32> to vector<1x512xf32>
    %add3A_63 = vector.broadcast %broadcast_in_dim3A_62 : vector<1x512xf32> to vector<256x512xf32>
    %add3A_64 = arith.addf %mul3A_61, %add3A_63 : vector<256x512xf32>
    %swap3A = arith.constant 0 : index
    %swap3A_65 = arith.constant 0 : index
    %swap3A_66 = vector.load %arg19[%swap3A, %swap3A_65] : memref<256x512xf32, #tpu.memory_space<vmem>>, vector<256x512xf32>
    tpu.vector_store %arg19[%swap3A, %swap3A_65], %add3A_64 {strides = array<i32>} : memref<256x512xf32, #tpu.memory_space<vmem>>, vector<256x512xf32>,
    %dot_general3A_67 = arith.constant dense<0.000000e+00> : vector<8x512xf32>
    %dot_general3A_68 = tpu.matmul %convert_element_type3A_8, %add3A_64, %dot_general3A_67 {dimension_numbers = #tpu.dot_dimension_numbers<[0], [0], [1], [1], [0, 1, 1, 1], [], []>, transpose_lhs_hint = false} : vector<256x8xf32>, vector<256x512xf32>, vector<8x512xf32> -> vector<8x512xf32>
    %eq3A_69 = arith.constant 0 : i32
    %eq3A_70 = arith.cmpi eq, %arg0, %eq3A_69 : i32
    %convert_element_type3A_71 = arith.extui %eq3A_70 : i1 to i32
    %cond3A = arith.constant 0 : i32
    %cond3A_72 = arith.cmpi ne, %convert_element_type3A_71, %cond3A : i32
    scf.if %cond3A_72 {
      %broadcast_in_dim3A_85 = arith.constant 0.000000e+00 : f32
      %broadcast_in_dim3A_86 = vector.broadcast %broadcast_in_dim3A_85 : f32 to vector<8x512xf32>
      %swap3A_87 = arith.constant 0 : index
      %swap3A_88 = arith.constant 0 : index
      %swap3A_89 = vector.load %arg20[%swap3A_87, %swap3A_88] : memref<8x512xf32, #tpu.memory_space<vmem>>, vector<8x512xf32>
      tpu.vector_store %arg20[%swap3A_87, %swap3A_88], %broadcast_in_dim3A_86 {strides = array<i32>} : memref<8x512xf32, #tpu.memory_space<vmem>>, vector<8x512xf32>,
    } else {
    }
    %get3A_73 = arith.constant 0 : index
    %get3A_74 = arith.constant 0 : index
    %get3A_75 = vector.load %arg20[%get3A_73, %get3A_74] : memref<8x512xf32, #tpu.memory_space<vmem>>, vector<8x512xf32>
    %add3A_76 = arith.addf %get3A_75, %dot_general3A_68 : vector<8x512xf32>
    %swap3A_77 = arith.constant 0 : index
    %swap3A_78 = arith.constant 0 : index
    %swap3A_79 = vector.load %arg20[%swap3A_77, %swap3A_78] : memref<8x512xf32, #tpu.memory_space<vmem>>, vector<8x512xf32>
    tpu.vector_store %arg20[%swap3A_77, %swap3A_78], %add3A_76 {strides = array<i32>} : memref<8x512xf32, #tpu.memory_space<vmem>>, vector<8x512xf32>,
    %eq3A_80 = arith.constant 7 : i32
    %eq3A_81 = arith.cmpi eq, %arg0, %eq3A_80 : i32
    %convert_element_type3A_82 = arith.extui %eq3A_81 : i1 to i32
    %cond3A_83 = arith.constant 0 : i32
    %cond3A_84 = arith.cmpi ne, %convert_element_type3A_82, %cond3A_83 : i32
    scf.if %cond3A_84 {
      %get3A_85 = arith.constant 256 : index
      %get3A_86 = arith.constant 0 : index
      %get3A_87 = vector.load %arg13[%get3A_85, %get3A_86] : memref<1280x512xf32, #tpu.memory_space<vmem>>, vector<512x512xf32>
      %get3A_88 = arith.constant 768 : index
      %get3A_89 = arith.constant 0 : index
      %get3A_90 = vector.load %arg13[%get3A_88, %get3A_89] : memref<1280x512xf32, #tpu.memory_space<vmem>>, vector<512x512xf32>
      %get3A_91 = arith.constant 0 : index
      %get3A_92 = arith.constant 0 : index
      %get3A_93 = vector.load %arg11[%get3A_91, %get3A_92] : memref<8x512xf32, #tpu.memory_space<vmem>>, vector<8x512xf32>
      %get3A_94 = arith.constant 0 : index
      %get3A_95 = arith.constant 0 : index
      %get3A_96 = vector.load %arg20[%get3A_94, %get3A_95] : memref<8x512xf32, #tpu.memory_space<vmem>>, vector<8x512xf32>
      %dot_general3A_97 = arith.constant dense<0.000000e+00> : vector<8x512xf32>
      %dot_general3A_98 = tpu.matmul %get3A_96, %get3A_87, %dot_general3A_97 {dimension_numbers = #tpu.dot_dimension_numbers<[1], [0], [0], [1], [0, 0, 1, 1], [], []>, transpose_lhs_hint = false} : vector<8x512xf32>, vector<512x512xf32>, vector<8x512xf32> -> vector<8x512xf32>
      %add3A_99 = arith.addf %get3A_93, %dot_general3A_98 : vector<8x512xf32>
      %get3A_100 = arith.constant 0 : index
      %get3A_101 = arith.constant 0 : index
      %get3A_102 = vector.load %arg12[%get3A_100, %get3A_101] : memref<8x512xf32, #tpu.memory_space<vmem>>, vector<8x512xf32>
      %dot_general3A_103 = arith.constant dense<0.000000e+00> : vector<8x512xf32>
      %dot_general3A_104 = tpu.matmul %get3A_102, %get3A_90, %dot_general3A_103 {dimension_numbers = #tpu.dot_dimension_numbers<[1], [0], [0], [1], [0, 0, 1, 1], [], []>, transpose_lhs_hint = false} : vector<8x512xf32>, vector<512x512xf32>, vector<8x512xf32> -> vector<8x512xf32>
      %add3A_105 = arith.addf %add3A_99, %dot_general3A_104 : vector<8x512xf32>
      %get3A_106 = arith.constant 0 : index
      %get3A_107 = vector.load %arg14[%get3A_106] : memref<512xf32, #tpu.memory_space<vmem>>, vector<512xf32>
      %broadcast_in_dim3A_108 = vector.shape_cast %get3A_107 : vector<512xf32> to vector<1x512xf32>
      %add3A_109 = vector.broadcast %broadcast_in_dim3A_108 : vector<1x512xf32> to vector<8x512xf32>
      %add3A_110 = arith.addf %add3A_105, %add3A_109 : vector<8x512xf32>
      %max3A_111 = arith.constant 0.000000e+00 : f32
      %max3A_112 = vector.broadcast %max3A_111 : f32 to vector<8x512xf32>
      %max3A_113 = arith.maximumf %add3A_110, %max3A_112 : vector<8x512xf32>
      %get3A_114 = arith.constant 0 : index
      %get3A_115 = arith.constant 0 : index
      %get3A_116 = vector.load %arg15[%get3A_114, %get3A_115] : memref<512x256xf32, #tpu.memory_space<vmem>>, vector<512x256xf32>
      %dot_general3A_117 = arith.constant dense<0.000000e+00> : vector<8x256xf32>
      %dot_general3A_118 = tpu.matmul %max3A_113, %get3A_116, %dot_general3A_117 {dimension_numbers = #tpu.dot_dimension_numbers<[1], [0], [0], [1], [0, 0, 1, 1], [], []>, transpose_lhs_hint = false} : vector<8x512xf32>, vector<512x256xf32>, vector<8x256xf32> -> vector<8x256xf32>
      %get3A_119 = arith.constant 0 : index
      %get3A_120 = vector.load %arg16[%get3A_119] : memref<256xf32, #tpu.memory_space<vmem>>, vector<256xf32>
      %broadcast_in_dim3A_121 = vector.shape_cast %get3A_120 : vector<256xf32> to vector<1x256xf32>
      %add3A_122 = vector.broadcast %broadcast_in_dim3A_121 : vector<1x256xf32> to vector<8x256xf32>
      %add3A_123 = arith.addf %dot_general3A_118, %add3A_122 : vector<8x256xf32>
      %get3A_124 = arith.constant 0 : index
      %get3A_125 = vector.load %arg17[%get3A_124] : memref<256xf32, #tpu.memory_space<vmem>>, vector<256xf32>
      %get3A_126 = arith.constant 0 : index
      %get3A_127 = vector.load %arg18[%get3A_126] : memref<256xf32, #tpu.memory_space<vmem>>, vector<256xf32>
      %reduce_sum3A_128 = arith.constant dense<0.000000e+00> : vector<8xf32>
      %reduce_sum3A_129 = vector.multi_reduction <add>, %add3A_123, %reduce_sum3A_128 [1] : vector<8x256xf32> to vector<8xf32>
      %broadcast_in_dim3A_130 = vector.shape_cast %reduce_sum3A_129 : vector<8xf32> to vector<8x1xf32>
      %div3A_131 = arith.constant 2.560000e+02 : f32
      %div3A_132 = vector.broadcast %div3A_131 : f32 to vector<8x1xf32>
      %div3A_133 = arith.divf %broadcast_in_dim3A_130, %div3A_132 : vector<8x1xf32>
      %sub3A_134 = vector.broadcast %div3A_133 : vector<8x1xf32> to vector<8x256xf32>
      %sub3A_135 = arith.subf %add3A_123, %sub3A_134 : vector<8x256xf32>
      %mul3A_136 = arith.mulf %sub3A_135, %sub3A_135 : vector<8x256xf32>
      %reduce_sum3A_137 = arith.constant dense<0.000000e+00> : vector<8xf32>
      %reduce_sum3A_138 = vector.multi_reduction <add>, %mul3A_136, %reduce_sum3A_137 [1] : vector<8x256xf32> to vector<8xf32>
      %broadcast_in_dim3A_139 = vector.shape_cast %reduce_sum3A_138 : vector<8xf32> to vector<8x1xf32>
      %div3A_140 = arith.constant 2.560000e+02 : f32
      %div3A_141 = vector.broadcast %div3A_140 : f32 to vector<8x1xf32>
      %div3A_142 = arith.divf %broadcast_in_dim3A_139, %div3A_141 : vector<8x1xf32>
      %add3A_143 = arith.constant 9.99999974E-6 : f32
      %add3A_144 = vector.broadcast %add3A_143 : f32 to vector<8x1xf32>
      %add3A_145 = arith.addf %div3A_142, %add3A_144 : vector<8x1xf32>
      %rsqrt3A_146 = math.rsqrt %add3A_145 : vector<8x1xf32>
      %mul3A_147 = vector.broadcast %rsqrt3A_146 : vector<8x1xf32> to vector<8x256xf32>
      %mul3A_148 = arith.mulf %sub3A_135, %mul3A_147 : vector<8x256xf32>
      %broadcast_in_dim3A_149 = vector.shape_cast %get3A_125 : vector<256xf32> to vector<1x256xf32>
      %mul3A_150 = vector.broadcast %broadcast_in_dim3A_149 : vector<1x256xf32> to vector<8x256xf32>
      %mul3A_151 = arith.mulf %mul3A_148, %mul3A_150 : vector<8x256xf32>
      %broadcast_in_dim3A_152 = vector.shape_cast %get3A_127 : vector<256xf32> to vector<1x256xf32>
      %add3A_153 = vector.broadcast %broadcast_in_dim3A_152 : vector<1x256xf32> to vector<8x256xf32>
      %add3A_154 = arith.addf %mul3A_151, %add3A_153 : vector<8x256xf32>
      %swap3A_155 = arith.constant 0 : index
      %swap3A_156 = arith.constant 0 : index
      %swap3A_157 = vector.load %arg21[%swap3A_155, %swap3A_156] : memref<8x256xf32, #tpu.memory_space<vmem>>, vector<8x256xf32>
      tpu.vector_store %arg21[%swap3A_155, %swap3A_156], %add3A_154 {strides = array<i32>} : memref<8x256xf32, #tpu.memory_space<vmem>>, vector<8x256xf32>,
    } else {
    }
    return
  }
  func.func @transform_0(%arg0: i32) -> (i32, i32) {
    %c0_i32 = arith.constant 0 : i32
    %c0_i32_0 = arith.constant 0 : i32
    return %arg0, %c0_i32 : i32, i32
  }
  func.func @transform_1(%arg0: i32) -> (i32, i32) {
    %c0_i32 = arith.constant 0 : i32
    %c0_i32_0 = arith.constant 0 : i32
    return %arg0, %c0_i32 : i32, i32
  }
  func.func @transform_2(%arg0: i32) -> (i32, i32) {
    %c2_i32 = arith.constant 2 : i32
    %c0_i32 = arith.constant 0 : i32
    %c0_i32_0 = arith.constant 0 : i32
    return %c2_i32, %c0_i32 : i32, i32
  }
  func.func @transform_3(%arg0: i32) -> (i32, i32) {
    %c0_i32 = arith.constant 0 : i32
    %c0_i32_0 = arith.constant 0 : i32
    %c0_i32_1 = arith.constant 0 : i32
    return %c0_i32, %c0_i32_0 : i32, i32
  }
  func.func @transform_4(%arg0: i32) -> (i32, i32, i32) {
    %c0_i32 = arith.constant 0 : i32
    %c0_i32_0 = arith.constant 0 : i32
    %c0_i32_1 = arith.constant 0 : i32
    return %arg0, %c0_i32, %c0_i32_0 : i32, i32, i32
  }
  func.func @transform_5(%arg0: i32) -> i32 {
    %c0_i32 = arith.constant 0 : i32
    %c0_i32_0 = arith.constant 0 : i32
    return %c0_i32 : i32
  }
  func.func @transform_6(%arg0: i32) -> (i32, i32) {
    %c0_i32 = arith.constant 0 : i32
    %c0_i32_0 = arith.constant 0 : i32
    %c0_i32_1 = arith.constant 0 : i32
    return %c0_i32, %c0_i32_0 : i32, i32
  }
  func.func @transform_7(%arg0: i32) -> i32 {
    %c0_i32 = arith.constant 0 : i32
    %c0_i32_0 = arith.constant 0 : i32
    return %c0_i32 : i32
  }
  func.func @transform_8(%arg0: i32) -> i32 {
    %c0_i32 = arith.constant 0 : i32
    %c0_i32_0 = arith.constant 0 : i32
    return %c0_i32 : i32
  }
  func.func @transform_9(%arg0: i32) -> i32 {
    %c0_i32 = arith.constant 0 : i32
    %c0_i32_0 = arith.constant 0 : i32
    return %c0_i32 : i32
  }
  func.func @transform_10(%arg0: i32) -> (i32, i32) {
    %c0_i32 = arith.constant 0 : i32
    %c0_i32_0 = arith.constant 0 : i32
    %c0_i32_1 = arith.constant 0 : i32
    return %c0_i32, %c0_i32_0 : i32, i32
  }
  func.func @transform_11(%arg0: i32) -> (i32, i32) {
    %c0_i32 = arith.constant 0 : i32
    %c0_i32_0 = arith.constant 0 : i32
    %c0_i32_1 = arith.constant 0 : i32
    return %c0_i32, %c0_i32_0 : i32, i32
  }
  func.func @transform_12(%arg0: i32) -> (i32, i32) {
    %c0_i32 = arith.constant 0 : i32
    %c0_i32_0 = arith.constant 0 : i32
    %c0_i32_1 = arith.constant 0 : i32
    return %c0_i32, %c0_i32_0 : i32, i32
  }
  func.func @transform_13(%arg0: i32) -> i32 {
    %c0_i32 = arith.constant 0 : i32
    %c0_i32_0 = arith.constant 0 : i32
    return %c0_i32 : i32
  }
  func.func @transform_14(%arg0: i32) -> (i32, i32) {
    %c0_i32 = arith.constant 0 : i32
    %c0_i32_0 = arith.constant 0 : i32
    %c0_i32_1 = arith.constant 0 : i32
    return %c0_i32, %c0_i32_0 : i32, i32
  }
  func.func @transform_15(%arg0: i32) -> i32 {
    %c0_i32 = arith.constant 0 : i32
    %c0_i32_0 = arith.constant 0 : i32
    return %c0_i32 : i32
  }
  func.func @transform_16(%arg0: i32) -> i32 {
    %c0_i32 = arith.constant 0 : i32
    %c0_i32_0 = arith.constant 0 : i32
    return %c0_i32 : i32
  }
  func.func @transform_17(%arg0: i32) -> i32 {
    %c0_i32 = arith.constant 0 : i32
    %c0_i32_0 = arith.constant 0 : i32
    return %c0_i32 : i32
  }
  func.func @transform_18(%arg0: i32) -> (i32, i32) {
    %c0_i32 = arith.constant 0 : i32
    %c0_i32_0 = arith.constant 0 : i32
    return %arg0, %c0_i32 : i32, i32
  }
  func.func @transform_19(%arg0: i32) -> (i32, i32) {
    %c0_i32 = arith.constant 0 : i32
    %c0_i32_0 = arith.constant 0 : i32
    %c0_i32_1 = arith.constant 0 : i32
    return %c0_i32, %c0_i32_0 : i32, i32
  }
  func.func @transform_20(%arg0: i32) -> (i32, i32) {
    %c0_i32 = arith.constant 0 : i32
    %c0_i32_0 = arith.constant 0 : i32
    %c0_i32_1 = arith.constant 0 : i32
    return %c0_i32, %c0_i32_0 : i32, i32
  }
}

</mosaic_0001>

<sc_bundles>
// kernel: kernel.8.cloned.1.call-start
scs
__scs_entry_jumppad:
0x0: {  	(pc) =	sbr.rel $0x88, $3  }
0x1: {  	(tag) =	ssettag $0x0;
	lr =	simm.s32 $0x1  }
0x2: {  	[smem:$0x3F76] =	sst lr;
	_ =	strace $0xD0000000  }
0x3: {  	_ = 	snop  }
0x4: {  	_ = 	snop  }
0x5: {  	_ = 	snop  }
0x6: {  	_ = 	snop  }
0x7: {  	_ = 	snop  }
__scs_overlays_trampoline_lowered:
0x8: {  	[smem:$0x3F85] =	sst s0  }
0x9: {  	[smem:$0x3F86] =	sst s1  }
0xa: {  	[smem:$0x3F87] =	sst s2  }
0xb: {  	[smem:$0x3F88] =	sst s3  }
0xc: {  	[smem:$0x3F89] =	sst s4  }
0xd: {  	[smem:$0x3F8A] =	sst s5  }
0xe: {  	[smem:$0x3F8B] =	sst s6  }
0xf: {  	[smem:$0x3F8C] =	sst s7  }
0x10: {  	[smem:$0x3F8D] =	sst s8  }
0x11: {  	[smem:$0x3F8E] =	sst s9;
	s0 =	simm.s32 @!p0 $0x0  }
0x12: {  	s1 =	sld [smem:$0x3F74];
	s0 =	simm.s32 @p0 $0x1  }
0x13: {  	[smem:$0x3F8F] =	sst s0;
	s0 =	simm.s32 @!p1 $0x0  }
0x14: {  	s2 =	sld [smem:$0x3F73];
	s0 =	simm.s32 @p1 $0x1  }
0x15: {  	[smem:$0x3F90] =	sst s0;
	s0 =	simm.s32 @!p2 $0x0  }
0x16: {  	s3 =	sld [smem:$0x3FDB];
	s0 =	simm.s32 @p2 $0x1  }
0x17: {  	s4 =	simm.s32 $0x1BF5;
	[smem:$0x3F92] =	sst s0  }
0x18: {  	s0 =	sld [smem:$0x3F75];
	_ =	swait.ge [sflag:s4], $0x0  }
0x19: {  	s7 =	sld [smem:$0x3F76]  }
0x1a: {  	s8 =	sadd.s32 $0xFFFFE003, lr  }
0x1b: {  	s9 =	sadd.s32 $0xFFFFFEF7, lr;
	s5 =	simm.s32 $0xFFFFFFFF;
	p2 =	slt.u32 s8, $0xFFFFF086  }
0x1c: {  	p1 =	slt.u32 s9, $0xF7A;
	s5 =	simm.s32 @!p2 $0x0  }
0x1d: {  	s5 =	simm.s32 @p1 $0x1;
	p0 =	seq.s32 s7, s2  }
0x1e: {  	s7 =	smul.u32 @!p0 $0xF7A, s2;
	p2 =	seq.s32 @!p0 s5, $0x0  }
0x1f: {  	s9 =	smul.u32 $0xF7A, s1;
	s8 =	simm.s32 @!p0 $0x1BF5;
	p2 =	por !p2, p0  }
0x20: {  	[sflag:s8] =	ssyncset.s32 @!p0 $0xFFFFF086;
	s6 =	sadd.s32 @!p0 s3, s7;
	s7 =	simm.s32 @!p0 $0x108  }
0x21: {  	s3 =	sadd.s32 s3, s9;
	s6 =	sadd.s32 @!p0 $0x88, s6;
	s7 =	simm.s32 @p2 $0x1082  }
0x22: {  	[simem:s7], [sflag:s8] =	dma.local @!p0 [hbm:s6], $0xF7A  }
0x23: {  	s9 =	sor.u32 $0xD0000000, s2;
	s6 =	simm.s32 $0x108;
	_ =	swait.ge @!p0 [sflag:s8], $0x0  }
0x24: {  	s3 =	sadd.s32 $0x88, s3;
	s6 =	simm.s32 @!p1 $0x1082;
	[sflag:s4] =	ssyncset.s32 $0xFFFFF086  }
0x25: {  	[simem:s6], [sflag:s4] =	dma.local [hbm:s3], $0xF7A  }
0x26: {  	[smem:$0x3F76] =	sst s1;
	(tag) =	ssettag s2;
	_ =	strace s9  }
0x27: {  	s1 =	sld [smem:$0x3F86]  }
0x28: {  	s2 =	sld [smem:$0x3F87]  }
0x29: {  	s4 =	sld [smem:$0x3F89]  }
0x2a: {  	p0 =	seq.s32 s5, $0x0;
	s5 =	sld [smem:$0x3F8A]  }
0x2b: {  	s6 =	sld [smem:$0x3F8B]  }
0x2c: {  	s7 =	sld [smem:$0x3F8C]  }
0x2d: {  	s3 =	simm.s32 $0x108;
	s8 =	sld [smem:$0x3F8D]  }
0x2e: {  	s3 =	simm.s32 @!p0 $0x1082;
	s9 =	sld [smem:$0x3F8E]  }
0x2f: {  	lr =	sadd.s32 s0, s3;
	s0 =	sld [smem:$0x3F85]  }
0x30: {  	s3 =	sld [smem:$0x3F88]  }
0x31: {  	[smem:$0x3F91] =	sst s10  }
0x32: {  	s10 =	sld [smem:$0x3F8F];
	_ =	sdelay $0x3  }
0x33: {  	p0 =	seq.s32 s10, $0x1;
	s10 =	sld [smem:$0x3F91];
	_ =	sdelay $0x3  }
0x34: {  	[smem:$0x3F91] =	sst s10  }
0x35: {  	s10 =	sld [smem:$0x3F90];
	_ =	sdelay $0x3  }
0x36: {  	p1 =	seq.s32 s10, $0x1;
	s10 =	sld [smem:$0x3F91];
	_ =	sdelay $0x3  }
0x37: {  	[smem:$0x3F91] =	sst s10  }
0x38: {  	s10 =	sld [smem:$0x3F92]  }
0x39: {  	_ = 	snop;
	(pc) =	sbr.ind lr, $3  }
0x3a: {  	_ = 	snop  }
0x3b: {  	_ = 	snop  }
0x3c: {  	p2 =	seq.s32 s10, $0x1;
	s10 =	sld [smem:$0x3F91]  }
0x3d: {  	_ =	shalt  }
0x3e: {  	_ =	shalt  }
0x3f: {  	_ =	shalt  }
0x40: {  	_ =	shalt  }
0x41: {  	_ =	shalt  }
0x42: {  	_ =	shalt  }
0x43: {  	_ =	shalt  }
0x44: {  	_ =	shalt  }
0x45: {  	_ =	shalt  }
0x46: {  	_ =	shalt  }
0x47: {  	_ =	shalt  }
0x48: {  	_ =	shalt  }
0x49: {  	_ =	shalt  }
0x4a: {  	_ =	shalt  }
0x4b: {  	_ =	shalt  }
0x4c: {  	_ =	shalt  }
0x4d: {  	_ =	shalt  }
0x4e: {  	_ =	shalt  }
0x4f: {  	_ =	shalt  }
0x50: {  	_ =	shalt  }
0x51: {  	_ =	shalt  }
0x52: {  	_ =	shalt  }
0x53: {  	_ =	shalt  }
0x54: {  	_ =	shalt  }
0x55: {  	_ =	shalt  }
0x56: {  	_ =	shalt  }
0x57: {  	_ =	shalt  }
0x58: {  	_ =	shalt  }
0x59: {  	_ =	shalt  }
0x5a: {  	_ =	shalt  }
0x5b: {  	_ =	shalt  }
0x5c: {  	_ =	shalt  }
0x5d: {  	_ =	shalt  }
0x5e: {  	_ =	shalt  }
0x5f: {  	_ =	shalt  }
0x60: {  	_ =	shalt  }
0x61: {  	_ =	shalt  }
0x62: {  	_ =	shalt  }
0x63: {  	_ =	shalt  }
0x64: {  	_ =	shalt  }
0x65: {  	_ =	shalt  }
0x66: {  	_ =	shalt  }
0x67: {  	_ =	shalt  }
0x68: {  	_ =	shalt  }
0x69: {  	_ =	shalt  }
0x6a: {  	_ =	shalt  }
0x6b: {  	_ =	shalt  }
0x6c: {  	_ =	shalt  }
0x6d: {  	_ =	shalt  }
0x6e: {  	_ =	shalt  }
0x6f: {  	_ =	shalt  }
0x70: {  	_ =	shalt  }
0x71: {  	_ =	shalt  }
0x72: {  	_ =	shalt  }
0x73: {  	_ =	shalt  }
0x74: {  	_ =	shalt  }
0x75: {  	_ =	shalt  }
0x76: {  	_ =	shalt  }
0x77: {  	_ =	shalt  }
0x78: {  	_ =	shalt  }
0x79: {  	_ =	shalt  }
0x7a: {  	_ =	shalt  }
0x7b: {  	_ =	shalt  }
0x7c: {  	_ =	shalt  }
0x7d: {  	_ =	shalt  }
0x7e: {  	_ =	shalt  }
0x7f: {  	_ =	shalt  }
0x80: {  	_ =	shalt  }
0x81: {  	_ =	shalt  }
0x82: {  	_ =	shalt  }
0x83: {  	_ =	shalt  }
0x84: {  	_ =	shalt  }
0x85: {  	_ =	shalt  }
0x86: {  	_ =	shalt  }
0x87: {  	_ =	shalt  }
.Lfunc_end0:
.L_simem_size_0:
called_computation_lowered:
.L_overlay_start_0:
0x88: {  	s2 =	sld [smem:$0x3FD9]  }
0x89: {  	s3 =	sld [smem:$0x3FFE];
	_ =	sdelay $0x1  }
0x8a: {  	s1 =	srdreg.scid  }
0x8b: {  	s0 =	sand.u32 $0x1, s1  }
0x8c: {  	s14 =	sshll.u32 s0, $0xA;
	s2 =	sadd.s32 s3, s2  }
0x8d: {  	s2 =	sadd.s32 s2, s14  }
0x8e: {  	[smem:$0x3F9D] =	sst s2  }
0x8f: {  	_ = 	snop  }
0x90: {  	s2 =	sld [smem:$0x3FD0];
	_ =	sdelay $0x1  }
0x91: {  	s15 =	sld [smem:$0x3FA2]  }
0x92: {  	s5 =	simm.s32 $0xA;
	s6 =	simm.s32 $0x10;
	s4 =	sld [smem:$0x3FA1]  }
0x93: {  	[smem:s6], [sflag:s5] =	dma.local [hbm:s2], $0x1  }
0x94: {  	_ =	swait.eq [sflag:s5], $0x1  }
0x95: {  	[sflag:s5] =	ssyncset.done $0x0  }
0x96: {  	s16 =	sld [smem:$0x10];
	[sflag:s5] =	ssyncadd.s32 $0xFFFFFFFF  }
0x97: {  	s17 =	sld [smem:$0x11];
	(tm) =	ssettm $0x1  }
0x98: {  	s18 =	sld [smem:$0x3FFB];
	_ =	sdelay $0x3  }
0x99: {  	_ =	strace s18  }
0x9a: {  	s6 =	sld [smem:$0x3FFC];
	_ =	sdelay $0x3  }
0x9b: {  	_ =	strace s6  }
0x9c: {  	s6 =	sld [smem:$0x3FFD];
	_ =	sdelay $0x3  }
0x9d: {  	_ =	strace s6  }
0x9e: {  	_ =	strace $0x8FFFFFFF  }
0x9f: {  	s19 =	sld [smem:$0x3FDB];
	_ =	sdelay $0x1  }
0xa0: {  	s7 =	simm.s32 $_scs_section_size  }
0xa1: {  	s8 =	simm.s32 $_size__tile_overlayer_lowered;
	s9 =	simm.s32 $_tile_overlayer_lowered  }
0xa2: {  	s22 =	simm.s32 $0x1BFF;
	s21 =	sshll.u32 s9, $0x1;
	s6 =	sadd.s32 s7, s19  }
0xa3: {  	s10 =	simm.s32 $0x0;
	s20 =	sshll.u32 s8, $0x1;
	s8 =	sadd.s32 s21, s6  }
0xa4: {  	[timem:s10], [sflag:s22] =	dma.local [hbm:s8], s20  }
0xa5: {  	_ =	swait.ge [sflag:s22], s20  }
0xa6: {  	s7 =	ssub.s32 $0x0, s20;
	[sflag:s22] =	ssyncset.done $0x0  }
0xa7: {  	[sflag:s22] =	ssyncadd.s32 s7;
	_ =	sdelay $0x1  }
0xa8: {  	s23 =	simm.s32 $0x1B8B  }
0xa9: {  	_ =	swait.ge [sflag:s23], $0x1  }
0xaa: {  	[sflag:s23] =	ssyncset.done $0x0  }
0xab: {  	s25 =	simm.s32 $0x1B8E;
	s24 =	sld [smem:$0x3FFE];
	[sflag:s23] =	ssyncadd.s32 $0xFFFFFFFF  }
0xac: {  	s26 =	simm.s32 $execute0_lowered;
	[smem:$0x3FD2] =	sst s25  }
0xad: {  	s8 =	sshll.u32 s26, $0x1;
	_ =	strace $0x80000046;
	[dreg:$0x1] =	wrdreg $0xFFFFFFFF  }
0xae: {  	s28 =	simm.s32 $_size_execute0_lowered;
	s6 =	sadd.s32 s6, s8;
	[dreg:$0x0] =	wrdreg $0x0  }
0xaf: {  	s8 =	sshll.u32 s28, $0x1;
	[dreg:$0x2] =	wrdreg s6  }
0xb0: {  	[dreg:$0x3] =	wrdreg s8  }
0xb1: {  	[dreg:$0x4] =	wrdreg $0xC0  }
0xb2: {  	_ =	task [dreg:s10], $0x5FFFF  }
0xb3: {  	[dreg:$0x1] =	wrdreg $0xFFFFFFFF  }
0xb4: {  	[dreg:$0x0] =	wrdreg $0x60  }
0xb5: {  	[dreg:$0x2] =	wrdreg s16  }
0xb6: {  	[dreg:$0x3] =	wrdreg s17  }
0xb7: {  	[dreg:$0x4] =	wrdreg s15  }
0xb8: {  	[dreg:$0x5] =	wrdreg s4  }
0xb9: {  	[dreg:$0x6] =	wrdreg s24  }
0xba: {  	[dreg:$0x7] =	wrdreg $0x9  }
0xbb: {  	_ =	task.clear_ibuf [dreg:s10], $0x8FFFF;
	_ =	strace $0x90000046  }
0xbc: {  	s29 =	simm.s32 $0x9;
	_ =	strace $0x80000048  }
0xbd: {  	_ =	swait.ge [sflag:s29], $0x1  }
0xbe: {  	[sflag:s29] =	ssyncadd.s32 $0xFFFFFFFF  }
0xbf: {  	_ =	strace $0x90000048  }
0xc0: {  	_ =	sfence  }
0xc1: {  	s30 =	sld [smem:$0x0];
	_ =	sdelay $0x2  }
0xc2: {  	s31 =	sshll.u32 s1, $0xD;
	s1 =	sshrl.u32 s1, $0x2  }
0xc3: {  	s3 =	sand.u32 $0x4000, s31;
	s1 =	sadd.s32 s1, s30  }
0xc4: {  	s0 =	sor.u32 s3, s0;
	s1 =	sshll.u32 s1, $0x11  }
0xc5: {  	s0 =	sor.u32 s1, s0  }
0xc6: {  	s0 =	sadd.s32 $0x8F2B, s0  }
0xc7: {  	[sflag:s0] =	ssyncadd.remote.s32 $0x1  }
0xc8: {  	_ =	sfence.sel $0xFFFF  }
0xc9: {  	[dreg:$0x0] =	wrdreg $0xFFFFFFFF;
	(pc) =	sbr.abs _section_cstart, $3  }
0xca: {  	[dreg:$0x1] =	wrdreg $0xFFFFFFFF  }
0xcb: {  	_ =	task.clear_ibuf [dreg:s10], $0x2FFFF;
	_ =	strace $0x9FFFFFFF  }
0xcc: {  	(tm) =	ssettm $0x7FFFFFFF  }
0xcd: {  	_ =	shalt  }
tec
execute0_lowered:
.L_overlay_start_1:
0x0: {  	(tag) =	ssettag $0x1  }
0x1: {  	s0 =	rddreg [dreg:$0x0]  }
0x2: {  	s2 =	rddreg [dreg:$0x1];
	s1 =	srdreg.scid  }
0x3: {  	s3 =	rddreg [dreg:$0x2];
	s4 =	stileid.u32;
	s1 =	sand.u32 $0x1, s1  }
0x4: {  	s5 =	rddreg [dreg:$0x3];
	s7 =	sshll.u32 s4, $0xB;
	s8 =	sshll.u32 s1, $0xA  }
0x5: {  	s6 =	rddreg [dreg:$0x4];
	s4 =	simm.s32 $0x0;
	s7 =	sor.u32 s8, s7  }
0x6: {  	[smem:$0x7FF] =	sst s4;
	s8 =	sshrl.u32 s7, $0x3  }
0x7: {  	s9 =	sadd.s32 $0x47400, s6;
	_ =	strace $0x80000047;
	s3 =	sadd.s32 s3, s8  }
0x8: {  	s14 =	sadd.s32 s5, s8;
	s5 =	sshll.u32 s7, $0x6;
	[dreg:$0x6] =	wrdreg s3  }
0x9: {  	[dreg:$0x7] =	wrdreg s14;
	s15 =	sadd.s32 s9, s5;
	s7 =	sor.u32 $0x1000, s5  }
0xa: {  	s8 =	sor.u32 $0x2000, s5;
	[dreg:$0x8] =	wrdreg s15;
	s16 =	sadd.s32 s9, s7  }
0xb: {  	s10 =	sor.u32 $0x3000, s5;
	s17 =	sadd.s32 s9, s8;
	[dreg:$0x9] =	wrdreg s16  }
0xc: {  	s11 =	sor.u32 $0x4000, s5;
	s18 =	sadd.s32 s9, s10;
	[dreg:$0xa] =	wrdreg s17  }
0xd: {  	s12 =	sor.u32 $0x5000, s5;
	s19 =	sadd.s32 s9, s11;
	[dreg:$0xb] =	wrdreg s18  }
0xe: {  	s13 =	sor.u32 $0x6000, s5;
	s20 =	sadd.s32 s9, s12;
	[dreg:$0xc] =	wrdreg s19  }
0xf: {  	s14 =	sor.u32 $0x7000, s5;
	s21 =	sadd.s32 s9, s13;
	[dreg:$0xd] =	wrdreg s20  }
0x10: {  	s6 =	sadd.s32 $0x247400, s6;
	s22 =	sadd.s32 s9, s14;
	[dreg:$0xe] =	wrdreg s21  }
0x11: {  	s15 =	sor.u32 $0x8000, s5;
	s7 =	sadd.s32 s6, s7;
	[dreg:$0xf] =	wrdreg s22  }
0x12: {  	s10 =	sadd.s32 s6, s10;
	s11 =	sadd.s32 s6, s11;
	[dreg:$0x19] =	wrdreg s7  }
0x13: {  	s12 =	sadd.s32 s6, s12;
	s13 =	sadd.s32 s6, s13;
	[dreg:$0x1b] =	wrdreg s10  }
0x14: {  	s14 =	sadd.s32 s6, s14;
	s23 =	sadd.s32 s9, s15;
	[dreg:$0x1c] =	wrdreg s11  }
0x15: {  	s16 =	sor.u32 $0x9000, s5;
	s17 =	sor.u32 $0xA000, s5;
	[dreg:$0x1d] =	wrdreg s12  }
0x16: {  	s18 =	sor.u32 $0xB000, s5;
	s19 =	sor.u32 $0xC000, s5;
	[dreg:$0x1e] =	wrdreg s13  }
0x17: {  	s20 =	sor.u32 $0xD000, s5;
	s21 =	sor.u32 $0xE000, s5;
	[dreg:$0x1f] =	wrdreg s14  }
0x18: {  	s22 =	sor.u32 $0xF000, s5;
	s5 =	sadd.s32 s6, s5;
	[dreg:$0x10] =	wrdreg s23  }
0x19: {  	s15 =	sadd.s32 s6, s15;
	[dreg:$0x18] =	wrdreg s5  }
0x1a: {  	s24 =	sadd.s32 s9, s16;
	[smem:$0x7F5] =	sst s15  }
0x1b: {  	s25 =	sadd.s32 s9, s17;
	[dreg:$0x11] =	wrdreg s24  }
0x1c: {  	s26 =	sadd.s32 s9, s18;
	[dreg:$0x12] =	wrdreg s25  }
0x1d: {  	s28 =	sadd.s32 s9, s19;
	[dreg:$0x13] =	wrdreg s26  }
0x1e: {  	s29 =	sadd.s32 s9, s20;
	[dreg:$0x14] =	wrdreg s28  }
0x1f: {  	s30 =	sadd.s32 s9, s21;
	[dreg:$0x15] =	wrdreg s29  }
0x20: {  	s1 =	ssub.s32 $0x2, s1;
	s31 =	sadd.s32 s9, s22;
	[dreg:$0x16] =	wrdreg s30  }
0x21: {  	s9 =	sadd.s32 s6, s8;
	s16 =	sadd.s32 s6, s16;
	[dreg:$0x17] =	wrdreg s31  }
0x22: {  	s23 =	sadd.s32 s6, s17;
	s5 =	sadd.s32 $0x100, s0;
	[dreg:$0x1a] =	wrdreg s9  }
0x23: {  	s17 =	simm.s32 $0x1;
	s15 =	simm.s32 $0x3;
	[smem:$0x7F6] =	sst s16  }
0x24: {  	[smem:$0x7F7] =	sst s23;
	s24 =	sadd.s32 s6, s18;
	s25 =	sadd.s32 s6, s19  }
0x25: {  	s26 =	sshrl.u32 s1, $0x1;
	s28 =	sadd.s32 s6, s20;
	[smem:$0x7F8] =	sst s24  }
0x26: {  	s29 =	sadd.s32 s6, s21;
	s30 =	sadd.s32 s6, s22;
	[smem:$0x7F9] =	sst s25  }
0x27: {  	s6 =	sadd.s32 $0x100, s2;
	s31 =	simm.s32 $0x400;
	[smem:$0x7FA] =	sst s28  }
0x28: {  	v2 =	vlaneseq.u32;
	s19 =	simm.s32 $0x2;
	s20 =	simm.s32 $0x4;
	[smem:$0x7FB] =	sst s29  }
0x29: {  	vm0 =	vmmov $0xffff;
	v1 =	vshrl.u32 v2, $0x3;
	s22 =	simm.s32 $0x5;
	s1 =	ssub.s32 s1, s26;
	[smem:$0x7FC] =	sst s30  }
0x2a: {  	v0 =	vand.u32 $0x7, v2;
	v2 =	vor.u32 $0x8, v2;
	v1 =	vmul.u32 $0x8, v1;
	s23 =	simm.s32 $0x6;
	[smem:$0x7FD] =	sst s31;
	s1 =	smax.u32 s1, $0x1  }
.LBB2_1:
0x2b: {  	[smem:$0x7F4] =	sst s1  }
0x2c: {  	s24 =	rddreg [dreg:$0x6];
	s28 =	simm.s32 $0x7  }
0x2d: {  	[tilespmem:s4], [sflag:$0x7] =	stream.linear.gather [hbm4b:s24+s4], $0x400, $0x38;
	[tilespmem:$0x18800] =	vst v63  }
0x2e: {  	_ =	swait.ge [sflag:s28], $0x400  }
0x2f: {  	s26 =	sld [smem:$0x7FD]  }
0x30: {  	[sflag:s28] =	ssyncset.done $0x0  }
0x31: {  	s12 =	rddreg [dreg:$0x7];
	[sflag:s28] =	ssyncadd.s32 $0xFFFFFC00  }
0x32: {  	[tilespmem:s26], [sflag:$0x7] =	stream.linear.gather [hbm4b:s12+s4], $0x400, $0x38;
	[tilespmem:$0x18800] =	vst v63  }
0x33: {  	_ =	swait.ge [sflag:s28], $0x400  }
0x34: {  	[sflag:s28] =	ssyncset.done $0x0  }
0x35: {  	[sflag:s28] =	ssyncadd.s32 $0xFFFFFC00  }
0x36: {  	v3 =	vld [tilespmem:$0x0];
	_ =	sdelay $0x4  }
0x37: {  	v4 =	vshll.u32 v3, $0x2  }
0x38: {  	v3 =	vand.u32 $0x7, v3;
	v4 =	vand.u32 $0xFFFFFFE0, v4  }
0x39: {  	v3 =	vor.u32 v3, v4  }
0x3a: {  	v4 =	vperm.xlane v3, v0;
	_ =	sdelay $0x1  }
0x3b: {  	v4 =	vadd.s32 v1, v4;
	_ =	sdelay $0x1  }
0x3c: {  	v3 =	vperm.xlane v3, v2;
	_ =	sdelay $0x1  }
0x3d: {  	s13 =	simm.s32 $0x800;
	v3 =	vadd.s32 v1, v3  }
0x3e: {  	[tilespmem:s13], [sflag:$0x1] =	stream.indirect_vreg.gather [hbm4b:s0+s4], $0x80, v4, vm0, $0xb8;
	[tilespmem:$0x18800] =	vst v63  }
0x3f: {  	s14 =	simm.s32 $0x1000  }
0x40: {  	[tilespmem:s14], [sflag:$0x1] =	stream.indirect_vreg.gather [hbm4b:s5+s4], $0x80, v4, vm0, $0xb8;
	[tilespmem:$0x18800] =	vst v63  }
0x41: {  	s16 =	simm.s32 $0x1800  }
0x42: {  	[tilespmem:s16], [sflag:$0x1] =	stream.indirect_vreg.gather [hbm4b:s0+s4], $0x80, v3, vm0, $0xb8;
	[tilespmem:$0x18800] =	vst v63  }
0x43: {  	s18 =	simm.s32 $0x2000  }
0x44: {  	[tilespmem:s18], [sflag:$0x1] =	stream.indirect_vreg.gather [hbm4b:s5+s4], $0x80, v3, vm0, $0xb8;
	[tilespmem:$0x18800] =	vst v63  }
0x45: {  	v3 =	vld [tilespmem:$0x10];
	_ =	sdelay $0x4  }
0x46: {  	v49 =	vshll.u32 v3, $0x2  }
0x47: {  	v3 =	vand.u32 $0x7, v3;
	v4 =	vand.u32 $0xFFFFFFE0, v49  }
0x48: {  	v3 =	vor.u32 v3, v4  }
0x49: {  	v4 =	vperm.xlane v3, v0;
	_ =	sdelay $0x1  }
0x4a: {  	v4 =	vadd.s32 v1, v4;
	_ =	sdelay $0x1  }
0x4b: {  	v3 =	vperm.xlane v3, v2;
	_ =	sdelay $0x1  }
0x4c: {  	s21 =	simm.s32 $0x2800;
	v3 =	vadd.s32 v1, v3  }
0x4d: {  	[tilespmem:s21], [sflag:$0x1] =	stream.indirect_vreg.gather [hbm4b:s0+s4], $0x80, v4, vm0, $0xb8;
	[tilespmem:$0x18800] =	vst v63  }
0x4e: {  	s24 =	simm.s32 $0x3000  }
0x4f: {  	[tilespmem:s24], [sflag:$0x1] =	stream.indirect_vreg.gather [hbm4b:s5+s4], $0x80, v4, vm0, $0xb8;
	[tilespmem:$0x18800] =	vst v63  }
0x50: {  	s25 =	simm.s32 $0x3800  }
0x51: {  	[tilespmem:s25], [sflag:$0x1] =	stream.indirect_vreg.gather [hbm4b:s0+s4], $0x80, v3, vm0, $0xb8;
	[tilespmem:$0x18800] =	vst v63  }
0x52: {  	s26 =	simm.s32 $0x4000  }
0x53: {  	[tilespmem:s26], [sflag:$0x1] =	stream.indirect_vreg.gather [hbm4b:s5+s4], $0x80, v3, vm0, $0xb8;
	[tilespmem:$0x18800] =	vst v63  }
0x54: {  	v3 =	vld [tilespmem:$0x20];
	_ =	sdelay $0x4  }
0x55: {  	v50 =	vshll.u32 v3, $0x2  }
0x56: {  	v3 =	vand.u32 $0x7, v3;
	v4 =	vand.u32 $0xFFFFFFE0, v50  }
0x57: {  	v3 =	vor.u32 v3, v4  }
0x58: {  	v4 =	vperm.xlane v3, v0;
	_ =	sdelay $0x1  }
0x59: {  	v4 =	vadd.s32 v1, v4;
	_ =	sdelay $0x1  }
0x5a: {  	v3 =	vperm.xlane v3, v2;
	_ =	sdelay $0x1  }
0x5b: {  	s28 =	simm.s32 $0x4800;
	v3 =	vadd.s32 v1, v3  }
0x5c: {  	[tilespmem:s28], [sflag:$0x1] =	stream.indirect_vreg.gather [hbm4b:s0+s4], $0x80, v4, vm0, $0xb8;
	[tilespmem:$0x18800] =	vst v63  }
0x5d: {  	s29 =	simm.s32 $0x5000  }
0x5e: {  	[tilespmem:s29], [sflag:$0x1] =	stream.indirect_vreg.gather [hbm4b:s5+s4], $0x80, v4, vm0, $0xb8;
	[tilespmem:$0x18800] =	vst v63  }
0x5f: {  	s8 =	simm.s32 $0x5800  }
0x60: {  	[tilespmem:s8], [sflag:$0x1] =	stream.indirect_vreg.gather [hbm4b:s0+s4], $0x80, v3, vm0, $0xb8;
	[tilespmem:$0x18800] =	vst v63  }
0x61: {  	s9 =	simm.s32 $0x6000  }
0x62: {  	[tilespmem:s9], [sflag:$0x1] =	stream.indirect_vreg.gather [hbm4b:s5+s4], $0x80, v3, vm0, $0xb8;
	[tilespmem:$0x18800] =	vst v63  }
0x63: {  	v3 =	vld [tilespmem:$0x30];
	_ =	sdelay $0x4  }
0x64: {  	v51 =	vshll.u32 v3, $0x2  }
0x65: {  	v3 =	vand.u32 $0x7, v3;
	v4 =	vand.u32 $0xFFFFFFE0, v51  }
0x66: {  	v3 =	vor.u32 v3, v4  }
0x67: {  	v4 =	vperm.xlane v3, v0;
	_ =	sdelay $0x1  }
0x68: {  	v4 =	vadd.s32 v1, v4;
	_ =	sdelay $0x1  }
0x69: {  	v3 =	vperm.xlane v3, v2;
	_ =	sdelay $0x1  }
0x6a: {  	s12 =	simm.s32 $0x6800;
	v3 =	vadd.s32 v1, v3  }
0x6b: {  	[tilespmem:s12], [sflag:$0x1] =	stream.indirect_vreg.gather [hbm4b:s0+s4], $0x80, v4, vm0, $0xb8;
	[tilespmem:$0x18800] =	vst v63  }
0x6c: {  	s13 =	simm.s32 $0x7000  }
0x6d: {  	[tilespmem:s13], [sflag:$0x1] =	stream.indirect_vreg.gather [hbm4b:s5+s4], $0x80, v4, vm0, $0xb8;
	[tilespmem:$0x18800] =	vst v63  }
0x6e: {  	s18 =	simm.s32 $0x7800  }
0x6f: {  	[tilespmem:s18], [sflag:$0x1] =	stream.indirect_vreg.gather [hbm4b:s0+s4], $0x80, v3, vm0, $0xb8;
	[tilespmem:$0x18800] =	vst v63  }
0x70: {  	s21 =	simm.s32 $0x8000  }
0x71: {  	[tilespmem:s21], [sflag:$0x1] =	stream.indirect_vreg.gather [hbm4b:s5+s4], $0x80, v3, vm0, $0xb8;
	[tilespmem:$0x18800] =	vst v63  }
0x72: {  	v3 =	vld [tilespmem:$0x40];
	_ =	sdelay $0x4  }
0x73: {  	v52 =	vshll.u32 v3, $0x2  }
0x74: {  	v3 =	vand.u32 $0x7, v3;
	v4 =	vand.u32 $0xFFFFFFE0, v52  }
0x75: {  	v3 =	vor.u32 v3, v4  }
0x76: {  	v4 =	vperm.xlane v3, v0;
	_ =	sdelay $0x1  }
0x77: {  	v4 =	vadd.s32 v1, v4;
	_ =	sdelay $0x1  }
0x78: {  	v3 =	vperm.xlane v3, v2;
	_ =	sdelay $0x1  }
0x79: {  	s24 =	simm.s32 $0x8800;
	v3 =	vadd.s32 v1, v3  }
0x7a: {  	[tilespmem:s24], [sflag:$0x2] =	stream.indirect_vreg.gather [hbm4b:s0+s4], $0x80, v4, vm0, $0xb8;
	[tilespmem:$0x18800] =	vst v63  }
0x7b: {  	s25 =	simm.s32 $0x9000  }
0x7c: {  	[tilespmem:s25], [sflag:$0x2] =	stream.indirect_vreg.gather [hbm4b:s5+s4], $0x80, v4, vm0, $0xb8;
	[tilespmem:$0x18800] =	vst v63  }
0x7d: {  	s26 =	simm.s32 $0x9800  }
0x7e: {  	[tilespmem:s26], [sflag:$0x2] =	stream.indirect_vreg.gather [hbm4b:s0+s4], $0x80, v3, vm0, $0xb8;
	[tilespmem:$0x18800] =	vst v63  }
0x7f: {  	s28 =	simm.s32 $0xA000  }
0x80: {  	[tilespmem:s28], [sflag:$0x2] =	stream.indirect_vreg.gather [hbm4b:s5+s4], $0x80, v3, vm0, $0xb8;
	[tilespmem:$0x18800] =	vst v63  }
0x81: {  	v3 =	vld [tilespmem:$0x50];
	_ =	sdelay $0x4  }
0x82: {  	v53 =	vshll.u32 v3, $0x2  }
0x83: {  	v3 =	vand.u32 $0x7, v3;
	v4 =	vand.u32 $0xFFFFFFE0, v53  }
0x84: {  	v3 =	vor.u32 v3, v4  }
0x85: {  	v4 =	vperm.xlane v3, v0;
	_ =	sdelay $0x1  }
0x86: {  	v4 =	vadd.s32 v1, v4;
	_ =	sdelay $0x1  }
0x87: {  	v3 =	vperm.xlane v3, v2;
	_ =	sdelay $0x1  }
0x88: {  	s12 =	simm.s32 $0xA800;
	v3 =	vadd.s32 v1, v3  }
0x89: {  	[tilespmem:s12], [sflag:$0x2] =	stream.indirect_vreg.gather [hbm4b:s0+s4], $0x80, v4, vm0, $0xb8;
	[tilespmem:$0x18800] =	vst v63  }
0x8a: {  	s13 =	simm.s32 $0xB000  }
0x8b: {  	[tilespmem:s13], [sflag:$0x2] =	stream.indirect_vreg.gather [hbm4b:s5+s4], $0x80, v4, vm0, $0xb8;
	[tilespmem:$0x18800] =	vst v63  }
0x8c: {  	s18 =	simm.s32 $0xB800  }
0x8d: {  	[tilespmem:s18], [sflag:$0x2] =	stream.indirect_vreg.gather [hbm4b:s0+s4], $0x80, v3, vm0, $0xb8;
	[tilespmem:$0x18800] =	vst v63  }
0x8e: {  	s24 =	simm.s32 $0xC000  }
0x8f: {  	[tilespmem:s24], [sflag:$0x2] =	stream.indirect_vreg.gather [hbm4b:s5+s4], $0x80, v3, vm0, $0xb8;
	[tilespmem:$0x18800] =	vst v63  }
0x90: {  	v3 =	vld [tilespmem:$0x60];
	_ =	sdelay $0x4  }
0x91: {  	v54 =	vshll.u32 v3, $0x2  }
0x92: {  	v3 =	vand.u32 $0x7, v3;
	v4 =	vand.u32 $0xFFFFFFE0, v54  }
0x93: {  	v3 =	vor.u32 v3, v4  }
0x94: {  	v4 =	vperm.xlane v3, v0;
	_ =	sdelay $0x1  }
0x95: {  	v4 =	vadd.s32 v1, v4;
	_ =	sdelay $0x1  }
0x96: {  	v3 =	vperm.xlane v3, v2;
	_ =	sdelay $0x1  }
0x97: {  	s25 =	simm.s32 $0xC800;
	v3 =	vadd.s32 v1, v3  }
0x98: {  	[tilespmem:s25], [sflag:$0x2] =	stream.indirect_vreg.gather [hbm4b:s0+s4], $0x80, v4, vm0, $0xb8;
	[tilespmem:$0x18800] =	vst v63  }
0x99: {  	s26 =	simm.s32 $0xD000  }
0x9a: {  	[tilespmem:s26], [sflag:$0x2] =	stream.indirect_vreg.gather [hbm4b:s5+s4], $0x80, v4, vm0, $0xb8;
	[tilespmem:$0x18800] =	vst v63  }
0x9b: {  	s13 =	simm.s32 $0xD800  }
0x9c: {  	[tilespmem:s13], [sflag:$0x2] =	stream.indirect_vreg.gather [hbm4b:s0+s4], $0x80, v3, vm0, $0xb8;
	[tilespmem:$0x18800] =	vst v63  }
0x9d: {  	s18 =	simm.s32 $0xE000  }
0x9e: {  	[tilespmem:s18], [sflag:$0x2] =	stream.indirect_vreg.gather [hbm4b:s5+s4], $0x80, v3, vm0, $0xb8;
	[tilespmem:$0x18800] =	vst v63  }
0x9f: {  	v3 =	vld [tilespmem:$0x70];
	_ =	sdelay $0x4  }
0xa0: {  	v55 =	vshll.u32 v3, $0x2  }
0xa1: {  	v3 =	vand.u32 $0x7, v3;
	v4 =	vand.u32 $0xFFFFFFE0, v55  }
0xa2: {  	v3 =	vor.u32 v3, v4  }
0xa3: {  	v4 =	vperm.xlane v3, v0;
	_ =	sdelay $0x1  }
0xa4: {  	v4 =	vadd.s32 v1, v4;
	_ =	sdelay $0x1  }
0xa5: {  	v3 =	vperm.xlane v3, v2;
	_ =	sdelay $0x1  }
0xa6: {  	s24 =	simm.s32 $0xE800;
	v3 =	vadd.s32 v1, v3  }
0xa7: {  	[tilespmem:s24], [sflag:$0x2] =	stream.indirect_vreg.gather [hbm4b:s0+s4], $0x80, v4, vm0, $0xb8;
	[tilespmem:$0x18800] =	vst v63  }
0xa8: {  	s25 =	simm.s32 $0xF000  }
0xa9: {  	[tilespmem:s25], [sflag:$0x2] =	stream.indirect_vreg.gather [hbm4b:s5+s4], $0x80, v4, vm0, $0xb8;
	[tilespmem:$0x18800] =	vst v63  }
0xaa: {  	s26 =	simm.s32 $0xF800  }
0xab: {  	[tilespmem:s26], [sflag:$0x2] =	stream.indirect_vreg.gather [hbm4b:s0+s4], $0x80, v3, vm0, $0xb8;
	[tilespmem:$0x18800] =	vst v63  }
0xac: {  	s18 =	simm.s32 $0x10000  }
0xad: {  	[tilespmem:s18], [sflag:$0x2] =	stream.indirect_vreg.gather [hbm4b:s5+s4], $0x80, v3, vm0, $0xb8;
	[tilespmem:$0x18800] =	vst v63  }
0xae: {  	_ =	swait.ge [sflag:s17], $0x8000  }
0xaf: {  	[sflag:s17] =	ssyncset.done $0x0  }
0xb0: {  	[sflag:s17] =	ssyncadd.s32 $0xFFFF8000  }
0xb1: {  	v3 =	vld [tilespmem:$0x80];
	_ =	sdelay $0x4  }
0xb2: {  	v56 =	vshll.u32 v3, $0x2  }
0xb3: {  	v3 =	vand.u32 $0x7, v3;
	v4 =	vand.u32 $0xFFFFFFE0, v56  }
0xb4: {  	v3 =	vor.u32 v3, v4  }
0xb5: {  	v4 =	vperm.xlane v3, v0;
	_ =	sdelay $0x1  }
0xb6: {  	v4 =	vadd.s32 v1, v4;
	_ =	sdelay $0x1  }
0xb7: {  	v3 =	vperm.xlane v3, v2;
	_ =	sdelay $0x1  }
0xb8: {  	s24 =	simm.s32 $0x10800;
	v3 =	vadd.s32 v1, v3  }
0xb9: {  	[tilespmem:s24], [sflag:$0x3] =	stream.indirect_vreg.gather [hbm4b:s0+s4], $0x80, v4, vm0, $0xb8;
	[tilespmem:$0x18800] =	vst v63  }
0xba: {  	s25 =	simm.s32 $0x11000  }
0xbb: {  	[tilespmem:s25], [sflag:$0x3] =	stream.indirect_vreg.gather [hbm4b:s5+s4], $0x80, v4, vm0, $0xb8;
	[tilespmem:$0x18800] =	vst v63  }
0xbc: {  	s26 =	simm.s32 $0x11800  }
0xbd: {  	[tilespmem:s26], [sflag:$0x3] =	stream.indirect_vreg.gather [hbm4b:s0+s4], $0x80, v3, vm0, $0xb8;
	[tilespmem:$0x18800] =	vst v63  }
0xbe: {  	s18 =	simm.s32 $0x12000  }
0xbf: {  	[tilespmem:s18], [sflag:$0x3] =	stream.indirect_vreg.gather [hbm4b:s5+s4], $0x80, v3, vm0, $0xb8;
	[tilespmem:$0x18800] =	vst v63  }
0xc0: {  	v3 =	vld [tilespmem:$0x90];
	_ =	sdelay $0x4  }
0xc1: {  	v57 =	vshll.u32 v3, $0x2  }
0xc2: {  	v3 =	vand.u32 $0x7, v3;
	v4 =	vand.u32 $0xFFFFFFE0, v57  }
0xc3: {  	v3 =	vor.u32 v3, v4  }
0xc4: {  	v4 =	vperm.xlane v3, v0;
	_ =	sdelay $0x1  }
0xc5: {  	v4 =	vadd.s32 v1, v4;
	_ =	sdelay $0x1  }
0xc6: {  	v3 =	vperm.xlane v3, v2;
	_ =	sdelay $0x1  }
0xc7: {  	s24 =	simm.s32 $0x12800;
	v3 =	vadd.s32 v1, v3  }
0xc8: {  	[tilespmem:s24], [sflag:$0x3] =	stream.indirect_vreg.gather [hbm4b:s0+s4], $0x80, v4, vm0, $0xb8;
	[tilespmem:$0x18800] =	vst v63  }
0xc9: {  	s26 =	simm.s32 $0x13000  }
0xca: {  	[tilespmem:s26], [sflag:$0x3] =	stream.indirect_vreg.gather [hbm4b:s5+s4], $0x80, v4, vm0, $0xb8;
	[tilespmem:$0x18800] =	vst v63  }
0xcb: {  	s18 =	simm.s32 $0x13800  }
0xcc: {  	[tilespmem:s18], [sflag:$0x3] =	stream.indirect_vreg.gather [hbm4b:s0+s4], $0x80, v3, vm0, $0xb8;
	[tilespmem:$0x18800] =	vst v63  }
0xcd: {  	s24 =	simm.s32 $0x14000  }
0xce: {  	[tilespmem:s24], [sflag:$0x3] =	stream.indirect_vreg.gather [hbm4b:s5+s4], $0x80, v3, vm0, $0xb8;
	[tilespmem:$0x18800] =	vst v63  }
0xcf: {  	v3 =	vld [tilespmem:$0xA0];
	_ =	sdelay $0x4  }
0xd0: {  	v58 =	vshll.u32 v3, $0x2  }
0xd1: {  	v3 =	vand.u32 $0x7, v3;
	v4 =	vand.u32 $0xFFFFFFE0, v58  }
0xd2: {  	v3 =	vor.u32 v3, v4  }
0xd3: {  	v4 =	vperm.xlane v3, v0;
	_ =	sdelay $0x1  }
0xd4: {  	v4 =	vadd.s32 v1, v4;
	_ =	sdelay $0x1  }
0xd5: {  	v3 =	vperm.xlane v3, v2;
	_ =	sdelay $0x1  }
0xd6: {  	s26 =	simm.s32 $0x14800;
	v3 =	vadd.s32 v1, v3  }
0xd7: {  	[tilespmem:s26], [sflag:$0x3] =	stream.indirect_vreg.gather [hbm4b:s0+s4], $0x80, v4, vm0, $0xb8;
	[tilespmem:$0x18800] =	vst v63  }
0xd8: {  	s18 =	simm.s32 $0x15000  }
0xd9: {  	[tilespmem:s18], [sflag:$0x3] =	stream.indirect_vreg.gather [hbm4b:s5+s4], $0x80, v4, vm0, $0xb8;
	[tilespmem:$0x18800] =	vst v63  }
0xda: {  	s24 =	simm.s32 $0x15800  }
0xdb: {  	[tilespmem:s24], [sflag:$0x3] =	stream.indirect_vreg.gather [hbm4b:s0+s4], $0x80, v3, vm0, $0xb8;
	[tilespmem:$0x18800] =	vst v63  }
0xdc: {  	s26 =	simm.s32 $0x16000  }
0xdd: {  	[tilespmem:s26], [sflag:$0x3] =	stream.indirect_vreg.gather [hbm4b:s5+s4], $0x80, v3, vm0, $0xb8;
	[tilespmem:$0x18800] =	vst v63  }
0xde: {  	v3 =	vld [tilespmem:$0xB0];
	_ =	sdelay $0x4  }
0xdf: {  	v59 =	vshll.u32 v3, $0x2  }
0xe0: {  	v3 =	vand.u32 $0x7, v3;
	v4 =	vand.u32 $0xFFFFFFE0, v59  }
0xe1: {  	v3 =	vor.u32 v3, v4  }
0xe2: {  	v4 =	vperm.xlane v3, v0;
	_ =	sdelay $0x1  }
0xe3: {  	v4 =	vadd.s32 v1, v4;
	_ =	sdelay $0x1  }
0xe4: {  	v3 =	vperm.xlane v3, v2;
	_ =	sdelay $0x1  }
0xe5: {  	s18 =	simm.s32 $0x16800;
	v3 =	vadd.s32 v1, v3  }
0xe6: {  	[tilespmem:s18], [sflag:$0x3] =	stream.indirect_vreg.gather [hbm4b:s0+s4], $0x80, v4, vm0, $0xb8;
	[tilespmem:$0x18800] =	vst v63  }
0xe7: {  	s24 =	simm.s32 $0x17000  }
0xe8: {  	[tilespmem:s24], [sflag:$0x3] =	stream.indirect_vreg.gather [hbm4b:s5+s4], $0x80, v4, vm0, $0xb8;
	[tilespmem:$0x18800] =	vst v63  }
0xe9: {  	s26 =	simm.s32 $0x17800  }
0xea: {  	[tilespmem:s26], [sflag:$0x3] =	stream.indirect_vreg.gather [hbm4b:s0+s4], $0x80, v3, vm0, $0xb8;
	[tilespmem:$0x18800] =	vst v63  }
0xeb: {  	s18 =	simm.s32 $0x18000  }
0xec: {  	[tilespmem:s18], [sflag:$0x3] =	stream.indirect_vreg.gather [hbm4b:s5+s4], $0x80, v3, vm0, $0xb8;
	[tilespmem:$0x18800] =	vst v63  }
0xed: {  	s24 =	rddreg [dreg:$0x8];
	s26 =	simm.s32 $0x800  }
0xee: {  	[hbm4b:s24+s4] =	stream.linear.scatter [tilespmem:s26], [sflag:$0x4], $0x8000, $0x38;
	[tilespmem:$0x18800] =	vst v63  }
0xef: {  	_ =	swait.ge [sflag:s19], $0x8000  }
0xf0: {  	[sflag:s19] =	ssyncset.done $0x0  }
0xf1: {  	[sflag:s19] =	ssyncadd.s32 $0xFFFF8000  }
0xf2: {  	_ =	swait.ge [sflag:s20], $0x8000  }
0xf3: {  	[sflag:s20] =	ssyncset.done $0x0  }
0xf4: {  	[sflag:s20] =	ssyncadd.s32 $0xFFFF8000  }
0xf5: {  	v3 =	vld [tilespmem:$0xC0];
	_ =	sdelay $0x4  }
0xf6: {  	v60 =	vshll.u32 v3, $0x2  }
0xf7: {  	v3 =	vand.u32 $0x7, v3;
	v4 =	vand.u32 $0xFFFFFFE0, v60  }
0xf8: {  	v3 =	vor.u32 v3, v4  }
0xf9: {  	v4 =	vperm.xlane v3, v0;
	_ =	sdelay $0x1  }
0xfa: {  	v4 =	vadd.s32 v1, v4;
	_ =	sdelay $0x1  }
0xfb: {  	v3 =	vperm.xlane v3, v2;
	_ =	sdelay $0x1  }
0xfc: {  	v3 =	vadd.s32 v1, v3  }
0xfd: {  	[tilespmem:s26], [sflag:$0x1] =	stream.indirect_vreg.gather [hbm4b:s0+s4], $0x80, v4, vm0, $0xb8;
	[tilespmem:$0x18800] =	vst v63  }
0xfe: {  	s7 =	simm.s32 $0x1000  }
0xff: {  	[tilespmem:s7], [sflag:$0x1] =	stream.indirect_vreg.gather [hbm4b:s5+s4], $0x80, v4, vm0, $0xb8;
	[tilespmem:$0x18800] =	vst v63  }
0x100: {  	s10 =	simm.s32 $0x1800  }
0x101: {  	[tilespmem:s10], [sflag:$0x1] =	stream.indirect_vreg.gather [hbm4b:s0+s4], $0x80, v3, vm0, $0xb8;
	[tilespmem:$0x18800] =	vst v63  }
0x102: {  	s30 =	simm.s32 $0x2000  }
0x103: {  	[tilespmem:s30], [sflag:$0x1] =	stream.indirect_vreg.gather [hbm4b:s5+s4], $0x80, v3, vm0, $0xb8;
	[tilespmem:$0x18800] =	vst v63  }
0x104: {  	v3 =	vld [tilespmem:$0xD0];
	_ =	sdelay $0x4  }
0x105: {  	v61 =	vshll.u32 v3, $0x2  }
0x106: {  	v3 =	vand.u32 $0x7, v3;
	v4 =	vand.u32 $0xFFFFFFE0, v61  }
0x107: {  	v3 =	vor.u32 v3, v4  }
0x108: {  	v4 =	vperm.xlane v3, v0;
	_ =	sdelay $0x1  }
0x109: {  	v4 =	vadd.s32 v1, v4;
	_ =	sdelay $0x1  }
0x10a: {  	v3 =	vperm.xlane v3, v2;
	_ =	sdelay $0x1  }
0x10b: {  	s3 =	simm.s32 $0x2800;
	v3 =	vadd.s32 v1, v3  }
0x10c: {  	[tilespmem:s3], [sflag:$0x1] =	stream.indirect_vreg.gather [hbm4b:s0+s4], $0x80, v4, vm0, $0xb8;
	[tilespmem:$0x18800] =	vst v63  }
0x10d: {  	s11 =	simm.s32 $0x3000  }
0x10e: {  	[tilespmem:s11], [sflag:$0x1] =	stream.indirect_vreg.gather [hbm4b:s5+s4], $0x80, v4, vm0, $0xb8;
	[tilespmem:$0x18800] =	vst v63  }
0x10f: {  	s14 =	simm.s32 $0x3800  }
0x110: {  	[tilespmem:s14], [sflag:$0x1] =	stream.indirect_vreg.gather [hbm4b:s0+s4], $0x80, v3, vm0, $0xb8;
	[tilespmem:$0x18800] =	vst v63  }
0x111: {  	s31 =	simm.s32 $0x4000  }
0x112: {  	[tilespmem:s31], [sflag:$0x1] =	stream.indirect_vreg.gather [hbm4b:s5+s4], $0x80, v3, vm0, $0xb8;
	[tilespmem:$0x18800] =	vst v63  }
0x113: {  	v3 =	vld [tilespmem:$0xE0];
	_ =	sdelay $0x4  }
0x114: {  	v62 =	vshll.u32 v3, $0x2  }
0x115: {  	v3 =	vand.u32 $0x7, v3;
	v4 =	vand.u32 $0xFFFFFFE0, v62  }
0x116: {  	v3 =	vor.u32 v3, v4  }
0x117: {  	v4 =	vperm.xlane v3, v0;
	_ =	sdelay $0x1  }
0x118: {  	v4 =	vadd.s32 v1, v4;
	_ =	sdelay $0x1  }
0x119: {  	v3 =	vperm.xlane v3, v2;
	_ =	sdelay $0x1  }
0x11a: {  	s16 =	simm.s32 $0x4800;
	v3 =	vadd.s32 v1, v3  }
0x11b: {  	[tilespmem:s16], [sflag:$0x1] =	stream.indirect_vreg.gather [hbm4b:s0+s4], $0x80, v4, vm0, $0xb8;
	[tilespmem:$0x18800] =	vst v63  }
0x11c: {  	s29 =	simm.s32 $0x5000  }
0x11d: {  	[tilespmem:s29], [sflag:$0x1] =	stream.indirect_vreg.gather [hbm4b:s5+s4], $0x80, v4, vm0, $0xb8;
	[tilespmem:$0x18800] =	vst v63  }
0x11e: {  	s30 =	simm.s32 $0x5800  }
0x11f: {  	[tilespmem:s30], [sflag:$0x1] =	stream.indirect_vreg.gather [hbm4b:s0+s4], $0x80, v3, vm0, $0xb8;
	[tilespmem:$0x18800] =	vst v63  }
0x120: {  	s18 =	simm.s32 $0x6000  }
0x121: {  	[tilespmem:s18], [sflag:$0x1] =	stream.indirect_vreg.gather [hbm4b:s5+s4], $0x80, v3, vm0, $0xb8;
	[tilespmem:$0x18800] =	vst v63  }
0x122: {  	v3 =	vld [tilespmem:$0xF0];
	_ =	sdelay $0x4  }
0x123: {  	v63 =	vshll.u32 v3, $0x2  }
0x124: {  	v3 =	vand.u32 $0x7, v3;
	v4 =	vand.u32 $0xFFFFFFE0, v63  }
0x125: {  	v3 =	vor.u32 v3, v4  }
0x126: {  	v4 =	vperm.xlane v3, v0;
	_ =	sdelay $0x1  }
0x127: {  	v4 =	vadd.s32 v1, v4;
	_ =	sdelay $0x1  }
0x128: {  	v3 =	vperm.xlane v3, v2;
	_ =	sdelay $0x1  }
0x129: {  	s31 =	simm.s32 $0x6800;
	v3 =	vadd.s32 v1, v3  }
0x12a: {  	[tilespmem:s31], [sflag:$0x1] =	stream.indirect_vreg.gather [hbm4b:s0+s4], $0x80, v4, vm0, $0xb8;
	[tilespmem:$0x18800] =	vst v63  }
0x12b: {  	s1 =	simm.s32 $0x7000  }
0x12c: {  	[tilespmem:s1], [sflag:$0x1] =	stream.indirect_vreg.gather [hbm4b:s5+s4], $0x80, v4, vm0, $0xb8;
	[tilespmem:$0x18800] =	vst v63  }
0x12d: {  	s9 =	simm.s32 $0x7800  }
0x12e: {  	[tilespmem:s9], [sflag:$0x1] =	stream.indirect_vreg.gather [hbm4b:s0+s4], $0x80, v3, vm0, $0xb8;
	[tilespmem:$0x18800] =	vst v63  }
0x12f: {  	s8 =	simm.s32 $0x8000  }
0x130: {  	[tilespmem:s8], [sflag:$0x1] =	stream.indirect_vreg.gather [hbm4b:s5+s4], $0x80, v3, vm0, $0xb8;
	[tilespmem:$0x18800] =	vst v63  }
0x131: {  	s21 =	simm.s32 $0x8800;
	s16 =	rddreg [dreg:$0x9]  }
0x132: {  	[hbm4b:s16+s4] =	stream.linear.scatter [tilespmem:s21], [sflag:$0x5], $0x8000, $0x38;
	[tilespmem:$0x18800] =	vst v63  }
0x133: {  	_ =	swait.ge [sflag:s15], $0x8000  }
0x134: {  	[sflag:s15] =	ssyncset.done $0x0  }
0x135: {  	[sflag:s15] =	ssyncadd.s32 $0xFFFF8000  }
0x136: {  	_ =	swait.ge [sflag:s22], $0x8000  }
0x137: {  	[sflag:s22] =	ssyncset.done $0x0  }
0x138: {  	[sflag:s22] =	ssyncadd.s32 $0xFFFF8000  }
0x139: {  	v3 =	vld [tilespmem:$0x100];
	_ =	sdelay $0x4  }
0x13a: {  	v8 =	vshll.u32 v3, $0x2  }
0x13b: {  	v3 =	vand.u32 $0x7, v3;
	v4 =	vand.u32 $0xFFFFFFE0, v8  }
0x13c: {  	v3 =	vor.u32 v3, v4  }
0x13d: {  	v4 =	vperm.xlane v3, v0;
	_ =	sdelay $0x1  }
0x13e: {  	v4 =	vadd.s32 v1, v4;
	_ =	sdelay $0x1  }
0x13f: {  	v3 =	vperm.xlane v3, v2;
	_ =	sdelay $0x1  }
0x140: {  	v3 =	vadd.s32 v1, v3  }
0x141: {  	[tilespmem:s21], [sflag:$0x2] =	stream.indirect_vreg.gather [hbm4b:s0+s4], $0x80, v4, vm0, $0xb8;
	[tilespmem:$0x18800] =	vst v63  }
0x142: {  	s7 =	simm.s32 $0x9000  }
0x143: {  	[tilespmem:s7], [sflag:$0x2] =	stream.indirect_vreg.gather [hbm4b:s5+s4], $0x80, v4, vm0, $0xb8;
	[tilespmem:$0x18800] =	vst v63  }
0x144: {  	s26 =	simm.s32 $0x9800  }
0x145: {  	[tilespmem:s26], [sflag:$0x2] =	stream.indirect_vreg.gather [hbm4b:s0+s4], $0x80, v3, vm0, $0xb8;
	[tilespmem:$0x18800] =	vst v63  }
0x146: {  	s28 =	simm.s32 $0xA000  }
0x147: {  	[tilespmem:s28], [sflag:$0x2] =	stream.indirect_vreg.gather [hbm4b:s5+s4], $0x80, v3, vm0, $0xb8;
	[tilespmem:$0x18800] =	vst v63  }
0x148: {  	v3 =	vld [tilespmem:$0x110];
	_ =	sdelay $0x4  }
0x149: {  	v9 =	vshll.u32 v3, $0x2  }
0x14a: {  	v3 =	vand.u32 $0x7, v3;
	v4 =	vand.u32 $0xFFFFFFE0, v9  }
0x14b: {  	v3 =	vor.u32 v3, v4  }
0x14c: {  	v4 =	vperm.xlane v3, v0;
	_ =	sdelay $0x1  }
0x14d: {  	v4 =	vadd.s32 v1, v4;
	_ =	sdelay $0x1  }
0x14e: {  	v3 =	vperm.xlane v3, v2;
	_ =	sdelay $0x1  }
0x14f: {  	s24 =	simm.s32 $0xA800;
	v3 =	vadd.s32 v1, v3  }
0x150: {  	[tilespmem:s24], [sflag:$0x2] =	stream.indirect_vreg.gather [hbm4b:s0+s4], $0x80, v4, vm0, $0xb8;
	[tilespmem:$0x18800] =	vst v63  }
0x151: {  	s10 =	simm.s32 $0xB000  }
0x152: {  	[tilespmem:s10], [sflag:$0x2] =	stream.indirect_vreg.gather [hbm4b:s5+s4], $0x80, v4, vm0, $0xb8;
	[tilespmem:$0x18800] =	vst v63  }
0x153: {  	s3 =	simm.s32 $0xB800  }
0x154: {  	[tilespmem:s3], [sflag:$0x2] =	stream.indirect_vreg.gather [hbm4b:s0+s4], $0x80, v3, vm0, $0xb8;
	[tilespmem:$0x18800] =	vst v63  }
0x155: {  	s12 =	simm.s32 $0xC000  }
0x156: {  	[tilespmem:s12], [sflag:$0x2] =	stream.indirect_vreg.gather [hbm4b:s5+s4], $0x80, v3, vm0, $0xb8;
	[tilespmem:$0x18800] =	vst v63  }
0x157: {  	v3 =	vld [tilespmem:$0x120];
	_ =	sdelay $0x4  }
0x158: {  	v10 =	vshll.u32 v3, $0x2  }
0x159: {  	v3 =	vand.u32 $0x7, v3;
	v4 =	vand.u32 $0xFFFFFFE0, v10  }
0x15a: {  	v3 =	vor.u32 v3, v4  }
0x15b: {  	v4 =	vperm.xlane v3, v0;
	_ =	sdelay $0x1  }
0x15c: {  	v4 =	vadd.s32 v1, v4;
	_ =	sdelay $0x1  }
0x15d: {  	v3 =	vperm.xlane v3, v2;
	_ =	sdelay $0x1  }
0x15e: {  	s12 =	simm.s32 $0xC800;
	v3 =	vadd.s32 v1, v3  }
0x15f: {  	[tilespmem:s12], [sflag:$0x2] =	stream.indirect_vreg.gather [hbm4b:s0+s4], $0x80, v4, vm0, $0xb8;
	[tilespmem:$0x18800] =	vst v63  }
0x160: {  	s11 =	simm.s32 $0xD000  }
0x161: {  	[tilespmem:s11], [sflag:$0x2] =	stream.indirect_vreg.gather [hbm4b:s5+s4], $0x80, v4, vm0, $0xb8;
	[tilespmem:$0x18800] =	vst v63  }
0x162: {  	s14 =	simm.s32 $0xD800  }
0x163: {  	[tilespmem:s14], [sflag:$0x2] =	stream.indirect_vreg.gather [hbm4b:s0+s4], $0x80, v3, vm0, $0xb8;
	[tilespmem:$0x18800] =	vst v63  }
0x164: {  	s13 =	simm.s32 $0xE000  }
0x165: {  	[tilespmem:s13], [sflag:$0x2] =	stream.indirect_vreg.gather [hbm4b:s5+s4], $0x80, v3, vm0, $0xb8;
	[tilespmem:$0x18800] =	vst v63  }
0x166: {  	v3 =	vld [tilespmem:$0x130];
	_ =	sdelay $0x4  }
0x167: {  	v11 =	vshll.u32 v3, $0x2  }
0x168: {  	v3 =	vand.u32 $0x7, v3;
	v4 =	vand.u32 $0xFFFFFFE0, v11  }
0x169: {  	v3 =	vor.u32 v3, v4  }
0x16a: {  	v4 =	vperm.xlane v3, v0;
	_ =	sdelay $0x1  }
0x16b: {  	v4 =	vadd.s32 v1, v4;
	_ =	sdelay $0x1  }
0x16c: {  	v3 =	vperm.xlane v3, v2;
	_ =	sdelay $0x1  }
0x16d: {  	s13 =	simm.s32 $0xE800;
	v3 =	vadd.s32 v1, v3  }
0x16e: {  	[tilespmem:s13], [sflag:$0x2] =	stream.indirect_vreg.gather [hbm4b:s0+s4], $0x80, v4, vm0, $0xb8;
	[tilespmem:$0x18800] =	vst v63  }
0x16f: {  	s16 =	simm.s32 $0xF000  }
0x170: {  	[tilespmem:s16], [sflag:$0x2] =	stream.indirect_vreg.gather [hbm4b:s5+s4], $0x80, v4, vm0, $0xb8;
	[tilespmem:$0x18800] =	vst v63  }
0x171: {  	s29 =	simm.s32 $0xF800  }
0x172: {  	[tilespmem:s29], [sflag:$0x2] =	stream.indirect_vreg.gather [hbm4b:s0+s4], $0x80, v3, vm0, $0xb8;
	[tilespmem:$0x18800] =	vst v63  }
0x173: {  	s9 =	simm.s32 $0x10000  }
0x174: {  	[tilespmem:s9], [sflag:$0x2] =	stream.indirect_vreg.gather [hbm4b:s5+s4], $0x80, v3, vm0, $0xb8;
	[tilespmem:$0x18800] =	vst v63  }
0x175: {  	s21 =	simm.s32 $0x10800;
	s28 =	rddreg [dreg:$0xa]  }
0x176: {  	[hbm4b:s28+s4] =	stream.linear.scatter [tilespmem:s21], [sflag:$0x6], $0x8000, $0x38;
	[tilespmem:$0x18800] =	vst v63  }
0x177: {  	_ =	swait.ge [sflag:s17], $0x8000  }
0x178: {  	[sflag:s17] =	ssyncset.done $0x0  }
0x179: {  	[sflag:s17] =	ssyncadd.s32 $0xFFFF8000  }
0x17a: {  	_ =	swait.ge [sflag:s23], $0x8000  }
0x17b: {  	[sflag:s23] =	ssyncset.done $0x0  }
0x17c: {  	[sflag:s23] =	ssyncadd.s32 $0xFFFF8000  }
0x17d: {  	v3 =	vld [tilespmem:$0x140];
	_ =	sdelay $0x4  }
0x17e: {  	v12 =	vshll.u32 v3, $0x2  }
0x17f: {  	v3 =	vand.u32 $0x7, v3;
	v4 =	vand.u32 $0xFFFFFFE0, v12  }
0x180: {  	v3 =	vor.u32 v3, v4  }
0x181: {  	v4 =	vperm.xlane v3, v0;
	_ =	sdelay $0x1  }
0x182: {  	v4 =	vadd.s32 v1, v4;
	_ =	sdelay $0x1  }
0x183: {  	v3 =	vperm.xlane v3, v2;
	_ =	sdelay $0x1  }
0x184: {  	v3 =	vadd.s32 v1, v3  }
0x185: {  	[tilespmem:s21], [sflag:$0x3] =	stream.indirect_vreg.gather [hbm4b:s0+s4], $0x80, v4, vm0, $0xb8;
	[tilespmem:$0x18800] =	vst v63  }
0x186: {  	s28 =	simm.s32 $0x11000  }
0x187: {  	[tilespmem:s28], [sflag:$0x3] =	stream.indirect_vreg.gather [hbm4b:s5+s4], $0x80, v4, vm0, $0xb8;
	[tilespmem:$0x18800] =	vst v63  }
0x188: {  	s24 =	simm.s32 $0x11800  }
0x189: {  	[tilespmem:s24], [sflag:$0x3] =	stream.indirect_vreg.gather [hbm4b:s0+s4], $0x80, v3, vm0, $0xb8;
	[tilespmem:$0x18800] =	vst v63  }
0x18a: {  	s25 =	simm.s32 $0x12000  }
0x18b: {  	[tilespmem:s25], [sflag:$0x3] =	stream.indirect_vreg.gather [hbm4b:s5+s4], $0x80, v3, vm0, $0xb8;
	[tilespmem:$0x18800] =	vst v63  }
0x18c: {  	v3 =	vld [tilespmem:$0x150];
	_ =	sdelay $0x4  }
0x18d: {  	v13 =	vshll.u32 v3, $0x2  }
0x18e: {  	v3 =	vand.u32 $0x7, v3;
	v4 =	vand.u32 $0xFFFFFFE0, v13  }
0x18f: {  	v3 =	vor.u32 v3, v4  }
0x190: {  	v4 =	vperm.xlane v3, v0;
	_ =	sdelay $0x1  }
0x191: {  	v4 =	vadd.s32 v1, v4;
	_ =	sdelay $0x1  }
0x192: {  	v3 =	vperm.xlane v3, v2;
	_ =	sdelay $0x1  }
0x193: {  	s25 =	simm.s32 $0x12800;
	v3 =	vadd.s32 v1, v3  }
0x194: {  	[tilespmem:s25], [sflag:$0x3] =	stream.indirect_vreg.gather [hbm4b:s0+s4], $0x80, v4, vm0, $0xb8;
	[tilespmem:$0x18800] =	vst v63  }
0x195: {  	s9 =	simm.s32 $0x13000  }
0x196: {  	[tilespmem:s9], [sflag:$0x3] =	stream.indirect_vreg.gather [hbm4b:s5+s4], $0x80, v4, vm0, $0xb8;
	[tilespmem:$0x18800] =	vst v63  }
0x197: {  	s21 =	simm.s32 $0x13800  }
0x198: {  	[tilespmem:s21], [sflag:$0x3] =	stream.indirect_vreg.gather [hbm4b:s0+s4], $0x80, v3, vm0, $0xb8;
	[tilespmem:$0x18800] =	vst v63  }
0x199: {  	s24 =	simm.s32 $0x14000  }
0x19a: {  	[tilespmem:s24], [sflag:$0x3] =	stream.indirect_vreg.gather [hbm4b:s5+s4], $0x80, v3, vm0, $0xb8;
	[tilespmem:$0x18800] =	vst v63  }
0x19b: {  	v3 =	vld [tilespmem:$0x160];
	_ =	sdelay $0x4  }
0x19c: {  	v14 =	vshll.u32 v3, $0x2  }
0x19d: {  	v3 =	vand.u32 $0x7, v3;
	v4 =	vand.u32 $0xFFFFFFE0, v14  }
0x19e: {  	v3 =	vor.u32 v3, v4  }
0x19f: {  	v4 =	vperm.xlane v3, v0;
	_ =	sdelay $0x1  }
0x1a0: {  	v4 =	vadd.s32 v1, v4;
	_ =	sdelay $0x1  }
0x1a1: {  	v3 =	vperm.xlane v3, v2;
	_ =	sdelay $0x1  }
0x1a2: {  	s9 =	simm.s32 $0x14800;
	v3 =	vadd.s32 v1, v3  }
0x1a3: {  	[tilespmem:s9], [sflag:$0x3] =	stream.indirect_vreg.gather [hbm4b:s0+s4], $0x80, v4, vm0, $0xb8;
	[tilespmem:$0x18800] =	vst v63  }
0x1a4: {  	s21 =	simm.s32 $0x15000  }
0x1a5: {  	[tilespmem:s21], [sflag:$0x3] =	stream.indirect_vreg.gather [hbm4b:s5+s4], $0x80, v4, vm0, $0xb8;
	[tilespmem:$0x18800] =	vst v63  }
0x1a6: {  	s24 =	simm.s32 $0x15800  }
0x1a7: {  	[tilespmem:s24], [sflag:$0x3] =	stream.indirect_vreg.gather [hbm4b:s0+s4], $0x80, v3, vm0, $0xb8;
	[tilespmem:$0x18800] =	vst v63  }
0x1a8: {  	s9 =	simm.s32 $0x16000  }
0x1a9: {  	[tilespmem:s9], [sflag:$0x3] =	stream.indirect_vreg.gather [hbm4b:s5+s4], $0x80, v3, vm0, $0xb8;
	[tilespmem:$0x18800] =	vst v63  }
0x1aa: {  	v3 =	vld [tilespmem:$0x170];
	_ =	sdelay $0x4  }
0x1ab: {  	v15 =	vshll.u32 v3, $0x2  }
0x1ac: {  	v3 =	vand.u32 $0x7, v3;
	v4 =	vand.u32 $0xFFFFFFE0, v15  }
0x1ad: {  	v3 =	vor.u32 v3, v4  }
0x1ae: {  	v4 =	vperm.xlane v3, v0;
	_ =	sdelay $0x1  }
0x1af: {  	v4 =	vadd.s32 v1, v4;
	_ =	sdelay $0x1  }
0x1b0: {  	v3 =	vperm.xlane v3, v2;
	_ =	sdelay $0x1  }
0x1b1: {  	s21 =	simm.s32 $0x16800;
	v3 =	vadd.s32 v1, v3  }
0x1b2: {  	[tilespmem:s21], [sflag:$0x3] =	stream.indirect_vreg.gather [hbm4b:s0+s4], $0x80, v4, vm0, $0xb8;
	[tilespmem:$0x18800] =	vst v63  }
0x1b3: {  	s24 =	simm.s32 $0x17000  }
0x1b4: {  	[tilespmem:s24], [sflag:$0x3] =	stream.indirect_vreg.gather [hbm4b:s5+s4], $0x80, v4, vm0, $0xb8;
	[tilespmem:$0x18800] =	vst v63  }
0x1b5: {  	s9 =	simm.s32 $0x17800  }
0x1b6: {  	[tilespmem:s9], [sflag:$0x3] =	stream.indirect_vreg.gather [hbm4b:s0+s4], $0x80, v3, vm0, $0xb8;
	[tilespmem:$0x18800] =	vst v63  }
0x1b7: {  	s21 =	simm.s32 $0x18000  }
0x1b8: {  	[tilespmem:s21], [sflag:$0x3] =	stream.indirect_vreg.gather [hbm4b:s5+s4], $0x80, v3, vm0, $0xb8;
	[tilespmem:$0x18800] =	vst v63  }
0x1b9: {  	s24 =	rddreg [dreg:$0xb];
	s9 =	simm.s32 $0x800  }
0x1ba: {  	[hbm4b:s24+s4] =	stream.linear.scatter [tilespmem:s9], [sflag:$0x4], $0x8000, $0x38;
	[tilespmem:$0x18800] =	vst v63  }
0x1bb: {  	_ =	swait.ge [sflag:s19], $0x8000  }
0x1bc: {  	[sflag:s19] =	ssyncset.done $0x0  }
0x1bd: {  	[sflag:s19] =	ssyncadd.s32 $0xFFFF8000  }
0x1be: {  	_ =	swait.ge [sflag:s20], $0x8000  }
0x1bf: {  	[sflag:s20] =	ssyncset.done $0x0  }
0x1c0: {  	[sflag:s20] =	ssyncadd.s32 $0xFFFF8000  }
0x1c1: {  	v3 =	vld [tilespmem:$0x180];
	_ =	sdelay $0x4  }
0x1c2: {  	v16 =	vshll.u32 v3, $0x2  }
0x1c3: {  	v3 =	vand.u32 $0x7, v3;
	v4 =	vand.u32 $0xFFFFFFE0, v16  }
0x1c4: {  	v3 =	vor.u32 v3, v4  }
0x1c5: {  	v4 =	vperm.xlane v3, v0;
	_ =	sdelay $0x1  }
0x1c6: {  	v4 =	vadd.s32 v1, v4;
	_ =	sdelay $0x1  }
0x1c7: {  	v3 =	vperm.xlane v3, v2;
	_ =	sdelay $0x1  }
0x1c8: {  	v3 =	vadd.s32 v1, v3  }
0x1c9: {  	[tilespmem:s9], [sflag:$0x1] =	stream.indirect_vreg.gather [hbm4b:s0+s4], $0x80, v4, vm0, $0xb8;
	[tilespmem:$0x18800] =	vst v63  }
0x1ca: {  	s8 =	simm.s32 $0x1000  }
0x1cb: {  	[tilespmem:s8], [sflag:$0x1] =	stream.indirect_vreg.gather [hbm4b:s5+s4], $0x80, v4, vm0, $0xb8;
	[tilespmem:$0x18800] =	vst v63  }
0x1cc: {  	s21 =	simm.s32 $0x1800  }
0x1cd: {  	[tilespmem:s21], [sflag:$0x1] =	stream.indirect_vreg.gather [hbm4b:s0+s4], $0x80, v3, vm0, $0xb8;
	[tilespmem:$0x18800] =	vst v63  }
0x1ce: {  	s24 =	simm.s32 $0x2000  }
0x1cf: {  	[tilespmem:s24], [sflag:$0x1] =	stream.indirect_vreg.gather [hbm4b:s5+s4], $0x80, v3, vm0, $0xb8;
	[tilespmem:$0x18800] =	vst v63  }
0x1d0: {  	v3 =	vld [tilespmem:$0x190];
	_ =	sdelay $0x4  }
0x1d1: {  	v17 =	vshll.u32 v3, $0x2  }
0x1d2: {  	v3 =	vand.u32 $0x7, v3;
	v4 =	vand.u32 $0xFFFFFFE0, v17  }
0x1d3: {  	v3 =	vor.u32 v3, v4  }
0x1d4: {  	v4 =	vperm.xlane v3, v0;
	_ =	sdelay $0x1  }
0x1d5: {  	v4 =	vadd.s32 v1, v4;
	_ =	sdelay $0x1  }
0x1d6: {  	v3 =	vperm.xlane v3, v2;
	_ =	sdelay $0x1  }
0x1d7: {  	s21 =	simm.s32 $0x2800;
	v3 =	vadd.s32 v1, v3  }
0x1d8: {  	[tilespmem:s21], [sflag:$0x1] =	stream.indirect_vreg.gather [hbm4b:s0+s4], $0x80, v4, vm0, $0xb8;
	[tilespmem:$0x18800] =	vst v63  }
0x1d9: {  	s24 =	simm.s32 $0x3000  }
0x1da: {  	[tilespmem:s24], [sflag:$0x1] =	stream.indirect_vreg.gather [hbm4b:s5+s4], $0x80, v4, vm0, $0xb8;
	[tilespmem:$0x18800] =	vst v63  }
0x1db: {  	s21 =	simm.s32 $0x3800  }
0x1dc: {  	[tilespmem:s21], [sflag:$0x1] =	stream.indirect_vreg.gather [hbm4b:s0+s4], $0x80, v3, vm0, $0xb8;
	[tilespmem:$0x18800] =	vst v63  }
0x1dd: {  	s24 =	simm.s32 $0x4000  }
0x1de: {  	[tilespmem:s24], [sflag:$0x1] =	stream.indirect_vreg.gather [hbm4b:s5+s4], $0x80, v3, vm0, $0xb8;
	[tilespmem:$0x18800] =	vst v63  }
0x1df: {  	v3 =	vld [tilespmem:$0x1A0];
	_ =	sdelay $0x4  }
0x1e0: {  	v18 =	vshll.u32 v3, $0x2  }
0x1e1: {  	v3 =	vand.u32 $0x7, v3;
	v4 =	vand.u32 $0xFFFFFFE0, v18  }
0x1e2: {  	v3 =	vor.u32 v3, v4  }
0x1e3: {  	v4 =	vperm.xlane v3, v0;
	_ =	sdelay $0x1  }
0x1e4: {  	v4 =	vadd.s32 v1, v4;
	_ =	sdelay $0x1  }
0x1e5: {  	v3 =	vperm.xlane v3, v2;
	_ =	sdelay $0x1  }
0x1e6: {  	s21 =	simm.s32 $0x4800;
	v3 =	vadd.s32 v1, v3  }
0x1e7: {  	[tilespmem:s21], [sflag:$0x1] =	stream.indirect_vreg.gather [hbm4b:s0+s4], $0x80, v4, vm0, $0xb8;
	[tilespmem:$0x18800] =	vst v63  }
0x1e8: {  	s24 =	simm.s32 $0x5000  }
0x1e9: {  	[tilespmem:s24], [sflag:$0x1] =	stream.indirect_vreg.gather [hbm4b:s5+s4], $0x80, v4, vm0, $0xb8;
	[tilespmem:$0x18800] =	vst v63  }
0x1ea: {  	_ = 	snop  }
0x1eb: {  	[tilespmem:s30], [sflag:$0x1] =	stream.indirect_vreg.gather [hbm4b:s0+s4], $0x80, v3, vm0, $0xb8;
	[tilespmem:$0x18800] =	vst v63  }
0x1ec: {  	_ = 	snop  }
0x1ed: {  	[tilespmem:s18], [sflag:$0x1] =	stream.indirect_vreg.gather [hbm4b:s5+s4], $0x80, v3, vm0, $0xb8;
	[tilespmem:$0x18800] =	vst v63  }
0x1ee: {  	v3 =	vld [tilespmem:$0x1B0];
	_ =	sdelay $0x4  }
0x1ef: {  	v19 =	vshll.u32 v3, $0x2  }
0x1f0: {  	v3 =	vand.u32 $0x7, v3;
	v4 =	vand.u32 $0xFFFFFFE0, v19  }
0x1f1: {  	v3 =	vor.u32 v3, v4  }
0x1f2: {  	v4 =	vperm.xlane v3, v0;
	_ =	sdelay $0x1  }
0x1f3: {  	v4 =	vadd.s32 v1, v4;
	_ =	sdelay $0x1  }
0x1f4: {  	v3 =	vperm.xlane v3, v2;
	_ =	sdelay $0x1  }
0x1f5: {  	v3 =	vadd.s32 v1, v3  }
0x1f6: {  	[tilespmem:s31], [sflag:$0x1] =	stream.indirect_vreg.gather [hbm4b:s0+s4], $0x80, v4, vm0, $0xb8;
	[tilespmem:$0x18800] =	vst v63  }
0x1f7: {  	_ = 	snop  }
0x1f8: {  	[tilespmem:s1], [sflag:$0x1] =	stream.indirect_vreg.gather [hbm4b:s5+s4], $0x80, v4, vm0, $0xb8;
	[tilespmem:$0x18800] =	vst v63  }
0x1f9: {  	s9 =	simm.s32 $0x7800  }
0x1fa: {  	[tilespmem:s9], [sflag:$0x1] =	stream.indirect_vreg.gather [hbm4b:s0+s4], $0x80, v3, vm0, $0xb8;
	[tilespmem:$0x18800] =	vst v63  }
0x1fb: {  	s30 =	simm.s32 $0x8000  }
0x1fc: {  	[tilespmem:s30], [sflag:$0x1] =	stream.indirect_vreg.gather [hbm4b:s5+s4], $0x80, v3, vm0, $0xb8;
	[tilespmem:$0x18800] =	vst v63  }
0x1fd: {  	s21 =	simm.s32 $0x8800;
	s18 =	rddreg [dreg:$0xc]  }
0x1fe: {  	[hbm4b:s18+s4] =	stream.linear.scatter [tilespmem:s21], [sflag:$0x5], $0x8000, $0x38;
	[tilespmem:$0x18800] =	vst v63  }
0x1ff: {  	_ =	swait.ge [sflag:s15], $0x8000  }
0x200: {  	[sflag:s15] =	ssyncset.done $0x0  }
0x201: {  	[sflag:s15] =	ssyncadd.s32 $0xFFFF8000  }
0x202: {  	_ =	swait.ge [sflag:s22], $0x8000  }
0x203: {  	[sflag:s22] =	ssyncset.done $0x0  }
0x204: {  	[sflag:s22] =	ssyncadd.s32 $0xFFFF8000  }
0x205: {  	v3 =	vld [tilespmem:$0x1C0];
	_ =	sdelay $0x4  }
0x206: {  	v20 =	vshll.u32 v3, $0x2  }
0x207: {  	v3 =	vand.u32 $0x7, v3;
	v4 =	vand.u32 $0xFFFFFFE0, v20  }
0x208: {  	v3 =	vor.u32 v3, v4  }
0x209: {  	v4 =	vperm.xlane v3, v0;
	_ =	sdelay $0x1  }
0x20a: {  	v4 =	vadd.s32 v1, v4;
	_ =	sdelay $0x1  }
0x20b: {  	v3 =	vperm.xlane v3, v2;
	_ =	sdelay $0x1  }
0x20c: {  	v3 =	vadd.s32 v1, v3  }
0x20d: {  	[tilespmem:s21], [sflag:$0x2] =	stream.indirect_vreg.gather [hbm4b:s0+s4], $0x80, v4, vm0, $0xb8;
	[tilespmem:$0x18800] =	vst v63  }
0x20e: {  	_ = 	snop  }
0x20f: {  	[tilespmem:s7], [sflag:$0x2] =	stream.indirect_vreg.gather [hbm4b:s5+s4], $0x80, v4, vm0, $0xb8;
	[tilespmem:$0x18800] =	vst v63  }
0x210: {  	_ = 	snop  }
0x211: {  	[tilespmem:s26], [sflag:$0x2] =	stream.indirect_vreg.gather [hbm4b:s0+s4], $0x80, v3, vm0, $0xb8;
	[tilespmem:$0x18800] =	vst v63  }
0x212: {  	s1 =	simm.s32 $0xA000  }
0x213: {  	[tilespmem:s1], [sflag:$0x2] =	stream.indirect_vreg.gather [hbm4b:s5+s4], $0x80, v3, vm0, $0xb8;
	[tilespmem:$0x18800] =	vst v63  }
0x214: {  	v3 =	vld [tilespmem:$0x1D0];
	_ =	sdelay $0x4  }
0x215: {  	v21 =	vshll.u32 v3, $0x2  }
0x216: {  	v3 =	vand.u32 $0x7, v3;
	v4 =	vand.u32 $0xFFFFFFE0, v21  }
0x217: {  	v3 =	vor.u32 v3, v4  }
0x218: {  	v4 =	vperm.xlane v3, v0;
	_ =	sdelay $0x1  }
0x219: {  	v4 =	vadd.s32 v1, v4;
	_ =	sdelay $0x1  }
0x21a: {  	v3 =	vperm.xlane v3, v2;
	_ =	sdelay $0x1  }
0x21b: {  	s31 =	simm.s32 $0xA800;
	v3 =	vadd.s32 v1, v3  }
0x21c: {  	[tilespmem:s31], [sflag:$0x2] =	stream.indirect_vreg.gather [hbm4b:s0+s4], $0x80, v4, vm0, $0xb8;
	[tilespmem:$0x18800] =	vst v63  }
0x21d: {  	_ = 	snop  }
0x21e: {  	[tilespmem:s10], [sflag:$0x2] =	stream.indirect_vreg.gather [hbm4b:s5+s4], $0x80, v4, vm0, $0xb8;
	[tilespmem:$0x18800] =	vst v63  }
0x21f: {  	_ = 	snop  }
0x220: {  	[tilespmem:s3], [sflag:$0x2] =	stream.indirect_vreg.gather [hbm4b:s0+s4], $0x80, v3, vm0, $0xb8;
	[tilespmem:$0x18800] =	vst v63  }
0x221: {  	s7 =	simm.s32 $0xC000  }
0x222: {  	[tilespmem:s7], [sflag:$0x2] =	stream.indirect_vreg.gather [hbm4b:s5+s4], $0x80, v3, vm0, $0xb8;
	[tilespmem:$0x18800] =	vst v63  }
0x223: {  	v3 =	vld [tilespmem:$0x1E0];
	_ =	sdelay $0x4  }
0x224: {  	v22 =	vshll.u32 v3, $0x2  }
0x225: {  	v3 =	vand.u32 $0x7, v3;
	v4 =	vand.u32 $0xFFFFFFE0, v22  }
0x226: {  	v3 =	vor.u32 v3, v4  }
0x227: {  	v4 =	vperm.xlane v3, v0;
	_ =	sdelay $0x1  }
0x228: {  	v4 =	vadd.s32 v1, v4;
	_ =	sdelay $0x1  }
0x229: {  	v3 =	vperm.xlane v3, v2;
	_ =	sdelay $0x1  }
0x22a: {  	v3 =	vadd.s32 v1, v3  }
0x22b: {  	[tilespmem:s12], [sflag:$0x2] =	stream.indirect_vreg.gather [hbm4b:s0+s4], $0x80, v4, vm0, $0xb8;
	[tilespmem:$0x18800] =	vst v63  }
0x22c: {  	_ = 	snop  }
0x22d: {  	[tilespmem:s11], [sflag:$0x2] =	stream.indirect_vreg.gather [hbm4b:s5+s4], $0x80, v4, vm0, $0xb8;
	[tilespmem:$0x18800] =	vst v63  }
0x22e: {  	_ = 	snop  }
0x22f: {  	[tilespmem:s14], [sflag:$0x2] =	stream.indirect_vreg.gather [hbm4b:s0+s4], $0x80, v3, vm0, $0xb8;
	[tilespmem:$0x18800] =	vst v63  }
0x230: {  	s21 =	simm.s32 $0xE000  }
0x231: {  	[tilespmem:s21], [sflag:$0x2] =	stream.indirect_vreg.gather [hbm4b:s5+s4], $0x80, v3, vm0, $0xb8;
	[tilespmem:$0x18800] =	vst v63  }
0x232: {  	v3 =	vld [tilespmem:$0x1F0];
	_ =	sdelay $0x4  }
0x233: {  	v23 =	vshll.u32 v3, $0x2  }
0x234: {  	v3 =	vand.u32 $0x7, v3;
	v4 =	vand.u32 $0xFFFFFFE0, v23  }
0x235: {  	v3 =	vor.u32 v3, v4  }
0x236: {  	v4 =	vperm.xlane v3, v0;
	_ =	sdelay $0x1  }
0x237: {  	v4 =	vadd.s32 v1, v4;
	_ =	sdelay $0x1  }
0x238: {  	v3 =	vperm.xlane v3, v2;
	_ =	sdelay $0x1  }
0x239: {  	v3 =	vadd.s32 v1, v3  }
0x23a: {  	[tilespmem:s13], [sflag:$0x2] =	stream.indirect_vreg.gather [hbm4b:s0+s4], $0x80, v4, vm0, $0xb8;
	[tilespmem:$0x18800] =	vst v63  }
0x23b: {  	_ = 	snop  }
0x23c: {  	[tilespmem:s16], [sflag:$0x2] =	stream.indirect_vreg.gather [hbm4b:s5+s4], $0x80, v4, vm0, $0xb8;
	[tilespmem:$0x18800] =	vst v63  }
0x23d: {  	_ = 	snop  }
0x23e: {  	[tilespmem:s29], [sflag:$0x2] =	stream.indirect_vreg.gather [hbm4b:s0+s4], $0x80, v3, vm0, $0xb8;
	[tilespmem:$0x18800] =	vst v63  }
0x23f: {  	s11 =	simm.s32 $0x10000  }
0x240: {  	[tilespmem:s11], [sflag:$0x2] =	stream.indirect_vreg.gather [hbm4b:s5+s4], $0x80, v3, vm0, $0xb8;
	[tilespmem:$0x18800] =	vst v63  }
0x241: {  	s18 =	simm.s32 $0x10800;
	s16 =	rddreg [dreg:$0xd]  }
0x242: {  	[hbm4b:s16+s4] =	stream.linear.scatter [tilespmem:s18], [sflag:$0x6], $0x8000, $0x38;
	[tilespmem:$0x18800] =	vst v63  }
0x243: {  	_ =	swait.ge [sflag:s17], $0x8000  }
0x244: {  	[sflag:s17] =	ssyncset.done $0x0  }
0x245: {  	[sflag:s17] =	ssyncadd.s32 $0xFFFF8000  }
0x246: {  	_ =	swait.ge [sflag:s23], $0x8000  }
0x247: {  	[sflag:s23] =	ssyncset.done $0x0  }
0x248: {  	[sflag:s23] =	ssyncadd.s32 $0xFFFF8000  }
0x249: {  	v3 =	vld [tilespmem:$0x200];
	_ =	sdelay $0x4  }
0x24a: {  	v24 =	vshll.u32 v3, $0x2  }
0x24b: {  	v3 =	vand.u32 $0x7, v3;
	v4 =	vand.u32 $0xFFFFFFE0, v24  }
0x24c: {  	v3 =	vor.u32 v3, v4  }
0x24d: {  	v4 =	vperm.xlane v3, v0;
	_ =	sdelay $0x1  }
0x24e: {  	v4 =	vadd.s32 v1, v4;
	_ =	sdelay $0x1  }
0x24f: {  	v3 =	vperm.xlane v3, v2;
	_ =	sdelay $0x1  }
0x250: {  	v3 =	vadd.s32 v1, v3  }
0x251: {  	[tilespmem:s18], [sflag:$0x3] =	stream.indirect_vreg.gather [hbm4b:s0+s4], $0x80, v4, vm0, $0xb8;
	[tilespmem:$0x18800] =	vst v63  }
0x252: {  	_ = 	snop  }
0x253: {  	[tilespmem:s28], [sflag:$0x3] =	stream.indirect_vreg.gather [hbm4b:s5+s4], $0x80, v4, vm0, $0xb8;
	[tilespmem:$0x18800] =	vst v63  }
0x254: {  	s26 =	simm.s32 $0x11800  }
0x255: {  	[tilespmem:s26], [sflag:$0x3] =	stream.indirect_vreg.gather [hbm4b:s0+s4], $0x80, v3, vm0, $0xb8;
	[tilespmem:$0x18800] =	vst v63  }
0x256: {  	s12 =	simm.s32 $0x12000  }
0x257: {  	[tilespmem:s12], [sflag:$0x3] =	stream.indirect_vreg.gather [hbm4b:s5+s4], $0x80, v3, vm0, $0xb8;
	[tilespmem:$0x18800] =	vst v63  }
0x258: {  	v3 =	vld [tilespmem:$0x210];
	_ =	sdelay $0x4  }
0x259: {  	v25 =	vshll.u32 v3, $0x2  }
0x25a: {  	v3 =	vand.u32 $0x7, v3;
	v4 =	vand.u32 $0xFFFFFFE0, v25  }
0x25b: {  	v3 =	vor.u32 v3, v4  }
0x25c: {  	v4 =	vperm.xlane v3, v0;
	_ =	sdelay $0x1  }
0x25d: {  	v4 =	vadd.s32 v1, v4;
	_ =	sdelay $0x1  }
0x25e: {  	v3 =	vperm.xlane v3, v2;
	_ =	sdelay $0x1  }
0x25f: {  	v3 =	vadd.s32 v1, v3  }
0x260: {  	[tilespmem:s25], [sflag:$0x3] =	stream.indirect_vreg.gather [hbm4b:s0+s4], $0x80, v4, vm0, $0xb8;
	[tilespmem:$0x18800] =	vst v63  }
0x261: {  	s25 =	simm.s32 $0x13000  }
0x262: {  	[tilespmem:s25], [sflag:$0x3] =	stream.indirect_vreg.gather [hbm4b:s5+s4], $0x80, v4, vm0, $0xb8;
	[tilespmem:$0x18800] =	vst v63  }
0x263: {  	s26 =	simm.s32 $0x13800  }
0x264: {  	[tilespmem:s26], [sflag:$0x3] =	stream.indirect_vreg.gather [hbm4b:s0+s4], $0x80, v3, vm0, $0xb8;
	[tilespmem:$0x18800] =	vst v63  }
0x265: {  	s16 =	simm.s32 $0x14000  }
0x266: {  	[tilespmem:s16], [sflag:$0x3] =	stream.indirect_vreg.gather [hbm4b:s5+s4], $0x80, v3, vm0, $0xb8;
	[tilespmem:$0x18800] =	vst v63  }
0x267: {  	v3 =	vld [tilespmem:$0x220];
	_ =	sdelay $0x4  }
0x268: {  	v26 =	vshll.u32 v3, $0x2  }
0x269: {  	v3 =	vand.u32 $0x7, v3;
	v4 =	vand.u32 $0xFFFFFFE0, v26  }
0x26a: {  	v3 =	vor.u32 v3, v4  }
0x26b: {  	v4 =	vperm.xlane v3, v0;
	_ =	sdelay $0x1  }
0x26c: {  	v4 =	vadd.s32 v1, v4;
	_ =	sdelay $0x1  }
0x26d: {  	v3 =	vperm.xlane v3, v2;
	_ =	sdelay $0x1  }
0x26e: {  	s31 =	simm.s32 $0x14800;
	v3 =	vadd.s32 v1, v3  }
0x26f: {  	[tilespmem:s31], [sflag:$0x3] =	stream.indirect_vreg.gather [hbm4b:s0+s4], $0x80, v4, vm0, $0xb8;
	[tilespmem:$0x18800] =	vst v63  }
0x270: {  	s28 =	simm.s32 $0x15000  }
0x271: {  	[tilespmem:s28], [sflag:$0x3] =	stream.indirect_vreg.gather [hbm4b:s5+s4], $0x80, v4, vm0, $0xb8;
	[tilespmem:$0x18800] =	vst v63  }
0x272: {  	s14 =	simm.s32 $0x15800  }
0x273: {  	[tilespmem:s14], [sflag:$0x3] =	stream.indirect_vreg.gather [hbm4b:s0+s4], $0x80, v3, vm0, $0xb8;
	[tilespmem:$0x18800] =	vst v63  }
0x274: {  	s18 =	simm.s32 $0x16000  }
0x275: {  	[tilespmem:s18], [sflag:$0x3] =	stream.indirect_vreg.gather [hbm4b:s5+s4], $0x80, v3, vm0, $0xb8;
	[tilespmem:$0x18800] =	vst v63  }
0x276: {  	v3 =	vld [tilespmem:$0x230];
	_ =	sdelay $0x4  }
0x277: {  	v27 =	vshll.u32 v3, $0x2  }
0x278: {  	v3 =	vand.u32 $0x7, v3;
	v4 =	vand.u32 $0xFFFFFFE0, v27  }
0x279: {  	v3 =	vor.u32 v3, v4  }
0x27a: {  	v4 =	vperm.xlane v3, v0;
	_ =	sdelay $0x1  }
0x27b: {  	v4 =	vadd.s32 v1, v4;
	_ =	sdelay $0x1  }
0x27c: {  	v3 =	vperm.xlane v3, v2;
	_ =	sdelay $0x1  }
0x27d: {  	s13 =	simm.s32 $0x16800;
	v3 =	vadd.s32 v1, v3  }
0x27e: {  	[tilespmem:s13], [sflag:$0x3] =	stream.indirect_vreg.gather [hbm4b:s0+s4], $0x80, v4, vm0, $0xb8;
	[tilespmem:$0x18800] =	vst v63  }
0x27f: {  	s29 =	simm.s32 $0x17000  }
0x280: {  	[tilespmem:s29], [sflag:$0x3] =	stream.indirect_vreg.gather [hbm4b:s5+s4], $0x80, v4, vm0, $0xb8;
	[tilespmem:$0x18800] =	vst v63  }
0x281: {  	s28 =	simm.s32 $0x17800  }
0x282: {  	[tilespmem:s28], [sflag:$0x3] =	stream.indirect_vreg.gather [hbm4b:s0+s4], $0x80, v3, vm0, $0xb8;
	[tilespmem:$0x18800] =	vst v63  }
0x283: {  	s29 =	simm.s32 $0x18000  }
0x284: {  	[tilespmem:s29], [sflag:$0x3] =	stream.indirect_vreg.gather [hbm4b:s5+s4], $0x80, v3, vm0, $0xb8;
	[tilespmem:$0x18800] =	vst v63  }
0x285: {  	s10 =	simm.s32 $0x800;
	s3 =	rddreg [dreg:$0xe]  }
0x286: {  	[hbm4b:s3+s4] =	stream.linear.scatter [tilespmem:s10], [sflag:$0x4], $0x8000, $0x38;
	[tilespmem:$0x18800] =	vst v63  }
0x287: {  	_ =	swait.ge [sflag:s19], $0x8000  }
0x288: {  	[sflag:s19] =	ssyncset.done $0x0  }
0x289: {  	[sflag:s19] =	ssyncadd.s32 $0xFFFF8000  }
0x28a: {  	_ =	swait.ge [sflag:s20], $0x8000  }
0x28b: {  	[sflag:s20] =	ssyncset.done $0x0  }
0x28c: {  	[sflag:s20] =	ssyncadd.s32 $0xFFFF8000  }
0x28d: {  	v3 =	vld [tilespmem:$0x240];
	_ =	sdelay $0x4  }
0x28e: {  	v28 =	vshll.u32 v3, $0x2  }
0x28f: {  	v3 =	vand.u32 $0x7, v3;
	v4 =	vand.u32 $0xFFFFFFE0, v28  }
0x290: {  	v3 =	vor.u32 v3, v4  }
0x291: {  	v4 =	vperm.xlane v3, v0;
	_ =	sdelay $0x1  }
0x292: {  	v4 =	vadd.s32 v1, v4;
	_ =	sdelay $0x1  }
0x293: {  	v3 =	vperm.xlane v3, v2;
	_ =	sdelay $0x1  }
0x294: {  	v3 =	vadd.s32 v1, v3  }
0x295: {  	[tilespmem:s10], [sflag:$0x1] =	stream.indirect_vreg.gather [hbm4b:s0+s4], $0x80, v4, vm0, $0xb8;
	[tilespmem:$0x18800] =	vst v63  }
0x296: {  	_ = 	snop  }
0x297: {  	[tilespmem:s8], [sflag:$0x1] =	stream.indirect_vreg.gather [hbm4b:s5+s4], $0x80, v4, vm0, $0xb8;
	[tilespmem:$0x18800] =	vst v63  }
0x298: {  	s10 =	simm.s32 $0x1800  }
0x299: {  	[tilespmem:s10], [sflag:$0x1] =	stream.indirect_vreg.gather [hbm4b:s0+s4], $0x80, v3, vm0, $0xb8;
	[tilespmem:$0x18800] =	vst v63  }
0x29a: {  	s24 =	simm.s32 $0x2000  }
0x29b: {  	[tilespmem:s24], [sflag:$0x1] =	stream.indirect_vreg.gather [hbm4b:s5+s4], $0x80, v3, vm0, $0xb8;
	[tilespmem:$0x18800] =	vst v63  }
0x29c: {  	v3 =	vld [tilespmem:$0x250];
	_ =	sdelay $0x4  }
0x29d: {  	v29 =	vshll.u32 v3, $0x2  }
0x29e: {  	v3 =	vand.u32 $0x7, v3;
	v4 =	vand.u32 $0xFFFFFFE0, v29  }
0x29f: {  	v3 =	vor.u32 v3, v4  }
0x2a0: {  	v4 =	vperm.xlane v3, v0;
	_ =	sdelay $0x1  }
0x2a1: {  	v4 =	vadd.s32 v1, v4;
	_ =	sdelay $0x1  }
0x2a2: {  	v3 =	vperm.xlane v3, v2;
	_ =	sdelay $0x1  }
0x2a3: {  	s8 =	simm.s32 $0x2800;
	v3 =	vadd.s32 v1, v3  }
0x2a4: {  	[tilespmem:s8], [sflag:$0x1] =	stream.indirect_vreg.gather [hbm4b:s0+s4], $0x80, v4, vm0, $0xb8;
	[tilespmem:$0x18800] =	vst v63  }
0x2a5: {  	s10 =	simm.s32 $0x3000  }
0x2a6: {  	[tilespmem:s10], [sflag:$0x1] =	stream.indirect_vreg.gather [hbm4b:s5+s4], $0x80, v4, vm0, $0xb8;
	[tilespmem:$0x18800] =	vst v63  }
0x2a7: {  	s24 =	simm.s32 $0x3800  }
0x2a8: {  	[tilespmem:s24], [sflag:$0x1] =	stream.indirect_vreg.gather [hbm4b:s0+s4], $0x80, v3, vm0, $0xb8;
	[tilespmem:$0x18800] =	vst v63  }
0x2a9: {  	s8 =	simm.s32 $0x4000  }
0x2aa: {  	[tilespmem:s8], [sflag:$0x1] =	stream.indirect_vreg.gather [hbm4b:s5+s4], $0x80, v3, vm0, $0xb8;
	[tilespmem:$0x18800] =	vst v63  }
0x2ab: {  	v3 =	vld [tilespmem:$0x260];
	_ =	sdelay $0x4  }
0x2ac: {  	v30 =	vshll.u32 v3, $0x2  }
0x2ad: {  	v3 =	vand.u32 $0x7, v3;
	v4 =	vand.u32 $0xFFFFFFE0, v30  }
0x2ae: {  	v3 =	vor.u32 v3, v4  }
0x2af: {  	v4 =	vperm.xlane v3, v0;
	_ =	sdelay $0x1  }
0x2b0: {  	v4 =	vadd.s32 v1, v4;
	_ =	sdelay $0x1  }
0x2b1: {  	v3 =	vperm.xlane v3, v2;
	_ =	sdelay $0x1  }
0x2b2: {  	s10 =	simm.s32 $0x4800;
	v3 =	vadd.s32 v1, v3  }
0x2b3: {  	[tilespmem:s10], [sflag:$0x1] =	stream.indirect_vreg.gather [hbm4b:s0+s4], $0x80, v4, vm0, $0xb8;
	[tilespmem:$0x18800] =	vst v63  }
0x2b4: {  	s24 =	simm.s32 $0x5000  }
0x2b5: {  	[tilespmem:s24], [sflag:$0x1] =	stream.indirect_vreg.gather [hbm4b:s5+s4], $0x80, v4, vm0, $0xb8;
	[tilespmem:$0x18800] =	vst v63  }
0x2b6: {  	s10 =	simm.s32 $0x5800  }
0x2b7: {  	[tilespmem:s10], [sflag:$0x1] =	stream.indirect_vreg.gather [hbm4b:s0+s4], $0x80, v3, vm0, $0xb8;
	[tilespmem:$0x18800] =	vst v63  }
0x2b8: {  	s8 =	simm.s32 $0x6000  }
0x2b9: {  	[tilespmem:s8], [sflag:$0x1] =	stream.indirect_vreg.gather [hbm4b:s5+s4], $0x80, v3, vm0, $0xb8;
	[tilespmem:$0x18800] =	vst v63  }
0x2ba: {  	v3 =	vld [tilespmem:$0x270];
	_ =	sdelay $0x4  }
0x2bb: {  	v31 =	vshll.u32 v3, $0x2  }
0x2bc: {  	v3 =	vand.u32 $0x7, v3;
	v4 =	vand.u32 $0xFFFFFFE0, v31  }
0x2bd: {  	v3 =	vor.u32 v3, v4  }
0x2be: {  	v4 =	vperm.xlane v3, v0;
	_ =	sdelay $0x1  }
0x2bf: {  	v4 =	vadd.s32 v1, v4;
	_ =	sdelay $0x1  }
0x2c0: {  	v3 =	vperm.xlane v3, v2;
	_ =	sdelay $0x1  }
0x2c1: {  	s24 =	simm.s32 $0x6800;
	v3 =	vadd.s32 v1, v3  }
0x2c2: {  	[tilespmem:s24], [sflag:$0x1] =	stream.indirect_vreg.gather [hbm4b:s0+s4], $0x80, v4, vm0, $0xb8;
	[tilespmem:$0x18800] =	vst v63  }
0x2c3: {  	s8 =	simm.s32 $0x7000  }
0x2c4: {  	[tilespmem:s8], [sflag:$0x1] =	stream.indirect_vreg.gather [hbm4b:s5+s4], $0x80, v4, vm0, $0xb8;
	[tilespmem:$0x18800] =	vst v63  }
0x2c5: {  	_ = 	snop  }
0x2c6: {  	[tilespmem:s9], [sflag:$0x1] =	stream.indirect_vreg.gather [hbm4b:s0+s4], $0x80, v3, vm0, $0xb8;
	[tilespmem:$0x18800] =	vst v63  }
0x2c7: {  	_ = 	snop  }
0x2c8: {  	[tilespmem:s30], [sflag:$0x1] =	stream.indirect_vreg.gather [hbm4b:s5+s4], $0x80, v3, vm0, $0xb8;
	[tilespmem:$0x18800] =	vst v63  }
0x2c9: {  	s9 =	rddreg [dreg:$0xf];
	s30 =	simm.s32 $0x8800  }
0x2ca: {  	[hbm4b:s9+s4] =	stream.linear.scatter [tilespmem:s30], [sflag:$0x5], $0x8000, $0x38;
	[tilespmem:$0x18800] =	vst v63  }
0x2cb: {  	_ =	swait.ge [sflag:s15], $0x8000  }
0x2cc: {  	[sflag:s15] =	ssyncset.done $0x0  }
0x2cd: {  	[sflag:s15] =	ssyncadd.s32 $0xFFFF8000  }
0x2ce: {  	_ =	swait.ge [sflag:s22], $0x8000  }
0x2cf: {  	[sflag:s22] =	ssyncset.done $0x0  }
0x2d0: {  	[sflag:s22] =	ssyncadd.s32 $0xFFFF8000  }
0x2d1: {  	v3 =	vld [tilespmem:$0x280];
	_ =	sdelay $0x4  }
0x2d2: {  	v32 =	vshll.u32 v3, $0x2  }
0x2d3: {  	v3 =	vand.u32 $0x7, v3;
	v4 =	vand.u32 $0xFFFFFFE0, v32  }
0x2d4: {  	v3 =	vor.u32 v3, v4  }
0x2d5: {  	v4 =	vperm.xlane v3, v0;
	_ =	sdelay $0x1  }
0x2d6: {  	v4 =	vadd.s32 v1, v4;
	_ =	sdelay $0x1  }
0x2d7: {  	v3 =	vperm.xlane v3, v2;
	_ =	sdelay $0x1  }
0x2d8: {  	v3 =	vadd.s32 v1, v3  }
0x2d9: {  	[tilespmem:s30], [sflag:$0x2] =	stream.indirect_vreg.gather [hbm4b:s0+s4], $0x80, v4, vm0, $0xb8;
	[tilespmem:$0x18800] =	vst v63  }
0x2da: {  	s8 =	simm.s32 $0x9000  }
0x2db: {  	[tilespmem:s8], [sflag:$0x2] =	stream.indirect_vreg.gather [hbm4b:s5+s4], $0x80, v4, vm0, $0xb8;
	[tilespmem:$0x18800] =	vst v63  }
0x2dc: {  	s9 =	simm.s32 $0x9800  }
0x2dd: {  	[tilespmem:s9], [sflag:$0x2] =	stream.indirect_vreg.gather [hbm4b:s0+s4], $0x80, v3, vm0, $0xb8;
	[tilespmem:$0x18800] =	vst v63  }
0x2de: {  	_ = 	snop  }
0x2df: {  	[tilespmem:s1], [sflag:$0x2] =	stream.indirect_vreg.gather [hbm4b:s5+s4], $0x80, v3, vm0, $0xb8;
	[tilespmem:$0x18800] =	vst v63  }
0x2e0: {  	v3 =	vld [tilespmem:$0x290];
	_ =	sdelay $0x4  }
0x2e1: {  	v33 =	vshll.u32 v3, $0x2  }
0x2e2: {  	v3 =	vand.u32 $0x7, v3;
	v4 =	vand.u32 $0xFFFFFFE0, v33  }
0x2e3: {  	v3 =	vor.u32 v3, v4  }
0x2e4: {  	v4 =	vperm.xlane v3, v0;
	_ =	sdelay $0x1  }
0x2e5: {  	v4 =	vadd.s32 v1, v4;
	_ =	sdelay $0x1  }
0x2e6: {  	v3 =	vperm.xlane v3, v2;
	_ =	sdelay $0x1  }
0x2e7: {  	s3 =	simm.s32 $0xA800;
	v3 =	vadd.s32 v1, v3  }
0x2e8: {  	[tilespmem:s3], [sflag:$0x2] =	stream.indirect_vreg.gather [hbm4b:s0+s4], $0x80, v4, vm0, $0xb8;
	[tilespmem:$0x18800] =	vst v63  }
0x2e9: {  	s3 =	simm.s32 $0xB000  }
0x2ea: {  	[tilespmem:s3], [sflag:$0x2] =	stream.indirect_vreg.gather [hbm4b:s5+s4], $0x80, v4, vm0, $0xb8;
	[tilespmem:$0x18800] =	vst v63  }
0x2eb: {  	s30 =	simm.s32 $0xB800  }
0x2ec: {  	[tilespmem:s30], [sflag:$0x2] =	stream.indirect_vreg.gather [hbm4b:s0+s4], $0x80, v3, vm0, $0xb8;
	[tilespmem:$0x18800] =	vst v63  }
0x2ed: {  	_ = 	snop  }
0x2ee: {  	[tilespmem:s7], [sflag:$0x2] =	stream.indirect_vreg.gather [hbm4b:s5+s4], $0x80, v3, vm0, $0xb8;
	[tilespmem:$0x18800] =	vst v63  }
0x2ef: {  	v3 =	vld [tilespmem:$0x2A0];
	_ =	sdelay $0x4  }
0x2f0: {  	v34 =	vshll.u32 v3, $0x2  }
0x2f1: {  	v3 =	vand.u32 $0x7, v3;
	v4 =	vand.u32 $0xFFFFFFE0, v34  }
0x2f2: {  	v3 =	vor.u32 v3, v4  }
0x2f3: {  	v4 =	vperm.xlane v3, v0;
	_ =	sdelay $0x1  }
0x2f4: {  	v4 =	vadd.s32 v1, v4;
	_ =	sdelay $0x1  }
0x2f5: {  	v3 =	vperm.xlane v3, v2;
	_ =	sdelay $0x1  }
0x2f6: {  	s7 =	simm.s32 $0xC800;
	v3 =	vadd.s32 v1, v3  }
0x2f7: {  	[tilespmem:s7], [sflag:$0x2] =	stream.indirect_vreg.gather [hbm4b:s0+s4], $0x80, v4, vm0, $0xb8;
	[tilespmem:$0x18800] =	vst v63  }
0x2f8: {  	s24 =	simm.s32 $0xD000  }
0x2f9: {  	[tilespmem:s24], [sflag:$0x2] =	stream.indirect_vreg.gather [hbm4b:s5+s4], $0x80, v4, vm0, $0xb8;
	[tilespmem:$0x18800] =	vst v63  }
0x2fa: {  	s24 =	simm.s32 $0xD800  }
0x2fb: {  	[tilespmem:s24], [sflag:$0x2] =	stream.indirect_vreg.gather [hbm4b:s0+s4], $0x80, v3, vm0, $0xb8;
	[tilespmem:$0x18800] =	vst v63  }
0x2fc: {  	_ = 	snop  }
0x2fd: {  	[tilespmem:s21], [sflag:$0x2] =	stream.indirect_vreg.gather [hbm4b:s5+s4], $0x80, v3, vm0, $0xb8;
	[tilespmem:$0x18800] =	vst v63  }
0x2fe: {  	v3 =	vld [tilespmem:$0x2B0];
	_ =	sdelay $0x4  }
0x2ff: {  	v35 =	vshll.u32 v3, $0x2  }
0x300: {  	v3 =	vand.u32 $0x7, v3;
	v4 =	vand.u32 $0xFFFFFFE0, v35  }
0x301: {  	v3 =	vor.u32 v3, v4  }
0x302: {  	v4 =	vperm.xlane v3, v0;
	_ =	sdelay $0x1  }
0x303: {  	v4 =	vadd.s32 v1, v4;
	_ =	sdelay $0x1  }
0x304: {  	v3 =	vperm.xlane v3, v2;
	_ =	sdelay $0x1  }
0x305: {  	s21 =	simm.s32 $0xE800;
	v3 =	vadd.s32 v1, v3  }
0x306: {  	[tilespmem:s21], [sflag:$0x2] =	stream.indirect_vreg.gather [hbm4b:s0+s4], $0x80, v4, vm0, $0xb8;
	[tilespmem:$0x18800] =	vst v63  }
0x307: {  	s24 =	simm.s32 $0xF000  }
0x308: {  	[tilespmem:s24], [sflag:$0x2] =	stream.indirect_vreg.gather [hbm4b:s5+s4], $0x80, v4, vm0, $0xb8;
	[tilespmem:$0x18800] =	vst v63  }
0x309: {  	s24 =	simm.s32 $0xF800  }
0x30a: {  	[tilespmem:s24], [sflag:$0x2] =	stream.indirect_vreg.gather [hbm4b:s0+s4], $0x80, v3, vm0, $0xb8;
	[tilespmem:$0x18800] =	vst v63  }
0x30b: {  	_ = 	snop  }
0x30c: {  	[tilespmem:s11], [sflag:$0x2] =	stream.indirect_vreg.gather [hbm4b:s5+s4], $0x80, v3, vm0, $0xb8;
	[tilespmem:$0x18800] =	vst v63  }
0x30d: {  	s1 =	simm.s32 $0x10800;
	s24 =	rddreg [dreg:$0x10]  }
0x30e: {  	[hbm4b:s24+s4] =	stream.linear.scatter [tilespmem:s1], [sflag:$0x6], $0x8000, $0x38;
	[tilespmem:$0x18800] =	vst v63  }
0x30f: {  	_ =	swait.ge [sflag:s17], $0x8000  }
0x310: {  	[sflag:s17] =	ssyncset.done $0x0  }
0x311: {  	[sflag:s17] =	ssyncadd.s32 $0xFFFF8000  }
0x312: {  	_ =	swait.ge [sflag:s23], $0x8000  }
0x313: {  	[sflag:s23] =	ssyncset.done $0x0  }
0x314: {  	[sflag:s23] =	ssyncadd.s32 $0xFFFF8000  }
0x315: {  	v3 =	vld [tilespmem:$0x2C0];
	_ =	sdelay $0x4  }
0x316: {  	v36 =	vshll.u32 v3, $0x2  }
0x317: {  	v3 =	vand.u32 $0x7, v3;
	v4 =	vand.u32 $0xFFFFFFE0, v36  }
0x318: {  	v3 =	vor.u32 v3, v4  }
0x319: {  	v4 =	vperm.xlane v3, v0;
	_ =	sdelay $0x1  }
0x31a: {  	v4 =	vadd.s32 v1, v4;
	_ =	sdelay $0x1  }
0x31b: {  	v3 =	vperm.xlane v3, v2;
	_ =	sdelay $0x1  }
0x31c: {  	v3 =	vadd.s32 v1, v3  }
0x31d: {  	[tilespmem:s1], [sflag:$0x3] =	stream.indirect_vreg.gather [hbm4b:s0+s4], $0x80, v4, vm0, $0xb8;
	[tilespmem:$0x18800] =	vst v63  }
0x31e: {  	s24 =	simm.s32 $0x11000  }
0x31f: {  	[tilespmem:s24], [sflag:$0x3] =	stream.indirect_vreg.gather [hbm4b:s5+s4], $0x80, v4, vm0, $0xb8;
	[tilespmem:$0x18800] =	vst v63  }
0x320: {  	s11 =	simm.s32 $0x11800  }
0x321: {  	[tilespmem:s11], [sflag:$0x3] =	stream.indirect_vreg.gather [hbm4b:s0+s4], $0x80, v3, vm0, $0xb8;
	[tilespmem:$0x18800] =	vst v63  }
0x322: {  	_ = 	snop  }
0x323: {  	[tilespmem:s12], [sflag:$0x3] =	stream.indirect_vreg.gather [hbm4b:s5+s4], $0x80, v3, vm0, $0xb8;
	[tilespmem:$0x18800] =	vst v63  }
0x324: {  	v3 =	vld [tilespmem:$0x2D0];
	_ =	sdelay $0x4  }
0x325: {  	v37 =	vshll.u32 v3, $0x2  }
0x326: {  	v3 =	vand.u32 $0x7, v3;
	v4 =	vand.u32 $0xFFFFFFE0, v37  }
0x327: {  	v3 =	vor.u32 v3, v4  }
0x328: {  	v4 =	vperm.xlane v3, v0;
	_ =	sdelay $0x1  }
0x329: {  	v4 =	vadd.s32 v1, v4;
	_ =	sdelay $0x1  }
0x32a: {  	v3 =	vperm.xlane v3, v2;
	_ =	sdelay $0x1  }
0x32b: {  	s24 =	simm.s32 $0x12800;
	v3 =	vadd.s32 v1, v3  }
0x32c: {  	[tilespmem:s24], [sflag:$0x3] =	stream.indirect_vreg.gather [hbm4b:s0+s4], $0x80, v4, vm0, $0xb8;
	[tilespmem:$0x18800] =	vst v63  }
0x32d: {  	_ = 	snop  }
0x32e: {  	[tilespmem:s25], [sflag:$0x3] =	stream.indirect_vreg.gather [hbm4b:s5+s4], $0x80, v4, vm0, $0xb8;
	[tilespmem:$0x18800] =	vst v63  }
0x32f: {  	_ = 	snop  }
0x330: {  	[tilespmem:s26], [sflag:$0x3] =	stream.indirect_vreg.gather [hbm4b:s0+s4], $0x80, v3, vm0, $0xb8;
	[tilespmem:$0x18800] =	vst v63  }
0x331: {  	_ = 	snop  }
0x332: {  	[tilespmem:s16], [sflag:$0x3] =	stream.indirect_vreg.gather [hbm4b:s5+s4], $0x80, v3, vm0, $0xb8;
	[tilespmem:$0x18800] =	vst v63  }
0x333: {  	v3 =	vld [tilespmem:$0x2E0];
	_ =	sdelay $0x4  }
0x334: {  	v38 =	vshll.u32 v3, $0x2  }
0x335: {  	v3 =	vand.u32 $0x7, v3;
	v4 =	vand.u32 $0xFFFFFFE0, v38  }
0x336: {  	v3 =	vor.u32 v3, v4  }
0x337: {  	v4 =	vperm.xlane v3, v0;
	_ =	sdelay $0x1  }
0x338: {  	v4 =	vadd.s32 v1, v4;
	_ =	sdelay $0x1  }
0x339: {  	v3 =	vperm.xlane v3, v2;
	_ =	sdelay $0x1  }
0x33a: {  	v3 =	vadd.s32 v1, v3  }
0x33b: {  	[tilespmem:s31], [sflag:$0x3] =	stream.indirect_vreg.gather [hbm4b:s0+s4], $0x80, v4, vm0, $0xb8;
	[tilespmem:$0x18800] =	vst v63  }
0x33c: {  	s26 =	simm.s32 $0x15000  }
0x33d: {  	[tilespmem:s26], [sflag:$0x3] =	stream.indirect_vreg.gather [hbm4b:s5+s4], $0x80, v4, vm0, $0xb8;
	[tilespmem:$0x18800] =	vst v63  }
0x33e: {  	_ = 	snop  }
0x33f: {  	[tilespmem:s14], [sflag:$0x3] =	stream.indirect_vreg.gather [hbm4b:s0+s4], $0x80, v3, vm0, $0xb8;
	[tilespmem:$0x18800] =	vst v63  }
0x340: {  	_ = 	snop  }
0x341: {  	[tilespmem:s18], [sflag:$0x3] =	stream.indirect_vreg.gather [hbm4b:s5+s4], $0x80, v3, vm0, $0xb8;
	[tilespmem:$0x18800] =	vst v63  }
0x342: {  	v3 =	vld [tilespmem:$0x2F0];
	_ =	sdelay $0x4  }
0x343: {  	v39 =	vshll.u32 v3, $0x2  }
0x344: {  	v3 =	vand.u32 $0x7, v3;
	v4 =	vand.u32 $0xFFFFFFE0, v39  }
0x345: {  	v3 =	vor.u32 v3, v4  }
0x346: {  	v4 =	vperm.xlane v3, v0;
	_ =	sdelay $0x1  }
0x347: {  	v4 =	vadd.s32 v1, v4;
	_ =	sdelay $0x1  }
0x348: {  	v3 =	vperm.xlane v3, v2;
	_ =	sdelay $0x1  }
0x349: {  	v3 =	vadd.s32 v1, v3  }
0x34a: {  	[tilespmem:s13], [sflag:$0x3] =	stream.indirect_vreg.gather [hbm4b:s0+s4], $0x80, v4, vm0, $0xb8;
	[tilespmem:$0x18800] =	vst v63  }
0x34b: {  	s31 =	simm.s32 $0x17000  }
0x34c: {  	[tilespmem:s31], [sflag:$0x3] =	stream.indirect_vreg.gather [hbm4b:s5+s4], $0x80, v4, vm0, $0xb8;
	[tilespmem:$0x18800] =	vst v63  }
0x34d: {  	_ = 	snop  }
0x34e: {  	[tilespmem:s28], [sflag:$0x3] =	stream.indirect_vreg.gather [hbm4b:s0+s4], $0x80, v3, vm0, $0xb8;
	[tilespmem:$0x18800] =	vst v63  }
0x34f: {  	_ = 	snop  }
0x350: {  	[tilespmem:s29], [sflag:$0x3] =	stream.indirect_vreg.gather [hbm4b:s5+s4], $0x80, v3, vm0, $0xb8;
	[tilespmem:$0x18800] =	vst v63  }
0x351: {  	s11 =	rddreg [dreg:$0x11];
	s12 =	simm.s32 $0x800  }
0x352: {  	[hbm4b:s11+s4] =	stream.linear.scatter [tilespmem:s12], [sflag:$0x4], $0x8000, $0x38;
	[tilespmem:$0x18800] =	vst v63  }
0x353: {  	_ =	swait.ge [sflag:s19], $0x8000  }
0x354: {  	[sflag:s19] =	ssyncset.done $0x0  }
0x355: {  	[sflag:s19] =	ssyncadd.s32 $0xFFFF8000  }
0x356: {  	_ =	swait.ge [sflag:s20], $0x8000  }
0x357: {  	[sflag:s20] =	ssyncset.done $0x0  }
0x358: {  	[sflag:s20] =	ssyncadd.s32 $0xFFFF8000  }
0x359: {  	v3 =	vld [tilespmem:$0x300];
	_ =	sdelay $0x4  }
0x35a: {  	v40 =	vshll.u32 v3, $0x2  }
0x35b: {  	v3 =	vand.u32 $0x7, v3;
	v4 =	vand.u32 $0xFFFFFFE0, v40  }
0x35c: {  	v3 =	vor.u32 v3, v4  }
0x35d: {  	v4 =	vperm.xlane v3, v0;
	_ =	sdelay $0x1  }
0x35e: {  	v4 =	vadd.s32 v1, v4;
	_ =	sdelay $0x1  }
0x35f: {  	v3 =	vperm.xlane v3, v2;
	_ =	sdelay $0x1  }
0x360: {  	v3 =	vadd.s32 v1, v3  }
0x361: {  	[tilespmem:s12], [sflag:$0x1] =	stream.indirect_vreg.gather [hbm4b:s0+s4], $0x80, v4, vm0, $0xb8;
	[tilespmem:$0x18800] =	vst v63  }
0x362: {  	s16 =	simm.s32 $0x1000  }
0x363: {  	[tilespmem:s16], [sflag:$0x1] =	stream.indirect_vreg.gather [hbm4b:s5+s4], $0x80, v4, vm0, $0xb8;
	[tilespmem:$0x18800] =	vst v63  }
0x364: {  	s18 =	simm.s32 $0x1800  }
0x365: {  	[tilespmem:s18], [sflag:$0x1] =	stream.indirect_vreg.gather [hbm4b:s0+s4], $0x80, v3, vm0, $0xb8;
	[tilespmem:$0x18800] =	vst v63  }
0x366: {  	s31 =	simm.s32 $0x2000  }
0x367: {  	[tilespmem:s31], [sflag:$0x1] =	stream.indirect_vreg.gather [hbm4b:s5+s4], $0x80, v3, vm0, $0xb8;
	[tilespmem:$0x18800] =	vst v63  }
0x368: {  	v3 =	vld [tilespmem:$0x310];
	_ =	sdelay $0x4  }
0x369: {  	v41 =	vshll.u32 v3, $0x2  }
0x36a: {  	v3 =	vand.u32 $0x7, v3;
	v4 =	vand.u32 $0xFFFFFFE0, v41  }
0x36b: {  	v3 =	vor.u32 v3, v4  }
0x36c: {  	v4 =	vperm.xlane v3, v0;
	_ =	sdelay $0x1  }
0x36d: {  	v4 =	vadd.s32 v1, v4;
	_ =	sdelay $0x1  }
0x36e: {  	v3 =	vperm.xlane v3, v2;
	_ =	sdelay $0x1  }
0x36f: {  	s11 =	simm.s32 $0x2800;
	v3 =	vadd.s32 v1, v3  }
0x370: {  	[tilespmem:s11], [sflag:$0x1] =	stream.indirect_vreg.gather [hbm4b:s0+s4], $0x80, v4, vm0, $0xb8;
	[tilespmem:$0x18800] =	vst v63  }
0x371: {  	s13 =	simm.s32 $0x3000  }
0x372: {  	[tilespmem:s13], [sflag:$0x1] =	stream.indirect_vreg.gather [hbm4b:s5+s4], $0x80, v4, vm0, $0xb8;
	[tilespmem:$0x18800] =	vst v63  }
0x373: {  	s14 =	simm.s32 $0x3800  }
0x374: {  	[tilespmem:s14], [sflag:$0x1] =	stream.indirect_vreg.gather [hbm4b:s0+s4], $0x80, v3, vm0, $0xb8;
	[tilespmem:$0x18800] =	vst v63  }
0x375: {  	s26 =	simm.s32 $0x4000  }
0x376: {  	[tilespmem:s26], [sflag:$0x1] =	stream.indirect_vreg.gather [hbm4b:s5+s4], $0x80, v3, vm0, $0xb8;
	[tilespmem:$0x18800] =	vst v63  }
0x377: {  	v3 =	vld [tilespmem:$0x320];
	_ =	sdelay $0x4  }
0x378: {  	v42 =	vshll.u32 v3, $0x2  }
0x379: {  	v3 =	vand.u32 $0x7, v3;
	v4 =	vand.u32 $0xFFFFFFE0, v42  }
0x37a: {  	v3 =	vor.u32 v3, v4  }
0x37b: {  	v4 =	vperm.xlane v3, v0;
	_ =	sdelay $0x1  }
0x37c: {  	v4 =	vadd.s32 v1, v4;
	_ =	sdelay $0x1  }
0x37d: {  	v3 =	vperm.xlane v3, v2;
	_ =	sdelay $0x1  }
0x37e: {  	s28 =	simm.s32 $0x4800;
	v3 =	vadd.s32 v1, v3  }
0x37f: {  	[tilespmem:s28], [sflag:$0x1] =	stream.indirect_vreg.gather [hbm4b:s0+s4], $0x80, v4, vm0, $0xb8;
	[tilespmem:$0x18800] =	vst v63  }
0x380: {  	s25 =	simm.s32 $0x5000  }
0x381: {  	[tilespmem:s25], [sflag:$0x1] =	stream.indirect_vreg.gather [hbm4b:s5+s4], $0x80, v4, vm0, $0xb8;
	[tilespmem:$0x18800] =	vst v63  }
0x382: {  	_ = 	snop  }
0x383: {  	[tilespmem:s10], [sflag:$0x1] =	stream.indirect_vreg.gather [hbm4b:s0+s4], $0x80, v3, vm0, $0xb8;
	[tilespmem:$0x18800] =	vst v63  }
0x384: {  	s24 =	simm.s32 $0x6000  }
0x385: {  	[tilespmem:s24], [sflag:$0x1] =	stream.indirect_vreg.gather [hbm4b:s5+s4], $0x80, v3, vm0, $0xb8;
	[tilespmem:$0x18800] =	vst v63  }
0x386: {  	v3 =	vld [tilespmem:$0x330];
	_ =	sdelay $0x4  }
0x387: {  	v43 =	vshll.u32 v3, $0x2  }
0x388: {  	v3 =	vand.u32 $0x7, v3;
	v4 =	vand.u32 $0xFFFFFFE0, v43  }
0x389: {  	v3 =	vor.u32 v3, v4  }
0x38a: {  	v4 =	vperm.xlane v3, v0;
	_ =	sdelay $0x1  }
0x38b: {  	v4 =	vadd.s32 v1, v4;
	_ =	sdelay $0x1  }
0x38c: {  	v3 =	vperm.xlane v3, v2;
	_ =	sdelay $0x1  }
0x38d: {  	s29 =	simm.s32 $0x6800;
	v3 =	vadd.s32 v1, v3  }
0x38e: {  	[tilespmem:s29], [sflag:$0x1] =	stream.indirect_vreg.gather [hbm4b:s0+s4], $0x80, v4, vm0, $0xb8;
	[tilespmem:$0x18800] =	vst v63  }
0x38f: {  	s10 =	simm.s32 $0x7000  }
0x390: {  	[tilespmem:s10], [sflag:$0x1] =	stream.indirect_vreg.gather [hbm4b:s5+s4], $0x80, v4, vm0, $0xb8;
	[tilespmem:$0x18800] =	vst v63  }
0x391: {  	s1 =	simm.s32 $0x7800  }
0x392: {  	[tilespmem:s1], [sflag:$0x1] =	stream.indirect_vreg.gather [hbm4b:s0+s4], $0x80, v3, vm0, $0xb8;
	[tilespmem:$0x18800] =	vst v63  }
0x393: {  	s13 =	simm.s32 $0x8000  }
0x394: {  	[tilespmem:s13], [sflag:$0x1] =	stream.indirect_vreg.gather [hbm4b:s5+s4], $0x80, v3, vm0, $0xb8;
	[tilespmem:$0x18800] =	vst v63  }
0x395: {  	s12 =	rddreg [dreg:$0x12];
	s14 =	simm.s32 $0x8800  }
0x396: {  	[hbm4b:s12+s4] =	stream.linear.scatter [tilespmem:s14], [sflag:$0x5], $0x8000, $0x38;
	[tilespmem:$0x18800] =	vst v63  }
0x397: {  	_ =	swait.ge [sflag:s15], $0x8000  }
0x398: {  	[sflag:s15] =	ssyncset.done $0x0  }
0x399: {  	[sflag:s15] =	ssyncadd.s32 $0xFFFF8000  }
0x39a: {  	_ =	swait.ge [sflag:s22], $0x8000  }
0x39b: {  	[sflag:s22] =	ssyncset.done $0x0  }
0x39c: {  	[sflag:s22] =	ssyncadd.s32 $0xFFFF8000  }
0x39d: {  	v3 =	vld [tilespmem:$0x340];
	_ =	sdelay $0x4  }
0x39e: {  	v44 =	vshll.u32 v3, $0x2  }
0x39f: {  	v3 =	vand.u32 $0x7, v3;
	v4 =	vand.u32 $0xFFFFFFE0, v44  }
0x3a0: {  	v3 =	vor.u32 v3, v4  }
0x3a1: {  	v4 =	vperm.xlane v3, v0;
	_ =	sdelay $0x1  }
0x3a2: {  	v4 =	vadd.s32 v1, v4;
	_ =	sdelay $0x1  }
0x3a3: {  	v3 =	vperm.xlane v3, v2;
	_ =	sdelay $0x1  }
0x3a4: {  	v3 =	vadd.s32 v1, v3  }
0x3a5: {  	[tilespmem:s14], [sflag:$0x2] =	stream.indirect_vreg.gather [hbm4b:s0+s4], $0x80, v4, vm0, $0xb8;
	[tilespmem:$0x18800] =	vst v63  }
0x3a6: {  	_ = 	snop  }
0x3a7: {  	[tilespmem:s8], [sflag:$0x2] =	stream.indirect_vreg.gather [hbm4b:s5+s4], $0x80, v4, vm0, $0xb8;
	[tilespmem:$0x18800] =	vst v63  }
0x3a8: {  	_ = 	snop  }
0x3a9: {  	[tilespmem:s9], [sflag:$0x2] =	stream.indirect_vreg.gather [hbm4b:s0+s4], $0x80, v3, vm0, $0xb8;
	[tilespmem:$0x18800] =	vst v63  }
0x3aa: {  	s9 =	simm.s32 $0xA000  }
0x3ab: {  	[tilespmem:s9], [sflag:$0x2] =	stream.indirect_vreg.gather [hbm4b:s5+s4], $0x80, v3, vm0, $0xb8;
	[tilespmem:$0x18800] =	vst v63  }
0x3ac: {  	v3 =	vld [tilespmem:$0x350];
	_ =	sdelay $0x4  }
0x3ad: {  	v45 =	vshll.u32 v3, $0x2  }
0x3ae: {  	v3 =	vand.u32 $0x7, v3;
	v4 =	vand.u32 $0xFFFFFFE0, v45  }
0x3af: {  	v3 =	vor.u32 v3, v4  }
0x3b0: {  	v4 =	vperm.xlane v3, v0;
	_ =	sdelay $0x1  }
0x3b1: {  	v4 =	vadd.s32 v1, v4;
	_ =	sdelay $0x1  }
0x3b2: {  	v3 =	vperm.xlane v3, v2;
	_ =	sdelay $0x1  }
0x3b3: {  	s29 =	simm.s32 $0xA800;
	v3 =	vadd.s32 v1, v3  }
0x3b4: {  	[tilespmem:s29], [sflag:$0x2] =	stream.indirect_vreg.gather [hbm4b:s0+s4], $0x80, v4, vm0, $0xb8;
	[tilespmem:$0x18800] =	vst v63  }
0x3b5: {  	_ = 	snop  }
0x3b6: {  	[tilespmem:s3], [sflag:$0x2] =	stream.indirect_vreg.gather [hbm4b:s5+s4], $0x80, v4, vm0, $0xb8;
	[tilespmem:$0x18800] =	vst v63  }
0x3b7: {  	_ = 	snop  }
0x3b8: {  	[tilespmem:s30], [sflag:$0x2] =	stream.indirect_vreg.gather [hbm4b:s0+s4], $0x80, v3, vm0, $0xb8;
	[tilespmem:$0x18800] =	vst v63  }
0x3b9: {  	s12 =	simm.s32 $0xC000  }
0x3ba: {  	[tilespmem:s12], [sflag:$0x2] =	stream.indirect_vreg.gather [hbm4b:s5+s4], $0x80, v3, vm0, $0xb8;
	[tilespmem:$0x18800] =	vst v63  }
0x3bb: {  	v3 =	vld [tilespmem:$0x360];
	_ =	sdelay $0x4  }
0x3bc: {  	v46 =	vshll.u32 v3, $0x2  }
0x3bd: {  	v3 =	vand.u32 $0x7, v3;
	v4 =	vand.u32 $0xFFFFFFE0, v46  }
0x3be: {  	v3 =	vor.u32 v3, v4  }
0x3bf: {  	v4 =	vperm.xlane v3, v0;
	_ =	sdelay $0x1  }
0x3c0: {  	v4 =	vadd.s32 v1, v4;
	_ =	sdelay $0x1  }
0x3c1: {  	v3 =	vperm.xlane v3, v2;
	_ =	sdelay $0x1  }
0x3c2: {  	v3 =	vadd.s32 v1, v3  }
0x3c3: {  	[tilespmem:s7], [sflag:$0x2] =	stream.indirect_vreg.gather [hbm4b:s0+s4], $0x80, v4, vm0, $0xb8;
	[tilespmem:$0x18800] =	vst v63  }
0x3c4: {  	s10 =	simm.s32 $0xD000  }
0x3c5: {  	[tilespmem:s10], [sflag:$0x2] =	stream.indirect_vreg.gather [hbm4b:s5+s4], $0x80, v4, vm0, $0xb8;
	[tilespmem:$0x18800] =	vst v63  }
0x3c6: {  	s14 =	simm.s32 $0xD800  }
0x3c7: {  	[tilespmem:s14], [sflag:$0x2] =	stream.indirect_vreg.gather [hbm4b:s0+s4], $0x80, v3, vm0, $0xb8;
	[tilespmem:$0x18800] =	vst v63  }
0x3c8: {  	s14 =	simm.s32 $0xE000  }
0x3c9: {  	[tilespmem:s14], [sflag:$0x2] =	stream.indirect_vreg.gather [hbm4b:s5+s4], $0x80, v3, vm0, $0xb8;
	[tilespmem:$0x18800] =	vst v63  }
0x3ca: {  	v3 =	vld [tilespmem:$0x370];
	_ =	sdelay $0x4  }
0x3cb: {  	v47 =	vshll.u32 v3, $0x2  }
0x3cc: {  	v3 =	vand.u32 $0x7, v3;
	v4 =	vand.u32 $0xFFFFFFE0, v47  }
0x3cd: {  	v3 =	vor.u32 v3, v4  }
0x3ce: {  	v4 =	vperm.xlane v3, v0;
	_ =	sdelay $0x1  }
0x3cf: {  	v4 =	vadd.s32 v1, v4;
	_ =	sdelay $0x1  }
0x3d0: {  	v3 =	vperm.xlane v3, v2;
	_ =	sdelay $0x1  }
0x3d1: {  	v3 =	vadd.s32 v1, v3  }
0x3d2: {  	[tilespmem:s21], [sflag:$0x2] =	stream.indirect_vreg.gather [hbm4b:s0+s4], $0x80, v4, vm0, $0xb8;
	[tilespmem:$0x18800] =	vst v63  }
0x3d3: {  	s21 =	simm.s32 $0xF000  }
0x3d4: {  	[tilespmem:s21], [sflag:$0x2] =	stream.indirect_vreg.gather [hbm4b:s5+s4], $0x80, v4, vm0, $0xb8;
	[tilespmem:$0x18800] =	vst v63  }
0x3d5: {  	s24 =	simm.s32 $0xF800  }
0x3d6: {  	[tilespmem:s24], [sflag:$0x2] =	stream.indirect_vreg.gather [hbm4b:s0+s4], $0x80, v3, vm0, $0xb8;
	[tilespmem:$0x18800] =	vst v63  }
0x3d7: {  	s8 =	simm.s32 $0x10000  }
0x3d8: {  	[tilespmem:s8], [sflag:$0x2] =	stream.indirect_vreg.gather [hbm4b:s5+s4], $0x80, v3, vm0, $0xb8;
	[tilespmem:$0x18800] =	vst v63  }
0x3d9: {  	s29 =	rddreg [dreg:$0x13];
	s30 =	simm.s32 $0x10800  }
0x3da: {  	[hbm4b:s29+s4] =	stream.linear.scatter [tilespmem:s30], [sflag:$0x6], $0x8000, $0x38;
	[tilespmem:$0x18800] =	vst v63  }
0x3db: {  	_ =	swait.ge [sflag:s17], $0x8000  }
0x3dc: {  	[sflag:s17] =	ssyncset.done $0x0  }
0x3dd: {  	[sflag:s17] =	ssyncadd.s32 $0xFFFF8000  }
0x3de: {  	_ =	swait.ge [sflag:s23], $0x8000  }
0x3df: {  	[sflag:s23] =	ssyncset.done $0x0  }
0x3e0: {  	[sflag:s23] =	ssyncadd.s32 $0xFFFF8000  }
0x3e1: {  	v3 =	vld [tilespmem:$0x380];
	_ =	sdelay $0x4  }
0x3e2: {  	v48 =	vshll.u32 v3, $0x2  }
0x3e3: {  	v3 =	vand.u32 $0x7, v3;
	v4 =	vand.u32 $0xFFFFFFE0, v48  }
0x3e4: {  	v3 =	vor.u32 v3, v4  }
0x3e5: {  	v4 =	vperm.xlane v3, v0;
	_ =	sdelay $0x1  }
0x3e6: {  	v4 =	vadd.s32 v1, v4;
	_ =	sdelay $0x1  }
0x3e7: {  	v3 =	vperm.xlane v3, v2;
	_ =	sdelay $0x1  }
0x3e8: {  	v3 =	vadd.s32 v1, v3  }
0x3e9: {  	[tilespmem:s30], [sflag:$0x3] =	stream.indirect_vreg.gather [hbm4b:s0+s4], $0x80, v4, vm0, $0xb8;
	[tilespmem:$0x18800] =	vst v63  }
0x3ea: {  	s21 =	simm.s32 $0x11000  }
0x3eb: {  	[tilespmem:s21], [sflag:$0x3] =	stream.indirect_vreg.gather [hbm4b:s5+s4], $0x80, v4, vm0, $0xb8;
	[tilespmem:$0x18800] =	vst v63  }
0x3ec: {  	s7 =	simm.s32 $0x11800  }
0x3ed: {  	[tilespmem:s7], [sflag:$0x3] =	stream.indirect_vreg.gather [hbm4b:s0+s4], $0x80, v3, vm0, $0xb8;
	[tilespmem:$0x18800] =	vst v63  }
0x3ee: {  	s10 =	simm.s32 $0x12000  }
0x3ef: {  	[tilespmem:s10], [sflag:$0x3] =	stream.indirect_vreg.gather [hbm4b:s5+s4], $0x80, v3, vm0, $0xb8;
	[tilespmem:$0x18800] =	vst v63  }
0x3f0: {  	v3 =	vld [tilespmem:$0x390];
	_ =	sdelay $0x4  }
0x3f1: {  	v49 =	vshll.u32 v3, $0x2  }
0x3f2: {  	v3 =	vand.u32 $0x7, v3;
	v4 =	vand.u32 $0xFFFFFFE0, v49  }
0x3f3: {  	v3 =	vor.u32 v3, v4  }
0x3f4: {  	v4 =	vperm.xlane v3, v0;
	_ =	sdelay $0x1  }
0x3f5: {  	v4 =	vadd.s32 v1, v4;
	_ =	sdelay $0x1  }
0x3f6: {  	v3 =	vperm.xlane v3, v2;
	_ =	sdelay $0x1  }
0x3f7: {  	s7 =	simm.s32 $0x12800;
	v3 =	vadd.s32 v1, v3  }
0x3f8: {  	[tilespmem:s7], [sflag:$0x3] =	stream.indirect_vreg.gather [hbm4b:s0+s4], $0x80, v4, vm0, $0xb8;
	[tilespmem:$0x18800] =	vst v63  }
0x3f9: {  	s29 =	simm.s32 $0x13000  }
0x3fa: {  	[tilespmem:s29], [sflag:$0x3] =	stream.indirect_vreg.gather [hbm4b:s5+s4], $0x80, v4, vm0, $0xb8;
	[tilespmem:$0x18800] =	vst v63  }
0x3fb: {  	s24 =	simm.s32 $0x13800  }
0x3fc: {  	[tilespmem:s24], [sflag:$0x3] =	stream.indirect_vreg.gather [hbm4b:s0+s4], $0x80, v3, vm0, $0xb8;
	[tilespmem:$0x18800] =	vst v63  }
0x3fd: {  	s30 =	simm.s32 $0x14000  }
0x3fe: {  	[tilespmem:s30], [sflag:$0x3] =	stream.indirect_vreg.gather [hbm4b:s5+s4], $0x80, v3, vm0, $0xb8;
	[tilespmem:$0x18800] =	vst v63  }
0x3ff: {  	v3 =	vld [tilespmem:$0x3A0];
	_ =	sdelay $0x4  }
0x400: {  	v50 =	vshll.u32 v3, $0x2  }
0x401: {  	v3 =	vand.u32 $0x7, v3;
	v4 =	vand.u32 $0xFFFFFFE0, v50  }
0x402: {  	v3 =	vor.u32 v3, v4  }
0x403: {  	v4 =	vperm.xlane v3, v0;
	_ =	sdelay $0x1  }
0x404: {  	v4 =	vadd.s32 v1, v4;
	_ =	sdelay $0x1  }
0x405: {  	v3 =	vperm.xlane v3, v2;
	_ =	sdelay $0x1  }
0x406: {  	s10 =	simm.s32 $0x14800;
	v3 =	vadd.s32 v1, v3  }
0x407: {  	[tilespmem:s10], [sflag:$0x3] =	stream.indirect_vreg.gather [hbm4b:s0+s4], $0x80, v4, vm0, $0xb8;
	[tilespmem:$0x18800] =	vst v63  }
0x408: {  	s30 =	simm.s32 $0x15000  }
0x409: {  	[tilespmem:s30], [sflag:$0x3] =	stream.indirect_vreg.gather [hbm4b:s5+s4], $0x80, v4, vm0, $0xb8;
	[tilespmem:$0x18800] =	vst v63  }
0x40a: {  	s24 =	simm.s32 $0x15800  }
0x40b: {  	[tilespmem:s24], [sflag:$0x3] =	stream.indirect_vreg.gather [hbm4b:s0+s4], $0x80, v3, vm0, $0xb8;
	[tilespmem:$0x18800] =	vst v63  }
0x40c: {  	s10 =	simm.s32 $0x16000  }
0x40d: {  	[tilespmem:s10], [sflag:$0x3] =	stream.indirect_vreg.gather [hbm4b:s5+s4], $0x80, v3, vm0, $0xb8;
	[tilespmem:$0x18800] =	vst v63  }
0x40e: {  	v3 =	vld [tilespmem:$0x3B0];
	_ =	sdelay $0x4  }
0x40f: {  	v51 =	vshll.u32 v3, $0x2  }
0x410: {  	v3 =	vand.u32 $0x7, v3;
	v4 =	vand.u32 $0xFFFFFFE0, v51  }
0x411: {  	v3 =	vor.u32 v3, v4  }
0x412: {  	v4 =	vperm.xlane v3, v0;
	_ =	sdelay $0x1  }
0x413: {  	v4 =	vadd.s32 v1, v4;
	_ =	sdelay $0x1  }
0x414: {  	v3 =	vperm.xlane v3, v2;
	_ =	sdelay $0x1  }
0x415: {  	s24 =	simm.s32 $0x16800;
	v3 =	vadd.s32 v1, v3  }
0x416: {  	[tilespmem:s24], [sflag:$0x3] =	stream.indirect_vreg.gather [hbm4b:s0+s4], $0x80, v4, vm0, $0xb8;
	[tilespmem:$0x18800] =	vst v63  }
0x417: {  	s10 =	simm.s32 $0x17000  }
0x418: {  	[tilespmem:s10], [sflag:$0x3] =	stream.indirect_vreg.gather [hbm4b:s5+s4], $0x80, v4, vm0, $0xb8;
	[tilespmem:$0x18800] =	vst v63  }
0x419: {  	s24 =	simm.s32 $0x17800  }
0x41a: {  	[tilespmem:s24], [sflag:$0x3] =	stream.indirect_vreg.gather [hbm4b:s0+s4], $0x80, v3, vm0, $0xb8;
	[tilespmem:$0x18800] =	vst v63  }
0x41b: {  	s10 =	simm.s32 $0x18000  }
0x41c: {  	[tilespmem:s10], [sflag:$0x3] =	stream.indirect_vreg.gather [hbm4b:s5+s4], $0x80, v3, vm0, $0xb8;
	[tilespmem:$0x18800] =	vst v63  }
0x41d: {  	s3 =	simm.s32 $0x800;
	s24 =	rddreg [dreg:$0x14]  }
0x41e: {  	[hbm4b:s24+s4] =	stream.linear.scatter [tilespmem:s3], [sflag:$0x4], $0x8000, $0x38;
	[tilespmem:$0x18800] =	vst v63  }
0x41f: {  	_ =	swait.ge [sflag:s19], $0x8000  }
0x420: {  	[sflag:s19] =	ssyncset.done $0x0  }
0x421: {  	[sflag:s19] =	ssyncadd.s32 $0xFFFF8000  }
0x422: {  	_ =	swait.ge [sflag:s20], $0x8000  }
0x423: {  	[sflag:s20] =	ssyncset.done $0x0  }
0x424: {  	[sflag:s20] =	ssyncadd.s32 $0xFFFF8000  }
0x425: {  	v3 =	vld [tilespmem:$0x3C0];
	_ =	sdelay $0x4  }
0x426: {  	v52 =	vshll.u32 v3, $0x2  }
0x427: {  	v3 =	vand.u32 $0x7, v3;
	v4 =	vand.u32 $0xFFFFFFE0, v52  }
0x428: {  	v3 =	vor.u32 v3, v4  }
0x429: {  	v4 =	vperm.xlane v3, v0;
	_ =	sdelay $0x1  }
0x42a: {  	v4 =	vadd.s32 v1, v4;
	_ =	sdelay $0x1  }
0x42b: {  	v3 =	vperm.xlane v3, v2;
	_ =	sdelay $0x1  }
0x42c: {  	v3 =	vadd.s32 v1, v3  }
0x42d: {  	[tilespmem:s3], [sflag:$0x1] =	stream.indirect_vreg.gather [hbm4b:s0+s4], $0x80, v4, vm0, $0xb8;
	[tilespmem:$0x18800] =	vst v63  }
0x42e: {  	_ = 	snop  }
0x42f: {  	[tilespmem:s16], [sflag:$0x1] =	stream.indirect_vreg.gather [hbm4b:s5+s4], $0x80, v4, vm0, $0xb8;
	[tilespmem:$0x18800] =	vst v63  }
0x430: {  	_ = 	snop  }
0x431: {  	[tilespmem:s18], [sflag:$0x1] =	stream.indirect_vreg.gather [hbm4b:s0+s4], $0x80, v3, vm0, $0xb8;
	[tilespmem:$0x18800] =	vst v63  }
0x432: {  	_ = 	snop  }
0x433: {  	[tilespmem:s31], [sflag:$0x1] =	stream.indirect_vreg.gather [hbm4b:s5+s4], $0x80, v3, vm0, $0xb8;
	[tilespmem:$0x18800] =	vst v63  }
0x434: {  	v3 =	vld [tilespmem:$0x3D0];
	_ =	sdelay $0x4  }
0x435: {  	v53 =	vshll.u32 v3, $0x2  }
0x436: {  	v3 =	vand.u32 $0x7, v3;
	v4 =	vand.u32 $0xFFFFFFE0, v53  }
0x437: {  	v3 =	vor.u32 v3, v4  }
0x438: {  	v4 =	vperm.xlane v3, v0;
	_ =	sdelay $0x1  }
0x439: {  	v4 =	vadd.s32 v1, v4;
	_ =	sdelay $0x1  }
0x43a: {  	v3 =	vperm.xlane v3, v2;
	_ =	sdelay $0x1  }
0x43b: {  	v3 =	vadd.s32 v1, v3  }
0x43c: {  	[tilespmem:s11], [sflag:$0x1] =	stream.indirect_vreg.gather [hbm4b:s0+s4], $0x80, v4, vm0, $0xb8;
	[tilespmem:$0x18800] =	vst v63  }
0x43d: {  	s11 =	simm.s32 $0x3000  }
0x43e: {  	[tilespmem:s11], [sflag:$0x1] =	stream.indirect_vreg.gather [hbm4b:s5+s4], $0x80, v4, vm0, $0xb8;
	[tilespmem:$0x18800] =	vst v63  }
0x43f: {  	s10 =	simm.s32 $0x3800  }
0x440: {  	[tilespmem:s10], [sflag:$0x1] =	stream.indirect_vreg.gather [hbm4b:s0+s4], $0x80, v3, vm0, $0xb8;
	[tilespmem:$0x18800] =	vst v63  }
0x441: {  	_ = 	snop  }
0x442: {  	[tilespmem:s26], [sflag:$0x1] =	stream.indirect_vreg.gather [hbm4b:s5+s4], $0x80, v3, vm0, $0xb8;
	[tilespmem:$0x18800] =	vst v63  }
0x443: {  	v3 =	vld [tilespmem:$0x3E0];
	_ =	sdelay $0x4  }
0x444: {  	v54 =	vshll.u32 v3, $0x2  }
0x445: {  	v3 =	vand.u32 $0x7, v3;
	v4 =	vand.u32 $0xFFFFFFE0, v54  }
0x446: {  	v3 =	vor.u32 v3, v4  }
0x447: {  	v4 =	vperm.xlane v3, v0;
	_ =	sdelay $0x1  }
0x448: {  	v4 =	vadd.s32 v1, v4;
	_ =	sdelay $0x1  }
0x449: {  	v3 =	vperm.xlane v3, v2;
	_ =	sdelay $0x1  }
0x44a: {  	v3 =	vadd.s32 v1, v3  }
0x44b: {  	[tilespmem:s28], [sflag:$0x1] =	stream.indirect_vreg.gather [hbm4b:s0+s4], $0x80, v4, vm0, $0xb8;
	[tilespmem:$0x18800] =	vst v63  }
0x44c: {  	_ = 	snop  }
0x44d: {  	[tilespmem:s25], [sflag:$0x1] =	stream.indirect_vreg.gather [hbm4b:s5+s4], $0x80, v4, vm0, $0xb8;
	[tilespmem:$0x18800] =	vst v63  }
0x44e: {  	s3 =	simm.s32 $0x5800  }
0x44f: {  	[tilespmem:s3], [sflag:$0x1] =	stream.indirect_vreg.gather [hbm4b:s0+s4], $0x80, v3, vm0, $0xb8;
	[tilespmem:$0x18800] =	vst v63  }
0x450: {  	s26 =	simm.s32 $0x6000  }
0x451: {  	[tilespmem:s26], [sflag:$0x1] =	stream.indirect_vreg.gather [hbm4b:s5+s4], $0x80, v3, vm0, $0xb8;
	[tilespmem:$0x18800] =	vst v63  }
0x452: {  	v3 =	vld [tilespmem:$0x3F0];
	_ =	sdelay $0x4  }
0x453: {  	v55 =	vshll.u32 v3, $0x2  }
0x454: {  	v3 =	vand.u32 $0x7, v3;
	v4 =	vand.u32 $0xFFFFFFE0, v55  }
0x455: {  	v3 =	vor.u32 v3, v4  }
0x456: {  	v4 =	vperm.xlane v3, v0;
	_ =	sdelay $0x1  }
0x457: {  	v4 =	vadd.s32 v1, v4;
	_ =	sdelay $0x1  }
0x458: {  	v3 =	vperm.xlane v3, v2;
	_ =	sdelay $0x1  }
0x459: {  	s28 =	simm.s32 $0x6800;
	v3 =	vadd.s32 v1, v3  }
0x45a: {  	[tilespmem:s28], [sflag:$0x1] =	stream.indirect_vreg.gather [hbm4b:s0+s4], $0x80, v4, vm0, $0xb8;
	[tilespmem:$0x18800] =	vst v63  }
0x45b: {  	s31 =	simm.s32 $0x7000  }
0x45c: {  	[tilespmem:s31], [sflag:$0x1] =	stream.indirect_vreg.gather [hbm4b:s5+s4], $0x80, v4, vm0, $0xb8;
	[tilespmem:$0x18800] =	vst v63  }
0x45d: {  	_ = 	snop  }
0x45e: {  	[tilespmem:s1], [sflag:$0x1] =	stream.indirect_vreg.gather [hbm4b:s0+s4], $0x80, v3, vm0, $0xb8;
	[tilespmem:$0x18800] =	vst v63  }
0x45f: {  	_ = 	snop  }
0x460: {  	[tilespmem:s13], [sflag:$0x1] =	stream.indirect_vreg.gather [hbm4b:s5+s4], $0x80, v3, vm0, $0xb8;
	[tilespmem:$0x18800] =	vst v63  }
0x461: {  	s16 =	simm.s32 $0x8800;
	s1 =	rddreg [dreg:$0x15]  }
0x462: {  	[hbm4b:s1+s4] =	stream.linear.scatter [tilespmem:s16], [sflag:$0x5], $0x8000, $0x38;
	[tilespmem:$0x18800] =	vst v63  }
0x463: {  	_ =	swait.ge [sflag:s15], $0x8000  }
0x464: {  	[sflag:s15] =	ssyncset.done $0x0  }
0x465: {  	[sflag:s15] =	ssyncadd.s32 $0xFFFF8000  }
0x466: {  	_ =	swait.ge [sflag:s22], $0x8000  }
0x467: {  	[sflag:s22] =	ssyncset.done $0x0  }
0x468: {  	[sflag:s22] =	ssyncadd.s32 $0xFFFF8000  }
0x469: {  	v3 =	vld [tilespmem:$0x400];
	_ =	sdelay $0x4  }
0x46a: {  	v56 =	vshll.u32 v3, $0x2  }
0x46b: {  	v3 =	vand.u32 $0x7, v3;
	v4 =	vand.u32 $0xFFFFFFE0, v56  }
0x46c: {  	v3 =	vor.u32 v3, v4  }
0x46d: {  	v4 =	vperm.xlane v3, v0;
	_ =	sdelay $0x1  }
0x46e: {  	v4 =	vadd.s32 v1, v4;
	_ =	sdelay $0x1  }
0x46f: {  	v3 =	vperm.xlane v3, v2;
	_ =	sdelay $0x1  }
0x470: {  	v3 =	vadd.s32 v1, v3  }
0x471: {  	[tilespmem:s16], [sflag:$0x2] =	stream.indirect_vreg.gather [hbm4b:s2+s4], $0x80, v4, vm0, $0xb8;
	[tilespmem:$0x18800] =	vst v63  }
0x472: {  	s31 =	simm.s32 $0x9000  }
0x473: {  	[tilespmem:s31], [sflag:$0x2] =	stream.indirect_vreg.gather [hbm4b:s6+s4], $0x80, v4, vm0, $0xb8;
	[tilespmem:$0x18800] =	vst v63  }
0x474: {  	s13 =	simm.s32 $0x9800  }
0x475: {  	[tilespmem:s13], [sflag:$0x2] =	stream.indirect_vreg.gather [hbm4b:s2+s4], $0x80, v3, vm0, $0xb8;
	[tilespmem:$0x18800] =	vst v63  }
0x476: {  	_ = 	snop  }
0x477: {  	[tilespmem:s9], [sflag:$0x2] =	stream.indirect_vreg.gather [hbm4b:s6+s4], $0x80, v3, vm0, $0xb8;
	[tilespmem:$0x18800] =	vst v63  }
0x478: {  	v3 =	vld [tilespmem:$0x410];
	_ =	sdelay $0x4  }
0x479: {  	v57 =	vshll.u32 v3, $0x2  }
0x47a: {  	v3 =	vand.u32 $0x7, v3;
	v4 =	vand.u32 $0xFFFFFFE0, v57  }
0x47b: {  	v3 =	vor.u32 v3, v4  }
0x47c: {  	v4 =	vperm.xlane v3, v0;
	_ =	sdelay $0x1  }
0x47d: {  	v4 =	vadd.s32 v1, v4;
	_ =	sdelay $0x1  }
0x47e: {  	v3 =	vperm.xlane v3, v2;
	_ =	sdelay $0x1  }
0x47f: {  	s18 =	simm.s32 $0xA800;
	v3 =	vadd.s32 v1, v3  }
0x480: {  	[tilespmem:s18], [sflag:$0x2] =	stream.indirect_vreg.gather [hbm4b:s2+s4], $0x80, v4, vm0, $0xb8;
	[tilespmem:$0x18800] =	vst v63  }
0x481: {  	s16 =	simm.s32 $0xB000  }
0x482: {  	[tilespmem:s16], [sflag:$0x2] =	stream.indirect_vreg.gather [hbm4b:s6+s4], $0x80, v4, vm0, $0xb8;
	[tilespmem:$0x18800] =	vst v63  }
0x483: {  	s18 =	simm.s32 $0xB800  }
0x484: {  	[tilespmem:s18], [sflag:$0x2] =	stream.indirect_vreg.gather [hbm4b:s2+s4], $0x80, v3, vm0, $0xb8;
	[tilespmem:$0x18800] =	vst v63  }
0x485: {  	_ = 	snop  }
0x486: {  	[tilespmem:s12], [sflag:$0x2] =	stream.indirect_vreg.gather [hbm4b:s6+s4], $0x80, v3, vm0, $0xb8;
	[tilespmem:$0x18800] =	vst v63  }
0x487: {  	v3 =	vld [tilespmem:$0x420];
	_ =	sdelay $0x4  }
0x488: {  	v58 =	vshll.u32 v3, $0x2  }
0x489: {  	v3 =	vand.u32 $0x7, v3;
	v4 =	vand.u32 $0xFFFFFFE0, v58  }
0x48a: {  	v3 =	vor.u32 v3, v4  }
0x48b: {  	v4 =	vperm.xlane v3, v0;
	_ =	sdelay $0x1  }
0x48c: {  	v4 =	vadd.s32 v1, v4;
	_ =	sdelay $0x1  }
0x48d: {  	v3 =	vperm.xlane v3, v2;
	_ =	sdelay $0x1  }
0x48e: {  	s12 =	simm.s32 $0xC800;
	v3 =	vadd.s32 v1, v3  }
0x48f: {  	[tilespmem:s12], [sflag:$0x2] =	stream.indirect_vreg.gather [hbm4b:s2+s4], $0x80, v4, vm0, $0xb8;
	[tilespmem:$0x18800] =	vst v63  }
0x490: {  	s25 =	simm.s32 $0xD000  }
0x491: {  	[tilespmem:s25], [sflag:$0x2] =	stream.indirect_vreg.gather [hbm4b:s6+s4], $0x80, v4, vm0, $0xb8;
	[tilespmem:$0x18800] =	vst v63  }
0x492: {  	s26 =	simm.s32 $0xD800  }
0x493: {  	[tilespmem:s26], [sflag:$0x2] =	stream.indirect_vreg.gather [hbm4b:s2+s4], $0x80, v3, vm0, $0xb8;
	[tilespmem:$0x18800] =	vst v63  }
0x494: {  	_ = 	snop  }
0x495: {  	[tilespmem:s14], [sflag:$0x2] =	stream.indirect_vreg.gather [hbm4b:s6+s4], $0x80, v3, vm0, $0xb8;
	[tilespmem:$0x18800] =	vst v63  }
0x496: {  	v3 =	vld [tilespmem:$0x430];
	_ =	sdelay $0x4  }
0x497: {  	v59 =	vshll.u32 v3, $0x2  }
0x498: {  	v3 =	vand.u32 $0x7, v3;
	v4 =	vand.u32 $0xFFFFFFE0, v59  }
0x499: {  	v3 =	vor.u32 v3, v4  }
0x49a: {  	v4 =	vperm.xlane v3, v0;
	_ =	sdelay $0x1  }
0x49b: {  	v4 =	vadd.s32 v1, v4;
	_ =	sdelay $0x1  }
0x49c: {  	v3 =	vperm.xlane v3, v2;
	_ =	sdelay $0x1  }
0x49d: {  	s14 =	simm.s32 $0xE800;
	v3 =	vadd.s32 v1, v3  }
0x49e: {  	[tilespmem:s14], [sflag:$0x2] =	stream.indirect_vreg.gather [hbm4b:s2+s4], $0x80, v4, vm0, $0xb8;
	[tilespmem:$0x18800] =	vst v63  }
0x49f: {  	s28 =	simm.s32 $0xF000  }
0x4a0: {  	[tilespmem:s28], [sflag:$0x2] =	stream.indirect_vreg.gather [hbm4b:s6+s4], $0x80, v4, vm0, $0xb8;
	[tilespmem:$0x18800] =	vst v63  }
0x4a1: {  	s24 =	simm.s32 $0xF800  }
0x4a2: {  	[tilespmem:s24], [sflag:$0x2] =	stream.indirect_vreg.gather [hbm4b:s2+s4], $0x80, v3, vm0, $0xb8;
	[tilespmem:$0x18800] =	vst v63  }
0x4a3: {  	_ = 	snop  }
0x4a4: {  	[tilespmem:s8], [sflag:$0x2] =	stream.indirect_vreg.gather [hbm4b:s6+s4], $0x80, v3, vm0, $0xb8;
	[tilespmem:$0x18800] =	vst v63  }
0x4a5: {  	s1 =	rddreg [dreg:$0x16];
	s9 =	simm.s32 $0x10800  }
0x4a6: {  	[hbm4b:s1+s4] =	stream.linear.scatter [tilespmem:s9], [sflag:$0x6], $0x8000, $0x38;
	[tilespmem:$0x18800] =	vst v63  }
0x4a7: {  	_ =	swait.ge [sflag:s17], $0x8000  }
0x4a8: {  	[sflag:s17] =	ssyncset.done $0x0  }
0x4a9: {  	[sflag:s17] =	ssyncadd.s32 $0xFFFF8000  }
0x4aa: {  	_ =	swait.ge [sflag:s23], $0x8000  }
0x4ab: {  	[sflag:s23] =	ssyncset.done $0x0  }
0x4ac: {  	[sflag:s23] =	ssyncadd.s32 $0xFFFF8000  }
0x4ad: {  	v3 =	vld [tilespmem:$0x440];
	_ =	sdelay $0x4  }
0x4ae: {  	v60 =	vshll.u32 v3, $0x2  }
0x4af: {  	v3 =	vand.u32 $0x7, v3;
	v4 =	vand.u32 $0xFFFFFFE0, v60  }
0x4b0: {  	v3 =	vor.u32 v3, v4  }
0x4b1: {  	v4 =	vperm.xlane v3, v0;
	_ =	sdelay $0x1  }
0x4b2: {  	v4 =	vadd.s32 v1, v4;
	_ =	sdelay $0x1  }
0x4b3: {  	v3 =	vperm.xlane v3, v2;
	_ =	sdelay $0x1  }
0x4b4: {  	v3 =	vadd.s32 v1, v3  }
0x4b5: {  	[tilespmem:s9], [sflag:$0x3] =	stream.indirect_vreg.gather [hbm4b:s2+s4], $0x80, v4, vm0, $0xb8;
	[tilespmem:$0x18800] =	vst v63  }
0x4b6: {  	_ = 	snop  }
0x4b7: {  	[tilespmem:s21], [sflag:$0x3] =	stream.indirect_vreg.gather [hbm4b:s6+s4], $0x80, v4, vm0, $0xb8;
	[tilespmem:$0x18800] =	vst v63  }
0x4b8: {  	s8 =	simm.s32 $0x11800  }
0x4b9: {  	[tilespmem:s8], [sflag:$0x3] =	stream.indirect_vreg.gather [hbm4b:s2+s4], $0x80, v3, vm0, $0xb8;
	[tilespmem:$0x18800] =	vst v63  }
0x4ba: {  	s9 =	simm.s32 $0x12000  }
0x4bb: {  	[tilespmem:s9], [sflag:$0x3] =	stream.indirect_vreg.gather [hbm4b:s6+s4], $0x80, v3, vm0, $0xb8;
	[tilespmem:$0x18800] =	vst v63  }
0x4bc: {  	v3 =	vld [tilespmem:$0x450];
	_ =	sdelay $0x4  }
0x4bd: {  	v61 =	vshll.u32 v3, $0x2  }
0x4be: {  	v3 =	vand.u32 $0x7, v3;
	v4 =	vand.u32 $0xFFFFFFE0, v61  }
0x4bf: {  	v3 =	vor.u32 v3, v4  }
0x4c0: {  	v4 =	vperm.xlane v3, v0;
	_ =	sdelay $0x1  }
0x4c1: {  	v4 =	vadd.s32 v1, v4;
	_ =	sdelay $0x1  }
0x4c2: {  	v3 =	vperm.xlane v3, v2;
	_ =	sdelay $0x1  }
0x4c3: {  	v3 =	vadd.s32 v1, v3  }
0x4c4: {  	[tilespmem:s7], [sflag:$0x3] =	stream.indirect_vreg.gather [hbm4b:s2+s4], $0x80, v4, vm0, $0xb8;
	[tilespmem:$0x18800] =	vst v63  }
0x4c5: {  	_ = 	snop  }
0x4c6: {  	[tilespmem:s29], [sflag:$0x3] =	stream.indirect_vreg.gather [hbm4b:s6+s4], $0x80, v4, vm0, $0xb8;
	[tilespmem:$0x18800] =	vst v63  }
0x4c7: {  	s29 =	simm.s32 $0x13800  }
0x4c8: {  	[tilespmem:s29], [sflag:$0x3] =	stream.indirect_vreg.gather [hbm4b:s2+s4], $0x80, v3, vm0, $0xb8;
	[tilespmem:$0x18800] =	vst v63  }
0x4c9: {  	s21 =	simm.s32 $0x14000  }
0x4ca: {  	[tilespmem:s21], [sflag:$0x3] =	stream.indirect_vreg.gather [hbm4b:s6+s4], $0x80, v3, vm0, $0xb8;
	[tilespmem:$0x18800] =	vst v63  }
0x4cb: {  	v3 =	vld [tilespmem:$0x460];
	_ =	sdelay $0x4  }
0x4cc: {  	v62 =	vshll.u32 v3, $0x2  }
0x4cd: {  	v3 =	vand.u32 $0x7, v3;
	v4 =	vand.u32 $0xFFFFFFE0, v62  }
0x4ce: {  	v3 =	vor.u32 v3, v4  }
0x4cf: {  	v4 =	vperm.xlane v3, v0;
	_ =	sdelay $0x1  }
0x4d0: {  	v4 =	vadd.s32 v1, v4;
	_ =	sdelay $0x1  }
0x4d1: {  	v3 =	vperm.xlane v3, v2;
	_ =	sdelay $0x1  }
0x4d2: {  	s24 =	simm.s32 $0x14800;
	v3 =	vadd.s32 v1, v3  }
0x4d3: {  	[tilespmem:s24], [sflag:$0x3] =	stream.indirect_vreg.gather [hbm4b:s2+s4], $0x80, v4, vm0, $0xb8;
	[tilespmem:$0x18800] =	vst v63  }
0x4d4: {  	_ = 	snop  }
0x4d5: {  	[tilespmem:s30], [sflag:$0x3] =	stream.indirect_vreg.gather [hbm4b:s6+s4], $0x80, v4, vm0, $0xb8;
	[tilespmem:$0x18800] =	vst v63  }
0x4d6: {  	s7 =	simm.s32 $0x15800  }
0x4d7: {  	[tilespmem:s7], [sflag:$0x3] =	stream.indirect_vreg.gather [hbm4b:s2+s4], $0x80, v3, vm0, $0xb8;
	[tilespmem:$0x18800] =	vst v63  }
0x4d8: {  	s8 =	simm.s32 $0x16000  }
0x4d9: {  	[tilespmem:s8], [sflag:$0x3] =	stream.indirect_vreg.gather [hbm4b:s6+s4], $0x80, v3, vm0, $0xb8;
	[tilespmem:$0x18800] =	vst v63  }
0x4da: {  	v3 =	vld [tilespmem:$0x470];
	_ =	sdelay $0x4  }
0x4db: {  	v63 =	vshll.u32 v3, $0x2  }
0x4dc: {  	v3 =	vand.u32 $0x7, v3;
	v4 =	vand.u32 $0xFFFFFFE0, v63  }
0x4dd: {  	v3 =	vor.u32 v3, v4  }
0x4de: {  	v4 =	vperm.xlane v3, v0;
	_ =	sdelay $0x1  }
0x4df: {  	v4 =	vadd.s32 v1, v4;
	_ =	sdelay $0x1  }
0x4e0: {  	v3 =	vperm.xlane v3, v2;
	_ =	sdelay $0x1  }
0x4e1: {  	s9 =	simm.s32 $0x16800;
	v3 =	vadd.s32 v1, v3  }
0x4e2: {  	[tilespmem:s9], [sflag:$0x3] =	stream.indirect_vreg.gather [hbm4b:s2+s4], $0x80, v4, vm0, $0xb8;
	[tilespmem:$0x18800] =	vst v63  }
0x4e3: {  	s21 =	simm.s32 $0x17000  }
0x4e4: {  	[tilespmem:s21], [sflag:$0x3] =	stream.indirect_vreg.gather [hbm4b:s6+s4], $0x80, v4, vm0, $0xb8;
	[tilespmem:$0x18800] =	vst v63  }
0x4e5: {  	s24 =	simm.s32 $0x17800  }
0x4e6: {  	[tilespmem:s24], [sflag:$0x3] =	stream.indirect_vreg.gather [hbm4b:s2+s4], $0x80, v3, vm0, $0xb8;
	[tilespmem:$0x18800] =	vst v63  }
0x4e7: {  	s7 =	simm.s32 $0x18000  }
0x4e8: {  	[tilespmem:s7], [sflag:$0x3] =	stream.indirect_vreg.gather [hbm4b:s6+s4], $0x80, v3, vm0, $0xb8;
	[tilespmem:$0x18800] =	vst v63  }
0x4e9: {  	s30 =	rddreg [dreg:$0x17];
	s8 =	simm.s32 $0x800  }
0x4ea: {  	[hbm4b:s30+s4] =	stream.linear.scatter [tilespmem:s8], [sflag:$0x4], $0x8000, $0x38;
	[tilespmem:$0x18800] =	vst v63  }
0x4eb: {  	_ =	swait.ge [sflag:s19], $0x8000  }
0x4ec: {  	[sflag:s19] =	ssyncset.done $0x0  }
0x4ed: {  	[sflag:s19] =	ssyncadd.s32 $0xFFFF8000  }
0x4ee: {  	_ =	swait.ge [sflag:s20], $0x8000  }
0x4ef: {  	[sflag:s20] =	ssyncset.done $0x0  }
0x4f0: {  	[sflag:s20] =	ssyncadd.s32 $0xFFFF8000  }
0x4f1: {  	v3 =	vld [tilespmem:$0x480];
	_ =	sdelay $0x4  }
0x4f2: {  	v8 =	vshll.u32 v3, $0x2  }
0x4f3: {  	v3 =	vand.u32 $0x7, v3;
	v4 =	vand.u32 $0xFFFFFFE0, v8  }
0x4f4: {  	v3 =	vor.u32 v3, v4  }
0x4f5: {  	v4 =	vperm.xlane v3, v0;
	_ =	sdelay $0x1  }
0x4f6: {  	v4 =	vadd.s32 v1, v4;
	_ =	sdelay $0x1  }
0x4f7: {  	v3 =	vperm.xlane v3, v2;
	_ =	sdelay $0x1  }
0x4f8: {  	v3 =	vadd.s32 v1, v3  }
0x4f9: {  	[tilespmem:s8], [sflag:$0x1] =	stream.indirect_vreg.gather [hbm4b:s2+s4], $0x80, v4, vm0, $0xb8;
	[tilespmem:$0x18800] =	vst v63  }
0x4fa: {  	s7 =	simm.s32 $0x1000  }
0x4fb: {  	[tilespmem:s7], [sflag:$0x1] =	stream.indirect_vreg.gather [hbm4b:s6+s4], $0x80, v4, vm0, $0xb8;
	[tilespmem:$0x18800] =	vst v63  }
0x4fc: {  	s21 =	simm.s32 $0x1800  }
0x4fd: {  	[tilespmem:s21], [sflag:$0x1] =	stream.indirect_vreg.gather [hbm4b:s2+s4], $0x80, v3, vm0, $0xb8;
	[tilespmem:$0x18800] =	vst v63  }
0x4fe: {  	s9 =	simm.s32 $0x2000  }
0x4ff: {  	[tilespmem:s9], [sflag:$0x1] =	stream.indirect_vreg.gather [hbm4b:s6+s4], $0x80, v3, vm0, $0xb8;
	[tilespmem:$0x18800] =	vst v63  }
0x500: {  	v3 =	vld [tilespmem:$0x490];
	_ =	sdelay $0x4  }
0x501: {  	v9 =	vshll.u32 v3, $0x2  }
0x502: {  	v3 =	vand.u32 $0x7, v3;
	v4 =	vand.u32 $0xFFFFFFE0, v9  }
0x503: {  	v3 =	vor.u32 v3, v4  }
0x504: {  	v4 =	vperm.xlane v3, v0;
	_ =	sdelay $0x1  }
0x505: {  	v4 =	vadd.s32 v1, v4;
	_ =	sdelay $0x1  }
0x506: {  	v3 =	vperm.xlane v3, v2;
	_ =	sdelay $0x1  }
0x507: {  	s30 =	simm.s32 $0x2800;
	v3 =	vadd.s32 v1, v3  }
0x508: {  	[tilespmem:s30], [sflag:$0x1] =	stream.indirect_vreg.gather [hbm4b:s2+s4], $0x80, v4, vm0, $0xb8;
	[tilespmem:$0x18800] =	vst v63  }
0x509: {  	_ = 	snop  }
0x50a: {  	[tilespmem:s11], [sflag:$0x1] =	stream.indirect_vreg.gather [hbm4b:s6+s4], $0x80, v4, vm0, $0xb8;
	[tilespmem:$0x18800] =	vst v63  }
0x50b: {  	_ = 	snop  }
0x50c: {  	[tilespmem:s10], [sflag:$0x1] =	stream.indirect_vreg.gather [hbm4b:s2+s4], $0x80, v3, vm0, $0xb8;
	[tilespmem:$0x18800] =	vst v63  }
0x50d: {  	s9 =	simm.s32 $0x4000  }
0x50e: {  	[tilespmem:s9], [sflag:$0x1] =	stream.indirect_vreg.gather [hbm4b:s6+s4], $0x80, v3, vm0, $0xb8;
	[tilespmem:$0x18800] =	vst v63  }
0x50f: {  	v3 =	vld [tilespmem:$0x4A0];
	_ =	sdelay $0x4  }
0x510: {  	v10 =	vshll.u32 v3, $0x2  }
0x511: {  	v3 =	vand.u32 $0x7, v3;
	v4 =	vand.u32 $0xFFFFFFE0, v10  }
0x512: {  	v3 =	vor.u32 v3, v4  }
0x513: {  	v4 =	vperm.xlane v3, v0;
	_ =	sdelay $0x1  }
0x514: {  	v4 =	vadd.s32 v1, v4;
	_ =	sdelay $0x1  }
0x515: {  	v3 =	vperm.xlane v3, v2;
	_ =	sdelay $0x1  }
0x516: {  	s24 =	simm.s32 $0x4800;
	v3 =	vadd.s32 v1, v3  }
0x517: {  	[tilespmem:s24], [sflag:$0x1] =	stream.indirect_vreg.gather [hbm4b:s2+s4], $0x80, v4, vm0, $0xb8;
	[tilespmem:$0x18800] =	vst v63  }
0x518: {  	s8 =	simm.s32 $0x5000  }
0x519: {  	[tilespmem:s8], [sflag:$0x1] =	stream.indirect_vreg.gather [hbm4b:s6+s4], $0x80, v4, vm0, $0xb8;
	[tilespmem:$0x18800] =	vst v63  }
0x51a: {  	_ = 	snop  }
0x51b: {  	[tilespmem:s3], [sflag:$0x1] =	stream.indirect_vreg.gather [hbm4b:s2+s4], $0x80, v3, vm0, $0xb8;
	[tilespmem:$0x18800] =	vst v63  }
0x51c: {  	s10 =	simm.s32 $0x6000  }
0x51d: {  	[tilespmem:s10], [sflag:$0x1] =	stream.indirect_vreg.gather [hbm4b:s6+s4], $0x80, v3, vm0, $0xb8;
	[tilespmem:$0x18800] =	vst v63  }
0x51e: {  	v3 =	vld [tilespmem:$0x4B0];
	_ =	sdelay $0x4  }
0x51f: {  	v11 =	vshll.u32 v3, $0x2  }
0x520: {  	v3 =	vand.u32 $0x7, v3;
	v4 =	vand.u32 $0xFFFFFFE0, v11  }
0x521: {  	v3 =	vor.u32 v3, v4  }
0x522: {  	v4 =	vperm.xlane v3, v0;
	_ =	sdelay $0x1  }
0x523: {  	v4 =	vadd.s32 v1, v4;
	_ =	sdelay $0x1  }
0x524: {  	v3 =	vperm.xlane v3, v2;
	_ =	sdelay $0x1  }
0x525: {  	s11 =	simm.s32 $0x6800;
	v3 =	vadd.s32 v1, v3  }
0x526: {  	[tilespmem:s11], [sflag:$0x1] =	stream.indirect_vreg.gather [hbm4b:s2+s4], $0x80, v4, vm0, $0xb8;
	[tilespmem:$0x18800] =	vst v63  }
0x527: {  	s24 =	simm.s32 $0x7000  }
0x528: {  	[tilespmem:s24], [sflag:$0x1] =	stream.indirect_vreg.gather [hbm4b:s6+s4], $0x80, v4, vm0, $0xb8;
	[tilespmem:$0x18800] =	vst v63  }
0x529: {  	s8 =	simm.s32 $0x7800  }
0x52a: {  	[tilespmem:s8], [sflag:$0x1] =	stream.indirect_vreg.gather [hbm4b:s2+s4], $0x80, v3, vm0, $0xb8;
	[tilespmem:$0x18800] =	vst v63  }
0x52b: {  	s10 =	simm.s32 $0x8000  }
0x52c: {  	[tilespmem:s10], [sflag:$0x1] =	stream.indirect_vreg.gather [hbm4b:s6+s4], $0x80, v3, vm0, $0xb8;
	[tilespmem:$0x18800] =	vst v63  }
0x52d: {  	s3 =	rddreg [dreg:$0x18];
	s11 =	simm.s32 $0x8800  }
0x52e: {  	[hbm4b:s3+s4] =	stream.linear.scatter [tilespmem:s11], [sflag:$0x5], $0x8000, $0x38;
	[tilespmem:$0x18800] =	vst v63  }
0x52f: {  	_ =	swait.ge [sflag:s15], $0x8000  }
0x530: {  	[sflag:s15] =	ssyncset.done $0x0  }
0x531: {  	[sflag:s15] =	ssyncadd.s32 $0xFFFF8000  }
0x532: {  	_ =	swait.ge [sflag:s22], $0x8000  }
0x533: {  	[sflag:s22] =	ssyncset.done $0x0  }
0x534: {  	[sflag:s22] =	ssyncadd.s32 $0xFFFF8000  }
0x535: {  	v3 =	vld [tilespmem:$0x4C0];
	_ =	sdelay $0x4  }
0x536: {  	v12 =	vshll.u32 v3, $0x2  }
0x537: {  	v3 =	vand.u32 $0x7, v3;
	v4 =	vand.u32 $0xFFFFFFE0, v12  }
0x538: {  	v3 =	vor.u32 v3, v4  }
0x539: {  	v4 =	vperm.xlane v3, v0;
	_ =	sdelay $0x1  }
0x53a: {  	v4 =	vadd.s32 v1, v4;
	_ =	sdelay $0x1  }
0x53b: {  	v3 =	vperm.xlane v3, v2;
	_ =	sdelay $0x1  }
0x53c: {  	v3 =	vadd.s32 v1, v3  }
0x53d: {  	[tilespmem:s11], [sflag:$0x2] =	stream.indirect_vreg.gather [hbm4b:s2+s4], $0x80, v4, vm0, $0xb8;
	[tilespmem:$0x18800] =	vst v63  }
0x53e: {  	_ = 	snop  }
0x53f: {  	[tilespmem:s31], [sflag:$0x2] =	stream.indirect_vreg.gather [hbm4b:s6+s4], $0x80, v4, vm0, $0xb8;
	[tilespmem:$0x18800] =	vst v63  }
0x540: {  	_ = 	snop  }
0x541: {  	[tilespmem:s13], [sflag:$0x2] =	stream.indirect_vreg.gather [hbm4b:s2+s4], $0x80, v3, vm0, $0xb8;
	[tilespmem:$0x18800] =	vst v63  }
0x542: {  	s11 =	simm.s32 $0xA000  }
0x543: {  	[tilespmem:s11], [sflag:$0x2] =	stream.indirect_vreg.gather [hbm4b:s6+s4], $0x80, v3, vm0, $0xb8;
	[tilespmem:$0x18800] =	vst v63  }
0x544: {  	v3 =	vld [tilespmem:$0x4D0];
	_ =	sdelay $0x4  }
0x545: {  	v13 =	vshll.u32 v3, $0x2  }
0x546: {  	v3 =	vand.u32 $0x7, v3;
	v4 =	vand.u32 $0xFFFFFFE0, v13  }
0x547: {  	v3 =	vor.u32 v3, v4  }
0x548: {  	v4 =	vperm.xlane v3, v0;
	_ =	sdelay $0x1  }
0x549: {  	v4 =	vadd.s32 v1, v4;
	_ =	sdelay $0x1  }
0x54a: {  	v3 =	vperm.xlane v3, v2;
	_ =	sdelay $0x1  }
0x54b: {  	s24 =	simm.s32 $0xA800;
	v3 =	vadd.s32 v1, v3  }
0x54c: {  	[tilespmem:s24], [sflag:$0x2] =	stream.indirect_vreg.gather [hbm4b:s2+s4], $0x80, v4, vm0, $0xb8;
	[tilespmem:$0x18800] =	vst v63  }
0x54d: {  	_ = 	snop  }
0x54e: {  	[tilespmem:s16], [sflag:$0x2] =	stream.indirect_vreg.gather [hbm4b:s6+s4], $0x80, v4, vm0, $0xb8;
	[tilespmem:$0x18800] =	vst v63  }
0x54f: {  	_ = 	snop  }
0x550: {  	[tilespmem:s18], [sflag:$0x2] =	stream.indirect_vreg.gather [hbm4b:s2+s4], $0x80, v3, vm0, $0xb8;
	[tilespmem:$0x18800] =	vst v63  }
0x551: {  	s1 =	simm.s32 $0xC000  }
0x552: {  	[tilespmem:s1], [sflag:$0x2] =	stream.indirect_vreg.gather [hbm4b:s6+s4], $0x80, v3, vm0, $0xb8;
	[tilespmem:$0x18800] =	vst v63  }
0x553: {  	v3 =	vld [tilespmem:$0x4E0];
	_ =	sdelay $0x4  }
0x554: {  	v14 =	vshll.u32 v3, $0x2  }
0x555: {  	v3 =	vand.u32 $0x7, v3;
	v4 =	vand.u32 $0xFFFFFFE0, v14  }
0x556: {  	v3 =	vor.u32 v3, v4  }
0x557: {  	v4 =	vperm.xlane v3, v0;
	_ =	sdelay $0x1  }
0x558: {  	v4 =	vadd.s32 v1, v4;
	_ =	sdelay $0x1  }
0x559: {  	v3 =	vperm.xlane v3, v2;
	_ =	sdelay $0x1  }
0x55a: {  	v3 =	vadd.s32 v1, v3  }
0x55b: {  	[tilespmem:s12], [sflag:$0x2] =	stream.indirect_vreg.gather [hbm4b:s2+s4], $0x80, v4, vm0, $0xb8;
	[tilespmem:$0x18800] =	vst v63  }
0x55c: {  	_ = 	snop  }
0x55d: {  	[tilespmem:s25], [sflag:$0x2] =	stream.indirect_vreg.gather [hbm4b:s6+s4], $0x80, v4, vm0, $0xb8;
	[tilespmem:$0x18800] =	vst v63  }
0x55e: {  	_ = 	snop  }
0x55f: {  	[tilespmem:s26], [sflag:$0x2] =	stream.indirect_vreg.gather [hbm4b:s2+s4], $0x80, v3, vm0, $0xb8;
	[tilespmem:$0x18800] =	vst v63  }
0x560: {  	s3 =	simm.s32 $0xE000  }
0x561: {  	[tilespmem:s3], [sflag:$0x2] =	stream.indirect_vreg.gather [hbm4b:s6+s4], $0x80, v3, vm0, $0xb8;
	[tilespmem:$0x18800] =	vst v63  }
0x562: {  	v3 =	vld [tilespmem:$0x4F0];
	_ =	sdelay $0x4  }
0x563: {  	v15 =	vshll.u32 v3, $0x2  }
0x564: {  	v3 =	vand.u32 $0x7, v3;
	v4 =	vand.u32 $0xFFFFFFE0, v15  }
0x565: {  	v3 =	vor.u32 v3, v4  }
0x566: {  	v4 =	vperm.xlane v3, v0;
	_ =	sdelay $0x1  }
0x567: {  	v4 =	vadd.s32 v1, v4;
	_ =	sdelay $0x1  }
0x568: {  	v3 =	vperm.xlane v3, v2;
	_ =	sdelay $0x1  }
0x569: {  	v3 =	vadd.s32 v1, v3  }
0x56a: {  	[tilespmem:s14], [sflag:$0x2] =	stream.indirect_vreg.gather [hbm4b:s2+s4], $0x80, v4, vm0, $0xb8;
	[tilespmem:$0x18800] =	vst v63  }
0x56b: {  	_ = 	snop  }
0x56c: {  	[tilespmem:s28], [sflag:$0x2] =	stream.indirect_vreg.gather [hbm4b:s6+s4], $0x80, v4, vm0, $0xb8;
	[tilespmem:$0x18800] =	vst v63  }
0x56d: {  	s28 =	simm.s32 $0xF800  }
0x56e: {  	[tilespmem:s28], [sflag:$0x2] =	stream.indirect_vreg.gather [hbm4b:s2+s4], $0x80, v3, vm0, $0xb8;
	[tilespmem:$0x18800] =	vst v63  }
0x56f: {  	s12 =	simm.s32 $0x10000  }
0x570: {  	[tilespmem:s12], [sflag:$0x2] =	stream.indirect_vreg.gather [hbm4b:s6+s4], $0x80, v3, vm0, $0xb8;
	[tilespmem:$0x18800] =	vst v63  }
0x571: {  	s10 =	simm.s32 $0x10800;
	s31 =	rddreg [dreg:$0x19]  }
0x572: {  	[hbm4b:s31+s4] =	stream.linear.scatter [tilespmem:s10], [sflag:$0x6], $0x8000, $0x38;
	[tilespmem:$0x18800] =	vst v63  }
0x573: {  	_ =	swait.ge [sflag:s17], $0x8000  }
0x574: {  	[sflag:s17] =	ssyncset.done $0x0  }
0x575: {  	[sflag:s17] =	ssyncadd.s32 $0xFFFF8000  }
0x576: {  	_ =	swait.ge [sflag:s23], $0x8000  }
0x577: {  	[sflag:s23] =	ssyncset.done $0x0  }
0x578: {  	[sflag:s23] =	ssyncadd.s32 $0xFFFF8000  }
0x579: {  	v3 =	vld [tilespmem:$0x500];
	_ =	sdelay $0x4  }
0x57a: {  	v16 =	vshll.u32 v3, $0x2  }
0x57b: {  	v3 =	vand.u32 $0x7, v3;
	v4 =	vand.u32 $0xFFFFFFE0, v16  }
0x57c: {  	v3 =	vor.u32 v3, v4  }
0x57d: {  	v4 =	vperm.xlane v3, v0;
	_ =	sdelay $0x1  }
0x57e: {  	v4 =	vadd.s32 v1, v4;
	_ =	sdelay $0x1  }
0x57f: {  	v3 =	vperm.xlane v3, v2;
	_ =	sdelay $0x1  }
0x580: {  	v3 =	vadd.s32 v1, v3  }
0x581: {  	[tilespmem:s10], [sflag:$0x3] =	stream.indirect_vreg.gather [hbm4b:s2+s4], $0x80, v4, vm0, $0xb8;
	[tilespmem:$0x18800] =	vst v63  }
0x582: {  	s26 =	simm.s32 $0x11000  }
0x583: {  	[tilespmem:s26], [sflag:$0x3] =	stream.indirect_vreg.gather [hbm4b:s6+s4], $0x80, v4, vm0, $0xb8;
	[tilespmem:$0x18800] =	vst v63  }
0x584: {  	s28 =	simm.s32 $0x11800  }
0x585: {  	[tilespmem:s28], [sflag:$0x3] =	stream.indirect_vreg.gather [hbm4b:s2+s4], $0x80, v3, vm0, $0xb8;
	[tilespmem:$0x18800] =	vst v63  }
0x586: {  	s31 =	simm.s32 $0x12000  }
0x587: {  	[tilespmem:s31], [sflag:$0x3] =	stream.indirect_vreg.gather [hbm4b:s6+s4], $0x80, v3, vm0, $0xb8;
	[tilespmem:$0x18800] =	vst v63  }
0x588: {  	v3 =	vld [tilespmem:$0x510];
	_ =	sdelay $0x4  }
0x589: {  	v17 =	vshll.u32 v3, $0x2  }
0x58a: {  	v3 =	vand.u32 $0x7, v3;
	v4 =	vand.u32 $0xFFFFFFE0, v17  }
0x58b: {  	v3 =	vor.u32 v3, v4  }
0x58c: {  	v4 =	vperm.xlane v3, v0;
	_ =	sdelay $0x1  }
0x58d: {  	v4 =	vadd.s32 v1, v4;
	_ =	sdelay $0x1  }
0x58e: {  	v3 =	vperm.xlane v3, v2;
	_ =	sdelay $0x1  }
0x58f: {  	s14 =	simm.s32 $0x12800;
	v3 =	vadd.s32 v1, v3  }
0x590: {  	[tilespmem:s14], [sflag:$0x3] =	stream.indirect_vreg.gather [hbm4b:s2+s4], $0x80, v4, vm0, $0xb8;
	[tilespmem:$0x18800] =	vst v63  }
0x591: {  	s24 =	simm.s32 $0x13000  }
0x592: {  	[tilespmem:s24], [sflag:$0x3] =	stream.indirect_vreg.gather [hbm4b:s6+s4], $0x80, v4, vm0, $0xb8;
	[tilespmem:$0x18800] =	vst v63  }
0x593: {  	_ = 	snop  }
0x594: {  	[tilespmem:s29], [sflag:$0x3] =	stream.indirect_vreg.gather [hbm4b:s2+s4], $0x80, v3, vm0, $0xb8;
	[tilespmem:$0x18800] =	vst v63  }
0x595: {  	s26 =	simm.s32 $0x14000  }
0x596: {  	[tilespmem:s26], [sflag:$0x3] =	stream.indirect_vreg.gather [hbm4b:s6+s4], $0x80, v3, vm0, $0xb8;
	[tilespmem:$0x18800] =	vst v63  }
0x597: {  	v3 =	vld [tilespmem:$0x520];
	_ =	sdelay $0x4  }
0x598: {  	v18 =	vshll.u32 v3, $0x2  }
0x599: {  	v3 =	vand.u32 $0x7, v3;
	v4 =	vand.u32 $0xFFFFFFE0, v18  }
0x59a: {  	v3 =	vor.u32 v3, v4  }
0x59b: {  	v4 =	vperm.xlane v3, v0;
	_ =	sdelay $0x1  }
0x59c: {  	v4 =	vadd.s32 v1, v4;
	_ =	sdelay $0x1  }
0x59d: {  	v3 =	vperm.xlane v3, v2;
	_ =	sdelay $0x1  }
0x59e: {  	s28 =	simm.s32 $0x14800;
	v3 =	vadd.s32 v1, v3  }
0x59f: {  	[tilespmem:s28], [sflag:$0x3] =	stream.indirect_vreg.gather [hbm4b:s2+s4], $0x80, v4, vm0, $0xb8;
	[tilespmem:$0x18800] =	vst v63  }
0x5a0: {  	s29 =	simm.s32 $0x15000  }
0x5a1: {  	[tilespmem:s29], [sflag:$0x3] =	stream.indirect_vreg.gather [hbm4b:s6+s4], $0x80, v4, vm0, $0xb8;
	[tilespmem:$0x18800] =	vst v63  }
0x5a2: {  	s31 =	simm.s32 $0x15800  }
0x5a3: {  	[tilespmem:s31], [sflag:$0x3] =	stream.indirect_vreg.gather [hbm4b:s2+s4], $0x80, v3, vm0, $0xb8;
	[tilespmem:$0x18800] =	vst v63  }
0x5a4: {  	s14 =	simm.s32 $0x16000  }
0x5a5: {  	[tilespmem:s14], [sflag:$0x3] =	stream.indirect_vreg.gather [hbm4b:s6+s4], $0x80, v3, vm0, $0xb8;
	[tilespmem:$0x18800] =	vst v63  }
0x5a6: {  	v3 =	vld [tilespmem:$0x530];
	_ =	sdelay $0x4  }
0x5a7: {  	v19 =	vshll.u32 v3, $0x2  }
0x5a8: {  	v3 =	vand.u32 $0x7, v3;
	v4 =	vand.u32 $0xFFFFFFE0, v19  }
0x5a9: {  	v3 =	vor.u32 v3, v4  }
0x5aa: {  	v4 =	vperm.xlane v3, v0;
	_ =	sdelay $0x1  }
0x5ab: {  	v4 =	vadd.s32 v1, v4;
	_ =	sdelay $0x1  }
0x5ac: {  	v3 =	vperm.xlane v3, v2;
	_ =	sdelay $0x1  }
0x5ad: {  	s24 =	simm.s32 $0x16800;
	v3 =	vadd.s32 v1, v3  }
0x5ae: {  	[tilespmem:s24], [sflag:$0x3] =	stream.indirect_vreg.gather [hbm4b:s2+s4], $0x80, v4, vm0, $0xb8;
	[tilespmem:$0x18800] =	vst v63  }
0x5af: {  	s26 =	simm.s32 $0x17000  }
0x5b0: {  	[tilespmem:s26], [sflag:$0x3] =	stream.indirect_vreg.gather [hbm4b:s6+s4], $0x80, v4, vm0, $0xb8;
	[tilespmem:$0x18800] =	vst v63  }
0x5b1: {  	s28 =	simm.s32 $0x17800  }
0x5b2: {  	[tilespmem:s28], [sflag:$0x3] =	stream.indirect_vreg.gather [hbm4b:s2+s4], $0x80, v3, vm0, $0xb8;
	[tilespmem:$0x18800] =	vst v63  }
0x5b3: {  	s31 =	simm.s32 $0x18000  }
0x5b4: {  	[tilespmem:s31], [sflag:$0x3] =	stream.indirect_vreg.gather [hbm4b:s6+s4], $0x80, v3, vm0, $0xb8;
	[tilespmem:$0x18800] =	vst v63  }
0x5b5: {  	s10 =	simm.s32 $0x800;
	s29 =	rddreg [dreg:$0x1a]  }
0x5b6: {  	[hbm4b:s29+s4] =	stream.linear.scatter [tilespmem:s10], [sflag:$0x4], $0x8000, $0x38;
	[tilespmem:$0x18800] =	vst v63  }
0x5b7: {  	_ =	swait.ge [sflag:s19], $0x8000  }
0x5b8: {  	[sflag:s19] =	ssyncset.done $0x0  }
0x5b9: {  	[sflag:s19] =	ssyncadd.s32 $0xFFFF8000  }
0x5ba: {  	_ =	swait.ge [sflag:s20], $0x8000  }
0x5bb: {  	[sflag:s20] =	ssyncset.done $0x0  }
0x5bc: {  	[sflag:s20] =	ssyncadd.s32 $0xFFFF8000  }
0x5bd: {  	v3 =	vld [tilespmem:$0x540];
	_ =	sdelay $0x4  }
0x5be: {  	v20 =	vshll.u32 v3, $0x2  }
0x5bf: {  	v3 =	vand.u32 $0x7, v3;
	v4 =	vand.u32 $0xFFFFFFE0, v20  }
0x5c0: {  	v3 =	vor.u32 v3, v4  }
0x5c1: {  	v4 =	vperm.xlane v3, v0;
	_ =	sdelay $0x1  }
0x5c2: {  	v4 =	vadd.s32 v1, v4;
	_ =	sdelay $0x1  }
0x5c3: {  	v3 =	vperm.xlane v3, v2;
	_ =	sdelay $0x1  }
0x5c4: {  	v3 =	vadd.s32 v1, v3  }
0x5c5: {  	[tilespmem:s10], [sflag:$0x1] =	stream.indirect_vreg.gather [hbm4b:s2+s4], $0x80, v4, vm0, $0xb8;
	[tilespmem:$0x18800] =	vst v63  }
0x5c6: {  	_ = 	snop  }
0x5c7: {  	[tilespmem:s7], [sflag:$0x1] =	stream.indirect_vreg.gather [hbm4b:s6+s4], $0x80, v4, vm0, $0xb8;
	[tilespmem:$0x18800] =	vst v63  }
0x5c8: {  	_ = 	snop  }
0x5c9: {  	[tilespmem:s21], [sflag:$0x1] =	stream.indirect_vreg.gather [hbm4b:s2+s4], $0x80, v3, vm0, $0xb8;
	[tilespmem:$0x18800] =	vst v63  }
0x5ca: {  	s24 =	simm.s32 $0x2000  }
0x5cb: {  	[tilespmem:s24], [sflag:$0x1] =	stream.indirect_vreg.gather [hbm4b:s6+s4], $0x80, v3, vm0, $0xb8;
	[tilespmem:$0x18800] =	vst v63  }
0x5cc: {  	v3 =	vld [tilespmem:$0x550];
	_ =	sdelay $0x4  }
0x5cd: {  	v21 =	vshll.u32 v3, $0x2  }
0x5ce: {  	v3 =	vand.u32 $0x7, v3;
	v4 =	vand.u32 $0xFFFFFFE0, v21  }
0x5cf: {  	v3 =	vor.u32 v3, v4  }
0x5d0: {  	v4 =	vperm.xlane v3, v0;
	_ =	sdelay $0x1  }
0x5d1: {  	v4 =	vadd.s32 v1, v4;
	_ =	sdelay $0x1  }
0x5d2: {  	v3 =	vperm.xlane v3, v2;
	_ =	sdelay $0x1  }
0x5d3: {  	v3 =	vadd.s32 v1, v3  }
0x5d4: {  	[tilespmem:s30], [sflag:$0x1] =	stream.indirect_vreg.gather [hbm4b:s2+s4], $0x80, v4, vm0, $0xb8;
	[tilespmem:$0x18800] =	vst v63  }
0x5d5: {  	s10 =	simm.s32 $0x3000  }
0x5d6: {  	[tilespmem:s10], [sflag:$0x1] =	stream.indirect_vreg.gather [hbm4b:s6+s4], $0x80, v4, vm0, $0xb8;
	[tilespmem:$0x18800] =	vst v63  }
0x5d7: {  	s26 =	simm.s32 $0x3800  }
0x5d8: {  	[tilespmem:s26], [sflag:$0x1] =	stream.indirect_vreg.gather [hbm4b:s2+s4], $0x80, v3, vm0, $0xb8;
	[tilespmem:$0x18800] =	vst v63  }
0x5d9: {  	_ = 	snop  }
0x5da: {  	[tilespmem:s9], [sflag:$0x1] =	stream.indirect_vreg.gather [hbm4b:s6+s4], $0x80, v3, vm0, $0xb8;
	[tilespmem:$0x18800] =	vst v63  }
0x5db: {  	v3 =	vld [tilespmem:$0x560];
	_ =	sdelay $0x4  }
0x5dc: {  	v22 =	vshll.u32 v3, $0x2  }
0x5dd: {  	v3 =	vand.u32 $0x7, v3;
	v4 =	vand.u32 $0xFFFFFFE0, v22  }
0x5de: {  	v3 =	vor.u32 v3, v4  }
0x5df: {  	v4 =	vperm.xlane v3, v0;
	_ =	sdelay $0x1  }
0x5e0: {  	v4 =	vadd.s32 v1, v4;
	_ =	sdelay $0x1  }
0x5e1: {  	v3 =	vperm.xlane v3, v2;
	_ =	sdelay $0x1  }
0x5e2: {  	s28 =	simm.s32 $0x4800;
	v3 =	vadd.s32 v1, v3  }
0x5e3: {  	[tilespmem:s28], [sflag:$0x1] =	stream.indirect_vreg.gather [hbm4b:s2+s4], $0x80, v4, vm0, $0xb8;
	[tilespmem:$0x18800] =	vst v63  }
0x5e4: {  	s29 =	simm.s32 $0x5000  }
0x5e5: {  	[tilespmem:s29], [sflag:$0x1] =	stream.indirect_vreg.gather [hbm4b:s6+s4], $0x80, v4, vm0, $0xb8;
	[tilespmem:$0x18800] =	vst v63  }
0x5e6: {  	s9 =	simm.s32 $0x5800  }
0x5e7: {  	[tilespmem:s9], [sflag:$0x1] =	stream.indirect_vreg.gather [hbm4b:s2+s4], $0x80, v3, vm0, $0xb8;
	[tilespmem:$0x18800] =	vst v63  }
0x5e8: {  	s30 =	simm.s32 $0x6000  }
0x5e9: {  	[tilespmem:s30], [sflag:$0x1] =	stream.indirect_vreg.gather [hbm4b:s6+s4], $0x80, v3, vm0, $0xb8;
	[tilespmem:$0x18800] =	vst v63  }
0x5ea: {  	v3 =	vld [tilespmem:$0x570];
	_ =	sdelay $0x4  }
0x5eb: {  	v23 =	vshll.u32 v3, $0x2  }
0x5ec: {  	v3 =	vand.u32 $0x7, v3;
	v4 =	vand.u32 $0xFFFFFFE0, v23  }
0x5ed: {  	v3 =	vor.u32 v3, v4  }
0x5ee: {  	v4 =	vperm.xlane v3, v0;
	_ =	sdelay $0x1  }
0x5ef: {  	v4 =	vadd.s32 v1, v4;
	_ =	sdelay $0x1  }
0x5f0: {  	v3 =	vperm.xlane v3, v2;
	_ =	sdelay $0x1  }
0x5f1: {  	s31 =	simm.s32 $0x6800;
	v3 =	vadd.s32 v1, v3  }
0x5f2: {  	[tilespmem:s31], [sflag:$0x1] =	stream.indirect_vreg.gather [hbm4b:s2+s4], $0x80, v4, vm0, $0xb8;
	[tilespmem:$0x18800] =	vst v63  }
0x5f3: {  	s14 =	simm.s32 $0x7000  }
0x5f4: {  	[tilespmem:s14], [sflag:$0x1] =	stream.indirect_vreg.gather [hbm4b:s6+s4], $0x80, v4, vm0, $0xb8;
	[tilespmem:$0x18800] =	vst v63  }
0x5f5: {  	_ = 	snop  }
0x5f6: {  	[tilespmem:s8], [sflag:$0x1] =	stream.indirect_vreg.gather [hbm4b:s2+s4], $0x80, v3, vm0, $0xb8;
	[tilespmem:$0x18800] =	vst v63  }
0x5f7: {  	s26 =	simm.s32 $0x8000  }
0x5f8: {  	[tilespmem:s26], [sflag:$0x1] =	stream.indirect_vreg.gather [hbm4b:s6+s4], $0x80, v3, vm0, $0xb8;
	[tilespmem:$0x18800] =	vst v63  }
0x5f9: {  	s21 =	rddreg [dreg:$0x1b];
	s28 =	simm.s32 $0x8800  }
0x5fa: {  	[hbm4b:s21+s4] =	stream.linear.scatter [tilespmem:s28], [sflag:$0x5], $0x8000, $0x38;
	[tilespmem:$0x18800] =	vst v63  }
0x5fb: {  	_ =	swait.ge [sflag:s15], $0x8000  }
0x5fc: {  	[sflag:s15] =	ssyncset.done $0x0  }
0x5fd: {  	[sflag:s15] =	ssyncadd.s32 $0xFFFF8000  }
0x5fe: {  	_ =	swait.ge [sflag:s22], $0x8000  }
0x5ff: {  	[sflag:s22] =	ssyncset.done $0x0  }
0x600: {  	[sflag:s22] =	ssyncadd.s32 $0xFFFF8000  }
0x601: {  	v3 =	vld [tilespmem:$0x580];
	_ =	sdelay $0x4  }
0x602: {  	v24 =	vshll.u32 v3, $0x2  }
0x603: {  	v3 =	vand.u32 $0x7, v3;
	v4 =	vand.u32 $0xFFFFFFE0, v24  }
0x604: {  	v3 =	vor.u32 v3, v4  }
0x605: {  	v4 =	vperm.xlane v3, v0;
	_ =	sdelay $0x1  }
0x606: {  	v4 =	vadd.s32 v1, v4;
	_ =	sdelay $0x1  }
0x607: {  	v3 =	vperm.xlane v3, v2;
	_ =	sdelay $0x1  }
0x608: {  	v3 =	vadd.s32 v1, v3  }
0x609: {  	[tilespmem:s28], [sflag:$0x2] =	stream.indirect_vreg.gather [hbm4b:s2+s4], $0x80, v4, vm0, $0xb8;
	[tilespmem:$0x18800] =	vst v63  }
0x60a: {  	s30 =	simm.s32 $0x9000  }
0x60b: {  	[tilespmem:s30], [sflag:$0x2] =	stream.indirect_vreg.gather [hbm4b:s6+s4], $0x80, v4, vm0, $0xb8;
	[tilespmem:$0x18800] =	vst v63  }
0x60c: {  	s13 =	simm.s32 $0x9800  }
0x60d: {  	[tilespmem:s13], [sflag:$0x2] =	stream.indirect_vreg.gather [hbm4b:s2+s4], $0x80, v3, vm0, $0xb8;
	[tilespmem:$0x18800] =	vst v63  }
0x60e: {  	_ = 	snop  }
0x60f: {  	[tilespmem:s11], [sflag:$0x2] =	stream.indirect_vreg.gather [hbm4b:s6+s4], $0x80, v3, vm0, $0xb8;
	[tilespmem:$0x18800] =	vst v63  }
0x610: {  	v3 =	vld [tilespmem:$0x590];
	_ =	sdelay $0x4  }
0x611: {  	v25 =	vshll.u32 v3, $0x2  }
0x612: {  	v3 =	vand.u32 $0x7, v3;
	v4 =	vand.u32 $0xFFFFFFE0, v25  }
0x613: {  	v3 =	vor.u32 v3, v4  }
0x614: {  	v4 =	vperm.xlane v3, v0;
	_ =	sdelay $0x1  }
0x615: {  	v4 =	vadd.s32 v1, v4;
	_ =	sdelay $0x1  }
0x616: {  	v3 =	vperm.xlane v3, v2;
	_ =	sdelay $0x1  }
0x617: {  	s26 =	simm.s32 $0xA800;
	v3 =	vadd.s32 v1, v3  }
0x618: {  	[tilespmem:s26], [sflag:$0x2] =	stream.indirect_vreg.gather [hbm4b:s2+s4], $0x80, v4, vm0, $0xb8;
	[tilespmem:$0x18800] =	vst v63  }
0x619: {  	s16 =	simm.s32 $0xB000  }
0x61a: {  	[tilespmem:s16], [sflag:$0x2] =	stream.indirect_vreg.gather [hbm4b:s6+s4], $0x80, v4, vm0, $0xb8;
	[tilespmem:$0x18800] =	vst v63  }
0x61b: {  	s18 =	simm.s32 $0xB800  }
0x61c: {  	[tilespmem:s18], [sflag:$0x2] =	stream.indirect_vreg.gather [hbm4b:s2+s4], $0x80, v3, vm0, $0xb8;
	[tilespmem:$0x18800] =	vst v63  }
0x61d: {  	_ = 	snop  }
0x61e: {  	[tilespmem:s1], [sflag:$0x2] =	stream.indirect_vreg.gather [hbm4b:s6+s4], $0x80, v3, vm0, $0xb8;
	[tilespmem:$0x18800] =	vst v63  }
0x61f: {  	v3 =	vld [tilespmem:$0x5A0];
	_ =	sdelay $0x4  }
0x620: {  	v26 =	vshll.u32 v3, $0x2  }
0x621: {  	v3 =	vand.u32 $0x7, v3;
	v4 =	vand.u32 $0xFFFFFFE0, v26  }
0x622: {  	v3 =	vor.u32 v3, v4  }
0x623: {  	v4 =	vperm.xlane v3, v0;
	_ =	sdelay $0x1  }
0x624: {  	v4 =	vadd.s32 v1, v4;
	_ =	sdelay $0x1  }
0x625: {  	v3 =	vperm.xlane v3, v2;
	_ =	sdelay $0x1  }
0x626: {  	s28 =	simm.s32 $0xC800;
	v3 =	vadd.s32 v1, v3  }
0x627: {  	[tilespmem:s28], [sflag:$0x2] =	stream.indirect_vreg.gather [hbm4b:s2+s4], $0x80, v4, vm0, $0xb8;
	[tilespmem:$0x18800] =	vst v63  }
0x628: {  	s25 =	simm.s32 $0xD000  }
0x629: {  	[tilespmem:s25], [sflag:$0x2] =	stream.indirect_vreg.gather [hbm4b:s6+s4], $0x80, v4, vm0, $0xb8;
	[tilespmem:$0x18800] =	vst v63  }
0x62a: {  	s14 =	simm.s32 $0xD800  }
0x62b: {  	[tilespmem:s14], [sflag:$0x2] =	stream.indirect_vreg.gather [hbm4b:s2+s4], $0x80, v3, vm0, $0xb8;
	[tilespmem:$0x18800] =	vst v63  }
0x62c: {  	_ = 	snop  }
0x62d: {  	[tilespmem:s3], [sflag:$0x2] =	stream.indirect_vreg.gather [hbm4b:s6+s4], $0x80, v3, vm0, $0xb8;
	[tilespmem:$0x18800] =	vst v63  }
0x62e: {  	v3 =	vld [tilespmem:$0x5B0];
	_ =	sdelay $0x4  }
0x62f: {  	v27 =	vshll.u32 v3, $0x2  }
0x630: {  	v3 =	vand.u32 $0x7, v3;
	v4 =	vand.u32 $0xFFFFFFE0, v27  }
0x631: {  	v3 =	vor.u32 v3, v4  }
0x632: {  	v4 =	vperm.xlane v3, v0;
	_ =	sdelay $0x1  }
0x633: {  	v4 =	vadd.s32 v1, v4;
	_ =	sdelay $0x1  }
0x634: {  	v3 =	vperm.xlane v3, v2;
	_ =	sdelay $0x1  }
0x635: {  	s31 =	simm.s32 $0xE800;
	v3 =	vadd.s32 v1, v3  }
0x636: {  	[tilespmem:s31], [sflag:$0x2] =	stream.indirect_vreg.gather [hbm4b:s2+s4], $0x80, v4, vm0, $0xb8;
	[tilespmem:$0x18800] =	vst v63  }
0x637: {  	s29 =	simm.s32 $0xF000  }
0x638: {  	[tilespmem:s29], [sflag:$0x2] =	stream.indirect_vreg.gather [hbm4b:s6+s4], $0x80, v4, vm0, $0xb8;
	[tilespmem:$0x18800] =	vst v63  }
0x639: {  	s3 =	simm.s32 $0xF800  }
0x63a: {  	[tilespmem:s3], [sflag:$0x2] =	stream.indirect_vreg.gather [hbm4b:s2+s4], $0x80, v3, vm0, $0xb8;
	[tilespmem:$0x18800] =	vst v63  }
0x63b: {  	_ = 	snop  }
0x63c: {  	[tilespmem:s12], [sflag:$0x2] =	stream.indirect_vreg.gather [hbm4b:s6+s4], $0x80, v3, vm0, $0xb8;
	[tilespmem:$0x18800] =	vst v63  }
0x63d: {  	s8 =	simm.s32 $0x10800;
	s7 =	rddreg [dreg:$0x1c]  }
0x63e: {  	[hbm4b:s7+s4] =	stream.linear.scatter [tilespmem:s8], [sflag:$0x6], $0x8000, $0x38;
	[tilespmem:$0x18800] =	vst v63  }
0x63f: {  	_ =	swait.ge [sflag:s17], $0x8000  }
0x640: {  	[sflag:s17] =	ssyncset.done $0x0  }
0x641: {  	[sflag:s17] =	ssyncadd.s32 $0xFFFF8000  }
0x642: {  	_ =	swait.ge [sflag:s23], $0x8000  }
0x643: {  	[sflag:s23] =	ssyncset.done $0x0  }
0x644: {  	[sflag:s23] =	ssyncadd.s32 $0xFFFF8000  }
0x645: {  	v3 =	vld [tilespmem:$0x5C0];
	_ =	sdelay $0x4  }
0x646: {  	v28 =	vshll.u32 v3, $0x2  }
0x647: {  	v3 =	vand.u32 $0x7, v3;
	v4 =	vand.u32 $0xFFFFFFE0, v28  }
0x648: {  	v3 =	vor.u32 v3, v4  }
0x649: {  	v4 =	vperm.xlane v3, v0;
	_ =	sdelay $0x1  }
0x64a: {  	v4 =	vadd.s32 v1, v4;
	_ =	sdelay $0x1  }
0x64b: {  	v3 =	vperm.xlane v3, v2;
	_ =	sdelay $0x1  }
0x64c: {  	v3 =	vadd.s32 v1, v3  }
0x64d: {  	[tilespmem:s8], [sflag:$0x3] =	stream.indirect_vreg.gather [hbm4b:s2+s4], $0x80, v4, vm0, $0xb8;
	[tilespmem:$0x18800] =	vst v63  }
0x64e: {  	s29 =	simm.s32 $0x11000  }
0x64f: {  	[tilespmem:s29], [sflag:$0x3] =	stream.indirect_vreg.gather [hbm4b:s6+s4], $0x80, v4, vm0, $0xb8;
	[tilespmem:$0x18800] =	vst v63  }
0x650: {  	s11 =	simm.s32 $0x11800  }
0x651: {  	[tilespmem:s11], [sflag:$0x3] =	stream.indirect_vreg.gather [hbm4b:s2+s4], $0x80, v3, vm0, $0xb8;
	[tilespmem:$0x18800] =	vst v63  }
0x652: {  	s12 =	simm.s32 $0x12000  }
0x653: {  	[tilespmem:s12], [sflag:$0x3] =	stream.indirect_vreg.gather [hbm4b:s6+s4], $0x80, v3, vm0, $0xb8;
	[tilespmem:$0x18800] =	vst v63  }
0x654: {  	v3 =	vld [tilespmem:$0x5D0];
	_ =	sdelay $0x4  }
0x655: {  	v29 =	vshll.u32 v3, $0x2  }
0x656: {  	v3 =	vand.u32 $0x7, v3;
	v4 =	vand.u32 $0xFFFFFFE0, v29  }
0x657: {  	v3 =	vor.u32 v3, v4  }
0x658: {  	v4 =	vperm.xlane v3, v0;
	_ =	sdelay $0x1  }
0x659: {  	v4 =	vadd.s32 v1, v4;
	_ =	sdelay $0x1  }
0x65a: {  	v3 =	vperm.xlane v3, v2;
	_ =	sdelay $0x1  }
0x65b: {  	s13 =	simm.s32 $0x12800;
	v3 =	vadd.s32 v1, v3  }
0x65c: {  	[tilespmem:s13], [sflag:$0x3] =	stream.indirect_vreg.gather [hbm4b:s2+s4], $0x80, v4, vm0, $0xb8;
	[tilespmem:$0x18800] =	vst v63  }
0x65d: {  	s16 =	simm.s32 $0x13000  }
0x65e: {  	[tilespmem:s16], [sflag:$0x3] =	stream.indirect_vreg.gather [hbm4b:s6+s4], $0x80, v4, vm0, $0xb8;
	[tilespmem:$0x18800] =	vst v63  }
0x65f: {  	s18 =	simm.s32 $0x13800  }
0x660: {  	[tilespmem:s18], [sflag:$0x3] =	stream.indirect_vreg.gather [hbm4b:s2+s4], $0x80, v3, vm0, $0xb8;
	[tilespmem:$0x18800] =	vst v63  }
0x661: {  	s16 =	simm.s32 $0x14000  }
0x662: {  	[tilespmem:s16], [sflag:$0x3] =	stream.indirect_vreg.gather [hbm4b:s6+s4], $0x80, v3, vm0, $0xb8;
	[tilespmem:$0x18800] =	vst v63  }
0x663: {  	v3 =	vld [tilespmem:$0x5E0];
	_ =	sdelay $0x4  }
0x664: {  	v30 =	vshll.u32 v3, $0x2  }
0x665: {  	v3 =	vand.u32 $0x7, v3;
	v4 =	vand.u32 $0xFFFFFFE0, v30  }
0x666: {  	v3 =	vor.u32 v3, v4  }
0x667: {  	v4 =	vperm.xlane v3, v0;
	_ =	sdelay $0x1  }
0x668: {  	v4 =	vadd.s32 v1, v4;
	_ =	sdelay $0x1  }
0x669: {  	v3 =	vperm.xlane v3, v2;
	_ =	sdelay $0x1  }
0x66a: {  	s21 =	simm.s32 $0x14800;
	v3 =	vadd.s32 v1, v3  }
0x66b: {  	[tilespmem:s21], [sflag:$0x3] =	stream.indirect_vreg.gather [hbm4b:s2+s4], $0x80, v4, vm0, $0xb8;
	[tilespmem:$0x18800] =	vst v63  }
0x66c: {  	s24 =	simm.s32 $0x15000  }
0x66d: {  	[tilespmem:s24], [sflag:$0x3] =	stream.indirect_vreg.gather [hbm4b:s6+s4], $0x80, v4, vm0, $0xb8;
	[tilespmem:$0x18800] =	vst v63  }
0x66e: {  	s25 =	simm.s32 $0x15800  }
0x66f: {  	[tilespmem:s25], [sflag:$0x3] =	stream.indirect_vreg.gather [hbm4b:s2+s4], $0x80, v3, vm0, $0xb8;
	[tilespmem:$0x18800] =	vst v63  }
0x670: {  	s18 =	simm.s32 $0x16000  }
0x671: {  	[tilespmem:s18], [sflag:$0x3] =	stream.indirect_vreg.gather [hbm4b:s6+s4], $0x80, v3, vm0, $0xb8;
	[tilespmem:$0x18800] =	vst v63  }
0x672: {  	v3 =	vld [tilespmem:$0x5F0];
	_ =	sdelay $0x4  }
0x673: {  	v31 =	vshll.u32 v3, $0x2  }
0x674: {  	v3 =	vand.u32 $0x7, v3;
	v4 =	vand.u32 $0xFFFFFFE0, v31  }
0x675: {  	v3 =	vor.u32 v3, v4  }
0x676: {  	v4 =	vperm.xlane v3, v0;
	_ =	sdelay $0x1  }
0x677: {  	v4 =	vadd.s32 v1, v4;
	_ =	sdelay $0x1  }
0x678: {  	v3 =	vperm.xlane v3, v2;
	_ =	sdelay $0x1  }
0x679: {  	s3 =	simm.s32 $0x16800;
	v3 =	vadd.s32 v1, v3  }
0x67a: {  	[tilespmem:s3], [sflag:$0x3] =	stream.indirect_vreg.gather [hbm4b:s2+s4], $0x80, v4, vm0, $0xb8;
	[tilespmem:$0x18800] =	vst v63  }
0x67b: {  	s7 =	simm.s32 $0x17000  }
0x67c: {  	[tilespmem:s7], [sflag:$0x3] =	stream.indirect_vreg.gather [hbm4b:s6+s4], $0x80, v4, vm0, $0xb8;
	[tilespmem:$0x18800] =	vst v63  }
0x67d: {  	s21 =	simm.s32 $0x17800  }
0x67e: {  	[tilespmem:s21], [sflag:$0x3] =	stream.indirect_vreg.gather [hbm4b:s2+s4], $0x80, v3, vm0, $0xb8;
	[tilespmem:$0x18800] =	vst v63  }
0x67f: {  	s25 =	simm.s32 $0x18000  }
0x680: {  	[tilespmem:s25], [sflag:$0x3] =	stream.indirect_vreg.gather [hbm4b:s6+s4], $0x80, v3, vm0, $0xb8;
	[tilespmem:$0x18800] =	vst v63  }
0x681: {  	s8 =	rddreg [dreg:$0x1d];
	s11 =	simm.s32 $0x800  }
0x682: {  	[hbm4b:s8+s4] =	stream.linear.scatter [tilespmem:s11], [sflag:$0x4], $0x8000, $0x38;
	[tilespmem:$0x18800] =	vst v63  }
0x683: {  	_ =	swait.ge [sflag:s19], $0x8000  }
0x684: {  	[sflag:s19] =	ssyncset.done $0x0  }
0x685: {  	[sflag:s19] =	ssyncadd.s32 $0xFFFF8000  }
0x686: {  	_ =	swait.ge [sflag:s20], $0x8000  }
0x687: {  	[sflag:s20] =	ssyncset.done $0x0  }
0x688: {  	[sflag:s20] =	ssyncadd.s32 $0xFFFF8000  }
0x689: {  	v3 =	vld [tilespmem:$0x600];
	_ =	sdelay $0x4  }
0x68a: {  	v32 =	vshll.u32 v3, $0x2  }
0x68b: {  	v3 =	vand.u32 $0x7, v3;
	v4 =	vand.u32 $0xFFFFFFE0, v32  }
0x68c: {  	v3 =	vor.u32 v3, v4  }
0x68d: {  	v4 =	vperm.xlane v3, v0;
	_ =	sdelay $0x1  }
0x68e: {  	v4 =	vadd.s32 v1, v4;
	_ =	sdelay $0x1  }
0x68f: {  	v3 =	vperm.xlane v3, v2;
	_ =	sdelay $0x1  }
0x690: {  	v3 =	vadd.s32 v1, v3  }
0x691: {  	[tilespmem:s11], [sflag:$0x1] =	stream.indirect_vreg.gather [hbm4b:s2+s4], $0x80, v4, vm0, $0xb8;
	[tilespmem:$0x18800] =	vst v63  }
0x692: {  	s3 =	simm.s32 $0x1000  }
0x693: {  	[tilespmem:s3], [sflag:$0x1] =	stream.indirect_vreg.gather [hbm4b:s6+s4], $0x80, v4, vm0, $0xb8;
	[tilespmem:$0x18800] =	vst v63  }
0x694: {  	s12 =	simm.s32 $0x1800  }
0x695: {  	[tilespmem:s12], [sflag:$0x1] =	stream.indirect_vreg.gather [hbm4b:s2+s4], $0x80, v3, vm0, $0xb8;
	[tilespmem:$0x18800] =	vst v63  }
0x696: {  	s24 =	simm.s32 $0x2000  }
0x697: {  	[tilespmem:s24], [sflag:$0x1] =	stream.indirect_vreg.gather [hbm4b:s6+s4], $0x80, v3, vm0, $0xb8;
	[tilespmem:$0x18800] =	vst v63  }
0x698: {  	v3 =	vld [tilespmem:$0x610];
	_ =	sdelay $0x4  }
0x699: {  	v33 =	vshll.u32 v3, $0x2  }
0x69a: {  	v3 =	vand.u32 $0x7, v3;
	v4 =	vand.u32 $0xFFFFFFE0, v33  }
0x69b: {  	v3 =	vor.u32 v3, v4  }
0x69c: {  	v4 =	vperm.xlane v3, v0;
	_ =	sdelay $0x1  }
0x69d: {  	v4 =	vadd.s32 v1, v4;
	_ =	sdelay $0x1  }
0x69e: {  	v3 =	vperm.xlane v3, v2;
	_ =	sdelay $0x1  }
0x69f: {  	s8 =	simm.s32 $0x2800;
	v3 =	vadd.s32 v1, v3  }
0x6a0: {  	[tilespmem:s8], [sflag:$0x1] =	stream.indirect_vreg.gather [hbm4b:s2+s4], $0x80, v4, vm0, $0xb8;
	[tilespmem:$0x18800] =	vst v63  }
0x6a1: {  	_ = 	snop  }
0x6a2: {  	[tilespmem:s10], [sflag:$0x1] =	stream.indirect_vreg.gather [hbm4b:s6+s4], $0x80, v4, vm0, $0xb8;
	[tilespmem:$0x18800] =	vst v63  }
0x6a3: {  	s10 =	simm.s32 $0x3800  }
0x6a4: {  	[tilespmem:s10], [sflag:$0x1] =	stream.indirect_vreg.gather [hbm4b:s2+s4], $0x80, v3, vm0, $0xb8;
	[tilespmem:$0x18800] =	vst v63  }
0x6a5: {  	s8 =	simm.s32 $0x4000  }
0x6a6: {  	[tilespmem:s8], [sflag:$0x1] =	stream.indirect_vreg.gather [hbm4b:s6+s4], $0x80, v3, vm0, $0xb8;
	[tilespmem:$0x18800] =	vst v63  }
0x6a7: {  	v3 =	vld [tilespmem:$0x620];
	_ =	sdelay $0x4  }
0x6a8: {  	v34 =	vshll.u32 v3, $0x2  }
0x6a9: {  	v3 =	vand.u32 $0x7, v3;
	v4 =	vand.u32 $0xFFFFFFE0, v34  }
0x6aa: {  	v3 =	vor.u32 v3, v4  }
0x6ab: {  	v4 =	vperm.xlane v3, v0;
	_ =	sdelay $0x1  }
0x6ac: {  	v4 =	vadd.s32 v1, v4;
	_ =	sdelay $0x1  }
0x6ad: {  	v3 =	vperm.xlane v3, v2;
	_ =	sdelay $0x1  }
0x6ae: {  	s11 =	simm.s32 $0x4800;
	v3 =	vadd.s32 v1, v3  }
0x6af: {  	[tilespmem:s11], [sflag:$0x1] =	stream.indirect_vreg.gather [hbm4b:s2+s4], $0x80, v4, vm0, $0xb8;
	[tilespmem:$0x18800] =	vst v63  }
0x6b0: {  	s12 =	simm.s32 $0x5000  }
0x6b1: {  	[tilespmem:s12], [sflag:$0x1] =	stream.indirect_vreg.gather [hbm4b:s6+s4], $0x80, v4, vm0, $0xb8;
	[tilespmem:$0x18800] =	vst v63  }
0x6b2: {  	_ = 	snop  }
0x6b3: {  	[tilespmem:s9], [sflag:$0x1] =	stream.indirect_vreg.gather [hbm4b:s2+s4], $0x80, v3, vm0, $0xb8;
	[tilespmem:$0x18800] =	vst v63  }
0x6b4: {  	s13 =	simm.s32 $0x6000  }
0x6b5: {  	[tilespmem:s13], [sflag:$0x1] =	stream.indirect_vreg.gather [hbm4b:s6+s4], $0x80, v3, vm0, $0xb8;
	[tilespmem:$0x18800] =	vst v63  }
0x6b6: {  	v3 =	vld [tilespmem:$0x630];
	_ =	sdelay $0x4  }
0x6b7: {  	v35 =	vshll.u32 v3, $0x2  }
0x6b8: {  	v3 =	vand.u32 $0x7, v3;
	v4 =	vand.u32 $0xFFFFFFE0, v35  }
0x6b9: {  	v3 =	vor.u32 v3, v4  }
0x6ba: {  	v4 =	vperm.xlane v3, v0;
	_ =	sdelay $0x1  }
0x6bb: {  	v4 =	vadd.s32 v1, v4;
	_ =	sdelay $0x1  }
0x6bc: {  	v3 =	vperm.xlane v3, v2;
	_ =	sdelay $0x1  }
0x6bd: {  	s24 =	simm.s32 $0x6800;
	v3 =	vadd.s32 v1, v3  }
0x6be: {  	[tilespmem:s24], [sflag:$0x1] =	stream.indirect_vreg.gather [hbm4b:s2+s4], $0x80, v4, vm0, $0xb8;
	[tilespmem:$0x18800] =	vst v63  }
0x6bf: {  	s9 =	simm.s32 $0x7000  }
0x6c0: {  	[tilespmem:s9], [sflag:$0x1] =	stream.indirect_vreg.gather [hbm4b:s6+s4], $0x80, v4, vm0, $0xb8;
	[tilespmem:$0x18800] =	vst v63  }
0x6c1: {  	s7 =	simm.s32 $0x7800  }
0x6c2: {  	[tilespmem:s7], [sflag:$0x1] =	stream.indirect_vreg.gather [hbm4b:s2+s4], $0x80, v3, vm0, $0xb8;
	[tilespmem:$0x18800] =	vst v63  }
0x6c3: {  	s11 =	simm.s32 $0x8000  }
0x6c4: {  	[tilespmem:s11], [sflag:$0x1] =	stream.indirect_vreg.gather [hbm4b:s6+s4], $0x80, v3, vm0, $0xb8;
	[tilespmem:$0x18800] =	vst v63  }
0x6c5: {  	s10 =	rddreg [dreg:$0x1e];
	s12 =	simm.s32 $0x8800  }
0x6c6: {  	[hbm4b:s10+s4] =	stream.linear.scatter [tilespmem:s12], [sflag:$0x5], $0x8000, $0x38;
	[tilespmem:$0x18800] =	vst v63  }
0x6c7: {  	_ =	swait.ge [sflag:s15], $0x8000  }
0x6c8: {  	[sflag:s15] =	ssyncset.done $0x0  }
0x6c9: {  	[sflag:s15] =	ssyncadd.s32 $0xFFFF8000  }
0x6ca: {  	_ =	swait.ge [sflag:s22], $0x8000  }
0x6cb: {  	[sflag:s22] =	ssyncset.done $0x0  }
0x6cc: {  	[sflag:s22] =	ssyncadd.s32 $0xFFFF8000  }
0x6cd: {  	v3 =	vld [tilespmem:$0x640];
	_ =	sdelay $0x4  }
0x6ce: {  	v36 =	vshll.u32 v3, $0x2  }
0x6cf: {  	v3 =	vand.u32 $0x7, v3;
	v4 =	vand.u32 $0xFFFFFFE0, v36  }
0x6d0: {  	v3 =	vor.u32 v3, v4  }
0x6d1: {  	v4 =	vperm.xlane v3, v0;
	_ =	sdelay $0x1  }
0x6d2: {  	v4 =	vadd.s32 v1, v4;
	_ =	sdelay $0x1  }
0x6d3: {  	v3 =	vperm.xlane v3, v2;
	_ =	sdelay $0x1  }
0x6d4: {  	v3 =	vadd.s32 v1, v3  }
0x6d5: {  	[tilespmem:s12], [sflag:$0x2] =	stream.indirect_vreg.gather [hbm4b:s2+s4], $0x80, v4, vm0, $0xb8;
	[tilespmem:$0x18800] =	vst v63  }
0x6d6: {  	_ = 	snop  }
0x6d7: {  	[tilespmem:s30], [sflag:$0x2] =	stream.indirect_vreg.gather [hbm4b:s6+s4], $0x80, v4, vm0, $0xb8;
	[tilespmem:$0x18800] =	vst v63  }
0x6d8: {  	s9 =	simm.s32 $0x9800  }
0x6d9: {  	[tilespmem:s9], [sflag:$0x2] =	stream.indirect_vreg.gather [hbm4b:s2+s4], $0x80, v3, vm0, $0xb8;
	[tilespmem:$0x18800] =	vst v63  }
0x6da: {  	s30 =	simm.s32 $0xA000  }
0x6db: {  	[tilespmem:s30], [sflag:$0x2] =	stream.indirect_vreg.gather [hbm4b:s6+s4], $0x80, v3, vm0, $0xb8;
	[tilespmem:$0x18800] =	vst v63  }
0x6dc: {  	v3 =	vld [tilespmem:$0x650];
	_ =	sdelay $0x4  }
0x6dd: {  	v37 =	vshll.u32 v3, $0x2  }
0x6de: {  	v3 =	vand.u32 $0x7, v3;
	v4 =	vand.u32 $0xFFFFFFE0, v37  }
0x6df: {  	v3 =	vor.u32 v3, v4  }
0x6e0: {  	v4 =	vperm.xlane v3, v0;
	_ =	sdelay $0x1  }
0x6e1: {  	v4 =	vadd.s32 v1, v4;
	_ =	sdelay $0x1  }
0x6e2: {  	v3 =	vperm.xlane v3, v2;
	_ =	sdelay $0x1  }
0x6e3: {  	v3 =	vadd.s32 v1, v3  }
0x6e4: {  	[tilespmem:s26], [sflag:$0x2] =	stream.indirect_vreg.gather [hbm4b:s2+s4], $0x80, v4, vm0, $0xb8;
	[tilespmem:$0x18800] =	vst v63  }
0x6e5: {  	s11 =	simm.s32 $0xB000  }
0x6e6: {  	[tilespmem:s11], [sflag:$0x2] =	stream.indirect_vreg.gather [hbm4b:s6+s4], $0x80, v4, vm0, $0xb8;
	[tilespmem:$0x18800] =	vst v63  }
0x6e7: {  	s26 =	simm.s32 $0xB800  }
0x6e8: {  	[tilespmem:s26], [sflag:$0x2] =	stream.indirect_vreg.gather [hbm4b:s2+s4], $0x80, v3, vm0, $0xb8;
	[tilespmem:$0x18800] =	vst v63  }
0x6e9: {  	s13 =	simm.s32 $0xC000  }
0x6ea: {  	[tilespmem:s13], [sflag:$0x2] =	stream.indirect_vreg.gather [hbm4b:s6+s4], $0x80, v3, vm0, $0xb8;
	[tilespmem:$0x18800] =	vst v63  }
0x6eb: {  	v3 =	vld [tilespmem:$0x660];
	_ =	sdelay $0x4  }
0x6ec: {  	v38 =	vshll.u32 v3, $0x2  }
0x6ed: {  	v3 =	vand.u32 $0x7, v3;
	v4 =	vand.u32 $0xFFFFFFE0, v38  }
0x6ee: {  	v3 =	vor.u32 v3, v4  }
0x6ef: {  	v4 =	vperm.xlane v3, v0;
	_ =	sdelay $0x1  }
0x6f0: {  	v4 =	vadd.s32 v1, v4;
	_ =	sdelay $0x1  }
0x6f1: {  	v3 =	vperm.xlane v3, v2;
	_ =	sdelay $0x1  }
0x6f2: {  	v3 =	vadd.s32 v1, v3  }
0x6f3: {  	[tilespmem:s28], [sflag:$0x2] =	stream.indirect_vreg.gather [hbm4b:s2+s4], $0x80, v4, vm0, $0xb8;
	[tilespmem:$0x18800] =	vst v63  }
0x6f4: {  	s12 =	simm.s32 $0xD000  }
0x6f5: {  	[tilespmem:s12], [sflag:$0x2] =	stream.indirect_vreg.gather [hbm4b:s6+s4], $0x80, v4, vm0, $0xb8;
	[tilespmem:$0x18800] =	vst v63  }
0x6f6: {  	_ = 	snop  }
0x6f7: {  	[tilespmem:s14], [sflag:$0x2] =	stream.indirect_vreg.gather [hbm4b:s2+s4], $0x80, v3, vm0, $0xb8;
	[tilespmem:$0x18800] =	vst v63  }
0x6f8: {  	s13 =	simm.s32 $0xE000  }
0x6f9: {  	[tilespmem:s13], [sflag:$0x2] =	stream.indirect_vreg.gather [hbm4b:s6+s4], $0x80, v3, vm0, $0xb8;
	[tilespmem:$0x18800] =	vst v63  }
0x6fa: {  	v3 =	vld [tilespmem:$0x670];
	_ =	sdelay $0x4  }
0x6fb: {  	v39 =	vshll.u32 v3, $0x2  }
0x6fc: {  	v3 =	vand.u32 $0x7, v3;
	v4 =	vand.u32 $0xFFFFFFE0, v39  }
0x6fd: {  	v3 =	vor.u32 v3, v4  }
0x6fe: {  	v4 =	vperm.xlane v3, v0;
	_ =	sdelay $0x1  }
0x6ff: {  	v4 =	vadd.s32 v1, v4;
	_ =	sdelay $0x1  }
0x700: {  	v3 =	vperm.xlane v3, v2;
	_ =	sdelay $0x1  }
0x701: {  	v3 =	vadd.s32 v1, v3  }
0x702: {  	[tilespmem:s31], [sflag:$0x2] =	stream.indirect_vreg.gather [hbm4b:s2+s4], $0x80, v4, vm0, $0xb8;
	[tilespmem:$0x18800] =	vst v63  }
0x703: {  	s14 =	simm.s32 $0xF000  }
0x704: {  	[tilespmem:s14], [sflag:$0x2] =	stream.indirect_vreg.gather [hbm4b:s6+s4], $0x80, v4, vm0, $0xb8;
	[tilespmem:$0x18800] =	vst v63  }
0x705: {  	s24 =	simm.s32 $0xF800  }
0x706: {  	[tilespmem:s24], [sflag:$0x2] =	stream.indirect_vreg.gather [hbm4b:s2+s4], $0x80, v3, vm0, $0xb8;
	[tilespmem:$0x18800] =	vst v63  }
0x707: {  	s14 =	simm.s32 $0x10000  }
0x708: {  	[tilespmem:s14], [sflag:$0x2] =	stream.indirect_vreg.gather [hbm4b:s6+s4], $0x80, v3, vm0, $0xb8;
	[tilespmem:$0x18800] =	vst v63  }
0x709: {  	s28 =	rddreg [dreg:$0x1f];
	s31 =	simm.s32 $0x10800  }
0x70a: {  	[hbm4b:s28+s4] =	stream.linear.scatter [tilespmem:s31], [sflag:$0x6], $0x8000, $0x38;
	[tilespmem:$0x18800] =	vst v63  }
0x70b: {  	_ =	swait.ge [sflag:s17], $0x8000  }
0x70c: {  	[sflag:s17] =	ssyncset.done $0x0  }
0x70d: {  	[sflag:s17] =	ssyncadd.s32 $0xFFFF8000  }
0x70e: {  	_ =	swait.ge [sflag:s23], $0x8000  }
0x70f: {  	[sflag:s23] =	ssyncset.done $0x0  }
0x710: {  	[sflag:s23] =	ssyncadd.s32 $0xFFFF8000  }
0x711: {  	v3 =	vld [tilespmem:$0x680];
	_ =	sdelay $0x4  }
0x712: {  	v40 =	vshll.u32 v3, $0x2  }
0x713: {  	v3 =	vand.u32 $0x7, v3;
	v4 =	vand.u32 $0xFFFFFFE0, v40  }
0x714: {  	v3 =	vor.u32 v3, v4  }
0x715: {  	v4 =	vperm.xlane v3, v0;
	_ =	sdelay $0x1  }
0x716: {  	v4 =	vadd.s32 v1, v4;
	_ =	sdelay $0x1  }
0x717: {  	v3 =	vperm.xlane v3, v2;
	_ =	sdelay $0x1  }
0x718: {  	v3 =	vadd.s32 v1, v3  }
0x719: {  	[tilespmem:s31], [sflag:$0x3] =	stream.indirect_vreg.gather [hbm4b:s2+s4], $0x80, v4, vm0, $0xb8;
	[tilespmem:$0x18800] =	vst v63  }
0x71a: {  	_ = 	snop  }
0x71b: {  	[tilespmem:s29], [sflag:$0x3] =	stream.indirect_vreg.gather [hbm4b:s6+s4], $0x80, v4, vm0, $0xb8;
	[tilespmem:$0x18800] =	vst v63  }
0x71c: {  	s24 =	simm.s32 $0x11800  }
0x71d: {  	[tilespmem:s24], [sflag:$0x3] =	stream.indirect_vreg.gather [hbm4b:s2+s4], $0x80, v3, vm0, $0xb8;
	[tilespmem:$0x18800] =	vst v63  }
0x71e: {  	s29 =	simm.s32 $0x12000  }
0x71f: {  	[tilespmem:s29], [sflag:$0x3] =	stream.indirect_vreg.gather [hbm4b:s6+s4], $0x80, v3, vm0, $0xb8;
	[tilespmem:$0x18800] =	vst v63  }
0x720: {  	v3 =	vld [tilespmem:$0x690];
	_ =	sdelay $0x4  }
0x721: {  	v41 =	vshll.u32 v3, $0x2  }
0x722: {  	v3 =	vand.u32 $0x7, v3;
	v4 =	vand.u32 $0xFFFFFFE0, v41  }
0x723: {  	v3 =	vor.u32 v3, v4  }
0x724: {  	v4 =	vperm.xlane v3, v0;
	_ =	sdelay $0x1  }
0x725: {  	v4 =	vadd.s32 v1, v4;
	_ =	sdelay $0x1  }
0x726: {  	v3 =	vperm.xlane v3, v2;
	_ =	sdelay $0x1  }
0x727: {  	s31 =	simm.s32 $0x12800;
	v3 =	vadd.s32 v1, v3  }
0x728: {  	[tilespmem:s31], [sflag:$0x3] =	stream.indirect_vreg.gather [hbm4b:s2+s4], $0x80, v4, vm0, $0xb8;
	[tilespmem:$0x18800] =	vst v63  }
0x729: {  	s24 =	simm.s32 $0x13000  }
0x72a: {  	[tilespmem:s24], [sflag:$0x3] =	stream.indirect_vreg.gather [hbm4b:s6+s4], $0x80, v4, vm0, $0xb8;
	[tilespmem:$0x18800] =	vst v63  }
0x72b: {  	s31 =	simm.s32 $0x13800  }
0x72c: {  	[tilespmem:s31], [sflag:$0x3] =	stream.indirect_vreg.gather [hbm4b:s2+s4], $0x80, v3, vm0, $0xb8;
	[tilespmem:$0x18800] =	vst v63  }
0x72d: {  	_ = 	snop  }
0x72e: {  	[tilespmem:s16], [sflag:$0x3] =	stream.indirect_vreg.gather [hbm4b:s6+s4], $0x80, v3, vm0, $0xb8;
	[tilespmem:$0x18800] =	vst v63  }
0x72f: {  	v3 =	vld [tilespmem:$0x6A0];
	_ =	sdelay $0x4  }
0x730: {  	v42 =	vshll.u32 v3, $0x2  }
0x731: {  	v3 =	vand.u32 $0x7, v3;
	v4 =	vand.u32 $0xFFFFFFE0, v42  }
0x732: {  	v3 =	vor.u32 v3, v4  }
0x733: {  	v4 =	vperm.xlane v3, v0;
	_ =	sdelay $0x1  }
0x734: {  	v4 =	vadd.s32 v1, v4;
	_ =	sdelay $0x1  }
0x735: {  	v3 =	vperm.xlane v3, v2;
	_ =	sdelay $0x1  }
0x736: {  	s24 =	simm.s32 $0x14800;
	v3 =	vadd.s32 v1, v3  }
0x737: {  	[tilespmem:s24], [sflag:$0x3] =	stream.indirect_vreg.gather [hbm4b:s2+s4], $0x80, v4, vm0, $0xb8;
	[tilespmem:$0x18800] =	vst v63  }
0x738: {  	s31 =	simm.s32 $0x15000  }
0x739: {  	[tilespmem:s31], [sflag:$0x3] =	stream.indirect_vreg.gather [hbm4b:s6+s4], $0x80, v4, vm0, $0xb8;
	[tilespmem:$0x18800] =	vst v63  }
0x73a: {  	s24 =	simm.s32 $0x15800  }
0x73b: {  	[tilespmem:s24], [sflag:$0x3] =	stream.indirect_vreg.gather [hbm4b:s2+s4], $0x80, v3, vm0, $0xb8;
	[tilespmem:$0x18800] =	vst v63  }
0x73c: {  	_ = 	snop  }
0x73d: {  	[tilespmem:s18], [sflag:$0x3] =	stream.indirect_vreg.gather [hbm4b:s6+s4], $0x80, v3, vm0, $0xb8;
	[tilespmem:$0x18800] =	vst v63  }
0x73e: {  	v3 =	vld [tilespmem:$0x6B0];
	_ =	sdelay $0x4  }
0x73f: {  	v43 =	vshll.u32 v3, $0x2  }
0x740: {  	v3 =	vand.u32 $0x7, v3;
	v4 =	vand.u32 $0xFFFFFFE0, v43  }
0x741: {  	v3 =	vor.u32 v3, v4  }
0x742: {  	v4 =	vperm.xlane v3, v0;
	_ =	sdelay $0x1  }
0x743: {  	v4 =	vadd.s32 v1, v4;
	_ =	sdelay $0x1  }
0x744: {  	v3 =	vperm.xlane v3, v2;
	_ =	sdelay $0x1  }
0x745: {  	s31 =	simm.s32 $0x16800;
	v3 =	vadd.s32 v1, v3  }
0x746: {  	[tilespmem:s31], [sflag:$0x3] =	stream.indirect_vreg.gather [hbm4b:s2+s4], $0x80, v4, vm0, $0xb8;
	[tilespmem:$0x18800] =	vst v63  }
0x747: {  	s31 =	simm.s32 $0x17000  }
0x748: {  	[tilespmem:s31], [sflag:$0x3] =	stream.indirect_vreg.gather [hbm4b:s6+s4], $0x80, v4, vm0, $0xb8;
	[tilespmem:$0x18800] =	vst v63  }
0x749: {  	_ = 	snop  }
0x74a: {  	[tilespmem:s21], [sflag:$0x3] =	stream.indirect_vreg.gather [hbm4b:s2+s4], $0x80, v3, vm0, $0xb8;
	[tilespmem:$0x18800] =	vst v63  }
0x74b: {  	s24 =	sld [smem:$0x7F5]  }
0x74c: {  	[tilespmem:s25], [sflag:$0x3] =	stream.indirect_vreg.gather [hbm4b:s6+s4], $0x80, v3, vm0, $0xb8;
	[tilespmem:$0x18800] =	vst v63  }
0x74d: {  	s1 =	simm.s32 $0x800  }
0x74e: {  	[hbm4b:s24+s4] =	stream.linear.scatter [tilespmem:s1], [sflag:$0x4], $0x8000, $0x38;
	[tilespmem:$0x18800] =	vst v63  }
0x74f: {  	_ =	swait.ge [sflag:s19], $0x8000  }
0x750: {  	[sflag:s19] =	ssyncset.done $0x0  }
0x751: {  	[sflag:s19] =	ssyncadd.s32 $0xFFFF8000  }
0x752: {  	_ =	swait.ge [sflag:s20], $0x8000  }
0x753: {  	[sflag:s20] =	ssyncset.done $0x0  }
0x754: {  	[sflag:s20] =	ssyncadd.s32 $0xFFFF8000  }
0x755: {  	v3 =	vld [tilespmem:$0x6C0];
	_ =	sdelay $0x4  }
0x756: {  	v44 =	vshll.u32 v3, $0x2  }
0x757: {  	v3 =	vand.u32 $0x7, v3;
	v4 =	vand.u32 $0xFFFFFFE0, v44  }
0x758: {  	v3 =	vor.u32 v3, v4  }
0x759: {  	v4 =	vperm.xlane v3, v0;
	_ =	sdelay $0x1  }
0x75a: {  	v4 =	vadd.s32 v1, v4;
	_ =	sdelay $0x1  }
0x75b: {  	v3 =	vperm.xlane v3, v2;
	_ =	sdelay $0x1  }
0x75c: {  	v3 =	vadd.s32 v1, v3  }
0x75d: {  	[tilespmem:s1], [sflag:$0x1] =	stream.indirect_vreg.gather [hbm4b:s2+s4], $0x80, v4, vm0, $0xb8;
	[tilespmem:$0x18800] =	vst v63  }
0x75e: {  	_ = 	snop  }
0x75f: {  	[tilespmem:s3], [sflag:$0x1] =	stream.indirect_vreg.gather [hbm4b:s6+s4], $0x80, v4, vm0, $0xb8;
	[tilespmem:$0x18800] =	vst v63  }
0x760: {  	s3 =	simm.s32 $0x1800  }
0x761: {  	[tilespmem:s3], [sflag:$0x1] =	stream.indirect_vreg.gather [hbm4b:s2+s4], $0x80, v3, vm0, $0xb8;
	[tilespmem:$0x18800] =	vst v63  }
0x762: {  	s25 =	simm.s32 $0x2000  }
0x763: {  	[tilespmem:s25], [sflag:$0x1] =	stream.indirect_vreg.gather [hbm4b:s6+s4], $0x80, v3, vm0, $0xb8;
	[tilespmem:$0x18800] =	vst v63  }
0x764: {  	v3 =	vld [tilespmem:$0x6D0];
	_ =	sdelay $0x4  }
0x765: {  	v45 =	vshll.u32 v3, $0x2  }
0x766: {  	v3 =	vand.u32 $0x7, v3;
	v4 =	vand.u32 $0xFFFFFFE0, v45  }
0x767: {  	v3 =	vor.u32 v3, v4  }
0x768: {  	v4 =	vperm.xlane v3, v0;
	_ =	sdelay $0x1  }
0x769: {  	v4 =	vadd.s32 v1, v4;
	_ =	sdelay $0x1  }
0x76a: {  	v3 =	vperm.xlane v3, v2;
	_ =	sdelay $0x1  }
0x76b: {  	s1 =	simm.s32 $0x2800;
	v3 =	vadd.s32 v1, v3  }
0x76c: {  	[tilespmem:s1], [sflag:$0x1] =	stream.indirect_vreg.gather [hbm4b:s2+s4], $0x80, v4, vm0, $0xb8;
	[tilespmem:$0x18800] =	vst v63  }
0x76d: {  	s3 =	simm.s32 $0x3000  }
0x76e: {  	[tilespmem:s3], [sflag:$0x1] =	stream.indirect_vreg.gather [hbm4b:s6+s4], $0x80, v4, vm0, $0xb8;
	[tilespmem:$0x18800] =	vst v63  }
0x76f: {  	s24 =	simm.s32 $0x3800  }
0x770: {  	[tilespmem:s24], [sflag:$0x1] =	stream.indirect_vreg.gather [hbm4b:s2+s4], $0x80, v3, vm0, $0xb8;
	[tilespmem:$0x18800] =	vst v63  }
0x771: {  	_ = 	snop  }
0x772: {  	[tilespmem:s8], [sflag:$0x1] =	stream.indirect_vreg.gather [hbm4b:s6+s4], $0x80, v3, vm0, $0xb8;
	[tilespmem:$0x18800] =	vst v63  }
0x773: {  	v3 =	vld [tilespmem:$0x6E0];
	_ =	sdelay $0x4  }
0x774: {  	v46 =	vshll.u32 v3, $0x2  }
0x775: {  	v3 =	vand.u32 $0x7, v3;
	v4 =	vand.u32 $0xFFFFFFE0, v46  }
0x776: {  	v3 =	vor.u32 v3, v4  }
0x777: {  	v4 =	vperm.xlane v3, v0;
	_ =	sdelay $0x1  }
0x778: {  	v4 =	vadd.s32 v1, v4;
	_ =	sdelay $0x1  }
0x779: {  	v3 =	vperm.xlane v3, v2;
	_ =	sdelay $0x1  }
0x77a: {  	s25 =	simm.s32 $0x4800;
	v3 =	vadd.s32 v1, v3  }
0x77b: {  	[tilespmem:s25], [sflag:$0x1] =	stream.indirect_vreg.gather [hbm4b:s2+s4], $0x80, v4, vm0, $0xb8;
	[tilespmem:$0x18800] =	vst v63  }
0x77c: {  	s1 =	simm.s32 $0x5000  }
0x77d: {  	[tilespmem:s1], [sflag:$0x1] =	stream.indirect_vreg.gather [hbm4b:s6+s4], $0x80, v4, vm0, $0xb8;
	[tilespmem:$0x18800] =	vst v63  }
0x77e: {  	s3 =	simm.s32 $0x5800  }
0x77f: {  	[tilespmem:s3], [sflag:$0x1] =	stream.indirect_vreg.gather [hbm4b:s2+s4], $0x80, v3, vm0, $0xb8;
	[tilespmem:$0x18800] =	vst v63  }
0x780: {  	s8 =	simm.s32 $0x6000  }
0x781: {  	[tilespmem:s8], [sflag:$0x1] =	stream.indirect_vreg.gather [hbm4b:s6+s4], $0x80, v3, vm0, $0xb8;
	[tilespmem:$0x18800] =	vst v63  }
0x782: {  	v3 =	vld [tilespmem:$0x6F0];
	_ =	sdelay $0x4  }
0x783: {  	v47 =	vshll.u32 v3, $0x2  }
0x784: {  	v3 =	vand.u32 $0x7, v3;
	v4 =	vand.u32 $0xFFFFFFE0, v47  }
0x785: {  	v3 =	vor.u32 v3, v4  }
0x786: {  	v4 =	vperm.xlane v3, v0;
	_ =	sdelay $0x1  }
0x787: {  	v4 =	vadd.s32 v1, v4;
	_ =	sdelay $0x1  }
0x788: {  	v3 =	vperm.xlane v3, v2;
	_ =	sdelay $0x1  }
0x789: {  	s24 =	simm.s32 $0x6800;
	v3 =	vadd.s32 v1, v3  }
0x78a: {  	[tilespmem:s24], [sflag:$0x1] =	stream.indirect_vreg.gather [hbm4b:s2+s4], $0x80, v4, vm0, $0xb8;
	[tilespmem:$0x18800] =	vst v63  }
0x78b: {  	s25 =	simm.s32 $0x7000  }
0x78c: {  	[tilespmem:s25], [sflag:$0x1] =	stream.indirect_vreg.gather [hbm4b:s6+s4], $0x80, v4, vm0, $0xb8;
	[tilespmem:$0x18800] =	vst v63  }
0x78d: {  	_ = 	snop  }
0x78e: {  	[tilespmem:s7], [sflag:$0x1] =	stream.indirect_vreg.gather [hbm4b:s2+s4], $0x80, v3, vm0, $0xb8;
	[tilespmem:$0x18800] =	vst v63  }
0x78f: {  	s3 =	sld [smem:$0x7F6];
	s7 =	simm.s32 $0x8000  }
0x790: {  	[tilespmem:s7], [sflag:$0x1] =	stream.indirect_vreg.gather [hbm4b:s6+s4], $0x80, v3, vm0, $0xb8;
	[tilespmem:$0x18800] =	vst v63  }
0x791: {  	s8 =	simm.s32 $0x8800  }
0x792: {  	[hbm4b:s3+s4] =	stream.linear.scatter [tilespmem:s8], [sflag:$0x5], $0x8000, $0x38;
	[tilespmem:$0x18800] =	vst v63  }
0x793: {  	_ =	swait.ge [sflag:s15], $0x8000  }
0x794: {  	[sflag:s15] =	ssyncset.done $0x0  }
0x795: {  	[sflag:s15] =	ssyncadd.s32 $0xFFFF8000  }
0x796: {  	_ =	swait.ge [sflag:s22], $0x8000  }
0x797: {  	[sflag:s22] =	ssyncset.done $0x0  }
0x798: {  	[sflag:s22] =	ssyncadd.s32 $0xFFFF8000  }
0x799: {  	v3 =	vld [tilespmem:$0x700];
	_ =	sdelay $0x4  }
0x79a: {  	v48 =	vshll.u32 v3, $0x2  }
0x79b: {  	v3 =	vand.u32 $0x7, v3;
	v4 =	vand.u32 $0xFFFFFFE0, v48  }
0x79c: {  	v3 =	vor.u32 v3, v4  }
0x79d: {  	v4 =	vperm.xlane v3, v0;
	_ =	sdelay $0x1  }
0x79e: {  	v4 =	vadd.s32 v1, v4;
	_ =	sdelay $0x1  }
0x79f: {  	v3 =	vperm.xlane v3, v2;
	_ =	sdelay $0x1  }
0x7a0: {  	v3 =	vadd.s32 v1, v3  }
0x7a1: {  	[tilespmem:s8], [sflag:$0x2] =	stream.indirect_vreg.gather [hbm4b:s2+s4], $0x80, v4, vm0, $0xb8;
	[tilespmem:$0x18800] =	vst v63  }
0x7a2: {  	s7 =	simm.s32 $0x9000  }
0x7a3: {  	[tilespmem:s7], [sflag:$0x2] =	stream.indirect_vreg.gather [hbm4b:s6+s4], $0x80, v4, vm0, $0xb8;
	[tilespmem:$0x18800] =	vst v63  }
0x7a4: {  	_ = 	snop  }
0x7a5: {  	[tilespmem:s9], [sflag:$0x2] =	stream.indirect_vreg.gather [hbm4b:s2+s4], $0x80, v3, vm0, $0xb8;
	[tilespmem:$0x18800] =	vst v63  }
0x7a6: {  	_ = 	snop  }
0x7a7: {  	[tilespmem:s30], [sflag:$0x2] =	stream.indirect_vreg.gather [hbm4b:s6+s4], $0x80, v3, vm0, $0xb8;
	[tilespmem:$0x18800] =	vst v63  }
0x7a8: {  	v3 =	vld [tilespmem:$0x710];
	_ =	sdelay $0x4  }
0x7a9: {  	v49 =	vshll.u32 v3, $0x2  }
0x7aa: {  	v3 =	vand.u32 $0x7, v3;
	v4 =	vand.u32 $0xFFFFFFE0, v49  }
0x7ab: {  	v3 =	vor.u32 v3, v4  }
0x7ac: {  	v4 =	vperm.xlane v3, v0;
	_ =	sdelay $0x1  }
0x7ad: {  	v4 =	vadd.s32 v1, v4;
	_ =	sdelay $0x1  }
0x7ae: {  	v3 =	vperm.xlane v3, v2;
	_ =	sdelay $0x1  }
0x7af: {  	s8 =	simm.s32 $0xA800;
	v3 =	vadd.s32 v1, v3  }
0x7b0: {  	[tilespmem:s8], [sflag:$0x2] =	stream.indirect_vreg.gather [hbm4b:s2+s4], $0x80, v4, vm0, $0xb8;
	[tilespmem:$0x18800] =	vst v63  }
0x7b1: {  	_ = 	snop  }
0x7b2: {  	[tilespmem:s11], [sflag:$0x2] =	stream.indirect_vreg.gather [hbm4b:s6+s4], $0x80, v4, vm0, $0xb8;
	[tilespmem:$0x18800] =	vst v63  }
0x7b3: {  	_ = 	snop  }
0x7b4: {  	[tilespmem:s26], [sflag:$0x2] =	stream.indirect_vreg.gather [hbm4b:s2+s4], $0x80, v3, vm0, $0xb8;
	[tilespmem:$0x18800] =	vst v63  }
0x7b5: {  	s9 =	simm.s32 $0xC000  }
0x7b6: {  	[tilespmem:s9], [sflag:$0x2] =	stream.indirect_vreg.gather [hbm4b:s6+s4], $0x80, v3, vm0, $0xb8;
	[tilespmem:$0x18800] =	vst v63  }
0x7b7: {  	v3 =	vld [tilespmem:$0x720];
	_ =	sdelay $0x4  }
0x7b8: {  	v50 =	vshll.u32 v3, $0x2  }
0x7b9: {  	v3 =	vand.u32 $0x7, v3;
	v4 =	vand.u32 $0xFFFFFFE0, v50  }
0x7ba: {  	v3 =	vor.u32 v3, v4  }
0x7bb: {  	v4 =	vperm.xlane v3, v0;
	_ =	sdelay $0x1  }
0x7bc: {  	v4 =	vadd.s32 v1, v4;
	_ =	sdelay $0x1  }
0x7bd: {  	v3 =	vperm.xlane v3, v2;
	_ =	sdelay $0x1  }
0x7be: {  	s9 =	simm.s32 $0xC800;
	v3 =	vadd.s32 v1, v3  }
0x7bf: {  	[tilespmem:s9], [sflag:$0x2] =	stream.indirect_vreg.gather [hbm4b:s2+s4], $0x80, v4, vm0, $0xb8;
	[tilespmem:$0x18800] =	vst v63  }
0x7c0: {  	_ = 	snop  }
0x7c1: {  	[tilespmem:s12], [sflag:$0x2] =	stream.indirect_vreg.gather [hbm4b:s6+s4], $0x80, v4, vm0, $0xb8;
	[tilespmem:$0x18800] =	vst v63  }
0x7c2: {  	s25 =	simm.s32 $0xD800  }
0x7c3: {  	[tilespmem:s25], [sflag:$0x2] =	stream.indirect_vreg.gather [hbm4b:s2+s4], $0x80, v3, vm0, $0xb8;
	[tilespmem:$0x18800] =	vst v63  }
0x7c4: {  	_ = 	snop  }
0x7c5: {  	[tilespmem:s13], [sflag:$0x2] =	stream.indirect_vreg.gather [hbm4b:s6+s4], $0x80, v3, vm0, $0xb8;
	[tilespmem:$0x18800] =	vst v63  }
0x7c6: {  	v3 =	vld [tilespmem:$0x730];
	_ =	sdelay $0x4  }
0x7c7: {  	v51 =	vshll.u32 v3, $0x2  }
0x7c8: {  	v3 =	vand.u32 $0x7, v3;
	v4 =	vand.u32 $0xFFFFFFE0, v51  }
0x7c9: {  	v3 =	vor.u32 v3, v4  }
0x7ca: {  	v4 =	vperm.xlane v3, v0;
	_ =	sdelay $0x1  }
0x7cb: {  	v4 =	vadd.s32 v1, v4;
	_ =	sdelay $0x1  }
0x7cc: {  	v3 =	vperm.xlane v3, v2;
	_ =	sdelay $0x1  }
0x7cd: {  	s24 =	simm.s32 $0xE800;
	v3 =	vadd.s32 v1, v3  }
0x7ce: {  	[tilespmem:s24], [sflag:$0x2] =	stream.indirect_vreg.gather [hbm4b:s2+s4], $0x80, v4, vm0, $0xb8;
	[tilespmem:$0x18800] =	vst v63  }
0x7cf: {  	s13 =	simm.s32 $0xF000  }
0x7d0: {  	[tilespmem:s13], [sflag:$0x2] =	stream.indirect_vreg.gather [hbm4b:s6+s4], $0x80, v4, vm0, $0xb8;
	[tilespmem:$0x18800] =	vst v63  }
0x7d1: {  	s24 =	simm.s32 $0xF800  }
0x7d2: {  	[tilespmem:s24], [sflag:$0x2] =	stream.indirect_vreg.gather [hbm4b:s2+s4], $0x80, v3, vm0, $0xb8;
	[tilespmem:$0x18800] =	vst v63  }
0x7d3: {  	s1 =	sld [smem:$0x7F7]  }
0x7d4: {  	[tilespmem:s14], [sflag:$0x2] =	stream.indirect_vreg.gather [hbm4b:s6+s4], $0x80, v3, vm0, $0xb8;
	[tilespmem:$0x18800] =	vst v63  }
0x7d5: {  	s28 =	simm.s32 $0x10800  }
0x7d6: {  	[hbm4b:s1+s4] =	stream.linear.scatter [tilespmem:s28], [sflag:$0x6], $0x8000, $0x38;
	[tilespmem:$0x18800] =	vst v63  }
0x7d7: {  	_ =	swait.ge [sflag:s17], $0x8000  }
0x7d8: {  	[sflag:s17] =	ssyncset.done $0x0  }
0x7d9: {  	[sflag:s17] =	ssyncadd.s32 $0xFFFF8000  }
0x7da: {  	_ =	swait.ge [sflag:s23], $0x8000  }
0x7db: {  	[sflag:s23] =	ssyncset.done $0x0  }
0x7dc: {  	[sflag:s23] =	ssyncadd.s32 $0xFFFF8000  }
0x7dd: {  	v3 =	vld [tilespmem:$0x740];
	_ =	sdelay $0x4  }
0x7de: {  	v52 =	vshll.u32 v3, $0x2  }
0x7df: {  	v3 =	vand.u32 $0x7, v3;
	v4 =	vand.u32 $0xFFFFFFE0, v52  }
0x7e0: {  	v3 =	vor.u32 v3, v4  }
0x7e1: {  	v4 =	vperm.xlane v3, v0;
	_ =	sdelay $0x1  }
0x7e2: {  	v4 =	vadd.s32 v1, v4;
	_ =	sdelay $0x1  }
0x7e3: {  	v3 =	vperm.xlane v3, v2;
	_ =	sdelay $0x1  }
0x7e4: {  	v3 =	vadd.s32 v1, v3  }
0x7e5: {  	[tilespmem:s28], [sflag:$0x3] =	stream.indirect_vreg.gather [hbm4b:s2+s4], $0x80, v4, vm0, $0xb8;
	[tilespmem:$0x18800] =	vst v63  }
0x7e6: {  	s24 =	simm.s32 $0x11000  }
0x7e7: {  	[tilespmem:s24], [sflag:$0x3] =	stream.indirect_vreg.gather [hbm4b:s6+s4], $0x80, v4, vm0, $0xb8;
	[tilespmem:$0x18800] =	vst v63  }
0x7e8: {  	s14 =	simm.s32 $0x11800  }
0x7e9: {  	[tilespmem:s14], [sflag:$0x3] =	stream.indirect_vreg.gather [hbm4b:s2+s4], $0x80, v3, vm0, $0xb8;
	[tilespmem:$0x18800] =	vst v63  }
0x7ea: {  	s29 =	simm.s32 $0x12000  }
0x7eb: {  	[tilespmem:s29], [sflag:$0x3] =	stream.indirect_vreg.gather [hbm4b:s6+s4], $0x80, v3, vm0, $0xb8;
	[tilespmem:$0x18800] =	vst v63  }
0x7ec: {  	v3 =	vld [tilespmem:$0x750];
	_ =	sdelay $0x4  }
0x7ed: {  	v53 =	vshll.u32 v3, $0x2  }
0x7ee: {  	v3 =	vand.u32 $0x7, v3;
	v4 =	vand.u32 $0xFFFFFFE0, v53  }
0x7ef: {  	v3 =	vor.u32 v3, v4  }
0x7f0: {  	v4 =	vperm.xlane v3, v0;
	_ =	sdelay $0x1  }
0x7f1: {  	v4 =	vadd.s32 v1, v4;
	_ =	sdelay $0x1  }
0x7f2: {  	v3 =	vperm.xlane v3, v2;
	_ =	sdelay $0x1  }
0x7f3: {  	s24 =	simm.s32 $0x12800;
	v3 =	vadd.s32 v1, v3  }
0x7f4: {  	[tilespmem:s24], [sflag:$0x3] =	stream.indirect_vreg.gather [hbm4b:s2+s4], $0x80, v4, vm0, $0xb8;
	[tilespmem:$0x18800] =	vst v63  }
0x7f5: {  	s29 =	simm.s32 $0x13000  }
0x7f6: {  	[tilespmem:s29], [sflag:$0x3] =	stream.indirect_vreg.gather [hbm4b:s6+s4], $0x80, v4, vm0, $0xb8;
	[tilespmem:$0x18800] =	vst v63  }
0x7f7: {  	s14 =	simm.s32 $0x13800  }
0x7f8: {  	[tilespmem:s14], [sflag:$0x3] =	stream.indirect_vreg.gather [hbm4b:s2+s4], $0x80, v3, vm0, $0xb8;
	[tilespmem:$0x18800] =	vst v63  }
0x7f9: {  	s16 =	simm.s32 $0x14000  }
0x7fa: {  	[tilespmem:s16], [sflag:$0x3] =	stream.indirect_vreg.gather [hbm4b:s6+s4], $0x80, v3, vm0, $0xb8;
	[tilespmem:$0x18800] =	vst v63  }
0x7fb: {  	v3 =	vld [tilespmem:$0x760];
	_ =	sdelay $0x4  }
0x7fc: {  	v54 =	vshll.u32 v3, $0x2  }
0x7fd: {  	v3 =	vand.u32 $0x7, v3;
	v4 =	vand.u32 $0xFFFFFFE0, v54  }
0x7fe: {  	v3 =	vor.u32 v3, v4  }
0x7ff: {  	v4 =	vperm.xlane v3, v0;
	_ =	sdelay $0x1  }
0x800: {  	v4 =	vadd.s32 v1, v4;
	_ =	sdelay $0x1  }
0x801: {  	v3 =	vperm.xlane v3, v2;
	_ =	sdelay $0x1  }
0x802: {  	s24 =	simm.s32 $0x14800;
	v3 =	vadd.s32 v1, v3  }
0x803: {  	[tilespmem:s24], [sflag:$0x3] =	stream.indirect_vreg.gather [hbm4b:s2+s4], $0x80, v4, vm0, $0xb8;
	[tilespmem:$0x18800] =	vst v63  }
0x804: {  	s29 =	simm.s32 $0x15000  }
0x805: {  	[tilespmem:s29], [sflag:$0x3] =	stream.indirect_vreg.gather [hbm4b:s6+s4], $0x80, v4, vm0, $0xb8;
	[tilespmem:$0x18800] =	vst v63  }
0x806: {  	s10 =	simm.s32 $0x15800  }
0x807: {  	[tilespmem:s10], [sflag:$0x3] =	stream.indirect_vreg.gather [hbm4b:s2+s4], $0x80, v3, vm0, $0xb8;
	[tilespmem:$0x18800] =	vst v63  }
0x808: {  	s18 =	simm.s32 $0x16000  }
0x809: {  	[tilespmem:s18], [sflag:$0x3] =	stream.indirect_vreg.gather [hbm4b:s6+s4], $0x80, v3, vm0, $0xb8;
	[tilespmem:$0x18800] =	vst v63  }
0x80a: {  	v3 =	vld [tilespmem:$0x770];
	_ =	sdelay $0x4  }
0x80b: {  	v55 =	vshll.u32 v3, $0x2  }
0x80c: {  	v3 =	vand.u32 $0x7, v3;
	v4 =	vand.u32 $0xFFFFFFE0, v55  }
0x80d: {  	v3 =	vor.u32 v3, v4  }
0x80e: {  	v4 =	vperm.xlane v3, v0;
	_ =	sdelay $0x1  }
0x80f: {  	v4 =	vadd.s32 v1, v4;
	_ =	sdelay $0x1  }
0x810: {  	v3 =	vperm.xlane v3, v2;
	_ =	sdelay $0x1  }
0x811: {  	s14 =	simm.s32 $0x16800;
	v3 =	vadd.s32 v1, v3  }
0x812: {  	[tilespmem:s14], [sflag:$0x3] =	stream.indirect_vreg.gather [hbm4b:s2+s4], $0x80, v4, vm0, $0xb8;
	[tilespmem:$0x18800] =	vst v63  }
0x813: {  	s16 =	simm.s32 $0x17000  }
0x814: {  	[tilespmem:s16], [sflag:$0x3] =	stream.indirect_vreg.gather [hbm4b:s6+s4], $0x80, v4, vm0, $0xb8;
	[tilespmem:$0x18800] =	vst v63  }
0x815: {  	s31 =	simm.s32 $0x17800  }
0x816: {  	[tilespmem:s31], [sflag:$0x3] =	stream.indirect_vreg.gather [hbm4b:s2+s4], $0x80, v3, vm0, $0xb8;
	[tilespmem:$0x18800] =	vst v63  }
0x817: {  	s21 =	simm.s32 $0x18000;
	s18 =	sld [smem:$0x7F8]  }
0x818: {  	[tilespmem:s21], [sflag:$0x3] =	stream.indirect_vreg.gather [hbm4b:s6+s4], $0x80, v3, vm0, $0xb8;
	[tilespmem:$0x18800] =	vst v63  }
0x819: {  	s21 =	simm.s32 $0x800  }
0x81a: {  	[hbm4b:s18+s4] =	stream.linear.scatter [tilespmem:s21], [sflag:$0x4], $0x8000, $0x38;
	[tilespmem:$0x18800] =	vst v63  }
0x81b: {  	_ =	swait.ge [sflag:s19], $0x8000  }
0x81c: {  	[sflag:s19] =	ssyncset.done $0x0  }
0x81d: {  	[sflag:s19] =	ssyncadd.s32 $0xFFFF8000  }
0x81e: {  	_ =	swait.ge [sflag:s20], $0x8000  }
0x81f: {  	[sflag:s20] =	ssyncset.done $0x0  }
0x820: {  	[sflag:s20] =	ssyncadd.s32 $0xFFFF8000  }
0x821: {  	v3 =	vld [tilespmem:$0x780];
	_ =	sdelay $0x4  }
0x822: {  	v56 =	vshll.u32 v3, $0x2  }
0x823: {  	v3 =	vand.u32 $0x7, v3;
	v4 =	vand.u32 $0xFFFFFFE0, v56  }
0x824: {  	v3 =	vor.u32 v3, v4  }
0x825: {  	v4 =	vperm.xlane v3, v0;
	_ =	sdelay $0x1  }
0x826: {  	v4 =	vadd.s32 v1, v4;
	_ =	sdelay $0x1  }
0x827: {  	v3 =	vperm.xlane v3, v2;
	_ =	sdelay $0x1  }
0x828: {  	v3 =	vadd.s32 v1, v3  }
0x829: {  	[tilespmem:s21], [sflag:$0x1] =	stream.indirect_vreg.gather [hbm4b:s2+s4], $0x80, v4, vm0, $0xb8;
	[tilespmem:$0x18800] =	vst v63  }
0x82a: {  	s29 =	simm.s32 $0x1000  }
0x82b: {  	[tilespmem:s29], [sflag:$0x1] =	stream.indirect_vreg.gather [hbm4b:s6+s4], $0x80, v4, vm0, $0xb8;
	[tilespmem:$0x18800] =	vst v63  }
0x82c: {  	s31 =	simm.s32 $0x1800  }
0x82d: {  	[tilespmem:s31], [sflag:$0x1] =	stream.indirect_vreg.gather [hbm4b:s2+s4], $0x80, v3, vm0, $0xb8;
	[tilespmem:$0x18800] =	vst v63  }
0x82e: {  	s14 =	simm.s32 $0x2000  }
0x82f: {  	[tilespmem:s14], [sflag:$0x1] =	stream.indirect_vreg.gather [hbm4b:s6+s4], $0x80, v3, vm0, $0xb8;
	[tilespmem:$0x18800] =	vst v63  }
0x830: {  	v3 =	vld [tilespmem:$0x790];
	_ =	sdelay $0x4  }
0x831: {  	v57 =	vshll.u32 v3, $0x2  }
0x832: {  	v3 =	vand.u32 $0x7, v3;
	v4 =	vand.u32 $0xFFFFFFE0, v57  }
0x833: {  	v3 =	vor.u32 v3, v4  }
0x834: {  	v4 =	vperm.xlane v3, v0;
	_ =	sdelay $0x1  }
0x835: {  	v4 =	vadd.s32 v1, v4;
	_ =	sdelay $0x1  }
0x836: {  	v3 =	vperm.xlane v3, v2;
	_ =	sdelay $0x1  }
0x837: {  	s16 =	simm.s32 $0x2800;
	v3 =	vadd.s32 v1, v3  }
0x838: {  	[tilespmem:s16], [sflag:$0x1] =	stream.indirect_vreg.gather [hbm4b:s2+s4], $0x80, v4, vm0, $0xb8;
	[tilespmem:$0x18800] =	vst v63  }
0x839: {  	s18 =	simm.s32 $0x3000  }
0x83a: {  	[tilespmem:s18], [sflag:$0x1] =	stream.indirect_vreg.gather [hbm4b:s6+s4], $0x80, v4, vm0, $0xb8;
	[tilespmem:$0x18800] =	vst v63  }
0x83b: {  	s21 =	simm.s32 $0x3800  }
0x83c: {  	[tilespmem:s21], [sflag:$0x1] =	stream.indirect_vreg.gather [hbm4b:s2+s4], $0x80, v3, vm0, $0xb8;
	[tilespmem:$0x18800] =	vst v63  }
0x83d: {  	s24 =	simm.s32 $0x4000  }
0x83e: {  	[tilespmem:s24], [sflag:$0x1] =	stream.indirect_vreg.gather [hbm4b:s6+s4], $0x80, v3, vm0, $0xb8;
	[tilespmem:$0x18800] =	vst v63  }
0x83f: {  	v3 =	vld [tilespmem:$0x7A0];
	_ =	sdelay $0x4  }
0x840: {  	v58 =	vshll.u32 v3, $0x2  }
0x841: {  	v3 =	vand.u32 $0x7, v3;
	v4 =	vand.u32 $0xFFFFFFE0, v58  }
0x842: {  	v3 =	vor.u32 v3, v4  }
0x843: {  	v4 =	vperm.xlane v3, v0;
	_ =	sdelay $0x1  }
0x844: {  	v4 =	vadd.s32 v1, v4;
	_ =	sdelay $0x1  }
0x845: {  	v3 =	vperm.xlane v3, v2;
	_ =	sdelay $0x1  }
0x846: {  	s29 =	simm.s32 $0x4800;
	v3 =	vadd.s32 v1, v3  }
0x847: {  	[tilespmem:s29], [sflag:$0x1] =	stream.indirect_vreg.gather [hbm4b:s2+s4], $0x80, v4, vm0, $0xb8;
	[tilespmem:$0x18800] =	vst v63  }
0x848: {  	s31 =	simm.s32 $0x5000  }
0x849: {  	[tilespmem:s31], [sflag:$0x1] =	stream.indirect_vreg.gather [hbm4b:s6+s4], $0x80, v4, vm0, $0xb8;
	[tilespmem:$0x18800] =	vst v63  }
0x84a: {  	s14 =	simm.s32 $0x5800  }
0x84b: {  	[tilespmem:s14], [sflag:$0x1] =	stream.indirect_vreg.gather [hbm4b:s2+s4], $0x80, v3, vm0, $0xb8;
	[tilespmem:$0x18800] =	vst v63  }
0x84c: {  	s16 =	simm.s32 $0x6000  }
0x84d: {  	[tilespmem:s16], [sflag:$0x1] =	stream.indirect_vreg.gather [hbm4b:s6+s4], $0x80, v3, vm0, $0xb8;
	[tilespmem:$0x18800] =	vst v63  }
0x84e: {  	v3 =	vld [tilespmem:$0x7B0];
	_ =	sdelay $0x4  }
0x84f: {  	v59 =	vshll.u32 v3, $0x2  }
0x850: {  	v3 =	vand.u32 $0x7, v3;
	v4 =	vand.u32 $0xFFFFFFE0, v59  }
0x851: {  	v3 =	vor.u32 v3, v4  }
0x852: {  	v4 =	vperm.xlane v3, v0;
	_ =	sdelay $0x1  }
0x853: {  	v4 =	vadd.s32 v1, v4;
	_ =	sdelay $0x1  }
0x854: {  	v3 =	vperm.xlane v3, v2;
	_ =	sdelay $0x1  }
0x855: {  	s18 =	simm.s32 $0x6800;
	v3 =	vadd.s32 v1, v3  }
0x856: {  	[tilespmem:s18], [sflag:$0x1] =	stream.indirect_vreg.gather [hbm4b:s2+s4], $0x80, v4, vm0, $0xb8;
	[tilespmem:$0x18800] =	vst v63  }
0x857: {  	s21 =	simm.s32 $0x7000  }
0x858: {  	[tilespmem:s21], [sflag:$0x1] =	stream.indirect_vreg.gather [hbm4b:s6+s4], $0x80, v4, vm0, $0xb8;
	[tilespmem:$0x18800] =	vst v63  }
0x859: {  	s24 =	simm.s32 $0x7800  }
0x85a: {  	[tilespmem:s24], [sflag:$0x1] =	stream.indirect_vreg.gather [hbm4b:s2+s4], $0x80, v3, vm0, $0xb8;
	[tilespmem:$0x18800] =	vst v63  }
0x85b: {  	s29 =	sld [smem:$0x7F9];
	s31 =	simm.s32 $0x8000  }
0x85c: {  	[tilespmem:s31], [sflag:$0x1] =	stream.indirect_vreg.gather [hbm4b:s6+s4], $0x80, v3, vm0, $0xb8;
	[tilespmem:$0x18800] =	vst v63  }
0x85d: {  	s3 =	simm.s32 $0x8800  }
0x85e: {  	[hbm4b:s29+s4] =	stream.linear.scatter [tilespmem:s3], [sflag:$0x5], $0x8000, $0x38;
	[tilespmem:$0x18800] =	vst v63  }
0x85f: {  	_ =	swait.ge [sflag:s15], $0x8000  }
0x860: {  	[sflag:s15] =	ssyncset.done $0x0  }
0x861: {  	[sflag:s15] =	ssyncadd.s32 $0xFFFF8000  }
0x862: {  	_ =	swait.ge [sflag:s22], $0x8000  }
0x863: {  	[sflag:s22] =	ssyncset.done $0x0  }
0x864: {  	[sflag:s22] =	ssyncadd.s32 $0xFFFF8000  }
0x865: {  	v3 =	vld [tilespmem:$0x7C0];
	_ =	sdelay $0x4  }
0x866: {  	v60 =	vshll.u32 v3, $0x2  }
0x867: {  	v3 =	vand.u32 $0x7, v3;
	v4 =	vand.u32 $0xFFFFFFE0, v60  }
0x868: {  	v3 =	vor.u32 v3, v4  }
0x869: {  	v4 =	vperm.xlane v3, v0;
	_ =	sdelay $0x1  }
0x86a: {  	v4 =	vadd.s32 v1, v4;
	_ =	sdelay $0x1  }
0x86b: {  	v3 =	vperm.xlane v3, v2;
	_ =	sdelay $0x1  }
0x86c: {  	v3 =	vadd.s32 v1, v3  }
0x86d: {  	[tilespmem:s3], [sflag:$0x2] =	stream.indirect_vreg.gather [hbm4b:s2+s4], $0x80, v4, vm0, $0xb8;
	[tilespmem:$0x18800] =	vst v63  }
0x86e: {  	_ = 	snop  }
0x86f: {  	[tilespmem:s7], [sflag:$0x2] =	stream.indirect_vreg.gather [hbm4b:s6+s4], $0x80, v4, vm0, $0xb8;
	[tilespmem:$0x18800] =	vst v63  }
0x870: {  	s16 =	simm.s32 $0x9800  }
0x871: {  	[tilespmem:s16], [sflag:$0x2] =	stream.indirect_vreg.gather [hbm4b:s2+s4], $0x80, v3, vm0, $0xb8;
	[tilespmem:$0x18800] =	vst v63  }
0x872: {  	s18 =	simm.s32 $0xA000  }
0x873: {  	[tilespmem:s18], [sflag:$0x2] =	stream.indirect_vreg.gather [hbm4b:s6+s4], $0x80, v3, vm0, $0xb8;
	[tilespmem:$0x18800] =	vst v63  }
0x874: {  	v3 =	vld [tilespmem:$0x7D0];
	_ =	sdelay $0x4  }
0x875: {  	v61 =	vshll.u32 v3, $0x2  }
0x876: {  	v3 =	vand.u32 $0x7, v3;
	v4 =	vand.u32 $0xFFFFFFE0, v61  }
0x877: {  	v3 =	vor.u32 v3, v4  }
0x878: {  	v4 =	vperm.xlane v3, v0;
	_ =	sdelay $0x1  }
0x879: {  	v4 =	vadd.s32 v1, v4;
	_ =	sdelay $0x1  }
0x87a: {  	v3 =	vperm.xlane v3, v2;
	_ =	sdelay $0x1  }
0x87b: {  	v3 =	vadd.s32 v1, v3  }
0x87c: {  	[tilespmem:s8], [sflag:$0x2] =	stream.indirect_vreg.gather [hbm4b:s2+s4], $0x80, v4, vm0, $0xb8;
	[tilespmem:$0x18800] =	vst v63  }
0x87d: {  	s11 =	simm.s32 $0xB000  }
0x87e: {  	[tilespmem:s11], [sflag:$0x2] =	stream.indirect_vreg.gather [hbm4b:s6+s4], $0x80, v4, vm0, $0xb8;
	[tilespmem:$0x18800] =	vst v63  }
0x87f: {  	s26 =	simm.s32 $0xB800  }
0x880: {  	[tilespmem:s26], [sflag:$0x2] =	stream.indirect_vreg.gather [hbm4b:s2+s4], $0x80, v3, vm0, $0xb8;
	[tilespmem:$0x18800] =	vst v63  }
0x881: {  	s30 =	simm.s32 $0xC000  }
0x882: {  	[tilespmem:s30], [sflag:$0x2] =	stream.indirect_vreg.gather [hbm4b:s6+s4], $0x80, v3, vm0, $0xb8;
	[tilespmem:$0x18800] =	vst v63  }
0x883: {  	v3 =	vld [tilespmem:$0x7E0];
	_ =	sdelay $0x4  }
0x884: {  	v62 =	vshll.u32 v3, $0x2  }
0x885: {  	v3 =	vand.u32 $0x7, v3;
	v4 =	vand.u32 $0xFFFFFFE0, v62  }
0x886: {  	v3 =	vor.u32 v3, v4  }
0x887: {  	v4 =	vperm.xlane v3, v0;
	_ =	sdelay $0x1  }
0x888: {  	v4 =	vadd.s32 v1, v4;
	_ =	sdelay $0x1  }
0x889: {  	v3 =	vperm.xlane v3, v2;
	_ =	sdelay $0x1  }
0x88a: {  	v3 =	vadd.s32 v1, v3  }
0x88b: {  	[tilespmem:s9], [sflag:$0x2] =	stream.indirect_vreg.gather [hbm4b:s2+s4], $0x80, v4, vm0, $0xb8;
	[tilespmem:$0x18800] =	vst v63  }
0x88c: {  	s12 =	simm.s32 $0xD000  }
0x88d: {  	[tilespmem:s12], [sflag:$0x2] =	stream.indirect_vreg.gather [hbm4b:s6+s4], $0x80, v4, vm0, $0xb8;
	[tilespmem:$0x18800] =	vst v63  }
0x88e: {  	_ = 	snop  }
0x88f: {  	[tilespmem:s25], [sflag:$0x2] =	stream.indirect_vreg.gather [hbm4b:s2+s4], $0x80, v3, vm0, $0xb8;
	[tilespmem:$0x18800] =	vst v63  }
0x890: {  	s21 =	simm.s32 $0xE000  }
0x891: {  	[tilespmem:s21], [sflag:$0x2] =	stream.indirect_vreg.gather [hbm4b:s6+s4], $0x80, v3, vm0, $0xb8;
	[tilespmem:$0x18800] =	vst v63  }
0x892: {  	v3 =	vld [tilespmem:$0x7F0];
	_ =	sdelay $0x4  }
0x893: {  	v63 =	vshll.u32 v3, $0x2  }
0x894: {  	v3 =	vand.u32 $0x7, v3;
	v4 =	vand.u32 $0xFFFFFFE0, v63  }
0x895: {  	v3 =	vor.u32 v3, v4  }
0x896: {  	v4 =	vperm.xlane v3, v0;
	_ =	sdelay $0x1  }
0x897: {  	v4 =	vadd.s32 v1, v4;
	_ =	sdelay $0x1  }
0x898: {  	v3 =	vperm.xlane v3, v2;
	_ =	sdelay $0x1  }
0x899: {  	s24 =	simm.s32 $0xE800;
	v3 =	vadd.s32 v1, v3  }
0x89a: {  	[tilespmem:s24], [sflag:$0x2] =	stream.indirect_vreg.gather [hbm4b:s2+s4], $0x80, v4, vm0, $0xb8;
	[tilespmem:$0x18800] =	vst v63  }
0x89b: {  	s25 =	simm.s32 $0xF000  }
0x89c: {  	[tilespmem:s25], [sflag:$0x2] =	stream.indirect_vreg.gather [hbm4b:s6+s4], $0x80, v4, vm0, $0xb8;
	[tilespmem:$0x18800] =	vst v63  }
0x89d: {  	s26 =	simm.s32 $0xF800  }
0x89e: {  	[tilespmem:s26], [sflag:$0x2] =	stream.indirect_vreg.gather [hbm4b:s2+s4], $0x80, v3, vm0, $0xb8;
	[tilespmem:$0x18800] =	vst v63  }
0x89f: {  	s13 =	simm.s32 $0x10000;
	s29 =	sld [smem:$0x7FA]  }
0x8a0: {  	[tilespmem:s13], [sflag:$0x2] =	stream.indirect_vreg.gather [hbm4b:s6+s4], $0x80, v3, vm0, $0xb8;
	[tilespmem:$0x18800] =	vst v63  }
0x8a1: {  	_ = 	snop  }
0x8a2: {  	[hbm4b:s29+s4] =	stream.linear.scatter [tilespmem:s28], [sflag:$0x6], $0x8000, $0x38;
	[tilespmem:$0x18800] =	vst v63  }
0x8a3: {  	s14 =	sld [smem:$0x7F4];
	_ =	swait.ge [sflag:s17], $0x8000  }
0x8a4: {  	[sflag:s17] =	ssyncset.done $0x0  }
0x8a5: {  	[sflag:s17] =	ssyncadd.s32 $0xFFFF8000  }
0x8a6: {  	_ =	swait.ge [sflag:s23], $0x8000  }
0x8a7: {  	s30 =	sld [smem:$0x7FB]  }
0x8a8: {  	[sflag:s23] =	ssyncset.done $0x0  }
0x8a9: {  	s10 =	simm.s32 $0x800;
	[sflag:s23] =	ssyncadd.s32 $0xFFFF8000  }
0x8aa: {  	[hbm4b:s30+s4] =	stream.linear.scatter [tilespmem:s10], [sflag:$0x4], $0x8000, $0x38;
	[tilespmem:$0x18800] =	vst v63  }
0x8ab: {  	_ =	swait.ge [sflag:s19], $0x8000  }
0x8ac: {  	[sflag:s19] =	ssyncset.done $0x0  }
0x8ad: {  	[sflag:s19] =	ssyncadd.s32 $0xFFFF8000  }
0x8ae: {  	_ =	swait.ge [sflag:s20], $0x8000  }
0x8af: {  	s31 =	sld [smem:$0x7FC]  }
0x8b0: {  	p0 =	sne.s32 s14, $0x1;
	[sflag:s20] =	ssyncset.done $0x0  }
.Ltmp0:
0x8b1: {  	[sflag:s20] =	ssyncadd.s32 $0xFFFF8000;
	(pc) =	sbr.rel @p0 .LBB2_1-.Ltmp0, $4  }
0x8b2: {  	[hbm4b:s31+s4] =	stream.linear.scatter [tilespmem:s3], [sflag:$0x5], $0x8000, $0x38;
	[tilespmem:$0x18800] =	vst v63  }
0x8b3: {  	_ =	swait.ge [sflag:s22], $0x8000  }
0x8b4: {  	[sflag:s22] =	ssyncset.done $0x0  }
0x8b5: {  	s1 =	sadd.s32 $0xFFFFFFFF, s14;
	[sflag:s22] =	ssyncadd.s32 $0xFFFF8000  }
0x8b6: {  	_ =	sfence.sel $0x180000  }
0x8b7: {  	[bflag:$0x0] =	sbarrier.arrive $0xFFFF  }
0x8b8: {  	_ =	strace $0x90000047  }
0x8b9: {  	s0 =	stileid.u32;
	[bflag:$0x2] =	sbarrier.arrive $0xFFFF  }
0x8ba: {  	p0 =	sne.s32 s0, $0x0;
	s0 =	rddreg [dreg:$0x5]  }
0x8bb: {  	s0 =	sadd.s32 @!p0 $0x100000, s0  }
0x8bc: {  	[sflag:s0] =	ssyncadd.tile.s32 @!p0 $0x1;
	_ =	shalt  }
.Lfunc_end2:
_tile_overlayer_lowered:
.L_overlay_start_2:
0x8bd: {  	(tag) =	ssettag $0x2  }
0x8be: {  	s0 =	rddreg [dreg:$0x0];
	s2 =	stileid.u32  }
0x8bf: {  	s1 =	rddreg [dreg:$0x1];
	p0 =	sne.s32 s2, $0x0  }
0x8c0: {  	s3 =	rddreg [dreg:$0x2];
	[bflag:$0x3] =	sbarrier.arrive $0xFFFF;
	s2 =	simm.s32 @!p0 $0x1C07  }
0x8c1: {  	[timem:s3], [sflag:s2] =	dma.local @!p0 [hbm:s0], s1  }
0x8c2: {  	s0 =	simm.s32 @!p0 $0x7  }
0x8c3: {  	_ =	swait.ge @!p0 [sflag:s0], s1  }
0x8c4: {  	s1 =	ssub.s32 @!p0 $0x0, s1;
	[sflag:s0] =	ssyncset.done @!p0 $0x0  }
0x8c5: {  	[sflag:s0] =	ssyncadd.s32 @!p0 s1  }
0x8c6: {  	[bflag:$0x3] =	sbarrier.arrive $0xFFFF  }
0x8c7: {  	_ =	shalt  }

</sc_bundles>
